<compile_context>
chip_gen: v7x
topology: tpu7x:2x2x1
jax: 0.10.2.dev20260603
libtpu: 0.0.44.dev20260713+nightly
codegen_flags: <defaults>
</compile_context>

<pallas_src>
import functools

import jax
import jax.numpy as jnp
from jax import lax
from jax.experimental import pallas as pl
from jax.experimental.pallas import tpu as pltpu
from jax.experimental.pallas import tpu_sc as plsc

_SC_RING = 3
_TC_RING = 4


def _sc_body(n_samples, planes, hist_ref, out_ref, buf, in_sem, out_sem):
    nc = 2
    wid = lax.axis_index("s") * nc + lax.axis_index("c")
    H = 5
    C = hist_ref.shape[1]
    row = H * (wid // (H - 1)) + wid % (H - 1) + 1
    n_units = C // planes

    def start_in(i):
        pltpu.make_async_copy(
            hist_ref.at[pl.ds(row, 1), pl.ds(i * planes, planes)],
            buf.at[pl.ds(i % _SC_RING, 1)],
            in_sem.at[i % _SC_RING],
        ).start()

    def wait_in(i):
        pltpu.make_async_copy(
            hist_ref.at[pl.ds(row, 1), pl.ds(i * planes, planes)],
            buf.at[pl.ds(i % _SC_RING, 1)],
            in_sem.at[i % _SC_RING],
        ).wait()

    def start_out(i):
        pltpu.make_async_copy(
            buf.at[pl.ds(i % _SC_RING, 1)],
            out_ref.at[pl.ds(row, 1), pl.ds(i * planes, planes)],
            out_sem.at[i % _SC_RING],
        ).start()

    def wait_out(i):
        pltpu.make_async_copy(
            buf.at[pl.ds(i % _SC_RING, 1)],
            out_ref.at[pl.ds(row, 1), pl.ds(i * planes, planes)],
            out_sem.at[i % _SC_RING],
        ).wait()

    for i in range(_SC_RING):
        start_in(i)
    for i in range(n_units):
        wait_in(i)
        start_out(i)
        j = i + _SC_RING
        if j < n_units:
            wait_out(i)
            start_in(j)
    for i in range(n_units - _SC_RING, n_units):
        wait_out(i)


def _tc_body(starts_ref, curr_ref, partial_ref, out_ref, buf, in_sem, out_sem):
    del partial_ref
    B = curr_ref.shape[0]
    H = 5

    def start_in(i):
        pltpu.make_async_copy(
            curr_ref.at[pl.ds(starts_ref[i], 1)],
            buf.at[pl.ds(i % _TC_RING, 1)],
            in_sem.at[i],
        ).start()

    def wait_in(i):
        pltpu.make_async_copy(
            curr_ref.at[pl.ds(starts_ref[i], 1)],
            buf.at[pl.ds(i % _TC_RING, 1)],
            in_sem.at[i],
        ).wait()

    def start_out(i):
        pltpu.make_async_copy(
            buf.at[pl.ds(i % _TC_RING, 1)], out_ref.at[pl.ds(i * H, 1)], out_sem.at[i]
        ).start()

    def wait_out(i):
        pltpu.make_async_copy(
            buf.at[pl.ds(i % _TC_RING, 1)], out_ref.at[pl.ds(i * H, 1)], out_sem.at[i]
        ).wait()

    for i in range(_TC_RING):
        start_in(i)
    for i in range(B):
        wait_in(i)
        start_out(i)
        j = i + _TC_RING
        if j < B:
            wait_out(i)
            start_in(j)
    for i in range(B - _TC_RING, B):
        wait_out(i)


def kernel(feat_curr, feat_history, record_len):
    B, H, C, Hh, W = feat_history.shape
    n_rows = B * H
    n_workers = 32
    planes = C // n_workers
    starts = (jnp.cumsum(record_len) - record_len).astype(jnp.int32)

    hist_tbl = feat_history.reshape(n_rows, C, Hh, W)

    mesh = plsc.VectorSubcoreMesh(core_axis_name="c", subcore_axis_name="s")
    sc_copy = pl.kernel(
        functools.partial(_sc_body, B, planes),
        mesh=mesh,
        out_type=jax.ShapeDtypeStruct((n_rows, C, Hh, W), feat_curr.dtype),
        scratch_types=[
            pltpu.VMEM((_SC_RING, planes, Hh, W), feat_curr.dtype),
            pltpu.SemaphoreType.DMA((_SC_RING,)),
            pltpu.SemaphoreType.DMA((_SC_RING,)),
        ],
    )
    partial_out = sc_copy(hist_tbl)

    feat_final = pl.pallas_call(
        _tc_body,
        in_specs=[
            pl.BlockSpec(memory_space=pltpu.SMEM),
            pl.BlockSpec(memory_space=pltpu.MemorySpace.HBM),
            pl.BlockSpec(memory_space=pltpu.MemorySpace.HBM),
        ],
        out_specs=pl.BlockSpec(memory_space=pltpu.MemorySpace.HBM),
        out_shape=jax.ShapeDtypeStruct((n_rows, C, Hh, W), feat_curr.dtype),
        input_output_aliases={2: 0},
        scratch_shapes=[
            pltpu.VMEM((_TC_RING, C, Hh, W), feat_curr.dtype),
            pltpu.SemaphoreType.DMA((B,)),
            pltpu.SemaphoreType.DMA((B,)),
        ],
    )(starts, feat_curr, partial_out)

    offset_loss = jnp.zeros((1,), dtype=feat_final.dtype)
    return (feat_final, offset_loss)

# --- scband reference (transcript-rebuilt; emitter-appended) ---
"""Pipeline reference for scband-how2comm-preprocess-64862596104860 (READ-ONLY COPY).

The authoritative reference and input builder live on the scoring server;
editing this copy changes nothing except your own understanding.
"""

import jax, jax.numpy as jnp
import numpy as np

DELAY = 1

def setup_inputs(seed: int = 0) -> dict:
    key = jax.random.key(seed)
    k1, k2 = jax.random.split(key)
    feat_curr = jax.random.normal(k1, (8, 64, 128, 128), dtype=jnp.float32)
    feat_history = jax.random.normal(k2, (8, 5, 64, 128, 128), dtype=jnp.float32)
    record_len = jnp.ones((8,), dtype=jnp.int32)
    return {"feat_curr": feat_curr, "feat_history": feat_history, "record_len": record_len}

def reference(feat_curr, feat_history, record_len):
    # regroup: split feat_curr at cumulative record_len boundaries (ragged groups)
    cum = jnp.cumsum(record_len)
    starts = cum - record_len
    B = record_len.shape[0]
    x_list = []
    for bs in range(B):
        group_bs = jax.lax.dynamic_slice_in_dim(feat_curr, starts[bs], 1, axis=0)
        # feat_list[bs] = [current ego-group feats, history feats]
        feat_list_bs = [group_bs, feat_history[bs]]
        delayed_colla_feat = feat_list_bs[DELAY][1:]
        ego_feat = feat_list_bs[0][:1]
        x_list.append(jnp.concatenate([ego_feat, delayed_colla_feat], axis=0))
    feat_final = jnp.concatenate(x_list, axis=0)
    offset_loss = jnp.zeros((1,), dtype=feat_final.dtype)
    return (feat_final, offset_loss)

if __name__ == "__main__":
    import jax
    _d = setup_inputs()
    print(jax.jit(kernel)(*tuple(_d.values())))

</pallas_src>

<mosaic_0001>
#map = affine_map<(d0, d1) -> (0, 0, 0, 0)>
module attributes {stable_mosaic.version = 14 : i64} {
  func.func @_sc_body(%arg0: i32, %arg1: i32, %arg2: memref<40x64x128x128xf32, #tpu.memory_space<hbm>>, %arg3: memref<40x64x128x128xf32, #tpu.memory_space<hbm>>, %arg4: memref<3x2x128x128xf32, #tpu.memory_space<vmem>>, %arg5: memref<3x!tpu.dma_semaphore, #tpu.memory_space<semaphore_mem>>, %arg6: memref<3x!tpu.dma_semaphore, #tpu.memory_space<semaphore_mem>>) attributes {dimension_semantics = [#tpu.dimension_semantics<core_parallel>, #tpu.dimension_semantics<subcore_parallel>], iteration_bounds = array<i64: 2, 16>, scalar_prefetch = 0 : i64, scratch_operands = 3 : i64, tpu.core_type = #tpu.core_type<sc_vector_subcore>, window_params = [{transform_indices = #map}, {transform_indices = #map}]} {
    %mul3A = arith.constant 2 : i32
    %mul3A_0 = arith.muli %arg1, %mul3A : i32
    %add3A = arith.addi %mul3A_0, %arg0 : i32
    %jit3A = arith.constant 4 : i32
    %div3A = arith.divsi %add3A, %jit3A : i32
    %sign3A = arith.constant 0 : i32
    %sign3A_1 = arith.cmpi sgt, %add3A, %sign3A : i32
    %sign3A_2 = arith.extui %sign3A_1 : i1 to i32
    %sign3A_3 = arith.constant 0 : i32
    %sign3A_4 = arith.cmpi slt, %add3A, %sign3A_3 : i32
    %sign3A_5 = arith.extui %sign3A_4 : i1 to i32
    %sign3A_6 = arith.subi %sign3A_2, %sign3A_5 : i32
    %sign3A_7 = arith.constant 0 : i32
    %sign3A_8 = arith.cmpi sgt, %jit3A, %sign3A_7 : i32
    %sign3A_9 = arith.extui %sign3A_8 : i1 to i32
    %sign3A_10 = arith.constant 0 : i32
    %sign3A_11 = arith.cmpi slt, %jit3A, %sign3A_10 : i32
    %sign3A_12 = arith.extui %sign3A_11 : i1 to i32
    %sign3A_13 = arith.subi %sign3A_9, %sign3A_12 : i32
    %ne3A = arith.cmpi ne, %sign3A_6, %sign3A_13 : i32
    %rem3A = arith.remsi %add3A, %jit3A : i32
    %ne3A_14 = arith.constant 0 : i32
    %ne3A_15 = arith.cmpi ne, %rem3A, %ne3A_14 : i32
    %and3A = arith.andi %ne3A, %ne3A_15 : i1
    %sub3A = arith.constant 1 : i32
    %sub3A_16 = arith.subi %div3A, %sub3A : i32
    %select_n3A = arith.select %and3A, %sub3A_16, %div3A : i32
    %mul3A_17 = arith.constant 5 : i32
    %mul3A_18 = arith.muli %mul3A_17, %select_n3A : i32
    %jit3A_19 = arith.constant 4 : i32
    %eq3A = arith.constant 0 : i32
    %eq3A_20 = arith.cmpi eq, %jit3A_19, %eq3A : i32
    %jit3A_21 = arith.constant 1 : i32
    %select_n3A_22 = arith.select %eq3A_20, %jit3A_21, %jit3A_19 : i32
    %rem3A_23 = arith.remsi %add3A, %select_n3A_22 : i32
    %ne3A_24 = arith.constant 0 : i32
    %ne3A_25 = arith.cmpi ne, %rem3A_23, %ne3A_24 : i32
    %lt3A = arith.constant 0 : i32
    %lt3A_26 = arith.cmpi slt, %rem3A_23, %lt3A : i32
    %lt3A_27 = arith.constant 0 : i32
    %lt3A_28 = arith.cmpi slt, %select_n3A_22, %lt3A_27 : i32
    %ne3A_29 = arith.xori %lt3A_26, %lt3A_28 : i1
    %and3A_30 = arith.andi %ne3A_29, %ne3A_25 : i1
    %add3A_31 = arith.addi %rem3A_23, %select_n3A_22 : i32
    %select_n3A_32 = arith.select %and3A_30, %add3A_31, %rem3A_23 : i32
    %add3A_33 = arith.addi %mul3A_18, %select_n3A_32 : i32
    %add3A_34 = arith.constant 1 : i32
    %add3A_35 = arith.addi %add3A_33, %add3A_34 : i32
    %dma_start3A = arith.constant 0 : i32
    %dma_start3A_36 = arith.constant 0 : i32
    %dma_start3A_37 = arith.constant 0 : i32
    %dma_start3A_38 = arith.constant 0 : i32
    %dma_start3A_39 = arith.constant 0 : i32
    %dma_start3A_40 = tpu.memref_slice %arg4[%dma_start3A_36, %dma_start3A_37, %dma_start3A_38, %dma_start3A_39] : memref<3x2x128x128xf32, #tpu.memory_space<vmem>> -> memref<1x2x128x128xf32, #tpu.memory_space<vmem>>
    %dma_start3A_41 = arith.constant 0 : i32
    %dma_start3A_42 = arith.constant 0 : i32
    %dma_start3A_43 = arith.constant 0 : i32
    %dma_start3A_44 = tpu.memref_slice %arg2[%add3A_35, %dma_start3A_41, %dma_start3A_42, %dma_start3A_43] : memref<40x64x128x128xf32, #tpu.memory_space<hbm>> -> memref<1x2x128x128xf32, #tpu.memory_space<hbm>>
    %dma_start3A_45 = tpu.memref_slice %arg5[%dma_start3A] : memref<3x!tpu.dma_semaphore, #tpu.memory_space<semaphore_mem>> -> memref<1x!tpu.dma_semaphore, #tpu.memory_space<semaphore_mem>>
    %dma_start3A_46 = tpu.memref_squeeze %dma_start3A_45 : memref<1x!tpu.dma_semaphore, #tpu.memory_space<semaphore_mem>> -> memref<!tpu.dma_semaphore, #tpu.memory_space<semaphore_mem>>
    %dma_start3A_47 = arith.constant 0 : i32
    %dma_start3A_48 = arith.constant 0 : i32
    %dma_start3A_49 = arith.constant 0 : i32
    %dma_start3A_50 = arith.constant 0 : i32
    %dma_start3A_51 = tpu.memref_slice %arg4[%dma_start3A_47, %dma_start3A_48, %dma_start3A_49, %dma_start3A_50] : memref<3x2x128x128xf32, #tpu.memory_space<vmem>> -> memref<1x2x128x128xf32, #tpu.memory_space<vmem>>
    %dma_start3A_52 = arith.constant 0 : i32
    %dma_start3A_53 = arith.constant 0 : i32
    %dma_start3A_54 = arith.constant 0 : i32
    %dma_start3A_55 = tpu.memref_slice %arg2[%add3A_35, %dma_start3A_52, %dma_start3A_53, %dma_start3A_54] : memref<40x64x128x128xf32, #tpu.memory_space<hbm>> -> memref<1x2x128x128xf32, #tpu.memory_space<hbm>>
    tpu.enqueue_dma source(%dma_start3A_55 : memref<1x2x128x128xf32, #tpu.memory_space<hbm>>) target(%dma_start3A_51 : memref<1x2x128x128xf32, #tpu.memory_space<vmem>>) target_semaphore(%dma_start3A_46 : memref<!tpu.dma_semaphore, #tpu.memory_space<semaphore_mem>>)
    %dma_start3A_56 = arith.constant 1 : i32
    %dma_start3A_57 = arith.constant 1 : i32
    %dma_start3A_58 = arith.constant 0 : i32
    %dma_start3A_59 = arith.constant 0 : i32
    %dma_start3A_60 = arith.constant 0 : i32
    %dma_start3A_61 = tpu.memref_slice %arg4[%dma_start3A_57, %dma_start3A_58, %dma_start3A_59, %dma_start3A_60] : memref<3x2x128x128xf32, #tpu.memory_space<vmem>> -> memref<1x2x128x128xf32, #tpu.memory_space<vmem>>
    %dma_start3A_62 = arith.constant 2 : i32
    %dma_start3A_63 = arith.constant 0 : i32
    %dma_start3A_64 = arith.constant 0 : i32
    %dma_start3A_65 = tpu.memref_slice %arg2[%add3A_35, %dma_start3A_62, %dma_start3A_63, %dma_start3A_64] : memref<40x64x128x128xf32, #tpu.memory_space<hbm>> -> memref<1x2x128x128xf32, #tpu.memory_space<hbm>>
    %dma_start3A_66 = tpu.memref_slice %arg5[%dma_start3A_56] : memref<3x!tpu.dma_semaphore, #tpu.memory_space<semaphore_mem>> -> memref<1x!tpu.dma_semaphore, #tpu.memory_space<semaphore_mem>>
    %dma_start3A_67 = tpu.memref_squeeze %dma_start3A_66 : memref<1x!tpu.dma_semaphore, #tpu.memory_space<semaphore_mem>> -> memref<!tpu.dma_semaphore, #tpu.memory_space<semaphore_mem>>
    %dma_start3A_68 = arith.constant 1 : i32
    %dma_start3A_69 = arith.constant 0 : i32
    %dma_start3A_70 = arith.constant 0 : i32
    %dma_start3A_71 = arith.constant 0 : i32
    %dma_start3A_72 = tpu.memref_slice %arg4[%dma_start3A_68, %dma_start3A_69, %dma_start3A_70, %dma_start3A_71] : memref<3x2x128x128xf32, #tpu.memory_space<vmem>> -> memref<1x2x128x128xf32, #tpu.memory_space<vmem>>
    %dma_start3A_73 = arith.constant 2 : i32
    %dma_start3A_74 = arith.constant 0 : i32
    %dma_start3A_75 = arith.constant 0 : i32
    %dma_start3A_76 = tpu.memref_slice %arg2[%add3A_35, %dma_start3A_73, %dma_start3A_74, %dma_start3A_75] : memref<40x64x128x128xf32, #tpu.memory_space<hbm>> -> memref<1x2x128x128xf32, #tpu.memory_space<hbm>>
    tpu.enqueue_dma source(%dma_start3A_76 : memref<1x2x128x128xf32, #tpu.memory_space<hbm>>) target(%dma_start3A_72 : memref<1x2x128x128xf32, #tpu.memory_space<vmem>>) target_semaphore(%dma_start3A_67 : memref<!tpu.dma_semaphore, #tpu.memory_space<semaphore_mem>>)
    %dma_start3A_77 = arith.constant 2 : i32
    %dma_start3A_78 = arith.constant 2 : i32
    %dma_start3A_79 = arith.constant 0 : i32
    %dma_start3A_80 = arith.constant 0 : i32
    %dma_start3A_81 = arith.constant 0 : i32
    %dma_start3A_82 = tpu.memref_slice %arg4[%dma_start3A_78, %dma_start3A_79, %dma_start3A_80, %dma_start3A_81] : memref<3x2x128x128xf32, #tpu.memory_space<vmem>> -> memref<1x2x128x128xf32, #tpu.memory_space<vmem>>
    %dma_start3A_83 = arith.constant 4 : i32
    %dma_start3A_84 = arith.constant 0 : i32
    %dma_start3A_85 = arith.constant 0 : i32
    %dma_start3A_86 = tpu.memref_slice %arg2[%add3A_35, %dma_start3A_83, %dma_start3A_84, %dma_start3A_85] : memref<40x64x128x128xf32, #tpu.memory_space<hbm>> -> memref<1x2x128x128xf32, #tpu.memory_space<hbm>>
    %dma_start3A_87 = tpu.memref_slice %arg5[%dma_start3A_77] : memref<3x!tpu.dma_semaphore, #tpu.memory_space<semaphore_mem>> -> memref<1x!tpu.dma_semaphore, #tpu.memory_space<semaphore_mem>>
    %dma_start3A_88 = tpu.memref_squeeze %dma_start3A_87 : memref<1x!tpu.dma_semaphore, #tpu.memory_space<semaphore_mem>> -> memref<!tpu.dma_semaphore, #tpu.memory_space<semaphore_mem>>
    %dma_start3A_89 = arith.constant 2 : i32
    %dma_start3A_90 = arith.constant 0 : i32
    %dma_start3A_91 = arith.constant 0 : i32
    %dma_start3A_92 = arith.constant 0 : i32
    %dma_start3A_93 = tpu.memref_slice %arg4[%dma_start3A_89, %dma_start3A_90, %dma_start3A_91, %dma_start3A_92] : memref<3x2x128x128xf32, #tpu.memory_space<vmem>> -> memref<1x2x128x128xf32, #tpu.memory_space<vmem>>
    %dma_start3A_94 = arith.constant 4 : i32
    %dma_start3A_95 = arith.constant 0 : i32
    %dma_start3A_96 = arith.constant 0 : i32
    %dma_start3A_97 = tpu.memref_slice %arg2[%add3A_35, %dma_start3A_94, %dma_start3A_95, %dma_start3A_96] : memref<40x64x128x128xf32, #tpu.memory_space<hbm>> -> memref<1x2x128x128xf32, #tpu.memory_space<hbm>>
    tpu.enqueue_dma source(%dma_start3A_97 : memref<1x2x128x128xf32, #tpu.memory_space<hbm>>) target(%dma_start3A_93 : memref<1x2x128x128xf32, #tpu.memory_space<vmem>>) target_semaphore(%dma_start3A_88 : memref<!tpu.dma_semaphore, #tpu.memory_space<semaphore_mem>>)
    %dma_wait3A = arith.constant 0 : i32
    %dma_wait3A_98 = arith.constant 0 : i32
    %dma_wait3A_99 = arith.constant 0 : i32
    %dma_wait3A_100 = arith.constant 0 : i32
    %dma_wait3A_101 = arith.constant 0 : i32
    %dma_wait3A_102 = tpu.memref_slice %arg4[%dma_wait3A_98, %dma_wait3A_99, %dma_wait3A_100, %dma_wait3A_101] : memref<3x2x128x128xf32, #tpu.memory_space<vmem>> -> memref<1x2x128x128xf32, #tpu.memory_space<vmem>>
    %dma_wait3A_103 = arith.constant 0 : i32
    %dma_wait3A_104 = arith.constant 0 : i32
    %dma_wait3A_105 = arith.constant 0 : i32
    %dma_wait3A_106 = tpu.memref_slice %arg2[%add3A_35, %dma_wait3A_103, %dma_wait3A_104, %dma_wait3A_105] : memref<40x64x128x128xf32, #tpu.memory_space<hbm>> -> memref<1x2x128x128xf32, #tpu.memory_space<hbm>>
    %dma_wait3A_107 = tpu.memref_slice %arg5[%dma_wait3A] : memref<3x!tpu.dma_semaphore, #tpu.memory_space<semaphore_mem>> -> memref<1x!tpu.dma_semaphore, #tpu.memory_space<semaphore_mem>>
    %dma_wait3A_108 = tpu.memref_squeeze %dma_wait3A_107 : memref<1x!tpu.dma_semaphore, #tpu.memory_space<semaphore_mem>> -> memref<!tpu.dma_semaphore, #tpu.memory_space<semaphore_mem>>
    %dma_wait3A_109 = arith.constant 0 : i32
    %dma_wait3A_110 = arith.constant 0 : i32
    %dma_wait3A_111 = arith.constant 0 : i32
    %dma_wait3A_112 = arith.constant 0 : i32
    %dma_wait3A_113 = tpu.memref_slice %arg4[%dma_wait3A_109, %dma_wait3A_110, %dma_wait3A_111, %dma_wait3A_112] : memref<3x2x128x128xf32, #tpu.memory_space<vmem>> -> memref<1x2x128x128xf32, #tpu.memory_space<vmem>>
    %dma_wait3A_114 = arith.constant 0 : i32
    %dma_wait3A_115 = arith.constant 0 : i32
    %dma_wait3A_116 = arith.constant 0 : i32
    %dma_wait3A_117 = tpu.memref_slice %arg2[%add3A_35, %dma_wait3A_114, %dma_wait3A_115, %dma_wait3A_116] : memref<40x64x128x128xf32, #tpu.memory_space<hbm>> -> memref<1x2x128x128xf32, #tpu.memory_space<hbm>>
    tpu.wait_dma2 semaphore(%dma_wait3A_108 : memref<!tpu.dma_semaphore, #tpu.memory_space<semaphore_mem>>) src(%dma_wait3A_117 : memref<1x2x128x128xf32, #tpu.memory_space<hbm>>) dst(%dma_wait3A_113 : memref<1x2x128x128xf32, #tpu.memory_space<vmem>>)
    %dma_start3A_118 = arith.constant 0 : i32
    %dma_start3A_119 = arith.constant 0 : i32
    %dma_start3A_120 = arith.constant 0 : i32
    %dma_start3A_121 = arith.constant 0 : i32
    %dma_start3A_122 = arith.constant 0 : i32
    %dma_start3A_123 = tpu.memref_slice %arg4[%dma_start3A_119, %dma_start3A_120, %dma_start3A_121, %dma_start3A_122] : memref<3x2x128x128xf32, #tpu.memory_space<vmem>> -> memref<1x2x128x128xf32, #tpu.memory_space<vmem>>
    %dma_start3A_124 = arith.constant 0 : i32
    %dma_start3A_125 = arith.constant 0 : i32
    %dma_start3A_126 = arith.constant 0 : i32
    %dma_start3A_127 = tpu.memref_slice %arg3[%add3A_35, %dma_start3A_124, %dma_start3A_125, %dma_start3A_126] : memref<40x64x128x128xf32, #tpu.memory_space<hbm>> -> memref<1x2x128x128xf32, #tpu.memory_space<hbm>>
    %dma_start3A_128 = tpu.memref_slice %arg6[%dma_start3A_118] : memref<3x!tpu.dma_semaphore, #tpu.memory_space<semaphore_mem>> -> memref<1x!tpu.dma_semaphore, #tpu.memory_space<semaphore_mem>>
    %dma_start3A_129 = tpu.memref_squeeze %dma_start3A_128 : memref<1x!tpu.dma_semaphore, #tpu.memory_space<semaphore_mem>> -> memref<!tpu.dma_semaphore, #tpu.memory_space<semaphore_mem>>
    %dma_start3A_130 = arith.constant 0 : i32
    %dma_start3A_131 = arith.constant 0 : i32
    %dma_start3A_132 = arith.constant 0 : i32
    %dma_start3A_133 = tpu.memref_slice %arg3[%add3A_35, %dma_start3A_130, %dma_start3A_131, %dma_start3A_132] : memref<40x64x128x128xf32, #tpu.memory_space<hbm>> -> memref<1x2x128x128xf32, #tpu.memory_space<hbm>>
    %dma_start3A_134 = arith.constant 0 : i32
    %dma_start3A_135 = arith.constant 0 : i32
    %dma_start3A_136 = arith.constant 0 : i32
    %dma_start3A_137 = arith.constant 0 : i32
    %dma_start3A_138 = tpu.memref_slice %arg4[%dma_start3A_134, %dma_start3A_135, %dma_start3A_136, %dma_start3A_137] : memref<3x2x128x128xf32, #tpu.memory_space<vmem>> -> memref<1x2x128x128xf32, #tpu.memory_space<vmem>>
    tpu.enqueue_dma source(%dma_start3A_138 : memref<1x2x128x128xf32, #tpu.memory_space<vmem>>) target(%dma_start3A_133 : memref<1x2x128x128xf32, #tpu.memory_space<hbm>>) target_semaphore(%dma_start3A_129 : memref<!tpu.dma_semaphore, #tpu.memory_space<semaphore_mem>>)
    %dma_wait3A_139 = arith.constant 0 : i32
    %dma_wait3A_140 = arith.constant 0 : i32
    %dma_wait3A_141 = arith.constant 0 : i32
    %dma_wait3A_142 = arith.constant 0 : i32
    %dma_wait3A_143 = arith.constant 0 : i32
    %dma_wait3A_144 = tpu.memref_slice %arg4[%dma_wait3A_140, %dma_wait3A_141, %dma_wait3A_142, %dma_wait3A_143] : memref<3x2x128x128xf32, #tpu.memory_space<vmem>> -> memref<1x2x128x128xf32, #tpu.memory_space<vmem>>
    %dma_wait3A_145 = arith.constant 0 : i32
    %dma_wait3A_146 = arith.constant 0 : i32
    %dma_wait3A_147 = arith.constant 0 : i32
    %dma_wait3A_148 = tpu.memref_slice %arg3[%add3A_35, %dma_wait3A_145, %dma_wait3A_146, %dma_wait3A_147] : memref<40x64x128x128xf32, #tpu.memory_space<hbm>> -> memref<1x2x128x128xf32, #tpu.memory_space<hbm>>
    %dma_wait3A_149 = tpu.memref_slice %arg6[%dma_wait3A_139] : memref<3x!tpu.dma_semaphore, #tpu.memory_space<semaphore_mem>> -> memref<1x!tpu.dma_semaphore, #tpu.memory_space<semaphore_mem>>
    %dma_wait3A_150 = tpu.memref_squeeze %dma_wait3A_149 : memref<1x!tpu.dma_semaphore, #tpu.memory_space<semaphore_mem>> -> memref<!tpu.dma_semaphore, #tpu.memory_space<semaphore_mem>>
    %dma_wait3A_151 = arith.constant 0 : i32
    %dma_wait3A_152 = arith.constant 0 : i32
    %dma_wait3A_153 = arith.constant 0 : i32
    %dma_wait3A_154 = tpu.memref_slice %arg3[%add3A_35, %dma_wait3A_151, %dma_wait3A_152, %dma_wait3A_153] : memref<40x64x128x128xf32, #tpu.memory_space<hbm>> -> memref<1x2x128x128xf32, #tpu.memory_space<hbm>>
    %dma_wait3A_155 = arith.constant 0 : i32
    %dma_wait3A_156 = arith.constant 0 : i32
    %dma_wait3A_157 = arith.constant 0 : i32
    %dma_wait3A_158 = arith.constant 0 : i32
    %dma_wait3A_159 = tpu.memref_slice %arg4[%dma_wait3A_155, %dma_wait3A_156, %dma_wait3A_157, %dma_wait3A_158] : memref<3x2x128x128xf32, #tpu.memory_space<vmem>> -> memref<1x2x128x128xf32, #tpu.memory_space<vmem>>
    tpu.wait_dma2 semaphore(%dma_wait3A_150 : memref<!tpu.dma_semaphore, #tpu.memory_space<semaphore_mem>>) src(%dma_wait3A_159 : memref<1x2x128x128xf32, #tpu.memory_space<vmem>>) dst(%dma_wait3A_154 : memref<1x2x128x128xf32, #tpu.memory_space<hbm>>)
    %dma_start3A_160 = arith.constant 0 : i32
    %dma_start3A_161 = arith.constant 0 : i32
    %dma_start3A_162 = arith.constant 0 : i32
    %dma_start3A_163 = arith.constant 0 : i32
    %dma_start3A_164 = arith.constant 0 : i32
    %dma_start3A_165 = tpu.memref_slice %arg4[%dma_start3A_161, %dma_start3A_162, %dma_start3A_163, %dma_start3A_164] : memref<3x2x128x128xf32, #tpu.memory_space<vmem>> -> memref<1x2x128x128xf32, #tpu.memory_space<vmem>>
    %dma_start3A_166 = arith.constant 6 : i32
    %dma_start3A_167 = arith.constant 0 : i32
    %dma_start3A_168 = arith.constant 0 : i32
    %dma_start3A_169 = tpu.memref_slice %arg2[%add3A_35, %dma_start3A_166, %dma_start3A_167, %dma_start3A_168] : memref<40x64x128x128xf32, #tpu.memory_space<hbm>> -> memref<1x2x128x128xf32, #tpu.memory_space<hbm>>
    %dma_start3A_170 = tpu.memref_slice %arg5[%dma_start3A_160] : memref<3x!tpu.dma_semaphore, #tpu.memory_space<semaphore_mem>> -> memref<1x!tpu.dma_semaphore, #tpu.memory_space<semaphore_mem>>
    %dma_start3A_171 = tpu.memref_squeeze %dma_start3A_170 : memref<1x!tpu.dma_semaphore, #tpu.memory_space<semaphore_mem>> -> memref<!tpu.dma_semaphore, #tpu.memory_space<semaphore_mem>>
    %dma_start3A_172 = arith.constant 0 : i32
    %dma_start3A_173 = arith.constant 0 : i32
    %dma_start3A_174 = arith.constant 0 : i32
    %dma_start3A_175 = arith.constant 0 : i32
    %dma_start3A_176 = tpu.memref_slice %arg4[%dma_start3A_172, %dma_start3A_173, %dma_start3A_174, %dma_start3A_175] : memref<3x2x128x128xf32, #tpu.memory_space<vmem>> -> memref<1x2x128x128xf32, #tpu.memory_space<vmem>>
    %dma_start3A_177 = arith.constant 6 : i32
    %dma_start3A_178 = arith.constant 0 : i32
    %dma_start3A_179 = arith.constant 0 : i32
    %dma_start3A_180 = tpu.memref_slice %arg2[%add3A_35, %dma_start3A_177, %dma_start3A_178, %dma_start3A_179] : memref<40x64x128x128xf32, #tpu.memory_space<hbm>> -> memref<1x2x128x128xf32, #tpu.memory_space<hbm>>
    tpu.enqueue_dma source(%dma_start3A_180 : memref<1x2x128x128xf32, #tpu.memory_space<hbm>>) target(%dma_start3A_176 : memref<1x2x128x128xf32, #tpu.memory_space<vmem>>) target_semaphore(%dma_start3A_171 : memref<!tpu.dma_semaphore, #tpu.memory_space<semaphore_mem>>)
    %dma_wait3A_181 = arith.constant 1 : i32
    %dma_wait3A_182 = arith.constant 1 : i32
    %dma_wait3A_183 = arith.constant 0 : i32
    %dma_wait3A_184 = arith.constant 0 : i32
    %dma_wait3A_185 = arith.constant 0 : i32
    %dma_wait3A_186 = tpu.memref_slice %arg4[%dma_wait3A_182, %dma_wait3A_183, %dma_wait3A_184, %dma_wait3A_185] : memref<3x2x128x128xf32, #tpu.memory_space<vmem>> -> memref<1x2x128x128xf32, #tpu.memory_space<vmem>>
    %dma_wait3A_187 = arith.constant 2 : i32
    %dma_wait3A_188 = arith.constant 0 : i32
    %dma_wait3A_189 = arith.constant 0 : i32
    %dma_wait3A_190 = tpu.memref_slice %arg2[%add3A_35, %dma_wait3A_187, %dma_wait3A_188, %dma_wait3A_189] : memref<40x64x128x128xf32, #tpu.memory_space<hbm>> -> memref<1x2x128x128xf32, #tpu.memory_space<hbm>>
    %dma_wait3A_191 = tpu.memref_slice %arg5[%dma_wait3A_181] : memref<3x!tpu.dma_semaphore, #tpu.memory_space<semaphore_mem>> -> memref<1x!tpu.dma_semaphore, #tpu.memory_space<semaphore_mem>>
    %dma_wait3A_192 = tpu.memref_squeeze %dma_wait3A_191 : memref<1x!tpu.dma_semaphore, #tpu.memory_space<semaphore_mem>> -> memref<!tpu.dma_semaphore, #tpu.memory_space<semaphore_mem>>
    %dma_wait3A_193 = arith.constant 1 : i32
    %dma_wait3A_194 = arith.constant 0 : i32
    %dma_wait3A_195 = arith.constant 0 : i32
    %dma_wait3A_196 = arith.constant 0 : i32
    %dma_wait3A_197 = tpu.memref_slice %arg4[%dma_wait3A_193, %dma_wait3A_194, %dma_wait3A_195, %dma_wait3A_196] : memref<3x2x128x128xf32, #tpu.memory_space<vmem>> -> memref<1x2x128x128xf32, #tpu.memory_space<vmem>>
    %dma_wait3A_198 = arith.constant 2 : i32
    %dma_wait3A_199 = arith.constant 0 : i32
    %dma_wait3A_200 = arith.constant 0 : i32
    %dma_wait3A_201 = tpu.memref_slice %arg2[%add3A_35, %dma_wait3A_198, %dma_wait3A_199, %dma_wait3A_200] : memref<40x64x128x128xf32, #tpu.memory_space<hbm>> -> memref<1x2x128x128xf32, #tpu.memory_space<hbm>>
    tpu.wait_dma2 semaphore(%dma_wait3A_192 : memref<!tpu.dma_semaphore, #tpu.memory_space<semaphore_mem>>) src(%dma_wait3A_201 : memref<1x2x128x128xf32, #tpu.memory_space<hbm>>) dst(%dma_wait3A_197 : memref<1x2x128x128xf32, #tpu.memory_space<vmem>>)
    %dma_start3A_202 = arith.constant 1 : i32
    %dma_start3A_203 = arith.constant 1 : i32
    %dma_start3A_204 = arith.constant 0 : i32
    %dma_start3A_205 = arith.constant 0 : i32
    %dma_start3A_206 = arith.constant 0 : i32
    %dma_start3A_207 = tpu.memref_slice %arg4[%dma_start3A_203, %dma_start3A_204, %dma_start3A_205, %dma_start3A_206] : memref<3x2x128x128xf32, #tpu.memory_space<vmem>> -> memref<1x2x128x128xf32, #tpu.memory_space<vmem>>
    %dma_start3A_208 = arith.constant 2 : i32
    %dma_start3A_209 = arith.constant 0 : i32
    %dma_start3A_210 = arith.constant 0 : i32
    %dma_start3A_211 = tpu.memref_slice %arg3[%add3A_35, %dma_start3A_208, %dma_start3A_209, %dma_start3A_210] : memref<40x64x128x128xf32, #tpu.memory_space<hbm>> -> memref<1x2x128x128xf32, #tpu.memory_space<hbm>>
    %dma_start3A_212 = tpu.memref_slice %arg6[%dma_start3A_202] : memref<3x!tpu.dma_semaphore, #tpu.memory_space<semaphore_mem>> -> memref<1x!tpu.dma_semaphore, #tpu.memory_space<semaphore_mem>>
    %dma_start3A_213 = tpu.memref_squeeze %dma_start3A_212 : memref<1x!tpu.dma_semaphore, #tpu.memory_space<semaphore_mem>> -> memref<!tpu.dma_semaphore, #tpu.memory_space<semaphore_mem>>
    %dma_start3A_214 = arith.constant 2 : i32
    %dma_start3A_215 = arith.constant 0 : i32
    %dma_start3A_216 = arith.constant 0 : i32
    %dma_start3A_217 = tpu.memref_slice %arg3[%add3A_35, %dma_start3A_214, %dma_start3A_215, %dma_start3A_216] : memref<40x64x128x128xf32, #tpu.memory_space<hbm>> -> memref<1x2x128x128xf32, #tpu.memory_space<hbm>>
    %dma_start3A_218 = arith.constant 1 : i32
    %dma_start3A_219 = arith.constant 0 : i32
    %dma_start3A_220 = arith.constant 0 : i32
    %dma_start3A_221 = arith.constant 0 : i32
    %dma_start3A_222 = tpu.memref_slice %arg4[%dma_start3A_218, %dma_start3A_219, %dma_start3A_220, %dma_start3A_221] : memref<3x2x128x128xf32, #tpu.memory_space<vmem>> -> memref<1x2x128x128xf32, #tpu.memory_space<vmem>>
    tpu.enqueue_dma source(%dma_start3A_222 : memref<1x2x128x128xf32, #tpu.memory_space<vmem>>) target(%dma_start3A_217 : memref<1x2x128x128xf32, #tpu.memory_space<hbm>>) target_semaphore(%dma_start3A_213 : memref<!tpu.dma_semaphore, #tpu.memory_space<semaphore_mem>>)
    %dma_wait3A_223 = arith.constant 1 : i32
    %dma_wait3A_224 = arith.constant 1 : i32
    %dma_wait3A_225 = arith.constant 0 : i32
    %dma_wait3A_226 = arith.constant 0 : i32
    %dma_wait3A_227 = arith.constant 0 : i32
    %dma_wait3A_228 = tpu.memref_slice %arg4[%dma_wait3A_224, %dma_wait3A_225, %dma_wait3A_226, %dma_wait3A_227] : memref<3x2x128x128xf32, #tpu.memory_space<vmem>> -> memref<1x2x128x128xf32, #tpu.memory_space<vmem>>
    %dma_wait3A_229 = arith.constant 2 : i32
    %dma_wait3A_230 = arith.constant 0 : i32
    %dma_wait3A_231 = arith.constant 0 : i32
    %dma_wait3A_232 = tpu.memref_slice %arg3[%add3A_35, %dma_wait3A_229, %dma_wait3A_230, %dma_wait3A_231] : memref<40x64x128x128xf32, #tpu.memory_space<hbm>> -> memref<1x2x128x128xf32, #tpu.memory_space<hbm>>
    %dma_wait3A_233 = tpu.memref_slice %arg6[%dma_wait3A_223] : memref<3x!tpu.dma_semaphore, #tpu.memory_space<semaphore_mem>> -> memref<1x!tpu.dma_semaphore, #tpu.memory_space<semaphore_mem>>
    %dma_wait3A_234 = tpu.memref_squeeze %dma_wait3A_233 : memref<1x!tpu.dma_semaphore, #tpu.memory_space<semaphore_mem>> -> memref<!tpu.dma_semaphore, #tpu.memory_space<semaphore_mem>>
    %dma_wait3A_235 = arith.constant 2 : i32
    %dma_wait3A_236 = arith.constant 0 : i32
    %dma_wait3A_237 = arith.constant 0 : i32
    %dma_wait3A_238 = tpu.memref_slice %arg3[%add3A_35, %dma_wait3A_235, %dma_wait3A_236, %dma_wait3A_237] : memref<40x64x128x128xf32, #tpu.memory_space<hbm>> -> memref<1x2x128x128xf32, #tpu.memory_space<hbm>>
    %dma_wait3A_239 = arith.constant 1 : i32
    %dma_wait3A_240 = arith.constant 0 : i32
    %dma_wait3A_241 = arith.constant 0 : i32
    %dma_wait3A_242 = arith.constant 0 : i32
    %dma_wait3A_243 = tpu.memref_slice %arg4[%dma_wait3A_239, %dma_wait3A_240, %dma_wait3A_241, %dma_wait3A_242] : memref<3x2x128x128xf32, #tpu.memory_space<vmem>> -> memref<1x2x128x128xf32, #tpu.memory_space<vmem>>
    tpu.wait_dma2 semaphore(%dma_wait3A_234 : memref<!tpu.dma_semaphore, #tpu.memory_space<semaphore_mem>>) src(%dma_wait3A_243 : memref<1x2x128x128xf32, #tpu.memory_space<vmem>>) dst(%dma_wait3A_238 : memref<1x2x128x128xf32, #tpu.memory_space<hbm>>)
    %dma_start3A_244 = arith.constant 1 : i32
    %dma_start3A_245 = arith.constant 1 : i32
    %dma_start3A_246 = arith.constant 0 : i32
    %dma_start3A_247 = arith.constant 0 : i32
    %dma_start3A_248 = arith.constant 0 : i32
    %dma_start3A_249 = tpu.memref_slice %arg4[%dma_start3A_245, %dma_start3A_246, %dma_start3A_247, %dma_start3A_248] : memref<3x2x128x128xf32, #tpu.memory_space<vmem>> -> memref<1x2x128x128xf32, #tpu.memory_space<vmem>>
    %dma_start3A_250 = arith.constant 8 : i32
    %dma_start3A_251 = arith.constant 0 : i32
    %dma_start3A_252 = arith.constant 0 : i32
    %dma_start3A_253 = tpu.memref_slice %arg2[%add3A_35, %dma_start3A_250, %dma_start3A_251, %dma_start3A_252] : memref<40x64x128x128xf32, #tpu.memory_space<hbm>> -> memref<1x2x128x128xf32, #tpu.memory_space<hbm>>
    %dma_start3A_254 = tpu.memref_slice %arg5[%dma_start3A_244] : memref<3x!tpu.dma_semaphore, #tpu.memory_space<semaphore_mem>> -> memref<1x!tpu.dma_semaphore, #tpu.memory_space<semaphore_mem>>
    %dma_start3A_255 = tpu.memref_squeeze %dma_start3A_254 : memref<1x!tpu.dma_semaphore, #tpu.memory_space<semaphore_mem>> -> memref<!tpu.dma_semaphore, #tpu.memory_space<semaphore_mem>>
    %dma_start3A_256 = arith.constant 1 : i32
    %dma_start3A_257 = arith.constant 0 : i32
    %dma_start3A_258 = arith.constant 0 : i32
    %dma_start3A_259 = arith.constant 0 : i32
    %dma_start3A_260 = tpu.memref_slice %arg4[%dma_start3A_256, %dma_start3A_257, %dma_start3A_258, %dma_start3A_259] : memref<3x2x128x128xf32, #tpu.memory_space<vmem>> -> memref<1x2x128x128xf32, #tpu.memory_space<vmem>>
    %dma_start3A_261 = arith.constant 8 : i32
    %dma_start3A_262 = arith.constant 0 : i32
    %dma_start3A_263 = arith.constant 0 : i32
    %dma_start3A_264 = tpu.memref_slice %arg2[%add3A_35, %dma_start3A_261, %dma_start3A_262, %dma_start3A_263] : memref<40x64x128x128xf32, #tpu.memory_space<hbm>> -> memref<1x2x128x128xf32, #tpu.memory_space<hbm>>
    tpu.enqueue_dma source(%dma_start3A_264 : memref<1x2x128x128xf32, #tpu.memory_space<hbm>>) target(%dma_start3A_260 : memref<1x2x128x128xf32, #tpu.memory_space<vmem>>) target_semaphore(%dma_start3A_255 : memref<!tpu.dma_semaphore, #tpu.memory_space<semaphore_mem>>)
    %dma_wait3A_265 = arith.constant 2 : i32
    %dma_wait3A_266 = arith.constant 2 : i32
    %dma_wait3A_267 = arith.constant 0 : i32
    %dma_wait3A_268 = arith.constant 0 : i32
    %dma_wait3A_269 = arith.constant 0 : i32
    %dma_wait3A_270 = tpu.memref_slice %arg4[%dma_wait3A_266, %dma_wait3A_267, %dma_wait3A_268, %dma_wait3A_269] : memref<3x2x128x128xf32, #tpu.memory_space<vmem>> -> memref<1x2x128x128xf32, #tpu.memory_space<vmem>>
    %dma_wait3A_271 = arith.constant 4 : i32
    %dma_wait3A_272 = arith.constant 0 : i32
    %dma_wait3A_273 = arith.constant 0 : i32
    %dma_wait3A_274 = tpu.memref_slice %arg2[%add3A_35, %dma_wait3A_271, %dma_wait3A_272, %dma_wait3A_273] : memref<40x64x128x128xf32, #tpu.memory_space<hbm>> -> memref<1x2x128x128xf32, #tpu.memory_space<hbm>>
    %dma_wait3A_275 = tpu.memref_slice %arg5[%dma_wait3A_265] : memref<3x!tpu.dma_semaphore, #tpu.memory_space<semaphore_mem>> -> memref<1x!tpu.dma_semaphore, #tpu.memory_space<semaphore_mem>>
    %dma_wait3A_276 = tpu.memref_squeeze %dma_wait3A_275 : memref<1x!tpu.dma_semaphore, #tpu.memory_space<semaphore_mem>> -> memref<!tpu.dma_semaphore, #tpu.memory_space<semaphore_mem>>
    %dma_wait3A_277 = arith.constant 2 : i32
    %dma_wait3A_278 = arith.constant 0 : i32
    %dma_wait3A_279 = arith.constant 0 : i32
    %dma_wait3A_280 = arith.constant 0 : i32
    %dma_wait3A_281 = tpu.memref_slice %arg4[%dma_wait3A_277, %dma_wait3A_278, %dma_wait3A_279, %dma_wait3A_280] : memref<3x2x128x128xf32, #tpu.memory_space<vmem>> -> memref<1x2x128x128xf32, #tpu.memory_space<vmem>>
    %dma_wait3A_282 = arith.constant 4 : i32
    %dma_wait3A_283 = arith.constant 0 : i32
    %dma_wait3A_284 = arith.constant 0 : i32
    %dma_wait3A_285 = tpu.memref_slice %arg2[%add3A_35, %dma_wait3A_282, %dma_wait3A_283, %dma_wait3A_284] : memref<40x64x128x128xf32, #tpu.memory_space<hbm>> -> memref<1x2x128x128xf32, #tpu.memory_space<hbm>>
    tpu.wait_dma2 semaphore(%dma_wait3A_276 : memref<!tpu.dma_semaphore, #tpu.memory_space<semaphore_mem>>) src(%dma_wait3A_285 : memref<1x2x128x128xf32, #tpu.memory_space<hbm>>) dst(%dma_wait3A_281 : memref<1x2x128x128xf32, #tpu.memory_space<vmem>>)
    %dma_start3A_286 = arith.constant 2 : i32
    %dma_start3A_287 = arith.constant 2 : i32
    %dma_start3A_288 = arith.constant 0 : i32
    %dma_start3A_289 = arith.constant 0 : i32
    %dma_start3A_290 = arith.constant 0 : i32
    %dma_start3A_291 = tpu.memref_slice %arg4[%dma_start3A_287, %dma_start3A_288, %dma_start3A_289, %dma_start3A_290] : memref<3x2x128x128xf32, #tpu.memory_space<vmem>> -> memref<1x2x128x128xf32, #tpu.memory_space<vmem>>
    %dma_start3A_292 = arith.constant 4 : i32
    %dma_start3A_293 = arith.constant 0 : i32
    %dma_start3A_294 = arith.constant 0 : i32
    %dma_start3A_295 = tpu.memref_slice %arg3[%add3A_35, %dma_start3A_292, %dma_start3A_293, %dma_start3A_294] : memref<40x64x128x128xf32, #tpu.memory_space<hbm>> -> memref<1x2x128x128xf32, #tpu.memory_space<hbm>>
    %dma_start3A_296 = tpu.memref_slice %arg6[%dma_start3A_286] : memref<3x!tpu.dma_semaphore, #tpu.memory_space<semaphore_mem>> -> memref<1x!tpu.dma_semaphore, #tpu.memory_space<semaphore_mem>>
    %dma_start3A_297 = tpu.memref_squeeze %dma_start3A_296 : memref<1x!tpu.dma_semaphore, #tpu.memory_space<semaphore_mem>> -> memref<!tpu.dma_semaphore, #tpu.memory_space<semaphore_mem>>
    %dma_start3A_298 = arith.constant 4 : i32
    %dma_start3A_299 = arith.constant 0 : i32
    %dma_start3A_300 = arith.constant 0 : i32
    %dma_start3A_301 = tpu.memref_slice %arg3[%add3A_35, %dma_start3A_298, %dma_start3A_299, %dma_start3A_300] : memref<40x64x128x128xf32, #tpu.memory_space<hbm>> -> memref<1x2x128x128xf32, #tpu.memory_space<hbm>>
    %dma_start3A_302 = arith.constant 2 : i32
    %dma_start3A_303 = arith.constant 0 : i32
    %dma_start3A_304 = arith.constant 0 : i32
    %dma_start3A_305 = arith.constant 0 : i32
    %dma_start3A_306 = tpu.memref_slice %arg4[%dma_start3A_302, %dma_start3A_303, %dma_start3A_304, %dma_start3A_305] : memref<3x2x128x128xf32, #tpu.memory_space<vmem>> -> memref<1x2x128x128xf32, #tpu.memory_space<vmem>>
    tpu.enqueue_dma source(%dma_start3A_306 : memref<1x2x128x128xf32, #tpu.memory_space<vmem>>) target(%dma_start3A_301 : memref<1x2x128x128xf32, #tpu.memory_space<hbm>>) target_semaphore(%dma_start3A_297 : memref<!tpu.dma_semaphore, #tpu.memory_space<semaphore_mem>>)
    %dma_wait3A_307 = arith.constant 2 : i32
    %dma_wait3A_308 = arith.constant 2 : i32
    %dma_wait3A_309 = arith.constant 0 : i32
    %dma_wait3A_310 = arith.constant 0 : i32
    %dma_wait3A_311 = arith.constant 0 : i32
    %dma_wait3A_312 = tpu.memref_slice %arg4[%dma_wait3A_308, %dma_wait3A_309, %dma_wait3A_310, %dma_wait3A_311] : memref<3x2x128x128xf32, #tpu.memory_space<vmem>> -> memref<1x2x128x128xf32, #tpu.memory_space<vmem>>
    %dma_wait3A_313 = arith.constant 4 : i32
    %dma_wait3A_314 = arith.constant 0 : i32
    %dma_wait3A_315 = arith.constant 0 : i32
    %dma_wait3A_316 = tpu.memref_slice %arg3[%add3A_35, %dma_wait3A_313, %dma_wait3A_314, %dma_wait3A_315] : memref<40x64x128x128xf32, #tpu.memory_space<hbm>> -> memref<1x2x128x128xf32, #tpu.memory_space<hbm>>
    %dma_wait3A_317 = tpu.memref_slice %arg6[%dma_wait3A_307] : memref<3x!tpu.dma_semaphore, #tpu.memory_space<semaphore_mem>> -> memref<1x!tpu.dma_semaphore, #tpu.memory_space<semaphore_mem>>
    %dma_wait3A_318 = tpu.memref_squeeze %dma_wait3A_317 : memref<1x!tpu.dma_semaphore, #tpu.memory_space<semaphore_mem>> -> memref<!tpu.dma_semaphore, #tpu.memory_space<semaphore_mem>>
    %dma_wait3A_319 = arith.constant 4 : i32
    %dma_wait3A_320 = arith.constant 0 : i32
    %dma_wait3A_321 = arith.constant 0 : i32
    %dma_wait3A_322 = tpu.memref_slice %arg3[%add3A_35, %dma_wait3A_319, %dma_wait3A_320, %dma_wait3A_321] : memref<40x64x128x128xf32, #tpu.memory_space<hbm>> -> memref<1x2x128x128xf32, #tpu.memory_space<hbm>>
    %dma_wait3A_323 = arith.constant 2 : i32
    %dma_wait3A_324 = arith.constant 0 : i32
    %dma_wait3A_325 = arith.constant 0 : i32
    %dma_wait3A_326 = arith.constant 0 : i32
    %dma_wait3A_327 = tpu.memref_slice %arg4[%dma_wait3A_323, %dma_wait3A_324, %dma_wait3A_325, %dma_wait3A_326] : memref<3x2x128x128xf32, #tpu.memory_space<vmem>> -> memref<1x2x128x128xf32, #tpu.memory_space<vmem>>
    tpu.wait_dma2 semaphore(%dma_wait3A_318 : memref<!tpu.dma_semaphore, #tpu.memory_space<semaphore_mem>>) src(%dma_wait3A_327 : memref<1x2x128x128xf32, #tpu.memory_space<vmem>>) dst(%dma_wait3A_322 : memref<1x2x128x128xf32, #tpu.memory_space<hbm>>)
    %dma_start3A_328 = arith.constant 2 : i32
    %dma_start3A_329 = arith.constant 2 : i32
    %dma_start3A_330 = arith.constant 0 : i32
    %dma_start3A_331 = arith.constant 0 : i32
    %dma_start3A_332 = arith.constant 0 : i32
    %dma_start3A_333 = tpu.memref_slice %arg4[%dma_start3A_329, %dma_start3A_330, %dma_start3A_331, %dma_start3A_332] : memref<3x2x128x128xf32, #tpu.memory_space<vmem>> -> memref<1x2x128x128xf32, #tpu.memory_space<vmem>>
    %dma_start3A_334 = arith.constant 10 : i32
    %dma_start3A_335 = arith.constant 0 : i32
    %dma_start3A_336 = arith.constant 0 : i32
    %dma_start3A_337 = tpu.memref_slice %arg2[%add3A_35, %dma_start3A_334, %dma_start3A_335, %dma_start3A_336] : memref<40x64x128x128xf32, #tpu.memory_space<hbm>> -> memref<1x2x128x128xf32, #tpu.memory_space<hbm>>
    %dma_start3A_338 = tpu.memref_slice %arg5[%dma_start3A_328] : memref<3x!tpu.dma_semaphore, #tpu.memory_space<semaphore_mem>> -> memref<1x!tpu.dma_semaphore, #tpu.memory_space<semaphore_mem>>
    %dma_start3A_339 = tpu.memref_squeeze %dma_start3A_338 : memref<1x!tpu.dma_semaphore, #tpu.memory_space<semaphore_mem>> -> memref<!tpu.dma_semaphore, #tpu.memory_space<semaphore_mem>>
    %dma_start3A_340 = arith.constant 2 : i32
    %dma_start3A_341 = arith.constant 0 : i32
    %dma_start3A_342 = arith.constant 0 : i32
    %dma_start3A_343 = arith.constant 0 : i32
    %dma_start3A_344 = tpu.memref_slice %arg4[%dma_start3A_340, %dma_start3A_341, %dma_start3A_342, %dma_start3A_343] : memref<3x2x128x128xf32, #tpu.memory_space<vmem>> -> memref<1x2x128x128xf32, #tpu.memory_space<vmem>>
    %dma_start3A_345 = arith.constant 10 : i32
    %dma_start3A_346 = arith.constant 0 : i32
    %dma_start3A_347 = arith.constant 0 : i32
    %dma_start3A_348 = tpu.memref_slice %arg2[%add3A_35, %dma_start3A_345, %dma_start3A_346, %dma_start3A_347] : memref<40x64x128x128xf32, #tpu.memory_space<hbm>> -> memref<1x2x128x128xf32, #tpu.memory_space<hbm>>
    tpu.enqueue_dma source(%dma_start3A_348 : memref<1x2x128x128xf32, #tpu.memory_space<hbm>>) target(%dma_start3A_344 : memref<1x2x128x128xf32, #tpu.memory_space<vmem>>) target_semaphore(%dma_start3A_339 : memref<!tpu.dma_semaphore, #tpu.memory_space<semaphore_mem>>)
    %dma_wait3A_349 = arith.constant 0 : i32
    %dma_wait3A_350 = arith.constant 0 : i32
    %dma_wait3A_351 = arith.constant 0 : i32
    %dma_wait3A_352 = arith.constant 0 : i32
    %dma_wait3A_353 = arith.constant 0 : i32
    %dma_wait3A_354 = tpu.memref_slice %arg4[%dma_wait3A_350, %dma_wait3A_351, %dma_wait3A_352, %dma_wait3A_353] : memref<3x2x128x128xf32, #tpu.memory_space<vmem>> -> memref<1x2x128x128xf32, #tpu.memory_space<vmem>>
    %dma_wait3A_355 = arith.constant 6 : i32
    %dma_wait3A_356 = arith.constant 0 : i32
    %dma_wait3A_357 = arith.constant 0 : i32
    %dma_wait3A_358 = tpu.memref_slice %arg2[%add3A_35, %dma_wait3A_355, %dma_wait3A_356, %dma_wait3A_357] : memref<40x64x128x128xf32, #tpu.memory_space<hbm>> -> memref<1x2x128x128xf32, #tpu.memory_space<hbm>>
    %dma_wait3A_359 = tpu.memref_slice %arg5[%dma_wait3A_349] : memref<3x!tpu.dma_semaphore, #tpu.memory_space<semaphore_mem>> -> memref<1x!tpu.dma_semaphore, #tpu.memory_space<semaphore_mem>>
    %dma_wait3A_360 = tpu.memref_squeeze %dma_wait3A_359 : memref<1x!tpu.dma_semaphore, #tpu.memory_space<semaphore_mem>> -> memref<!tpu.dma_semaphore, #tpu.memory_space<semaphore_mem>>
    %dma_wait3A_361 = arith.constant 0 : i32
    %dma_wait3A_362 = arith.constant 0 : i32
    %dma_wait3A_363 = arith.constant 0 : i32
    %dma_wait3A_364 = arith.constant 0 : i32
    %dma_wait3A_365 = tpu.memref_slice %arg4[%dma_wait3A_361, %dma_wait3A_362, %dma_wait3A_363, %dma_wait3A_364] : memref<3x2x128x128xf32, #tpu.memory_space<vmem>> -> memref<1x2x128x128xf32, #tpu.memory_space<vmem>>
    %dma_wait3A_366 = arith.constant 6 : i32
    %dma_wait3A_367 = arith.constant 0 : i32
    %dma_wait3A_368 = arith.constant 0 : i32
    %dma_wait3A_369 = tpu.memref_slice %arg2[%add3A_35, %dma_wait3A_366, %dma_wait3A_367, %dma_wait3A_368] : memref<40x64x128x128xf32, #tpu.memory_space<hbm>> -> memref<1x2x128x128xf32, #tpu.memory_space<hbm>>
    tpu.wait_dma2 semaphore(%dma_wait3A_360 : memref<!tpu.dma_semaphore, #tpu.memory_space<semaphore_mem>>) src(%dma_wait3A_369 : memref<1x2x128x128xf32, #tpu.memory_space<hbm>>) dst(%dma_wait3A_365 : memref<1x2x128x128xf32, #tpu.memory_space<vmem>>)
    %dma_start3A_370 = arith.constant 0 : i32
    %dma_start3A_371 = arith.constant 0 : i32
    %dma_start3A_372 = arith.constant 0 : i32
    %dma_start3A_373 = arith.constant 0 : i32
    %dma_start3A_374 = arith.constant 0 : i32
    %dma_start3A_375 = tpu.memref_slice %arg4[%dma_start3A_371, %dma_start3A_372, %dma_start3A_373, %dma_start3A_374] : memref<3x2x128x128xf32, #tpu.memory_space<vmem>> -> memref<1x2x128x128xf32, #tpu.memory_space<vmem>>
    %dma_start3A_376 = arith.constant 6 : i32
    %dma_start3A_377 = arith.constant 0 : i32
    %dma_start3A_378 = arith.constant 0 : i32
    %dma_start3A_379 = tpu.memref_slice %arg3[%add3A_35, %dma_start3A_376, %dma_start3A_377, %dma_start3A_378] : memref<40x64x128x128xf32, #tpu.memory_space<hbm>> -> memref<1x2x128x128xf32, #tpu.memory_space<hbm>>
    %dma_start3A_380 = tpu.memref_slice %arg6[%dma_start3A_370] : memref<3x!tpu.dma_semaphore, #tpu.memory_space<semaphore_mem>> -> memref<1x!tpu.dma_semaphore, #tpu.memory_space<semaphore_mem>>
    %dma_start3A_381 = tpu.memref_squeeze %dma_start3A_380 : memref<1x!tpu.dma_semaphore, #tpu.memory_space<semaphore_mem>> -> memref<!tpu.dma_semaphore, #tpu.memory_space<semaphore_mem>>
    %dma_start3A_382 = arith.constant 6 : i32
    %dma_start3A_383 = arith.constant 0 : i32
    %dma_start3A_384 = arith.constant 0 : i32
    %dma_start3A_385 = tpu.memref_slice %arg3[%add3A_35, %dma_start3A_382, %dma_start3A_383, %dma_start3A_384] : memref<40x64x128x128xf32, #tpu.memory_space<hbm>> -> memref<1x2x128x128xf32, #tpu.memory_space<hbm>>
    %dma_start3A_386 = arith.constant 0 : i32
    %dma_start3A_387 = arith.constant 0 : i32
    %dma_start3A_388 = arith.constant 0 : i32
    %dma_start3A_389 = arith.constant 0 : i32
    %dma_start3A_390 = tpu.memref_slice %arg4[%dma_start3A_386, %dma_start3A_387, %dma_start3A_388, %dma_start3A_389] : memref<3x2x128x128xf32, #tpu.memory_space<vmem>> -> memref<1x2x128x128xf32, #tpu.memory_space<vmem>>
    tpu.enqueue_dma source(%dma_start3A_390 : memref<1x2x128x128xf32, #tpu.memory_space<vmem>>) target(%dma_start3A_385 : memref<1x2x128x128xf32, #tpu.memory_space<hbm>>) target_semaphore(%dma_start3A_381 : memref<!tpu.dma_semaphore, #tpu.memory_space<semaphore_mem>>)
    %dma_wait3A_391 = arith.constant 0 : i32
    %dma_wait3A_392 = arith.constant 0 : i32
    %dma_wait3A_393 = arith.constant 0 : i32
    %dma_wait3A_394 = arith.constant 0 : i32
    %dma_wait3A_395 = arith.constant 0 : i32
    %dma_wait3A_396 = tpu.memref_slice %arg4[%dma_wait3A_392, %dma_wait3A_393, %dma_wait3A_394, %dma_wait3A_395] : memref<3x2x128x128xf32, #tpu.memory_space<vmem>> -> memref<1x2x128x128xf32, #tpu.memory_space<vmem>>
    %dma_wait3A_397 = arith.constant 6 : i32
    %dma_wait3A_398 = arith.constant 0 : i32
    %dma_wait3A_399 = arith.constant 0 : i32
    %dma_wait3A_400 = tpu.memref_slice %arg3[%add3A_35, %dma_wait3A_397, %dma_wait3A_398, %dma_wait3A_399] : memref<40x64x128x128xf32, #tpu.memory_space<hbm>> -> memref<1x2x128x128xf32, #tpu.memory_space<hbm>>
    %dma_wait3A_401 = tpu.memref_slice %arg6[%dma_wait3A_391] : memref<3x!tpu.dma_semaphore, #tpu.memory_space<semaphore_mem>> -> memref<1x!tpu.dma_semaphore, #tpu.memory_space<semaphore_mem>>
    %dma_wait3A_402 = tpu.memref_squeeze %dma_wait3A_401 : memref<1x!tpu.dma_semaphore, #tpu.memory_space<semaphore_mem>> -> memref<!tpu.dma_semaphore, #tpu.memory_space<semaphore_mem>>
    %dma_wait3A_403 = arith.constant 6 : i32
    %dma_wait3A_404 = arith.constant 0 : i32
    %dma_wait3A_405 = arith.constant 0 : i32
    %dma_wait3A_406 = tpu.memref_slice %arg3[%add3A_35, %dma_wait3A_403, %dma_wait3A_404, %dma_wait3A_405] : memref<40x64x128x128xf32, #tpu.memory_space<hbm>> -> memref<1x2x128x128xf32, #tpu.memory_space<hbm>>
    %dma_wait3A_407 = arith.constant 0 : i32
    %dma_wait3A_408 = arith.constant 0 : i32
    %dma_wait3A_409 = arith.constant 0 : i32
    %dma_wait3A_410 = arith.constant 0 : i32
    %dma_wait3A_411 = tpu.memref_slice %arg4[%dma_wait3A_407, %dma_wait3A_408, %dma_wait3A_409, %dma_wait3A_410] : memref<3x2x128x128xf32, #tpu.memory_space<vmem>> -> memref<1x2x128x128xf32, #tpu.memory_space<vmem>>
    tpu.wait_dma2 semaphore(%dma_wait3A_402 : memref<!tpu.dma_semaphore, #tpu.memory_space<semaphore_mem>>) src(%dma_wait3A_411 : memref<1x2x128x128xf32, #tpu.memory_space<vmem>>) dst(%dma_wait3A_406 : memref<1x2x128x128xf32, #tpu.memory_space<hbm>>)
    %dma_start3A_412 = arith.constant 0 : i32
    %dma_start3A_413 = arith.constant 0 : i32
    %dma_start3A_414 = arith.constant 0 : i32
    %dma_start3A_415 = arith.constant 0 : i32
    %dma_start3A_416 = arith.constant 0 : i32
    %dma_start3A_417 = tpu.memref_slice %arg4[%dma_start3A_413, %dma_start3A_414, %dma_start3A_415, %dma_start3A_416] : memref<3x2x128x128xf32, #tpu.memory_space<vmem>> -> memref<1x2x128x128xf32, #tpu.memory_space<vmem>>
    %dma_start3A_418 = arith.constant 12 : i32
    %dma_start3A_419 = arith.constant 0 : i32
    %dma_start3A_420 = arith.constant 0 : i32
    %dma_start3A_421 = tpu.memref_slice %arg2[%add3A_35, %dma_start3A_418, %dma_start3A_419, %dma_start3A_420] : memref<40x64x128x128xf32, #tpu.memory_space<hbm>> -> memref<1x2x128x128xf32, #tpu.memory_space<hbm>>
    %dma_start3A_422 = tpu.memref_slice %arg5[%dma_start3A_412] : memref<3x!tpu.dma_semaphore, #tpu.memory_space<semaphore_mem>> -> memref<1x!tpu.dma_semaphore, #tpu.memory_space<semaphore_mem>>
    %dma_start3A_423 = tpu.memref_squeeze %dma_start3A_422 : memref<1x!tpu.dma_semaphore, #tpu.memory_space<semaphore_mem>> -> memref<!tpu.dma_semaphore, #tpu.memory_space<semaphore_mem>>
    %dma_start3A_424 = arith.constant 0 : i32
    %dma_start3A_425 = arith.constant 0 : i32
    %dma_start3A_426 = arith.constant 0 : i32
    %dma_start3A_427 = arith.constant 0 : i32
    %dma_start3A_428 = tpu.memref_slice %arg4[%dma_start3A_424, %dma_start3A_425, %dma_start3A_426, %dma_start3A_427] : memref<3x2x128x128xf32, #tpu.memory_space<vmem>> -> memref<1x2x128x128xf32, #tpu.memory_space<vmem>>
    %dma_start3A_429 = arith.constant 12 : i32
    %dma_start3A_430 = arith.constant 0 : i32
    %dma_start3A_431 = arith.constant 0 : i32
    %dma_start3A_432 = tpu.memref_slice %arg2[%add3A_35, %dma_start3A_429, %dma_start3A_430, %dma_start3A_431] : memref<40x64x128x128xf32, #tpu.memory_space<hbm>> -> memref<1x2x128x128xf32, #tpu.memory_space<hbm>>
    tpu.enqueue_dma source(%dma_start3A_432 : memref<1x2x128x128xf32, #tpu.memory_space<hbm>>) target(%dma_start3A_428 : memref<1x2x128x128xf32, #tpu.memory_space<vmem>>) target_semaphore(%dma_start3A_423 : memref<!tpu.dma_semaphore, #tpu.memory_space<semaphore_mem>>)
    %dma_wait3A_433 = arith.constant 1 : i32
    %dma_wait3A_434 = arith.constant 1 : i32
    %dma_wait3A_435 = arith.constant 0 : i32
    %dma_wait3A_436 = arith.constant 0 : i32
    %dma_wait3A_437 = arith.constant 0 : i32
    %dma_wait3A_438 = tpu.memref_slice %arg4[%dma_wait3A_434, %dma_wait3A_435, %dma_wait3A_436, %dma_wait3A_437] : memref<3x2x128x128xf32, #tpu.memory_space<vmem>> -> memref<1x2x128x128xf32, #tpu.memory_space<vmem>>
    %dma_wait3A_439 = arith.constant 8 : i32
    %dma_wait3A_440 = arith.constant 0 : i32
    %dma_wait3A_441 = arith.constant 0 : i32
    %dma_wait3A_442 = tpu.memref_slice %arg2[%add3A_35, %dma_wait3A_439, %dma_wait3A_440, %dma_wait3A_441] : memref<40x64x128x128xf32, #tpu.memory_space<hbm>> -> memref<1x2x128x128xf32, #tpu.memory_space<hbm>>
    %dma_wait3A_443 = tpu.memref_slice %arg5[%dma_wait3A_433] : memref<3x!tpu.dma_semaphore, #tpu.memory_space<semaphore_mem>> -> memref<1x!tpu.dma_semaphore, #tpu.memory_space<semaphore_mem>>
    %dma_wait3A_444 = tpu.memref_squeeze %dma_wait3A_443 : memref<1x!tpu.dma_semaphore, #tpu.memory_space<semaphore_mem>> -> memref<!tpu.dma_semaphore, #tpu.memory_space<semaphore_mem>>
    %dma_wait3A_445 = arith.constant 1 : i32
    %dma_wait3A_446 = arith.constant 0 : i32
    %dma_wait3A_447 = arith.constant 0 : i32
    %dma_wait3A_448 = arith.constant 0 : i32
    %dma_wait3A_449 = tpu.memref_slice %arg4[%dma_wait3A_445, %dma_wait3A_446, %dma_wait3A_447, %dma_wait3A_448] : memref<3x2x128x128xf32, #tpu.memory_space<vmem>> -> memref<1x2x128x128xf32, #tpu.memory_space<vmem>>
    %dma_wait3A_450 = arith.constant 8 : i32
    %dma_wait3A_451 = arith.constant 0 : i32
    %dma_wait3A_452 = arith.constant 0 : i32
    %dma_wait3A_453 = tpu.memref_slice %arg2[%add3A_35, %dma_wait3A_450, %dma_wait3A_451, %dma_wait3A_452] : memref<40x64x128x128xf32, #tpu.memory_space<hbm>> -> memref<1x2x128x128xf32, #tpu.memory_space<hbm>>
    tpu.wait_dma2 semaphore(%dma_wait3A_444 : memref<!tpu.dma_semaphore, #tpu.memory_space<semaphore_mem>>) src(%dma_wait3A_453 : memref<1x2x128x128xf32, #tpu.memory_space<hbm>>) dst(%dma_wait3A_449 : memref<1x2x128x128xf32, #tpu.memory_space<vmem>>)
    %dma_start3A_454 = arith.constant 1 : i32
    %dma_start3A_455 = arith.constant 1 : i32
    %dma_start3A_456 = arith.constant 0 : i32
    %dma_start3A_457 = arith.constant 0 : i32
    %dma_start3A_458 = arith.constant 0 : i32
    %dma_start3A_459 = tpu.memref_slice %arg4[%dma_start3A_455, %dma_start3A_456, %dma_start3A_457, %dma_start3A_458] : memref<3x2x128x128xf32, #tpu.memory_space<vmem>> -> memref<1x2x128x128xf32, #tpu.memory_space<vmem>>
    %dma_start3A_460 = arith.constant 8 : i32
    %dma_start3A_461 = arith.constant 0 : i32
    %dma_start3A_462 = arith.constant 0 : i32
    %dma_start3A_463 = tpu.memref_slice %arg3[%add3A_35, %dma_start3A_460, %dma_start3A_461, %dma_start3A_462] : memref<40x64x128x128xf32, #tpu.memory_space<hbm>> -> memref<1x2x128x128xf32, #tpu.memory_space<hbm>>
    %dma_start3A_464 = tpu.memref_slice %arg6[%dma_start3A_454] : memref<3x!tpu.dma_semaphore, #tpu.memory_space<semaphore_mem>> -> memref<1x!tpu.dma_semaphore, #tpu.memory_space<semaphore_mem>>
    %dma_start3A_465 = tpu.memref_squeeze %dma_start3A_464 : memref<1x!tpu.dma_semaphore, #tpu.memory_space<semaphore_mem>> -> memref<!tpu.dma_semaphore, #tpu.memory_space<semaphore_mem>>
    %dma_start3A_466 = arith.constant 8 : i32
    %dma_start3A_467 = arith.constant 0 : i32
    %dma_start3A_468 = arith.constant 0 : i32
    %dma_start3A_469 = tpu.memref_slice %arg3[%add3A_35, %dma_start3A_466, %dma_start3A_467, %dma_start3A_468] : memref<40x64x128x128xf32, #tpu.memory_space<hbm>> -> memref<1x2x128x128xf32, #tpu.memory_space<hbm>>
    %dma_start3A_470 = arith.constant 1 : i32
    %dma_start3A_471 = arith.constant 0 : i32
    %dma_start3A_472 = arith.constant 0 : i32
    %dma_start3A_473 = arith.constant 0 : i32
    %dma_start3A_474 = tpu.memref_slice %arg4[%dma_start3A_470, %dma_start3A_471, %dma_start3A_472, %dma_start3A_473] : memref<3x2x128x128xf32, #tpu.memory_space<vmem>> -> memref<1x2x128x128xf32, #tpu.memory_space<vmem>>
    tpu.enqueue_dma source(%dma_start3A_474 : memref<1x2x128x128xf32, #tpu.memory_space<vmem>>) target(%dma_start3A_469 : memref<1x2x128x128xf32, #tpu.memory_space<hbm>>) target_semaphore(%dma_start3A_465 : memref<!tpu.dma_semaphore, #tpu.memory_space<semaphore_mem>>)
    %dma_wait3A_475 = arith.constant 1 : i32
    %dma_wait3A_476 = arith.constant 1 : i32
    %dma_wait3A_477 = arith.constant 0 : i32
    %dma_wait3A_478 = arith.constant 0 : i32
    %dma_wait3A_479 = arith.constant 0 : i32
    %dma_wait3A_480 = tpu.memref_slice %arg4[%dma_wait3A_476, %dma_wait3A_477, %dma_wait3A_478, %dma_wait3A_479] : memref<3x2x128x128xf32, #tpu.memory_space<vmem>> -> memref<1x2x128x128xf32, #tpu.memory_space<vmem>>
    %dma_wait3A_481 = arith.constant 8 : i32
    %dma_wait3A_482 = arith.constant 0 : i32
    %dma_wait3A_483 = arith.constant 0 : i32
    %dma_wait3A_484 = tpu.memref_slice %arg3[%add3A_35, %dma_wait3A_481, %dma_wait3A_482, %dma_wait3A_483] : memref<40x64x128x128xf32, #tpu.memory_space<hbm>> -> memref<1x2x128x128xf32, #tpu.memory_space<hbm>>
    %dma_wait3A_485 = tpu.memref_slice %arg6[%dma_wait3A_475] : memref<3x!tpu.dma_semaphore, #tpu.memory_space<semaphore_mem>> -> memref<1x!tpu.dma_semaphore, #tpu.memory_space<semaphore_mem>>
    %dma_wait3A_486 = tpu.memref_squeeze %dma_wait3A_485 : memref<1x!tpu.dma_semaphore, #tpu.memory_space<semaphore_mem>> -> memref<!tpu.dma_semaphore, #tpu.memory_space<semaphore_mem>>
    %dma_wait3A_487 = arith.constant 8 : i32
    %dma_wait3A_488 = arith.constant 0 : i32
    %dma_wait3A_489 = arith.constant 0 : i32
    %dma_wait3A_490 = tpu.memref_slice %arg3[%add3A_35, %dma_wait3A_487, %dma_wait3A_488, %dma_wait3A_489] : memref<40x64x128x128xf32, #tpu.memory_space<hbm>> -> memref<1x2x128x128xf32, #tpu.memory_space<hbm>>
    %dma_wait3A_491 = arith.constant 1 : i32
    %dma_wait3A_492 = arith.constant 0 : i32
    %dma_wait3A_493 = arith.constant 0 : i32
    %dma_wait3A_494 = arith.constant 0 : i32
    %dma_wait3A_495 = tpu.memref_slice %arg4[%dma_wait3A_491, %dma_wait3A_492, %dma_wait3A_493, %dma_wait3A_494] : memref<3x2x128x128xf32, #tpu.memory_space<vmem>> -> memref<1x2x128x128xf32, #tpu.memory_space<vmem>>
    tpu.wait_dma2 semaphore(%dma_wait3A_486 : memref<!tpu.dma_semaphore, #tpu.memory_space<semaphore_mem>>) src(%dma_wait3A_495 : memref<1x2x128x128xf32, #tpu.memory_space<vmem>>) dst(%dma_wait3A_490 : memref<1x2x128x128xf32, #tpu.memory_space<hbm>>)
    %dma_start3A_496 = arith.constant 1 : i32
    %dma_start3A_497 = arith.constant 1 : i32
    %dma_start3A_498 = arith.constant 0 : i32
    %dma_start3A_499 = arith.constant 0 : i32
    %dma_start3A_500 = arith.constant 0 : i32
    %dma_start3A_501 = tpu.memref_slice %arg4[%dma_start3A_497, %dma_start3A_498, %dma_start3A_499, %dma_start3A_500] : memref<3x2x128x128xf32, #tpu.memory_space<vmem>> -> memref<1x2x128x128xf32, #tpu.memory_space<vmem>>
    %dma_start3A_502 = arith.constant 14 : i32
    %dma_start3A_503 = arith.constant 0 : i32
    %dma_start3A_504 = arith.constant 0 : i32
    %dma_start3A_505 = tpu.memref_slice %arg2[%add3A_35, %dma_start3A_502, %dma_start3A_503, %dma_start3A_504] : memref<40x64x128x128xf32, #tpu.memory_space<hbm>> -> memref<1x2x128x128xf32, #tpu.memory_space<hbm>>
    %dma_start3A_506 = tpu.memref_slice %arg5[%dma_start3A_496] : memref<3x!tpu.dma_semaphore, #tpu.memory_space<semaphore_mem>> -> memref<1x!tpu.dma_semaphore, #tpu.memory_space<semaphore_mem>>
    %dma_start3A_507 = tpu.memref_squeeze %dma_start3A_506 : memref<1x!tpu.dma_semaphore, #tpu.memory_space<semaphore_mem>> -> memref<!tpu.dma_semaphore, #tpu.memory_space<semaphore_mem>>
    %dma_start3A_508 = arith.constant 1 : i32
    %dma_start3A_509 = arith.constant 0 : i32
    %dma_start3A_510 = arith.constant 0 : i32
    %dma_start3A_511 = arith.constant 0 : i32
    %dma_start3A_512 = tpu.memref_slice %arg4[%dma_start3A_508, %dma_start3A_509, %dma_start3A_510, %dma_start3A_511] : memref<3x2x128x128xf32, #tpu.memory_space<vmem>> -> memref<1x2x128x128xf32, #tpu.memory_space<vmem>>
    %dma_start3A_513 = arith.constant 14 : i32
    %dma_start3A_514 = arith.constant 0 : i32
    %dma_start3A_515 = arith.constant 0 : i32
    %dma_start3A_516 = tpu.memref_slice %arg2[%add3A_35, %dma_start3A_513, %dma_start3A_514, %dma_start3A_515] : memref<40x64x128x128xf32, #tpu.memory_space<hbm>> -> memref<1x2x128x128xf32, #tpu.memory_space<hbm>>
    tpu.enqueue_dma source(%dma_start3A_516 : memref<1x2x128x128xf32, #tpu.memory_space<hbm>>) target(%dma_start3A_512 : memref<1x2x128x128xf32, #tpu.memory_space<vmem>>) target_semaphore(%dma_start3A_507 : memref<!tpu.dma_semaphore, #tpu.memory_space<semaphore_mem>>)
    %dma_wait3A_517 = arith.constant 2 : i32
    %dma_wait3A_518 = arith.constant 2 : i32
    %dma_wait3A_519 = arith.constant 0 : i32
    %dma_wait3A_520 = arith.constant 0 : i32
    %dma_wait3A_521 = arith.constant 0 : i32
    %dma_wait3A_522 = tpu.memref_slice %arg4[%dma_wait3A_518, %dma_wait3A_519, %dma_wait3A_520, %dma_wait3A_521] : memref<3x2x128x128xf32, #tpu.memory_space<vmem>> -> memref<1x2x128x128xf32, #tpu.memory_space<vmem>>
    %dma_wait3A_523 = arith.constant 10 : i32
    %dma_wait3A_524 = arith.constant 0 : i32
    %dma_wait3A_525 = arith.constant 0 : i32
    %dma_wait3A_526 = tpu.memref_slice %arg2[%add3A_35, %dma_wait3A_523, %dma_wait3A_524, %dma_wait3A_525] : memref<40x64x128x128xf32, #tpu.memory_space<hbm>> -> memref<1x2x128x128xf32, #tpu.memory_space<hbm>>
    %dma_wait3A_527 = tpu.memref_slice %arg5[%dma_wait3A_517] : memref<3x!tpu.dma_semaphore, #tpu.memory_space<semaphore_mem>> -> memref<1x!tpu.dma_semaphore, #tpu.memory_space<semaphore_mem>>
    %dma_wait3A_528 = tpu.memref_squeeze %dma_wait3A_527 : memref<1x!tpu.dma_semaphore, #tpu.memory_space<semaphore_mem>> -> memref<!tpu.dma_semaphore, #tpu.memory_space<semaphore_mem>>
    %dma_wait3A_529 = arith.constant 2 : i32
    %dma_wait3A_530 = arith.constant 0 : i32
    %dma_wait3A_531 = arith.constant 0 : i32
    %dma_wait3A_532 = arith.constant 0 : i32
    %dma_wait3A_533 = tpu.memref_slice %arg4[%dma_wait3A_529, %dma_wait3A_530, %dma_wait3A_531, %dma_wait3A_532] : memref<3x2x128x128xf32, #tpu.memory_space<vmem>> -> memref<1x2x128x128xf32, #tpu.memory_space<vmem>>
    %dma_wait3A_534 = arith.constant 10 : i32
    %dma_wait3A_535 = arith.constant 0 : i32
    %dma_wait3A_536 = arith.constant 0 : i32
    %dma_wait3A_537 = tpu.memref_slice %arg2[%add3A_35, %dma_wait3A_534, %dma_wait3A_535, %dma_wait3A_536] : memref<40x64x128x128xf32, #tpu.memory_space<hbm>> -> memref<1x2x128x128xf32, #tpu.memory_space<hbm>>
    tpu.wait_dma2 semaphore(%dma_wait3A_528 : memref<!tpu.dma_semaphore, #tpu.memory_space<semaphore_mem>>) src(%dma_wait3A_537 : memref<1x2x128x128xf32, #tpu.memory_space<hbm>>) dst(%dma_wait3A_533 : memref<1x2x128x128xf32, #tpu.memory_space<vmem>>)
    %dma_start3A_538 = arith.constant 2 : i32
    %dma_start3A_539 = arith.constant 2 : i32
    %dma_start3A_540 = arith.constant 0 : i32
    %dma_start3A_541 = arith.constant 0 : i32
    %dma_start3A_542 = arith.constant 0 : i32
    %dma_start3A_543 = tpu.memref_slice %arg4[%dma_start3A_539, %dma_start3A_540, %dma_start3A_541, %dma_start3A_542] : memref<3x2x128x128xf32, #tpu.memory_space<vmem>> -> memref<1x2x128x128xf32, #tpu.memory_space<vmem>>
    %dma_start3A_544 = arith.constant 10 : i32
    %dma_start3A_545 = arith.constant 0 : i32
    %dma_start3A_546 = arith.constant 0 : i32
    %dma_start3A_547 = tpu.memref_slice %arg3[%add3A_35, %dma_start3A_544, %dma_start3A_545, %dma_start3A_546] : memref<40x64x128x128xf32, #tpu.memory_space<hbm>> -> memref<1x2x128x128xf32, #tpu.memory_space<hbm>>
    %dma_start3A_548 = tpu.memref_slice %arg6[%dma_start3A_538] : memref<3x!tpu.dma_semaphore, #tpu.memory_space<semaphore_mem>> -> memref<1x!tpu.dma_semaphore, #tpu.memory_space<semaphore_mem>>
    %dma_start3A_549 = tpu.memref_squeeze %dma_start3A_548 : memref<1x!tpu.dma_semaphore, #tpu.memory_space<semaphore_mem>> -> memref<!tpu.dma_semaphore, #tpu.memory_space<semaphore_mem>>
    %dma_start3A_550 = arith.constant 10 : i32
    %dma_start3A_551 = arith.constant 0 : i32
    %dma_start3A_552 = arith.constant 0 : i32
    %dma_start3A_553 = tpu.memref_slice %arg3[%add3A_35, %dma_start3A_550, %dma_start3A_551, %dma_start3A_552] : memref<40x64x128x128xf32, #tpu.memory_space<hbm>> -> memref<1x2x128x128xf32, #tpu.memory_space<hbm>>
    %dma_start3A_554 = arith.constant 2 : i32
    %dma_start3A_555 = arith.constant 0 : i32
    %dma_start3A_556 = arith.constant 0 : i32
    %dma_start3A_557 = arith.constant 0 : i32
    %dma_start3A_558 = tpu.memref_slice %arg4[%dma_start3A_554, %dma_start3A_555, %dma_start3A_556, %dma_start3A_557] : memref<3x2x128x128xf32, #tpu.memory_space<vmem>> -> memref<1x2x128x128xf32, #tpu.memory_space<vmem>>
    tpu.enqueue_dma source(%dma_start3A_558 : memref<1x2x128x128xf32, #tpu.memory_space<vmem>>) target(%dma_start3A_553 : memref<1x2x128x128xf32, #tpu.memory_space<hbm>>) target_semaphore(%dma_start3A_549 : memref<!tpu.dma_semaphore, #tpu.memory_space<semaphore_mem>>)
    %dma_wait3A_559 = arith.constant 2 : i32
    %dma_wait3A_560 = arith.constant 2 : i32
    %dma_wait3A_561 = arith.constant 0 : i32
    %dma_wait3A_562 = arith.constant 0 : i32
    %dma_wait3A_563 = arith.constant 0 : i32
    %dma_wait3A_564 = tpu.memref_slice %arg4[%dma_wait3A_560, %dma_wait3A_561, %dma_wait3A_562, %dma_wait3A_563] : memref<3x2x128x128xf32, #tpu.memory_space<vmem>> -> memref<1x2x128x128xf32, #tpu.memory_space<vmem>>
    %dma_wait3A_565 = arith.constant 10 : i32
    %dma_wait3A_566 = arith.constant 0 : i32
    %dma_wait3A_567 = arith.constant 0 : i32
    %dma_wait3A_568 = tpu.memref_slice %arg3[%add3A_35, %dma_wait3A_565, %dma_wait3A_566, %dma_wait3A_567] : memref<40x64x128x128xf32, #tpu.memory_space<hbm>> -> memref<1x2x128x128xf32, #tpu.memory_space<hbm>>
    %dma_wait3A_569 = tpu.memref_slice %arg6[%dma_wait3A_559] : memref<3x!tpu.dma_semaphore, #tpu.memory_space<semaphore_mem>> -> memref<1x!tpu.dma_semaphore, #tpu.memory_space<semaphore_mem>>
    %dma_wait3A_570 = tpu.memref_squeeze %dma_wait3A_569 : memref<1x!tpu.dma_semaphore, #tpu.memory_space<semaphore_mem>> -> memref<!tpu.dma_semaphore, #tpu.memory_space<semaphore_mem>>
    %dma_wait3A_571 = arith.constant 10 : i32
    %dma_wait3A_572 = arith.constant 0 : i32
    %dma_wait3A_573 = arith.constant 0 : i32
    %dma_wait3A_574 = tpu.memref_slice %arg3[%add3A_35, %dma_wait3A_571, %dma_wait3A_572, %dma_wait3A_573] : memref<40x64x128x128xf32, #tpu.memory_space<hbm>> -> memref<1x2x128x128xf32, #tpu.memory_space<hbm>>
    %dma_wait3A_575 = arith.constant 2 : i32
    %dma_wait3A_576 = arith.constant 0 : i32
    %dma_wait3A_577 = arith.constant 0 : i32
    %dma_wait3A_578 = arith.constant 0 : i32
    %dma_wait3A_579 = tpu.memref_slice %arg4[%dma_wait3A_575, %dma_wait3A_576, %dma_wait3A_577, %dma_wait3A_578] : memref<3x2x128x128xf32, #tpu.memory_space<vmem>> -> memref<1x2x128x128xf32, #tpu.memory_space<vmem>>
    tpu.wait_dma2 semaphore(%dma_wait3A_570 : memref<!tpu.dma_semaphore, #tpu.memory_space<semaphore_mem>>) src(%dma_wait3A_579 : memref<1x2x128x128xf32, #tpu.memory_space<vmem>>) dst(%dma_wait3A_574 : memref<1x2x128x128xf32, #tpu.memory_space<hbm>>)
    %dma_start3A_580 = arith.constant 2 : i32
    %dma_start3A_581 = arith.constant 2 : i32
    %dma_start3A_582 = arith.constant 0 : i32
    %dma_start3A_583 = arith.constant 0 : i32
    %dma_start3A_584 = arith.constant 0 : i32
    %dma_start3A_585 = tpu.memref_slice %arg4[%dma_start3A_581, %dma_start3A_582, %dma_start3A_583, %dma_start3A_584] : memref<3x2x128x128xf32, #tpu.memory_space<vmem>> -> memref<1x2x128x128xf32, #tpu.memory_space<vmem>>
    %dma_start3A_586 = arith.constant 16 : i32
    %dma_start3A_587 = arith.constant 0 : i32
    %dma_start3A_588 = arith.constant 0 : i32
    %dma_start3A_589 = tpu.memref_slice %arg2[%add3A_35, %dma_start3A_586, %dma_start3A_587, %dma_start3A_588] : memref<40x64x128x128xf32, #tpu.memory_space<hbm>> -> memref<1x2x128x128xf32, #tpu.memory_space<hbm>>
    %dma_start3A_590 = tpu.memref_slice %arg5[%dma_start3A_580] : memref<3x!tpu.dma_semaphore, #tpu.memory_space<semaphore_mem>> -> memref<1x!tpu.dma_semaphore, #tpu.memory_space<semaphore_mem>>
    %dma_start3A_591 = tpu.memref_squeeze %dma_start3A_590 : memref<1x!tpu.dma_semaphore, #tpu.memory_space<semaphore_mem>> -> memref<!tpu.dma_semaphore, #tpu.memory_space<semaphore_mem>>
    %dma_start3A_592 = arith.constant 2 : i32
    %dma_start3A_593 = arith.constant 0 : i32
    %dma_start3A_594 = arith.constant 0 : i32
    %dma_start3A_595 = arith.constant 0 : i32
    %dma_start3A_596 = tpu.memref_slice %arg4[%dma_start3A_592, %dma_start3A_593, %dma_start3A_594, %dma_start3A_595] : memref<3x2x128x128xf32, #tpu.memory_space<vmem>> -> memref<1x2x128x128xf32, #tpu.memory_space<vmem>>
    %dma_start3A_597 = arith.constant 16 : i32
    %dma_start3A_598 = arith.constant 0 : i32
    %dma_start3A_599 = arith.constant 0 : i32
    %dma_start3A_600 = tpu.memref_slice %arg2[%add3A_35, %dma_start3A_597, %dma_start3A_598, %dma_start3A_599] : memref<40x64x128x128xf32, #tpu.memory_space<hbm>> -> memref<1x2x128x128xf32, #tpu.memory_space<hbm>>
    tpu.enqueue_dma source(%dma_start3A_600 : memref<1x2x128x128xf32, #tpu.memory_space<hbm>>) target(%dma_start3A_596 : memref<1x2x128x128xf32, #tpu.memory_space<vmem>>) target_semaphore(%dma_start3A_591 : memref<!tpu.dma_semaphore, #tpu.memory_space<semaphore_mem>>)
    %dma_wait3A_601 = arith.constant 0 : i32
    %dma_wait3A_602 = arith.constant 0 : i32
    %dma_wait3A_603 = arith.constant 0 : i32
    %dma_wait3A_604 = arith.constant 0 : i32
    %dma_wait3A_605 = arith.constant 0 : i32
    %dma_wait3A_606 = tpu.memref_slice %arg4[%dma_wait3A_602, %dma_wait3A_603, %dma_wait3A_604, %dma_wait3A_605] : memref<3x2x128x128xf32, #tpu.memory_space<vmem>> -> memref<1x2x128x128xf32, #tpu.memory_space<vmem>>
    %dma_wait3A_607 = arith.constant 12 : i32
    %dma_wait3A_608 = arith.constant 0 : i32
    %dma_wait3A_609 = arith.constant 0 : i32
    %dma_wait3A_610 = tpu.memref_slice %arg2[%add3A_35, %dma_wait3A_607, %dma_wait3A_608, %dma_wait3A_609] : memref<40x64x128x128xf32, #tpu.memory_space<hbm>> -> memref<1x2x128x128xf32, #tpu.memory_space<hbm>>
    %dma_wait3A_611 = tpu.memref_slice %arg5[%dma_wait3A_601] : memref<3x!tpu.dma_semaphore, #tpu.memory_space<semaphore_mem>> -> memref<1x!tpu.dma_semaphore, #tpu.memory_space<semaphore_mem>>
    %dma_wait3A_612 = tpu.memref_squeeze %dma_wait3A_611 : memref<1x!tpu.dma_semaphore, #tpu.memory_space<semaphore_mem>> -> memref<!tpu.dma_semaphore, #tpu.memory_space<semaphore_mem>>
    %dma_wait3A_613 = arith.constant 0 : i32
    %dma_wait3A_614 = arith.constant 0 : i32
    %dma_wait3A_615 = arith.constant 0 : i32
    %dma_wait3A_616 = arith.constant 0 : i32
    %dma_wait3A_617 = tpu.memref_slice %arg4[%dma_wait3A_613, %dma_wait3A_614, %dma_wait3A_615, %dma_wait3A_616] : memref<3x2x128x128xf32, #tpu.memory_space<vmem>> -> memref<1x2x128x128xf32, #tpu.memory_space<vmem>>
    %dma_wait3A_618 = arith.constant 12 : i32
    %dma_wait3A_619 = arith.constant 0 : i32
    %dma_wait3A_620 = arith.constant 0 : i32
    %dma_wait3A_621 = tpu.memref_slice %arg2[%add3A_35, %dma_wait3A_618, %dma_wait3A_619, %dma_wait3A_620] : memref<40x64x128x128xf32, #tpu.memory_space<hbm>> -> memref<1x2x128x128xf32, #tpu.memory_space<hbm>>
    tpu.wait_dma2 semaphore(%dma_wait3A_612 : memref<!tpu.dma_semaphore, #tpu.memory_space<semaphore_mem>>) src(%dma_wait3A_621 : memref<1x2x128x128xf32, #tpu.memory_space<hbm>>) dst(%dma_wait3A_617 : memref<1x2x128x128xf32, #tpu.memory_space<vmem>>)
    %dma_start3A_622 = arith.constant 0 : i32
    %dma_start3A_623 = arith.constant 0 : i32
    %dma_start3A_624 = arith.constant 0 : i32
    %dma_start3A_625 = arith.constant 0 : i32
    %dma_start3A_626 = arith.constant 0 : i32
    %dma_start3A_627 = tpu.memref_slice %arg4[%dma_start3A_623, %dma_start3A_624, %dma_start3A_625, %dma_start3A_626] : memref<3x2x128x128xf32, #tpu.memory_space<vmem>> -> memref<1x2x128x128xf32, #tpu.memory_space<vmem>>
    %dma_start3A_628 = arith.constant 12 : i32
    %dma_start3A_629 = arith.constant 0 : i32
    %dma_start3A_630 = arith.constant 0 : i32
    %dma_start3A_631 = tpu.memref_slice %arg3[%add3A_35, %dma_start3A_628, %dma_start3A_629, %dma_start3A_630] : memref<40x64x128x128xf32, #tpu.memory_space<hbm>> -> memref<1x2x128x128xf32, #tpu.memory_space<hbm>>
    %dma_start3A_632 = tpu.memref_slice %arg6[%dma_start3A_622] : memref<3x!tpu.dma_semaphore, #tpu.memory_space<semaphore_mem>> -> memref<1x!tpu.dma_semaphore, #tpu.memory_space<semaphore_mem>>
    %dma_start3A_633 = tpu.memref_squeeze %dma_start3A_632 : memref<1x!tpu.dma_semaphore, #tpu.memory_space<semaphore_mem>> -> memref<!tpu.dma_semaphore, #tpu.memory_space<semaphore_mem>>
    %dma_start3A_634 = arith.constant 12 : i32
    %dma_start3A_635 = arith.constant 0 : i32
    %dma_start3A_636 = arith.constant 0 : i32
    %dma_start3A_637 = tpu.memref_slice %arg3[%add3A_35, %dma_start3A_634, %dma_start3A_635, %dma_start3A_636] : memref<40x64x128x128xf32, #tpu.memory_space<hbm>> -> memref<1x2x128x128xf32, #tpu.memory_space<hbm>>
    %dma_start3A_638 = arith.constant 0 : i32
    %dma_start3A_639 = arith.constant 0 : i32
    %dma_start3A_640 = arith.constant 0 : i32
    %dma_start3A_641 = arith.constant 0 : i32
    %dma_start3A_642 = tpu.memref_slice %arg4[%dma_start3A_638, %dma_start3A_639, %dma_start3A_640, %dma_start3A_641] : memref<3x2x128x128xf32, #tpu.memory_space<vmem>> -> memref<1x2x128x128xf32, #tpu.memory_space<vmem>>
    tpu.enqueue_dma source(%dma_start3A_642 : memref<1x2x128x128xf32, #tpu.memory_space<vmem>>) target(%dma_start3A_637 : memref<1x2x128x128xf32, #tpu.memory_space<hbm>>) target_semaphore(%dma_start3A_633 : memref<!tpu.dma_semaphore, #tpu.memory_space<semaphore_mem>>)
    %dma_wait3A_643 = arith.constant 0 : i32
    %dma_wait3A_644 = arith.constant 0 : i32
    %dma_wait3A_645 = arith.constant 0 : i32
    %dma_wait3A_646 = arith.constant 0 : i32
    %dma_wait3A_647 = arith.constant 0 : i32
    %dma_wait3A_648 = tpu.memref_slice %arg4[%dma_wait3A_644, %dma_wait3A_645, %dma_wait3A_646, %dma_wait3A_647] : memref<3x2x128x128xf32, #tpu.memory_space<vmem>> -> memref<1x2x128x128xf32, #tpu.memory_space<vmem>>
    %dma_wait3A_649 = arith.constant 12 : i32
    %dma_wait3A_650 = arith.constant 0 : i32
    %dma_wait3A_651 = arith.constant 0 : i32
    %dma_wait3A_652 = tpu.memref_slice %arg3[%add3A_35, %dma_wait3A_649, %dma_wait3A_650, %dma_wait3A_651] : memref<40x64x128x128xf32, #tpu.memory_space<hbm>> -> memref<1x2x128x128xf32, #tpu.memory_space<hbm>>
    %dma_wait3A_653 = tpu.memref_slice %arg6[%dma_wait3A_643] : memref<3x!tpu.dma_semaphore, #tpu.memory_space<semaphore_mem>> -> memref<1x!tpu.dma_semaphore, #tpu.memory_space<semaphore_mem>>
    %dma_wait3A_654 = tpu.memref_squeeze %dma_wait3A_653 : memref<1x!tpu.dma_semaphore, #tpu.memory_space<semaphore_mem>> -> memref<!tpu.dma_semaphore, #tpu.memory_space<semaphore_mem>>
    %dma_wait3A_655 = arith.constant 12 : i32
    %dma_wait3A_656 = arith.constant 0 : i32
    %dma_wait3A_657 = arith.constant 0 : i32
    %dma_wait3A_658 = tpu.memref_slice %arg3[%add3A_35, %dma_wait3A_655, %dma_wait3A_656, %dma_wait3A_657] : memref<40x64x128x128xf32, #tpu.memory_space<hbm>> -> memref<1x2x128x128xf32, #tpu.memory_space<hbm>>
    %dma_wait3A_659 = arith.constant 0 : i32
    %dma_wait3A_660 = arith.constant 0 : i32
    %dma_wait3A_661 = arith.constant 0 : i32
    %dma_wait3A_662 = arith.constant 0 : i32
    %dma_wait3A_663 = tpu.memref_slice %arg4[%dma_wait3A_659, %dma_wait3A_660, %dma_wait3A_661, %dma_wait3A_662] : memref<3x2x128x128xf32, #tpu.memory_space<vmem>> -> memref<1x2x128x128xf32, #tpu.memory_space<vmem>>
    tpu.wait_dma2 semaphore(%dma_wait3A_654 : memref<!tpu.dma_semaphore, #tpu.memory_space<semaphore_mem>>) src(%dma_wait3A_663 : memref<1x2x128x128xf32, #tpu.memory_space<vmem>>) dst(%dma_wait3A_658 : memref<1x2x128x128xf32, #tpu.memory_space<hbm>>)
    %dma_start3A_664 = arith.constant 0 : i32
    %dma_start3A_665 = arith.constant 0 : i32
    %dma_start3A_666 = arith.constant 0 : i32
    %dma_start3A_667 = arith.constant 0 : i32
    %dma_start3A_668 = arith.constant 0 : i32
    %dma_start3A_669 = tpu.memref_slice %arg4[%dma_start3A_665, %dma_start3A_666, %dma_start3A_667, %dma_start3A_668] : memref<3x2x128x128xf32, #tpu.memory_space<vmem>> -> memref<1x2x128x128xf32, #tpu.memory_space<vmem>>
    %dma_start3A_670 = arith.constant 18 : i32
    %dma_start3A_671 = arith.constant 0 : i32
    %dma_start3A_672 = arith.constant 0 : i32
    %dma_start3A_673 = tpu.memref_slice %arg2[%add3A_35, %dma_start3A_670, %dma_start3A_671, %dma_start3A_672] : memref<40x64x128x128xf32, #tpu.memory_space<hbm>> -> memref<1x2x128x128xf32, #tpu.memory_space<hbm>>
    %dma_start3A_674 = tpu.memref_slice %arg5[%dma_start3A_664] : memref<3x!tpu.dma_semaphore, #tpu.memory_space<semaphore_mem>> -> memref<1x!tpu.dma_semaphore, #tpu.memory_space<semaphore_mem>>
    %dma_start3A_675 = tpu.memref_squeeze %dma_start3A_674 : memref<1x!tpu.dma_semaphore, #tpu.memory_space<semaphore_mem>> -> memref<!tpu.dma_semaphore, #tpu.memory_space<semaphore_mem>>
    %dma_start3A_676 = arith.constant 0 : i32
    %dma_start3A_677 = arith.constant 0 : i32
    %dma_start3A_678 = arith.constant 0 : i32
    %dma_start3A_679 = arith.constant 0 : i32
    %dma_start3A_680 = tpu.memref_slice %arg4[%dma_start3A_676, %dma_start3A_677, %dma_start3A_678, %dma_start3A_679] : memref<3x2x128x128xf32, #tpu.memory_space<vmem>> -> memref<1x2x128x128xf32, #tpu.memory_space<vmem>>
    %dma_start3A_681 = arith.constant 18 : i32
    %dma_start3A_682 = arith.constant 0 : i32
    %dma_start3A_683 = arith.constant 0 : i32
    %dma_start3A_684 = tpu.memref_slice %arg2[%add3A_35, %dma_start3A_681, %dma_start3A_682, %dma_start3A_683] : memref<40x64x128x128xf32, #tpu.memory_space<hbm>> -> memref<1x2x128x128xf32, #tpu.memory_space<hbm>>
    tpu.enqueue_dma source(%dma_start3A_684 : memref<1x2x128x128xf32, #tpu.memory_space<hbm>>) target(%dma_start3A_680 : memref<1x2x128x128xf32, #tpu.memory_space<vmem>>) target_semaphore(%dma_start3A_675 : memref<!tpu.dma_semaphore, #tpu.memory_space<semaphore_mem>>)
    %dma_wait3A_685 = arith.constant 1 : i32
    %dma_wait3A_686 = arith.constant 1 : i32
    %dma_wait3A_687 = arith.constant 0 : i32
    %dma_wait3A_688 = arith.constant 0 : i32
    %dma_wait3A_689 = arith.constant 0 : i32
    %dma_wait3A_690 = tpu.memref_slice %arg4[%dma_wait3A_686, %dma_wait3A_687, %dma_wait3A_688, %dma_wait3A_689] : memref<3x2x128x128xf32, #tpu.memory_space<vmem>> -> memref<1x2x128x128xf32, #tpu.memory_space<vmem>>
    %dma_wait3A_691 = arith.constant 14 : i32
    %dma_wait3A_692 = arith.constant 0 : i32
    %dma_wait3A_693 = arith.constant 0 : i32
    %dma_wait3A_694 = tpu.memref_slice %arg2[%add3A_35, %dma_wait3A_691, %dma_wait3A_692, %dma_wait3A_693] : memref<40x64x128x128xf32, #tpu.memory_space<hbm>> -> memref<1x2x128x128xf32, #tpu.memory_space<hbm>>
    %dma_wait3A_695 = tpu.memref_slice %arg5[%dma_wait3A_685] : memref<3x!tpu.dma_semaphore, #tpu.memory_space<semaphore_mem>> -> memref<1x!tpu.dma_semaphore, #tpu.memory_space<semaphore_mem>>
    %dma_wait3A_696 = tpu.memref_squeeze %dma_wait3A_695 : memref<1x!tpu.dma_semaphore, #tpu.memory_space<semaphore_mem>> -> memref<!tpu.dma_semaphore, #tpu.memory_space<semaphore_mem>>
    %dma_wait3A_697 = arith.constant 1 : i32
    %dma_wait3A_698 = arith.constant 0 : i32
    %dma_wait3A_699 = arith.constant 0 : i32
    %dma_wait3A_700 = arith.constant 0 : i32
    %dma_wait3A_701 = tpu.memref_slice %arg4[%dma_wait3A_697, %dma_wait3A_698, %dma_wait3A_699, %dma_wait3A_700] : memref<3x2x128x128xf32, #tpu.memory_space<vmem>> -> memref<1x2x128x128xf32, #tpu.memory_space<vmem>>
    %dma_wait3A_702 = arith.constant 14 : i32
    %dma_wait3A_703 = arith.constant 0 : i32
    %dma_wait3A_704 = arith.constant 0 : i32
    %dma_wait3A_705 = tpu.memref_slice %arg2[%add3A_35, %dma_wait3A_702, %dma_wait3A_703, %dma_wait3A_704] : memref<40x64x128x128xf32, #tpu.memory_space<hbm>> -> memref<1x2x128x128xf32, #tpu.memory_space<hbm>>
    tpu.wait_dma2 semaphore(%dma_wait3A_696 : memref<!tpu.dma_semaphore, #tpu.memory_space<semaphore_mem>>) src(%dma_wait3A_705 : memref<1x2x128x128xf32, #tpu.memory_space<hbm>>) dst(%dma_wait3A_701 : memref<1x2x128x128xf32, #tpu.memory_space<vmem>>)
    %dma_start3A_706 = arith.constant 1 : i32
    %dma_start3A_707 = arith.constant 1 : i32
    %dma_start3A_708 = arith.constant 0 : i32
    %dma_start3A_709 = arith.constant 0 : i32
    %dma_start3A_710 = arith.constant 0 : i32
    %dma_start3A_711 = tpu.memref_slice %arg4[%dma_start3A_707, %dma_start3A_708, %dma_start3A_709, %dma_start3A_710] : memref<3x2x128x128xf32, #tpu.memory_space<vmem>> -> memref<1x2x128x128xf32, #tpu.memory_space<vmem>>
    %dma_start3A_712 = arith.constant 14 : i32
    %dma_start3A_713 = arith.constant 0 : i32
    %dma_start3A_714 = arith.constant 0 : i32
    %dma_start3A_715 = tpu.memref_slice %arg3[%add3A_35, %dma_start3A_712, %dma_start3A_713, %dma_start3A_714] : memref<40x64x128x128xf32, #tpu.memory_space<hbm>> -> memref<1x2x128x128xf32, #tpu.memory_space<hbm>>
    %dma_start3A_716 = tpu.memref_slice %arg6[%dma_start3A_706] : memref<3x!tpu.dma_semaphore, #tpu.memory_space<semaphore_mem>> -> memref<1x!tpu.dma_semaphore, #tpu.memory_space<semaphore_mem>>
    %dma_start3A_717 = tpu.memref_squeeze %dma_start3A_716 : memref<1x!tpu.dma_semaphore, #tpu.memory_space<semaphore_mem>> -> memref<!tpu.dma_semaphore, #tpu.memory_space<semaphore_mem>>
    %dma_start3A_718 = arith.constant 14 : i32
    %dma_start3A_719 = arith.constant 0 : i32
    %dma_start3A_720 = arith.constant 0 : i32
    %dma_start3A_721 = tpu.memref_slice %arg3[%add3A_35, %dma_start3A_718, %dma_start3A_719, %dma_start3A_720] : memref<40x64x128x128xf32, #tpu.memory_space<hbm>> -> memref<1x2x128x128xf32, #tpu.memory_space<hbm>>
    %dma_start3A_722 = arith.constant 1 : i32
    %dma_start3A_723 = arith.constant 0 : i32
    %dma_start3A_724 = arith.constant 0 : i32
    %dma_start3A_725 = arith.constant 0 : i32
    %dma_start3A_726 = tpu.memref_slice %arg4[%dma_start3A_722, %dma_start3A_723, %dma_start3A_724, %dma_start3A_725] : memref<3x2x128x128xf32, #tpu.memory_space<vmem>> -> memref<1x2x128x128xf32, #tpu.memory_space<vmem>>
    tpu.enqueue_dma source(%dma_start3A_726 : memref<1x2x128x128xf32, #tpu.memory_space<vmem>>) target(%dma_start3A_721 : memref<1x2x128x128xf32, #tpu.memory_space<hbm>>) target_semaphore(%dma_start3A_717 : memref<!tpu.dma_semaphore, #tpu.memory_space<semaphore_mem>>)
    %dma_wait3A_727 = arith.constant 1 : i32
    %dma_wait3A_728 = arith.constant 1 : i32
    %dma_wait3A_729 = arith.constant 0 : i32
    %dma_wait3A_730 = arith.constant 0 : i32
    %dma_wait3A_731 = arith.constant 0 : i32
    %dma_wait3A_732 = tpu.memref_slice %arg4[%dma_wait3A_728, %dma_wait3A_729, %dma_wait3A_730, %dma_wait3A_731] : memref<3x2x128x128xf32, #tpu.memory_space<vmem>> -> memref<1x2x128x128xf32, #tpu.memory_space<vmem>>
    %dma_wait3A_733 = arith.constant 14 : i32
    %dma_wait3A_734 = arith.constant 0 : i32
    %dma_wait3A_735 = arith.constant 0 : i32
    %dma_wait3A_736 = tpu.memref_slice %arg3[%add3A_35, %dma_wait3A_733, %dma_wait3A_734, %dma_wait3A_735] : memref<40x64x128x128xf32, #tpu.memory_space<hbm>> -> memref<1x2x128x128xf32, #tpu.memory_space<hbm>>
    %dma_wait3A_737 = tpu.memref_slice %arg6[%dma_wait3A_727] : memref<3x!tpu.dma_semaphore, #tpu.memory_space<semaphore_mem>> -> memref<1x!tpu.dma_semaphore, #tpu.memory_space<semaphore_mem>>
    %dma_wait3A_738 = tpu.memref_squeeze %dma_wait3A_737 : memref<1x!tpu.dma_semaphore, #tpu.memory_space<semaphore_mem>> -> memref<!tpu.dma_semaphore, #tpu.memory_space<semaphore_mem>>
    %dma_wait3A_739 = arith.constant 14 : i32
    %dma_wait3A_740 = arith.constant 0 : i32
    %dma_wait3A_741 = arith.constant 0 : i32
    %dma_wait3A_742 = tpu.memref_slice %arg3[%add3A_35, %dma_wait3A_739, %dma_wait3A_740, %dma_wait3A_741] : memref<40x64x128x128xf32, #tpu.memory_space<hbm>> -> memref<1x2x128x128xf32, #tpu.memory_space<hbm>>
    %dma_wait3A_743 = arith.constant 1 : i32
    %dma_wait3A_744 = arith.constant 0 : i32
    %dma_wait3A_745 = arith.constant 0 : i32
    %dma_wait3A_746 = arith.constant 0 : i32
    %dma_wait3A_747 = tpu.memref_slice %arg4[%dma_wait3A_743, %dma_wait3A_744, %dma_wait3A_745, %dma_wait3A_746] : memref<3x2x128x128xf32, #tpu.memory_space<vmem>> -> memref<1x2x128x128xf32, #tpu.memory_space<vmem>>
    tpu.wait_dma2 semaphore(%dma_wait3A_738 : memref<!tpu.dma_semaphore, #tpu.memory_space<semaphore_mem>>) src(%dma_wait3A_747 : memref<1x2x128x128xf32, #tpu.memory_space<vmem>>) dst(%dma_wait3A_742 : memref<1x2x128x128xf32, #tpu.memory_space<hbm>>)
    %dma_start3A_748 = arith.constant 1 : i32
    %dma_start3A_749 = arith.constant 1 : i32
    %dma_start3A_750 = arith.constant 0 : i32
    %dma_start3A_751 = arith.constant 0 : i32
    %dma_start3A_752 = arith.constant 0 : i32
    %dma_start3A_753 = tpu.memref_slice %arg4[%dma_start3A_749, %dma_start3A_750, %dma_start3A_751, %dma_start3A_752] : memref<3x2x128x128xf32, #tpu.memory_space<vmem>> -> memref<1x2x128x128xf32, #tpu.memory_space<vmem>>
    %dma_start3A_754 = arith.constant 20 : i32
    %dma_start3A_755 = arith.constant 0 : i32
    %dma_start3A_756 = arith.constant 0 : i32
    %dma_start3A_757 = tpu.memref_slice %arg2[%add3A_35, %dma_start3A_754, %dma_start3A_755, %dma_start3A_756] : memref<40x64x128x128xf32, #tpu.memory_space<hbm>> -> memref<1x2x128x128xf32, #tpu.memory_space<hbm>>
    %dma_start3A_758 = tpu.memref_slice %arg5[%dma_start3A_748] : memref<3x!tpu.dma_semaphore, #tpu.memory_space<semaphore_mem>> -> memref<1x!tpu.dma_semaphore, #tpu.memory_space<semaphore_mem>>
    %dma_start3A_759 = tpu.memref_squeeze %dma_start3A_758 : memref<1x!tpu.dma_semaphore, #tpu.memory_space<semaphore_mem>> -> memref<!tpu.dma_semaphore, #tpu.memory_space<semaphore_mem>>
    %dma_start3A_760 = arith.constant 1 : i32
    %dma_start3A_761 = arith.constant 0 : i32
    %dma_start3A_762 = arith.constant 0 : i32
    %dma_start3A_763 = arith.constant 0 : i32
    %dma_start3A_764 = tpu.memref_slice %arg4[%dma_start3A_760, %dma_start3A_761, %dma_start3A_762, %dma_start3A_763] : memref<3x2x128x128xf32, #tpu.memory_space<vmem>> -> memref<1x2x128x128xf32, #tpu.memory_space<vmem>>
    %dma_start3A_765 = arith.constant 20 : i32
    %dma_start3A_766 = arith.constant 0 : i32
    %dma_start3A_767 = arith.constant 0 : i32
    %dma_start3A_768 = tpu.memref_slice %arg2[%add3A_35, %dma_start3A_765, %dma_start3A_766, %dma_start3A_767] : memref<40x64x128x128xf32, #tpu.memory_space<hbm>> -> memref<1x2x128x128xf32, #tpu.memory_space<hbm>>
    tpu.enqueue_dma source(%dma_start3A_768 : memref<1x2x128x128xf32, #tpu.memory_space<hbm>>) target(%dma_start3A_764 : memref<1x2x128x128xf32, #tpu.memory_space<vmem>>) target_semaphore(%dma_start3A_759 : memref<!tpu.dma_semaphore, #tpu.memory_space<semaphore_mem>>)
    %dma_wait3A_769 = arith.constant 2 : i32
    %dma_wait3A_770 = arith.constant 2 : i32
    %dma_wait3A_771 = arith.constant 0 : i32
    %dma_wait3A_772 = arith.constant 0 : i32
    %dma_wait3A_773 = arith.constant 0 : i32
    %dma_wait3A_774 = tpu.memref_slice %arg4[%dma_wait3A_770, %dma_wait3A_771, %dma_wait3A_772, %dma_wait3A_773] : memref<3x2x128x128xf32, #tpu.memory_space<vmem>> -> memref<1x2x128x128xf32, #tpu.memory_space<vmem>>
    %dma_wait3A_775 = arith.constant 16 : i32
    %dma_wait3A_776 = arith.constant 0 : i32
    %dma_wait3A_777 = arith.constant 0 : i32
    %dma_wait3A_778 = tpu.memref_slice %arg2[%add3A_35, %dma_wait3A_775, %dma_wait3A_776, %dma_wait3A_777] : memref<40x64x128x128xf32, #tpu.memory_space<hbm>> -> memref<1x2x128x128xf32, #tpu.memory_space<hbm>>
    %dma_wait3A_779 = tpu.memref_slice %arg5[%dma_wait3A_769] : memref<3x!tpu.dma_semaphore, #tpu.memory_space<semaphore_mem>> -> memref<1x!tpu.dma_semaphore, #tpu.memory_space<semaphore_mem>>
    %dma_wait3A_780 = tpu.memref_squeeze %dma_wait3A_779 : memref<1x!tpu.dma_semaphore, #tpu.memory_space<semaphore_mem>> -> memref<!tpu.dma_semaphore, #tpu.memory_space<semaphore_mem>>
    %dma_wait3A_781 = arith.constant 2 : i32
    %dma_wait3A_782 = arith.constant 0 : i32
    %dma_wait3A_783 = arith.constant 0 : i32
    %dma_wait3A_784 = arith.constant 0 : i32
    %dma_wait3A_785 = tpu.memref_slice %arg4[%dma_wait3A_781, %dma_wait3A_782, %dma_wait3A_783, %dma_wait3A_784] : memref<3x2x128x128xf32, #tpu.memory_space<vmem>> -> memref<1x2x128x128xf32, #tpu.memory_space<vmem>>
    %dma_wait3A_786 = arith.constant 16 : i32
    %dma_wait3A_787 = arith.constant 0 : i32
    %dma_wait3A_788 = arith.constant 0 : i32
    %dma_wait3A_789 = tpu.memref_slice %arg2[%add3A_35, %dma_wait3A_786, %dma_wait3A_787, %dma_wait3A_788] : memref<40x64x128x128xf32, #tpu.memory_space<hbm>> -> memref<1x2x128x128xf32, #tpu.memory_space<hbm>>
    tpu.wait_dma2 semaphore(%dma_wait3A_780 : memref<!tpu.dma_semaphore, #tpu.memory_space<semaphore_mem>>) src(%dma_wait3A_789 : memref<1x2x128x128xf32, #tpu.memory_space<hbm>>) dst(%dma_wait3A_785 : memref<1x2x128x128xf32, #tpu.memory_space<vmem>>)
    %dma_start3A_790 = arith.constant 2 : i32
    %dma_start3A_791 = arith.constant 2 : i32
    %dma_start3A_792 = arith.constant 0 : i32
    %dma_start3A_793 = arith.constant 0 : i32
    %dma_start3A_794 = arith.constant 0 : i32
    %dma_start3A_795 = tpu.memref_slice %arg4[%dma_start3A_791, %dma_start3A_792, %dma_start3A_793, %dma_start3A_794] : memref<3x2x128x128xf32, #tpu.memory_space<vmem>> -> memref<1x2x128x128xf32, #tpu.memory_space<vmem>>
    %dma_start3A_796 = arith.constant 16 : i32
    %dma_start3A_797 = arith.constant 0 : i32
    %dma_start3A_798 = arith.constant 0 : i32
    %dma_start3A_799 = tpu.memref_slice %arg3[%add3A_35, %dma_start3A_796, %dma_start3A_797, %dma_start3A_798] : memref<40x64x128x128xf32, #tpu.memory_space<hbm>> -> memref<1x2x128x128xf32, #tpu.memory_space<hbm>>
    %dma_start3A_800 = tpu.memref_slice %arg6[%dma_start3A_790] : memref<3x!tpu.dma_semaphore, #tpu.memory_space<semaphore_mem>> -> memref<1x!tpu.dma_semaphore, #tpu.memory_space<semaphore_mem>>
    %dma_start3A_801 = tpu.memref_squeeze %dma_start3A_800 : memref<1x!tpu.dma_semaphore, #tpu.memory_space<semaphore_mem>> -> memref<!tpu.dma_semaphore, #tpu.memory_space<semaphore_mem>>
    %dma_start3A_802 = arith.constant 16 : i32
    %dma_start3A_803 = arith.constant 0 : i32
    %dma_start3A_804 = arith.constant 0 : i32
    %dma_start3A_805 = tpu.memref_slice %arg3[%add3A_35, %dma_start3A_802, %dma_start3A_803, %dma_start3A_804] : memref<40x64x128x128xf32, #tpu.memory_space<hbm>> -> memref<1x2x128x128xf32, #tpu.memory_space<hbm>>
    %dma_start3A_806 = arith.constant 2 : i32
    %dma_start3A_807 = arith.constant 0 : i32
    %dma_start3A_808 = arith.constant 0 : i32
    %dma_start3A_809 = arith.constant 0 : i32
    %dma_start3A_810 = tpu.memref_slice %arg4[%dma_start3A_806, %dma_start3A_807, %dma_start3A_808, %dma_start3A_809] : memref<3x2x128x128xf32, #tpu.memory_space<vmem>> -> memref<1x2x128x128xf32, #tpu.memory_space<vmem>>
    tpu.enqueue_dma source(%dma_start3A_810 : memref<1x2x128x128xf32, #tpu.memory_space<vmem>>) target(%dma_start3A_805 : memref<1x2x128x128xf32, #tpu.memory_space<hbm>>) target_semaphore(%dma_start3A_801 : memref<!tpu.dma_semaphore, #tpu.memory_space<semaphore_mem>>)
    %dma_wait3A_811 = arith.constant 2 : i32
    %dma_wait3A_812 = arith.constant 2 : i32
    %dma_wait3A_813 = arith.constant 0 : i32
    %dma_wait3A_814 = arith.constant 0 : i32
    %dma_wait3A_815 = arith.constant 0 : i32
    %dma_wait3A_816 = tpu.memref_slice %arg4[%dma_wait3A_812, %dma_wait3A_813, %dma_wait3A_814, %dma_wait3A_815] : memref<3x2x128x128xf32, #tpu.memory_space<vmem>> -> memref<1x2x128x128xf32, #tpu.memory_space<vmem>>
    %dma_wait3A_817 = arith.constant 16 : i32
    %dma_wait3A_818 = arith.constant 0 : i32
    %dma_wait3A_819 = arith.constant 0 : i32
    %dma_wait3A_820 = tpu.memref_slice %arg3[%add3A_35, %dma_wait3A_817, %dma_wait3A_818, %dma_wait3A_819] : memref<40x64x128x128xf32, #tpu.memory_space<hbm>> -> memref<1x2x128x128xf32, #tpu.memory_space<hbm>>
    %dma_wait3A_821 = tpu.memref_slice %arg6[%dma_wait3A_811] : memref<3x!tpu.dma_semaphore, #tpu.memory_space<semaphore_mem>> -> memref<1x!tpu.dma_semaphore, #tpu.memory_space<semaphore_mem>>
    %dma_wait3A_822 = tpu.memref_squeeze %dma_wait3A_821 : memref<1x!tpu.dma_semaphore, #tpu.memory_space<semaphore_mem>> -> memref<!tpu.dma_semaphore, #tpu.memory_space<semaphore_mem>>
    %dma_wait3A_823 = arith.constant 16 : i32
    %dma_wait3A_824 = arith.constant 0 : i32
    %dma_wait3A_825 = arith.constant 0 : i32
    %dma_wait3A_826 = tpu.memref_slice %arg3[%add3A_35, %dma_wait3A_823, %dma_wait3A_824, %dma_wait3A_825] : memref<40x64x128x128xf32, #tpu.memory_space<hbm>> -> memref<1x2x128x128xf32, #tpu.memory_space<hbm>>
    %dma_wait3A_827 = arith.constant 2 : i32
    %dma_wait3A_828 = arith.constant 0 : i32
    %dma_wait3A_829 = arith.constant 0 : i32
    %dma_wait3A_830 = arith.constant 0 : i32
    %dma_wait3A_831 = tpu.memref_slice %arg4[%dma_wait3A_827, %dma_wait3A_828, %dma_wait3A_829, %dma_wait3A_830] : memref<3x2x128x128xf32, #tpu.memory_space<vmem>> -> memref<1x2x128x128xf32, #tpu.memory_space<vmem>>
    tpu.wait_dma2 semaphore(%dma_wait3A_822 : memref<!tpu.dma_semaphore, #tpu.memory_space<semaphore_mem>>) src(%dma_wait3A_831 : memref<1x2x128x128xf32, #tpu.memory_space<vmem>>) dst(%dma_wait3A_826 : memref<1x2x128x128xf32, #tpu.memory_space<hbm>>)
    %dma_start3A_832 = arith.constant 2 : i32
    %dma_start3A_833 = arith.constant 2 : i32
    %dma_start3A_834 = arith.constant 0 : i32
    %dma_start3A_835 = arith.constant 0 : i32
    %dma_start3A_836 = arith.constant 0 : i32
    %dma_start3A_837 = tpu.memref_slice %arg4[%dma_start3A_833, %dma_start3A_834, %dma_start3A_835, %dma_start3A_836] : memref<3x2x128x128xf32, #tpu.memory_space<vmem>> -> memref<1x2x128x128xf32, #tpu.memory_space<vmem>>
    %dma_start3A_838 = arith.constant 22 : i32
    %dma_start3A_839 = arith.constant 0 : i32
    %dma_start3A_840 = arith.constant 0 : i32
    %dma_start3A_841 = tpu.memref_slice %arg2[%add3A_35, %dma_start3A_838, %dma_start3A_839, %dma_start3A_840] : memref<40x64x128x128xf32, #tpu.memory_space<hbm>> -> memref<1x2x128x128xf32, #tpu.memory_space<hbm>>
    %dma_start3A_842 = tpu.memref_slice %arg5[%dma_start3A_832] : memref<3x!tpu.dma_semaphore, #tpu.memory_space<semaphore_mem>> -> memref<1x!tpu.dma_semaphore, #tpu.memory_space<semaphore_mem>>
    %dma_start3A_843 = tpu.memref_squeeze %dma_start3A_842 : memref<1x!tpu.dma_semaphore, #tpu.memory_space<semaphore_mem>> -> memref<!tpu.dma_semaphore, #tpu.memory_space<semaphore_mem>>
    %dma_start3A_844 = arith.constant 2 : i32
    %dma_start3A_845 = arith.constant 0 : i32
    %dma_start3A_846 = arith.constant 0 : i32
    %dma_start3A_847 = arith.constant 0 : i32
    %dma_start3A_848 = tpu.memref_slice %arg4[%dma_start3A_844, %dma_start3A_845, %dma_start3A_846, %dma_start3A_847] : memref<3x2x128x128xf32, #tpu.memory_space<vmem>> -> memref<1x2x128x128xf32, #tpu.memory_space<vmem>>
    %dma_start3A_849 = arith.constant 22 : i32
    %dma_start3A_850 = arith.constant 0 : i32
    %dma_start3A_851 = arith.constant 0 : i32
    %dma_start3A_852 = tpu.memref_slice %arg2[%add3A_35, %dma_start3A_849, %dma_start3A_850, %dma_start3A_851] : memref<40x64x128x128xf32, #tpu.memory_space<hbm>> -> memref<1x2x128x128xf32, #tpu.memory_space<hbm>>
    tpu.enqueue_dma source(%dma_start3A_852 : memref<1x2x128x128xf32, #tpu.memory_space<hbm>>) target(%dma_start3A_848 : memref<1x2x128x128xf32, #tpu.memory_space<vmem>>) target_semaphore(%dma_start3A_843 : memref<!tpu.dma_semaphore, #tpu.memory_space<semaphore_mem>>)
    %dma_wait3A_853 = arith.constant 0 : i32
    %dma_wait3A_854 = arith.constant 0 : i32
    %dma_wait3A_855 = arith.constant 0 : i32
    %dma_wait3A_856 = arith.constant 0 : i32
    %dma_wait3A_857 = arith.constant 0 : i32
    %dma_wait3A_858 = tpu.memref_slice %arg4[%dma_wait3A_854, %dma_wait3A_855, %dma_wait3A_856, %dma_wait3A_857] : memref<3x2x128x128xf32, #tpu.memory_space<vmem>> -> memref<1x2x128x128xf32, #tpu.memory_space<vmem>>
    %dma_wait3A_859 = arith.constant 18 : i32
    %dma_wait3A_860 = arith.constant 0 : i32
    %dma_wait3A_861 = arith.constant 0 : i32
    %dma_wait3A_862 = tpu.memref_slice %arg2[%add3A_35, %dma_wait3A_859, %dma_wait3A_860, %dma_wait3A_861] : memref<40x64x128x128xf32, #tpu.memory_space<hbm>> -> memref<1x2x128x128xf32, #tpu.memory_space<hbm>>
    %dma_wait3A_863 = tpu.memref_slice %arg5[%dma_wait3A_853] : memref<3x!tpu.dma_semaphore, #tpu.memory_space<semaphore_mem>> -> memref<1x!tpu.dma_semaphore, #tpu.memory_space<semaphore_mem>>
    %dma_wait3A_864 = tpu.memref_squeeze %dma_wait3A_863 : memref<1x!tpu.dma_semaphore, #tpu.memory_space<semaphore_mem>> -> memref<!tpu.dma_semaphore, #tpu.memory_space<semaphore_mem>>
    %dma_wait3A_865 = arith.constant 0 : i32
    %dma_wait3A_866 = arith.constant 0 : i32
    %dma_wait3A_867 = arith.constant 0 : i32
    %dma_wait3A_868 = arith.constant 0 : i32
    %dma_wait3A_869 = tpu.memref_slice %arg4[%dma_wait3A_865, %dma_wait3A_866, %dma_wait3A_867, %dma_wait3A_868] : memref<3x2x128x128xf32, #tpu.memory_space<vmem>> -> memref<1x2x128x128xf32, #tpu.memory_space<vmem>>
    %dma_wait3A_870 = arith.constant 18 : i32
    %dma_wait3A_871 = arith.constant 0 : i32
    %dma_wait3A_872 = arith.constant 0 : i32
    %dma_wait3A_873 = tpu.memref_slice %arg2[%add3A_35, %dma_wait3A_870, %dma_wait3A_871, %dma_wait3A_872] : memref<40x64x128x128xf32, #tpu.memory_space<hbm>> -> memref<1x2x128x128xf32, #tpu.memory_space<hbm>>
    tpu.wait_dma2 semaphore(%dma_wait3A_864 : memref<!tpu.dma_semaphore, #tpu.memory_space<semaphore_mem>>) src(%dma_wait3A_873 : memref<1x2x128x128xf32, #tpu.memory_space<hbm>>) dst(%dma_wait3A_869 : memref<1x2x128x128xf32, #tpu.memory_space<vmem>>)
    %dma_start3A_874 = arith.constant 0 : i32
    %dma_start3A_875 = arith.constant 0 : i32
    %dma_start3A_876 = arith.constant 0 : i32
    %dma_start3A_877 = arith.constant 0 : i32
    %dma_start3A_878 = arith.constant 0 : i32
    %dma_start3A_879 = tpu.memref_slice %arg4[%dma_start3A_875, %dma_start3A_876, %dma_start3A_877, %dma_start3A_878] : memref<3x2x128x128xf32, #tpu.memory_space<vmem>> -> memref<1x2x128x128xf32, #tpu.memory_space<vmem>>
    %dma_start3A_880 = arith.constant 18 : i32
    %dma_start3A_881 = arith.constant 0 : i32
    %dma_start3A_882 = arith.constant 0 : i32
    %dma_start3A_883 = tpu.memref_slice %arg3[%add3A_35, %dma_start3A_880, %dma_start3A_881, %dma_start3A_882] : memref<40x64x128x128xf32, #tpu.memory_space<hbm>> -> memref<1x2x128x128xf32, #tpu.memory_space<hbm>>
    %dma_start3A_884 = tpu.memref_slice %arg6[%dma_start3A_874] : memref<3x!tpu.dma_semaphore, #tpu.memory_space<semaphore_mem>> -> memref<1x!tpu.dma_semaphore, #tpu.memory_space<semaphore_mem>>
    %dma_start3A_885 = tpu.memref_squeeze %dma_start3A_884 : memref<1x!tpu.dma_semaphore, #tpu.memory_space<semaphore_mem>> -> memref<!tpu.dma_semaphore, #tpu.memory_space<semaphore_mem>>
    %dma_start3A_886 = arith.constant 18 : i32
    %dma_start3A_887 = arith.constant 0 : i32
    %dma_start3A_888 = arith.constant 0 : i32
    %dma_start3A_889 = tpu.memref_slice %arg3[%add3A_35, %dma_start3A_886, %dma_start3A_887, %dma_start3A_888] : memref<40x64x128x128xf32, #tpu.memory_space<hbm>> -> memref<1x2x128x128xf32, #tpu.memory_space<hbm>>
    %dma_start3A_890 = arith.constant 0 : i32
    %dma_start3A_891 = arith.constant 0 : i32
    %dma_start3A_892 = arith.constant 0 : i32
    %dma_start3A_893 = arith.constant 0 : i32
    %dma_start3A_894 = tpu.memref_slice %arg4[%dma_start3A_890, %dma_start3A_891, %dma_start3A_892, %dma_start3A_893] : memref<3x2x128x128xf32, #tpu.memory_space<vmem>> -> memref<1x2x128x128xf32, #tpu.memory_space<vmem>>
    tpu.enqueue_dma source(%dma_start3A_894 : memref<1x2x128x128xf32, #tpu.memory_space<vmem>>) target(%dma_start3A_889 : memref<1x2x128x128xf32, #tpu.memory_space<hbm>>) target_semaphore(%dma_start3A_885 : memref<!tpu.dma_semaphore, #tpu.memory_space<semaphore_mem>>)
    %dma_wait3A_895 = arith.constant 0 : i32
    %dma_wait3A_896 = arith.constant 0 : i32
    %dma_wait3A_897 = arith.constant 0 : i32
    %dma_wait3A_898 = arith.constant 0 : i32
    %dma_wait3A_899 = arith.constant 0 : i32
    %dma_wait3A_900 = tpu.memref_slice %arg4[%dma_wait3A_896, %dma_wait3A_897, %dma_wait3A_898, %dma_wait3A_899] : memref<3x2x128x128xf32, #tpu.memory_space<vmem>> -> memref<1x2x128x128xf32, #tpu.memory_space<vmem>>
    %dma_wait3A_901 = arith.constant 18 : i32
    %dma_wait3A_902 = arith.constant 0 : i32
    %dma_wait3A_903 = arith.constant 0 : i32
    %dma_wait3A_904 = tpu.memref_slice %arg3[%add3A_35, %dma_wait3A_901, %dma_wait3A_902, %dma_wait3A_903] : memref<40x64x128x128xf32, #tpu.memory_space<hbm>> -> memref<1x2x128x128xf32, #tpu.memory_space<hbm>>
    %dma_wait3A_905 = tpu.memref_slice %arg6[%dma_wait3A_895] : memref<3x!tpu.dma_semaphore, #tpu.memory_space<semaphore_mem>> -> memref<1x!tpu.dma_semaphore, #tpu.memory_space<semaphore_mem>>
    %dma_wait3A_906 = tpu.memref_squeeze %dma_wait3A_905 : memref<1x!tpu.dma_semaphore, #tpu.memory_space<semaphore_mem>> -> memref<!tpu.dma_semaphore, #tpu.memory_space<semaphore_mem>>
    %dma_wait3A_907 = arith.constant 18 : i32
    %dma_wait3A_908 = arith.constant 0 : i32
    %dma_wait3A_909 = arith.constant 0 : i32
    %dma_wait3A_910 = tpu.memref_slice %arg3[%add3A_35, %dma_wait3A_907, %dma_wait3A_908, %dma_wait3A_909] : memref<40x64x128x128xf32, #tpu.memory_space<hbm>> -> memref<1x2x128x128xf32, #tpu.memory_space<hbm>>
    %dma_wait3A_911 = arith.constant 0 : i32
    %dma_wait3A_912 = arith.constant 0 : i32
    %dma_wait3A_913 = arith.constant 0 : i32
    %dma_wait3A_914 = arith.constant 0 : i32
    %dma_wait3A_915 = tpu.memref_slice %arg4[%dma_wait3A_911, %dma_wait3A_912, %dma_wait3A_913, %dma_wait3A_914] : memref<3x2x128x128xf32, #tpu.memory_space<vmem>> -> memref<1x2x128x128xf32, #tpu.memory_space<vmem>>
    tpu.wait_dma2 semaphore(%dma_wait3A_906 : memref<!tpu.dma_semaphore, #tpu.memory_space<semaphore_mem>>) src(%dma_wait3A_915 : memref<1x2x128x128xf32, #tpu.memory_space<vmem>>) dst(%dma_wait3A_910 : memref<1x2x128x128xf32, #tpu.memory_space<hbm>>)
    %dma_start3A_916 = arith.constant 0 : i32
    %dma_start3A_917 = arith.constant 0 : i32
    %dma_start3A_918 = arith.constant 0 : i32
    %dma_start3A_919 = arith.constant 0 : i32
    %dma_start3A_920 = arith.constant 0 : i32
    %dma_start3A_921 = tpu.memref_slice %arg4[%dma_start3A_917, %dma_start3A_918, %dma_start3A_919, %dma_start3A_920] : memref<3x2x128x128xf32, #tpu.memory_space<vmem>> -> memref<1x2x128x128xf32, #tpu.memory_space<vmem>>
    %dma_start3A_922 = arith.constant 24 : i32
    %dma_start3A_923 = arith.constant 0 : i32
    %dma_start3A_924 = arith.constant 0 : i32
    %dma_start3A_925 = tpu.memref_slice %arg2[%add3A_35, %dma_start3A_922, %dma_start3A_923, %dma_start3A_924] : memref<40x64x128x128xf32, #tpu.memory_space<hbm>> -> memref<1x2x128x128xf32, #tpu.memory_space<hbm>>
    %dma_start3A_926 = tpu.memref_slice %arg5[%dma_start3A_916] : memref<3x!tpu.dma_semaphore, #tpu.memory_space<semaphore_mem>> -> memref<1x!tpu.dma_semaphore, #tpu.memory_space<semaphore_mem>>
    %dma_start3A_927 = tpu.memref_squeeze %dma_start3A_926 : memref<1x!tpu.dma_semaphore, #tpu.memory_space<semaphore_mem>> -> memref<!tpu.dma_semaphore, #tpu.memory_space<semaphore_mem>>
    %dma_start3A_928 = arith.constant 0 : i32
    %dma_start3A_929 = arith.constant 0 : i32
    %dma_start3A_930 = arith.constant 0 : i32
    %dma_start3A_931 = arith.constant 0 : i32
    %dma_start3A_932 = tpu.memref_slice %arg4[%dma_start3A_928, %dma_start3A_929, %dma_start3A_930, %dma_start3A_931] : memref<3x2x128x128xf32, #tpu.memory_space<vmem>> -> memref<1x2x128x128xf32, #tpu.memory_space<vmem>>
    %dma_start3A_933 = arith.constant 24 : i32
    %dma_start3A_934 = arith.constant 0 : i32
    %dma_start3A_935 = arith.constant 0 : i32
    %dma_start3A_936 = tpu.memref_slice %arg2[%add3A_35, %dma_start3A_933, %dma_start3A_934, %dma_start3A_935] : memref<40x64x128x128xf32, #tpu.memory_space<hbm>> -> memref<1x2x128x128xf32, #tpu.memory_space<hbm>>
    tpu.enqueue_dma source(%dma_start3A_936 : memref<1x2x128x128xf32, #tpu.memory_space<hbm>>) target(%dma_start3A_932 : memref<1x2x128x128xf32, #tpu.memory_space<vmem>>) target_semaphore(%dma_start3A_927 : memref<!tpu.dma_semaphore, #tpu.memory_space<semaphore_mem>>)
    %dma_wait3A_937 = arith.constant 1 : i32
    %dma_wait3A_938 = arith.constant 1 : i32
    %dma_wait3A_939 = arith.constant 0 : i32
    %dma_wait3A_940 = arith.constant 0 : i32
    %dma_wait3A_941 = arith.constant 0 : i32
    %dma_wait3A_942 = tpu.memref_slice %arg4[%dma_wait3A_938, %dma_wait3A_939, %dma_wait3A_940, %dma_wait3A_941] : memref<3x2x128x128xf32, #tpu.memory_space<vmem>> -> memref<1x2x128x128xf32, #tpu.memory_space<vmem>>
    %dma_wait3A_943 = arith.constant 20 : i32
    %dma_wait3A_944 = arith.constant 0 : i32
    %dma_wait3A_945 = arith.constant 0 : i32
    %dma_wait3A_946 = tpu.memref_slice %arg2[%add3A_35, %dma_wait3A_943, %dma_wait3A_944, %dma_wait3A_945] : memref<40x64x128x128xf32, #tpu.memory_space<hbm>> -> memref<1x2x128x128xf32, #tpu.memory_space<hbm>>
    %dma_wait3A_947 = tpu.memref_slice %arg5[%dma_wait3A_937] : memref<3x!tpu.dma_semaphore, #tpu.memory_space<semaphore_mem>> -> memref<1x!tpu.dma_semaphore, #tpu.memory_space<semaphore_mem>>
    %dma_wait3A_948 = tpu.memref_squeeze %dma_wait3A_947 : memref<1x!tpu.dma_semaphore, #tpu.memory_space<semaphore_mem>> -> memref<!tpu.dma_semaphore, #tpu.memory_space<semaphore_mem>>
    %dma_wait3A_949 = arith.constant 1 : i32
    %dma_wait3A_950 = arith.constant 0 : i32
    %dma_wait3A_951 = arith.constant 0 : i32
    %dma_wait3A_952 = arith.constant 0 : i32
    %dma_wait3A_953 = tpu.memref_slice %arg4[%dma_wait3A_949, %dma_wait3A_950, %dma_wait3A_951, %dma_wait3A_952] : memref<3x2x128x128xf32, #tpu.memory_space<vmem>> -> memref<1x2x128x128xf32, #tpu.memory_space<vmem>>
    %dma_wait3A_954 = arith.constant 20 : i32
    %dma_wait3A_955 = arith.constant 0 : i32
    %dma_wait3A_956 = arith.constant 0 : i32
    %dma_wait3A_957 = tpu.memref_slice %arg2[%add3A_35, %dma_wait3A_954, %dma_wait3A_955, %dma_wait3A_956] : memref<40x64x128x128xf32, #tpu.memory_space<hbm>> -> memref<1x2x128x128xf32, #tpu.memory_space<hbm>>
    tpu.wait_dma2 semaphore(%dma_wait3A_948 : memref<!tpu.dma_semaphore, #tpu.memory_space<semaphore_mem>>) src(%dma_wait3A_957 : memref<1x2x128x128xf32, #tpu.memory_space<hbm>>) dst(%dma_wait3A_953 : memref<1x2x128x128xf32, #tpu.memory_space<vmem>>)
    %dma_start3A_958 = arith.constant 1 : i32
    %dma_start3A_959 = arith.constant 1 : i32
    %dma_start3A_960 = arith.constant 0 : i32
    %dma_start3A_961 = arith.constant 0 : i32
    %dma_start3A_962 = arith.constant 0 : i32
    %dma_start3A_963 = tpu.memref_slice %arg4[%dma_start3A_959, %dma_start3A_960, %dma_start3A_961, %dma_start3A_962] : memref<3x2x128x128xf32, #tpu.memory_space<vmem>> -> memref<1x2x128x128xf32, #tpu.memory_space<vmem>>
    %dma_start3A_964 = arith.constant 20 : i32
    %dma_start3A_965 = arith.constant 0 : i32
    %dma_start3A_966 = arith.constant 0 : i32
    %dma_start3A_967 = tpu.memref_slice %arg3[%add3A_35, %dma_start3A_964, %dma_start3A_965, %dma_start3A_966] : memref<40x64x128x128xf32, #tpu.memory_space<hbm>> -> memref<1x2x128x128xf32, #tpu.memory_space<hbm>>
    %dma_start3A_968 = tpu.memref_slice %arg6[%dma_start3A_958] : memref<3x!tpu.dma_semaphore, #tpu.memory_space<semaphore_mem>> -> memref<1x!tpu.dma_semaphore, #tpu.memory_space<semaphore_mem>>
    %dma_start3A_969 = tpu.memref_squeeze %dma_start3A_968 : memref<1x!tpu.dma_semaphore, #tpu.memory_space<semaphore_mem>> -> memref<!tpu.dma_semaphore, #tpu.memory_space<semaphore_mem>>
    %dma_start3A_970 = arith.constant 20 : i32
    %dma_start3A_971 = arith.constant 0 : i32
    %dma_start3A_972 = arith.constant 0 : i32
    %dma_start3A_973 = tpu.memref_slice %arg3[%add3A_35, %dma_start3A_970, %dma_start3A_971, %dma_start3A_972] : memref<40x64x128x128xf32, #tpu.memory_space<hbm>> -> memref<1x2x128x128xf32, #tpu.memory_space<hbm>>
    %dma_start3A_974 = arith.constant 1 : i32
    %dma_start3A_975 = arith.constant 0 : i32
    %dma_start3A_976 = arith.constant 0 : i32
    %dma_start3A_977 = arith.constant 0 : i32
    %dma_start3A_978 = tpu.memref_slice %arg4[%dma_start3A_974, %dma_start3A_975, %dma_start3A_976, %dma_start3A_977] : memref<3x2x128x128xf32, #tpu.memory_space<vmem>> -> memref<1x2x128x128xf32, #tpu.memory_space<vmem>>
    tpu.enqueue_dma source(%dma_start3A_978 : memref<1x2x128x128xf32, #tpu.memory_space<vmem>>) target(%dma_start3A_973 : memref<1x2x128x128xf32, #tpu.memory_space<hbm>>) target_semaphore(%dma_start3A_969 : memref<!tpu.dma_semaphore, #tpu.memory_space<semaphore_mem>>)
    %dma_wait3A_979 = arith.constant 1 : i32
    %dma_wait3A_980 = arith.constant 1 : i32
    %dma_wait3A_981 = arith.constant 0 : i32
    %dma_wait3A_982 = arith.constant 0 : i32
    %dma_wait3A_983 = arith.constant 0 : i32
    %dma_wait3A_984 = tpu.memref_slice %arg4[%dma_wait3A_980, %dma_wait3A_981, %dma_wait3A_982, %dma_wait3A_983] : memref<3x2x128x128xf32, #tpu.memory_space<vmem>> -> memref<1x2x128x128xf32, #tpu.memory_space<vmem>>
    %dma_wait3A_985 = arith.constant 20 : i32
    %dma_wait3A_986 = arith.constant 0 : i32
    %dma_wait3A_987 = arith.constant 0 : i32
    %dma_wait3A_988 = tpu.memref_slice %arg3[%add3A_35, %dma_wait3A_985, %dma_wait3A_986, %dma_wait3A_987] : memref<40x64x128x128xf32, #tpu.memory_space<hbm>> -> memref<1x2x128x128xf32, #tpu.memory_space<hbm>>
    %dma_wait3A_989 = tpu.memref_slice %arg6[%dma_wait3A_979] : memref<3x!tpu.dma_semaphore, #tpu.memory_space<semaphore_mem>> -> memref<1x!tpu.dma_semaphore, #tpu.memory_space<semaphore_mem>>
    %dma_wait3A_990 = tpu.memref_squeeze %dma_wait3A_989 : memref<1x!tpu.dma_semaphore, #tpu.memory_space<semaphore_mem>> -> memref<!tpu.dma_semaphore, #tpu.memory_space<semaphore_mem>>
    %dma_wait3A_991 = arith.constant 20 : i32
    %dma_wait3A_992 = arith.constant 0 : i32
    %dma_wait3A_993 = arith.constant 0 : i32
    %dma_wait3A_994 = tpu.memref_slice %arg3[%add3A_35, %dma_wait3A_991, %dma_wait3A_992, %dma_wait3A_993] : memref<40x64x128x128xf32, #tpu.memory_space<hbm>> -> memref<1x2x128x128xf32, #tpu.memory_space<hbm>>
    %dma_wait3A_995 = arith.constant 1 : i32
    %dma_wait3A_996 = arith.constant 0 : i32
    %dma_wait3A_997 = arith.constant 0 : i32
    %dma_wait3A_998 = arith.constant 0 : i32
    %dma_wait3A_999 = tpu.memref_slice %arg4[%dma_wait3A_995, %dma_wait3A_996, %dma_wait3A_997, %dma_wait3A_998] : memref<3x2x128x128xf32, #tpu.memory_space<vmem>> -> memref<1x2x128x128xf32, #tpu.memory_space<vmem>>
    tpu.wait_dma2 semaphore(%dma_wait3A_990 : memref<!tpu.dma_semaphore, #tpu.memory_space<semaphore_mem>>) src(%dma_wait3A_999 : memref<1x2x128x128xf32, #tpu.memory_space<vmem>>) dst(%dma_wait3A_994 : memref<1x2x128x128xf32, #tpu.memory_space<hbm>>)
    %dma_start3A_1000 = arith.constant 1 : i32
    %dma_start3A_1001 = arith.constant 1 : i32
    %dma_start3A_1002 = arith.constant 0 : i32
    %dma_start3A_1003 = arith.constant 0 : i32
    %dma_start3A_1004 = arith.constant 0 : i32
    %dma_start3A_1005 = tpu.memref_slice %arg4[%dma_start3A_1001, %dma_start3A_1002, %dma_start3A_1003, %dma_start3A_1004] : memref<3x2x128x128xf32, #tpu.memory_space<vmem>> -> memref<1x2x128x128xf32, #tpu.memory_space<vmem>>
    %dma_start3A_1006 = arith.constant 26 : i32
    %dma_start3A_1007 = arith.constant 0 : i32
    %dma_start3A_1008 = arith.constant 0 : i32
    %dma_start3A_1009 = tpu.memref_slice %arg2[%add3A_35, %dma_start3A_1006, %dma_start3A_1007, %dma_start3A_1008] : memref<40x64x128x128xf32, #tpu.memory_space<hbm>> -> memref<1x2x128x128xf32, #tpu.memory_space<hbm>>
    %dma_start3A_1010 = tpu.memref_slice %arg5[%dma_start3A_1000] : memref<3x!tpu.dma_semaphore, #tpu.memory_space<semaphore_mem>> -> memref<1x!tpu.dma_semaphore, #tpu.memory_space<semaphore_mem>>
    %dma_start3A_1011 = tpu.memref_squeeze %dma_start3A_1010 : memref<1x!tpu.dma_semaphore, #tpu.memory_space<semaphore_mem>> -> memref<!tpu.dma_semaphore, #tpu.memory_space<semaphore_mem>>
    %dma_start3A_1012 = arith.constant 1 : i32
    %dma_start3A_1013 = arith.constant 0 : i32
    %dma_start3A_1014 = arith.constant 0 : i32
    %dma_start3A_1015 = arith.constant 0 : i32
    %dma_start3A_1016 = tpu.memref_slice %arg4[%dma_start3A_1012, %dma_start3A_1013, %dma_start3A_1014, %dma_start3A_1015] : memref<3x2x128x128xf32, #tpu.memory_space<vmem>> -> memref<1x2x128x128xf32, #tpu.memory_space<vmem>>
    %dma_start3A_1017 = arith.constant 26 : i32
    %dma_start3A_1018 = arith.constant 0 : i32
    %dma_start3A_1019 = arith.constant 0 : i32
    %dma_start3A_1020 = tpu.memref_slice %arg2[%add3A_35, %dma_start3A_1017, %dma_start3A_1018, %dma_start3A_1019] : memref<40x64x128x128xf32, #tpu.memory_space<hbm>> -> memref<1x2x128x128xf32, #tpu.memory_space<hbm>>
    tpu.enqueue_dma source(%dma_start3A_1020 : memref<1x2x128x128xf32, #tpu.memory_space<hbm>>) target(%dma_start3A_1016 : memref<1x2x128x128xf32, #tpu.memory_space<vmem>>) target_semaphore(%dma_start3A_1011 : memref<!tpu.dma_semaphore, #tpu.memory_space<semaphore_mem>>)
    %dma_wait3A_1021 = arith.constant 2 : i32
    %dma_wait3A_1022 = arith.constant 2 : i32
    %dma_wait3A_1023 = arith.constant 0 : i32
    %dma_wait3A_1024 = arith.constant 0 : i32
    %dma_wait3A_1025 = arith.constant 0 : i32
    %dma_wait3A_1026 = tpu.memref_slice %arg4[%dma_wait3A_1022, %dma_wait3A_1023, %dma_wait3A_1024, %dma_wait3A_1025] : memref<3x2x128x128xf32, #tpu.memory_space<vmem>> -> memref<1x2x128x128xf32, #tpu.memory_space<vmem>>
    %dma_wait3A_1027 = arith.constant 22 : i32
    %dma_wait3A_1028 = arith.constant 0 : i32
    %dma_wait3A_1029 = arith.constant 0 : i32
    %dma_wait3A_1030 = tpu.memref_slice %arg2[%add3A_35, %dma_wait3A_1027, %dma_wait3A_1028, %dma_wait3A_1029] : memref<40x64x128x128xf32, #tpu.memory_space<hbm>> -> memref<1x2x128x128xf32, #tpu.memory_space<hbm>>
    %dma_wait3A_1031 = tpu.memref_slice %arg5[%dma_wait3A_1021] : memref<3x!tpu.dma_semaphore, #tpu.memory_space<semaphore_mem>> -> memref<1x!tpu.dma_semaphore, #tpu.memory_space<semaphore_mem>>
    %dma_wait3A_1032 = tpu.memref_squeeze %dma_wait3A_1031 : memref<1x!tpu.dma_semaphore, #tpu.memory_space<semaphore_mem>> -> memref<!tpu.dma_semaphore, #tpu.memory_space<semaphore_mem>>
    %dma_wait3A_1033 = arith.constant 2 : i32
    %dma_wait3A_1034 = arith.constant 0 : i32
    %dma_wait3A_1035 = arith.constant 0 : i32
    %dma_wait3A_1036 = arith.constant 0 : i32
    %dma_wait3A_1037 = tpu.memref_slice %arg4[%dma_wait3A_1033, %dma_wait3A_1034, %dma_wait3A_1035, %dma_wait3A_1036] : memref<3x2x128x128xf32, #tpu.memory_space<vmem>> -> memref<1x2x128x128xf32, #tpu.memory_space<vmem>>
    %dma_wait3A_1038 = arith.constant 22 : i32
    %dma_wait3A_1039 = arith.constant 0 : i32
    %dma_wait3A_1040 = arith.constant 0 : i32
    %dma_wait3A_1041 = tpu.memref_slice %arg2[%add3A_35, %dma_wait3A_1038, %dma_wait3A_1039, %dma_wait3A_1040] : memref<40x64x128x128xf32, #tpu.memory_space<hbm>> -> memref<1x2x128x128xf32, #tpu.memory_space<hbm>>
    tpu.wait_dma2 semaphore(%dma_wait3A_1032 : memref<!tpu.dma_semaphore, #tpu.memory_space<semaphore_mem>>) src(%dma_wait3A_1041 : memref<1x2x128x128xf32, #tpu.memory_space<hbm>>) dst(%dma_wait3A_1037 : memref<1x2x128x128xf32, #tpu.memory_space<vmem>>)
    %dma_start3A_1042 = arith.constant 2 : i32
    %dma_start3A_1043 = arith.constant 2 : i32
    %dma_start3A_1044 = arith.constant 0 : i32
    %dma_start3A_1045 = arith.constant 0 : i32
    %dma_start3A_1046 = arith.constant 0 : i32
    %dma_start3A_1047 = tpu.memref_slice %arg4[%dma_start3A_1043, %dma_start3A_1044, %dma_start3A_1045, %dma_start3A_1046] : memref<3x2x128x128xf32, #tpu.memory_space<vmem>> -> memref<1x2x128x128xf32, #tpu.memory_space<vmem>>
    %dma_start3A_1048 = arith.constant 22 : i32
    %dma_start3A_1049 = arith.constant 0 : i32
    %dma_start3A_1050 = arith.constant 0 : i32
    %dma_start3A_1051 = tpu.memref_slice %arg3[%add3A_35, %dma_start3A_1048, %dma_start3A_1049, %dma_start3A_1050] : memref<40x64x128x128xf32, #tpu.memory_space<hbm>> -> memref<1x2x128x128xf32, #tpu.memory_space<hbm>>
    %dma_start3A_1052 = tpu.memref_slice %arg6[%dma_start3A_1042] : memref<3x!tpu.dma_semaphore, #tpu.memory_space<semaphore_mem>> -> memref<1x!tpu.dma_semaphore, #tpu.memory_space<semaphore_mem>>
    %dma_start3A_1053 = tpu.memref_squeeze %dma_start3A_1052 : memref<1x!tpu.dma_semaphore, #tpu.memory_space<semaphore_mem>> -> memref<!tpu.dma_semaphore, #tpu.memory_space<semaphore_mem>>
    %dma_start3A_1054 = arith.constant 22 : i32
    %dma_start3A_1055 = arith.constant 0 : i32
    %dma_start3A_1056 = arith.constant 0 : i32
    %dma_start3A_1057 = tpu.memref_slice %arg3[%add3A_35, %dma_start3A_1054, %dma_start3A_1055, %dma_start3A_1056] : memref<40x64x128x128xf32, #tpu.memory_space<hbm>> -> memref<1x2x128x128xf32, #tpu.memory_space<hbm>>
    %dma_start3A_1058 = arith.constant 2 : i32
    %dma_start3A_1059 = arith.constant 0 : i32
    %dma_start3A_1060 = arith.constant 0 : i32
    %dma_start3A_1061 = arith.constant 0 : i32
    %dma_start3A_1062 = tpu.memref_slice %arg4[%dma_start3A_1058, %dma_start3A_1059, %dma_start3A_1060, %dma_start3A_1061] : memref<3x2x128x128xf32, #tpu.memory_space<vmem>> -> memref<1x2x128x128xf32, #tpu.memory_space<vmem>>
    tpu.enqueue_dma source(%dma_start3A_1062 : memref<1x2x128x128xf32, #tpu.memory_space<vmem>>) target(%dma_start3A_1057 : memref<1x2x128x128xf32, #tpu.memory_space<hbm>>) target_semaphore(%dma_start3A_1053 : memref<!tpu.dma_semaphore, #tpu.memory_space<semaphore_mem>>)
    %dma_wait3A_1063 = arith.constant 2 : i32
    %dma_wait3A_1064 = arith.constant 2 : i32
    %dma_wait3A_1065 = arith.constant 0 : i32
    %dma_wait3A_1066 = arith.constant 0 : i32
    %dma_wait3A_1067 = arith.constant 0 : i32
    %dma_wait3A_1068 = tpu.memref_slice %arg4[%dma_wait3A_1064, %dma_wait3A_1065, %dma_wait3A_1066, %dma_wait3A_1067] : memref<3x2x128x128xf32, #tpu.memory_space<vmem>> -> memref<1x2x128x128xf32, #tpu.memory_space<vmem>>
    %dma_wait3A_1069 = arith.constant 22 : i32
    %dma_wait3A_1070 = arith.constant 0 : i32
    %dma_wait3A_1071 = arith.constant 0 : i32
    %dma_wait3A_1072 = tpu.memref_slice %arg3[%add3A_35, %dma_wait3A_1069, %dma_wait3A_1070, %dma_wait3A_1071] : memref<40x64x128x128xf32, #tpu.memory_space<hbm>> -> memref<1x2x128x128xf32, #tpu.memory_space<hbm>>
    %dma_wait3A_1073 = tpu.memref_slice %arg6[%dma_wait3A_1063] : memref<3x!tpu.dma_semaphore, #tpu.memory_space<semaphore_mem>> -> memref<1x!tpu.dma_semaphore, #tpu.memory_space<semaphore_mem>>
    %dma_wait3A_1074 = tpu.memref_squeeze %dma_wait3A_1073 : memref<1x!tpu.dma_semaphore, #tpu.memory_space<semaphore_mem>> -> memref<!tpu.dma_semaphore, #tpu.memory_space<semaphore_mem>>
    %dma_wait3A_1075 = arith.constant 22 : i32
    %dma_wait3A_1076 = arith.constant 0 : i32
    %dma_wait3A_1077 = arith.constant 0 : i32
    %dma_wait3A_1078 = tpu.memref_slice %arg3[%add3A_35, %dma_wait3A_1075, %dma_wait3A_1076, %dma_wait3A_1077] : memref<40x64x128x128xf32, #tpu.memory_space<hbm>> -> memref<1x2x128x128xf32, #tpu.memory_space<hbm>>
    %dma_wait3A_1079 = arith.constant 2 : i32
    %dma_wait3A_1080 = arith.constant 0 : i32
    %dma_wait3A_1081 = arith.constant 0 : i32
    %dma_wait3A_1082 = arith.constant 0 : i32
    %dma_wait3A_1083 = tpu.memref_slice %arg4[%dma_wait3A_1079, %dma_wait3A_1080, %dma_wait3A_1081, %dma_wait3A_1082] : memref<3x2x128x128xf32, #tpu.memory_space<vmem>> -> memref<1x2x128x128xf32, #tpu.memory_space<vmem>>
    tpu.wait_dma2 semaphore(%dma_wait3A_1074 : memref<!tpu.dma_semaphore, #tpu.memory_space<semaphore_mem>>) src(%dma_wait3A_1083 : memref<1x2x128x128xf32, #tpu.memory_space<vmem>>) dst(%dma_wait3A_1078 : memref<1x2x128x128xf32, #tpu.memory_space<hbm>>)
    %dma_start3A_1084 = arith.constant 2 : i32
    %dma_start3A_1085 = arith.constant 2 : i32
    %dma_start3A_1086 = arith.constant 0 : i32
    %dma_start3A_1087 = arith.constant 0 : i32
    %dma_start3A_1088 = arith.constant 0 : i32
    %dma_start3A_1089 = tpu.memref_slice %arg4[%dma_start3A_1085, %dma_start3A_1086, %dma_start3A_1087, %dma_start3A_1088] : memref<3x2x128x128xf32, #tpu.memory_space<vmem>> -> memref<1x2x128x128xf32, #tpu.memory_space<vmem>>
    %dma_start3A_1090 = arith.constant 28 : i32
    %dma_start3A_1091 = arith.constant 0 : i32
    %dma_start3A_1092 = arith.constant 0 : i32
    %dma_start3A_1093 = tpu.memref_slice %arg2[%add3A_35, %dma_start3A_1090, %dma_start3A_1091, %dma_start3A_1092] : memref<40x64x128x128xf32, #tpu.memory_space<hbm>> -> memref<1x2x128x128xf32, #tpu.memory_space<hbm>>
    %dma_start3A_1094 = tpu.memref_slice %arg5[%dma_start3A_1084] : memref<3x!tpu.dma_semaphore, #tpu.memory_space<semaphore_mem>> -> memref<1x!tpu.dma_semaphore, #tpu.memory_space<semaphore_mem>>
    %dma_start3A_1095 = tpu.memref_squeeze %dma_start3A_1094 : memref<1x!tpu.dma_semaphore, #tpu.memory_space<semaphore_mem>> -> memref<!tpu.dma_semaphore, #tpu.memory_space<semaphore_mem>>
    %dma_start3A_1096 = arith.constant 2 : i32
    %dma_start3A_1097 = arith.constant 0 : i32
    %dma_start3A_1098 = arith.constant 0 : i32
    %dma_start3A_1099 = arith.constant 0 : i32
    %dma_start3A_1100 = tpu.memref_slice %arg4[%dma_start3A_1096, %dma_start3A_1097, %dma_start3A_1098, %dma_start3A_1099] : memref<3x2x128x128xf32, #tpu.memory_space<vmem>> -> memref<1x2x128x128xf32, #tpu.memory_space<vmem>>
    %dma_start3A_1101 = arith.constant 28 : i32
    %dma_start3A_1102 = arith.constant 0 : i32
    %dma_start3A_1103 = arith.constant 0 : i32
    %dma_start3A_1104 = tpu.memref_slice %arg2[%add3A_35, %dma_start3A_1101, %dma_start3A_1102, %dma_start3A_1103] : memref<40x64x128x128xf32, #tpu.memory_space<hbm>> -> memref<1x2x128x128xf32, #tpu.memory_space<hbm>>
    tpu.enqueue_dma source(%dma_start3A_1104 : memref<1x2x128x128xf32, #tpu.memory_space<hbm>>) target(%dma_start3A_1100 : memref<1x2x128x128xf32, #tpu.memory_space<vmem>>) target_semaphore(%dma_start3A_1095 : memref<!tpu.dma_semaphore, #tpu.memory_space<semaphore_mem>>)
    %dma_wait3A_1105 = arith.constant 0 : i32
    %dma_wait3A_1106 = arith.constant 0 : i32
    %dma_wait3A_1107 = arith.constant 0 : i32
    %dma_wait3A_1108 = arith.constant 0 : i32
    %dma_wait3A_1109 = arith.constant 0 : i32
    %dma_wait3A_1110 = tpu.memref_slice %arg4[%dma_wait3A_1106, %dma_wait3A_1107, %dma_wait3A_1108, %dma_wait3A_1109] : memref<3x2x128x128xf32, #tpu.memory_space<vmem>> -> memref<1x2x128x128xf32, #tpu.memory_space<vmem>>
    %dma_wait3A_1111 = arith.constant 24 : i32
    %dma_wait3A_1112 = arith.constant 0 : i32
    %dma_wait3A_1113 = arith.constant 0 : i32
    %dma_wait3A_1114 = tpu.memref_slice %arg2[%add3A_35, %dma_wait3A_1111, %dma_wait3A_1112, %dma_wait3A_1113] : memref<40x64x128x128xf32, #tpu.memory_space<hbm>> -> memref<1x2x128x128xf32, #tpu.memory_space<hbm>>
    %dma_wait3A_1115 = tpu.memref_slice %arg5[%dma_wait3A_1105] : memref<3x!tpu.dma_semaphore, #tpu.memory_space<semaphore_mem>> -> memref<1x!tpu.dma_semaphore, #tpu.memory_space<semaphore_mem>>
    %dma_wait3A_1116 = tpu.memref_squeeze %dma_wait3A_1115 : memref<1x!tpu.dma_semaphore, #tpu.memory_space<semaphore_mem>> -> memref<!tpu.dma_semaphore, #tpu.memory_space<semaphore_mem>>
    %dma_wait3A_1117 = arith.constant 0 : i32
    %dma_wait3A_1118 = arith.constant 0 : i32
    %dma_wait3A_1119 = arith.constant 0 : i32
    %dma_wait3A_1120 = arith.constant 0 : i32
    %dma_wait3A_1121 = tpu.memref_slice %arg4[%dma_wait3A_1117, %dma_wait3A_1118, %dma_wait3A_1119, %dma_wait3A_1120] : memref<3x2x128x128xf32, #tpu.memory_space<vmem>> -> memref<1x2x128x128xf32, #tpu.memory_space<vmem>>
    %dma_wait3A_1122 = arith.constant 24 : i32
    %dma_wait3A_1123 = arith.constant 0 : i32
    %dma_wait3A_1124 = arith.constant 0 : i32
    %dma_wait3A_1125 = tpu.memref_slice %arg2[%add3A_35, %dma_wait3A_1122, %dma_wait3A_1123, %dma_wait3A_1124] : memref<40x64x128x128xf32, #tpu.memory_space<hbm>> -> memref<1x2x128x128xf32, #tpu.memory_space<hbm>>
    tpu.wait_dma2 semaphore(%dma_wait3A_1116 : memref<!tpu.dma_semaphore, #tpu.memory_space<semaphore_mem>>) src(%dma_wait3A_1125 : memref<1x2x128x128xf32, #tpu.memory_space<hbm>>) dst(%dma_wait3A_1121 : memref<1x2x128x128xf32, #tpu.memory_space<vmem>>)
    %dma_start3A_1126 = arith.constant 0 : i32
    %dma_start3A_1127 = arith.constant 0 : i32
    %dma_start3A_1128 = arith.constant 0 : i32
    %dma_start3A_1129 = arith.constant 0 : i32
    %dma_start3A_1130 = arith.constant 0 : i32
    %dma_start3A_1131 = tpu.memref_slice %arg4[%dma_start3A_1127, %dma_start3A_1128, %dma_start3A_1129, %dma_start3A_1130] : memref<3x2x128x128xf32, #tpu.memory_space<vmem>> -> memref<1x2x128x128xf32, #tpu.memory_space<vmem>>
    %dma_start3A_1132 = arith.constant 24 : i32
    %dma_start3A_1133 = arith.constant 0 : i32
    %dma_start3A_1134 = arith.constant 0 : i32
    %dma_start3A_1135 = tpu.memref_slice %arg3[%add3A_35, %dma_start3A_1132, %dma_start3A_1133, %dma_start3A_1134] : memref<40x64x128x128xf32, #tpu.memory_space<hbm>> -> memref<1x2x128x128xf32, #tpu.memory_space<hbm>>
    %dma_start3A_1136 = tpu.memref_slice %arg6[%dma_start3A_1126] : memref<3x!tpu.dma_semaphore, #tpu.memory_space<semaphore_mem>> -> memref<1x!tpu.dma_semaphore, #tpu.memory_space<semaphore_mem>>
    %dma_start3A_1137 = tpu.memref_squeeze %dma_start3A_1136 : memref<1x!tpu.dma_semaphore, #tpu.memory_space<semaphore_mem>> -> memref<!tpu.dma_semaphore, #tpu.memory_space<semaphore_mem>>
    %dma_start3A_1138 = arith.constant 24 : i32
    %dma_start3A_1139 = arith.constant 0 : i32
    %dma_start3A_1140 = arith.constant 0 : i32
    %dma_start3A_1141 = tpu.memref_slice %arg3[%add3A_35, %dma_start3A_1138, %dma_start3A_1139, %dma_start3A_1140] : memref<40x64x128x128xf32, #tpu.memory_space<hbm>> -> memref<1x2x128x128xf32, #tpu.memory_space<hbm>>
    %dma_start3A_1142 = arith.constant 0 : i32
    %dma_start3A_1143 = arith.constant 0 : i32
    %dma_start3A_1144 = arith.constant 0 : i32
    %dma_start3A_1145 = arith.constant 0 : i32
    %dma_start3A_1146 = tpu.memref_slice %arg4[%dma_start3A_1142, %dma_start3A_1143, %dma_start3A_1144, %dma_start3A_1145] : memref<3x2x128x128xf32, #tpu.memory_space<vmem>> -> memref<1x2x128x128xf32, #tpu.memory_space<vmem>>
    tpu.enqueue_dma source(%dma_start3A_1146 : memref<1x2x128x128xf32, #tpu.memory_space<vmem>>) target(%dma_start3A_1141 : memref<1x2x128x128xf32, #tpu.memory_space<hbm>>) target_semaphore(%dma_start3A_1137 : memref<!tpu.dma_semaphore, #tpu.memory_space<semaphore_mem>>)
    %dma_wait3A_1147 = arith.constant 0 : i32
    %dma_wait3A_1148 = arith.constant 0 : i32
    %dma_wait3A_1149 = arith.constant 0 : i32
    %dma_wait3A_1150 = arith.constant 0 : i32
    %dma_wait3A_1151 = arith.constant 0 : i32
    %dma_wait3A_1152 = tpu.memref_slice %arg4[%dma_wait3A_1148, %dma_wait3A_1149, %dma_wait3A_1150, %dma_wait3A_1151] : memref<3x2x128x128xf32, #tpu.memory_space<vmem>> -> memref<1x2x128x128xf32, #tpu.memory_space<vmem>>
    %dma_wait3A_1153 = arith.constant 24 : i32
    %dma_wait3A_1154 = arith.constant 0 : i32
    %dma_wait3A_1155 = arith.constant 0 : i32
    %dma_wait3A_1156 = tpu.memref_slice %arg3[%add3A_35, %dma_wait3A_1153, %dma_wait3A_1154, %dma_wait3A_1155] : memref<40x64x128x128xf32, #tpu.memory_space<hbm>> -> memref<1x2x128x128xf32, #tpu.memory_space<hbm>>
    %dma_wait3A_1157 = tpu.memref_slice %arg6[%dma_wait3A_1147] : memref<3x!tpu.dma_semaphore, #tpu.memory_space<semaphore_mem>> -> memref<1x!tpu.dma_semaphore, #tpu.memory_space<semaphore_mem>>
    %dma_wait3A_1158 = tpu.memref_squeeze %dma_wait3A_1157 : memref<1x!tpu.dma_semaphore, #tpu.memory_space<semaphore_mem>> -> memref<!tpu.dma_semaphore, #tpu.memory_space<semaphore_mem>>
    %dma_wait3A_1159 = arith.constant 24 : i32
    %dma_wait3A_1160 = arith.constant 0 : i32
    %dma_wait3A_1161 = arith.constant 0 : i32
    %dma_wait3A_1162 = tpu.memref_slice %arg3[%add3A_35, %dma_wait3A_1159, %dma_wait3A_1160, %dma_wait3A_1161] : memref<40x64x128x128xf32, #tpu.memory_space<hbm>> -> memref<1x2x128x128xf32, #tpu.memory_space<hbm>>
    %dma_wait3A_1163 = arith.constant 0 : i32
    %dma_wait3A_1164 = arith.constant 0 : i32
    %dma_wait3A_1165 = arith.constant 0 : i32
    %dma_wait3A_1166 = arith.constant 0 : i32
    %dma_wait3A_1167 = tpu.memref_slice %arg4[%dma_wait3A_1163, %dma_wait3A_1164, %dma_wait3A_1165, %dma_wait3A_1166] : memref<3x2x128x128xf32, #tpu.memory_space<vmem>> -> memref<1x2x128x128xf32, #tpu.memory_space<vmem>>
    tpu.wait_dma2 semaphore(%dma_wait3A_1158 : memref<!tpu.dma_semaphore, #tpu.memory_space<semaphore_mem>>) src(%dma_wait3A_1167 : memref<1x2x128x128xf32, #tpu.memory_space<vmem>>) dst(%dma_wait3A_1162 : memref<1x2x128x128xf32, #tpu.memory_space<hbm>>)
    %dma_start3A_1168 = arith.constant 0 : i32
    %dma_start3A_1169 = arith.constant 0 : i32
    %dma_start3A_1170 = arith.constant 0 : i32
    %dma_start3A_1171 = arith.constant 0 : i32
    %dma_start3A_1172 = arith.constant 0 : i32
    %dma_start3A_1173 = tpu.memref_slice %arg4[%dma_start3A_1169, %dma_start3A_1170, %dma_start3A_1171, %dma_start3A_1172] : memref<3x2x128x128xf32, #tpu.memory_space<vmem>> -> memref<1x2x128x128xf32, #tpu.memory_space<vmem>>
    %dma_start3A_1174 = arith.constant 30 : i32
    %dma_start3A_1175 = arith.constant 0 : i32
    %dma_start3A_1176 = arith.constant 0 : i32
    %dma_start3A_1177 = tpu.memref_slice %arg2[%add3A_35, %dma_start3A_1174, %dma_start3A_1175, %dma_start3A_1176] : memref<40x64x128x128xf32, #tpu.memory_space<hbm>> -> memref<1x2x128x128xf32, #tpu.memory_space<hbm>>
    %dma_start3A_1178 = tpu.memref_slice %arg5[%dma_start3A_1168] : memref<3x!tpu.dma_semaphore, #tpu.memory_space<semaphore_mem>> -> memref<1x!tpu.dma_semaphore, #tpu.memory_space<semaphore_mem>>
    %dma_start3A_1179 = tpu.memref_squeeze %dma_start3A_1178 : memref<1x!tpu.dma_semaphore, #tpu.memory_space<semaphore_mem>> -> memref<!tpu.dma_semaphore, #tpu.memory_space<semaphore_mem>>
    %dma_start3A_1180 = arith.constant 0 : i32
    %dma_start3A_1181 = arith.constant 0 : i32
    %dma_start3A_1182 = arith.constant 0 : i32
    %dma_start3A_1183 = arith.constant 0 : i32
    %dma_start3A_1184 = tpu.memref_slice %arg4[%dma_start3A_1180, %dma_start3A_1181, %dma_start3A_1182, %dma_start3A_1183] : memref<3x2x128x128xf32, #tpu.memory_space<vmem>> -> memref<1x2x128x128xf32, #tpu.memory_space<vmem>>
    %dma_start3A_1185 = arith.constant 30 : i32
    %dma_start3A_1186 = arith.constant 0 : i32
    %dma_start3A_1187 = arith.constant 0 : i32
    %dma_start3A_1188 = tpu.memref_slice %arg2[%add3A_35, %dma_start3A_1185, %dma_start3A_1186, %dma_start3A_1187] : memref<40x64x128x128xf32, #tpu.memory_space<hbm>> -> memref<1x2x128x128xf32, #tpu.memory_space<hbm>>
    tpu.enqueue_dma source(%dma_start3A_1188 : memref<1x2x128x128xf32, #tpu.memory_space<hbm>>) target(%dma_start3A_1184 : memref<1x2x128x128xf32, #tpu.memory_space<vmem>>) target_semaphore(%dma_start3A_1179 : memref<!tpu.dma_semaphore, #tpu.memory_space<semaphore_mem>>)
    %dma_wait3A_1189 = arith.constant 1 : i32
    %dma_wait3A_1190 = arith.constant 1 : i32
    %dma_wait3A_1191 = arith.constant 0 : i32
    %dma_wait3A_1192 = arith.constant 0 : i32
    %dma_wait3A_1193 = arith.constant 0 : i32
    %dma_wait3A_1194 = tpu.memref_slice %arg4[%dma_wait3A_1190, %dma_wait3A_1191, %dma_wait3A_1192, %dma_wait3A_1193] : memref<3x2x128x128xf32, #tpu.memory_space<vmem>> -> memref<1x2x128x128xf32, #tpu.memory_space<vmem>>
    %dma_wait3A_1195 = arith.constant 26 : i32
    %dma_wait3A_1196 = arith.constant 0 : i32
    %dma_wait3A_1197 = arith.constant 0 : i32
    %dma_wait3A_1198 = tpu.memref_slice %arg2[%add3A_35, %dma_wait3A_1195, %dma_wait3A_1196, %dma_wait3A_1197] : memref<40x64x128x128xf32, #tpu.memory_space<hbm>> -> memref<1x2x128x128xf32, #tpu.memory_space<hbm>>
    %dma_wait3A_1199 = tpu.memref_slice %arg5[%dma_wait3A_1189] : memref<3x!tpu.dma_semaphore, #tpu.memory_space<semaphore_mem>> -> memref<1x!tpu.dma_semaphore, #tpu.memory_space<semaphore_mem>>
    %dma_wait3A_1200 = tpu.memref_squeeze %dma_wait3A_1199 : memref<1x!tpu.dma_semaphore, #tpu.memory_space<semaphore_mem>> -> memref<!tpu.dma_semaphore, #tpu.memory_space<semaphore_mem>>
    %dma_wait3A_1201 = arith.constant 1 : i32
    %dma_wait3A_1202 = arith.constant 0 : i32
    %dma_wait3A_1203 = arith.constant 0 : i32
    %dma_wait3A_1204 = arith.constant 0 : i32
    %dma_wait3A_1205 = tpu.memref_slice %arg4[%dma_wait3A_1201, %dma_wait3A_1202, %dma_wait3A_1203, %dma_wait3A_1204] : memref<3x2x128x128xf32, #tpu.memory_space<vmem>> -> memref<1x2x128x128xf32, #tpu.memory_space<vmem>>
    %dma_wait3A_1206 = arith.constant 26 : i32
    %dma_wait3A_1207 = arith.constant 0 : i32
    %dma_wait3A_1208 = arith.constant 0 : i32
    %dma_wait3A_1209 = tpu.memref_slice %arg2[%add3A_35, %dma_wait3A_1206, %dma_wait3A_1207, %dma_wait3A_1208] : memref<40x64x128x128xf32, #tpu.memory_space<hbm>> -> memref<1x2x128x128xf32, #tpu.memory_space<hbm>>
    tpu.wait_dma2 semaphore(%dma_wait3A_1200 : memref<!tpu.dma_semaphore, #tpu.memory_space<semaphore_mem>>) src(%dma_wait3A_1209 : memref<1x2x128x128xf32, #tpu.memory_space<hbm>>) dst(%dma_wait3A_1205 : memref<1x2x128x128xf32, #tpu.memory_space<vmem>>)
    %dma_start3A_1210 = arith.constant 1 : i32
    %dma_start3A_1211 = arith.constant 1 : i32
    %dma_start3A_1212 = arith.constant 0 : i32
    %dma_start3A_1213 = arith.constant 0 : i32
    %dma_start3A_1214 = arith.constant 0 : i32
    %dma_start3A_1215 = tpu.memref_slice %arg4[%dma_start3A_1211, %dma_start3A_1212, %dma_start3A_1213, %dma_start3A_1214] : memref<3x2x128x128xf32, #tpu.memory_space<vmem>> -> memref<1x2x128x128xf32, #tpu.memory_space<vmem>>
    %dma_start3A_1216 = arith.constant 26 : i32
    %dma_start3A_1217 = arith.constant 0 : i32
    %dma_start3A_1218 = arith.constant 0 : i32
    %dma_start3A_1219 = tpu.memref_slice %arg3[%add3A_35, %dma_start3A_1216, %dma_start3A_1217, %dma_start3A_1218] : memref<40x64x128x128xf32, #tpu.memory_space<hbm>> -> memref<1x2x128x128xf32, #tpu.memory_space<hbm>>
    %dma_start3A_1220 = tpu.memref_slice %arg6[%dma_start3A_1210] : memref<3x!tpu.dma_semaphore, #tpu.memory_space<semaphore_mem>> -> memref<1x!tpu.dma_semaphore, #tpu.memory_space<semaphore_mem>>
    %dma_start3A_1221 = tpu.memref_squeeze %dma_start3A_1220 : memref<1x!tpu.dma_semaphore, #tpu.memory_space<semaphore_mem>> -> memref<!tpu.dma_semaphore, #tpu.memory_space<semaphore_mem>>
    %dma_start3A_1222 = arith.constant 26 : i32
    %dma_start3A_1223 = arith.constant 0 : i32
    %dma_start3A_1224 = arith.constant 0 : i32
    %dma_start3A_1225 = tpu.memref_slice %arg3[%add3A_35, %dma_start3A_1222, %dma_start3A_1223, %dma_start3A_1224] : memref<40x64x128x128xf32, #tpu.memory_space<hbm>> -> memref<1x2x128x128xf32, #tpu.memory_space<hbm>>
    %dma_start3A_1226 = arith.constant 1 : i32
    %dma_start3A_1227 = arith.constant 0 : i32
    %dma_start3A_1228 = arith.constant 0 : i32
    %dma_start3A_1229 = arith.constant 0 : i32
    %dma_start3A_1230 = tpu.memref_slice %arg4[%dma_start3A_1226, %dma_start3A_1227, %dma_start3A_1228, %dma_start3A_1229] : memref<3x2x128x128xf32, #tpu.memory_space<vmem>> -> memref<1x2x128x128xf32, #tpu.memory_space<vmem>>
    tpu.enqueue_dma source(%dma_start3A_1230 : memref<1x2x128x128xf32, #tpu.memory_space<vmem>>) target(%dma_start3A_1225 : memref<1x2x128x128xf32, #tpu.memory_space<hbm>>) target_semaphore(%dma_start3A_1221 : memref<!tpu.dma_semaphore, #tpu.memory_space<semaphore_mem>>)
    %dma_wait3A_1231 = arith.constant 1 : i32
    %dma_wait3A_1232 = arith.constant 1 : i32
    %dma_wait3A_1233 = arith.constant 0 : i32
    %dma_wait3A_1234 = arith.constant 0 : i32
    %dma_wait3A_1235 = arith.constant 0 : i32
    %dma_wait3A_1236 = tpu.memref_slice %arg4[%dma_wait3A_1232, %dma_wait3A_1233, %dma_wait3A_1234, %dma_wait3A_1235] : memref<3x2x128x128xf32, #tpu.memory_space<vmem>> -> memref<1x2x128x128xf32, #tpu.memory_space<vmem>>
    %dma_wait3A_1237 = arith.constant 26 : i32
    %dma_wait3A_1238 = arith.constant 0 : i32
    %dma_wait3A_1239 = arith.constant 0 : i32
    %dma_wait3A_1240 = tpu.memref_slice %arg3[%add3A_35, %dma_wait3A_1237, %dma_wait3A_1238, %dma_wait3A_1239] : memref<40x64x128x128xf32, #tpu.memory_space<hbm>> -> memref<1x2x128x128xf32, #tpu.memory_space<hbm>>
    %dma_wait3A_1241 = tpu.memref_slice %arg6[%dma_wait3A_1231] : memref<3x!tpu.dma_semaphore, #tpu.memory_space<semaphore_mem>> -> memref<1x!tpu.dma_semaphore, #tpu.memory_space<semaphore_mem>>
    %dma_wait3A_1242 = tpu.memref_squeeze %dma_wait3A_1241 : memref<1x!tpu.dma_semaphore, #tpu.memory_space<semaphore_mem>> -> memref<!tpu.dma_semaphore, #tpu.memory_space<semaphore_mem>>
    %dma_wait3A_1243 = arith.constant 26 : i32
    %dma_wait3A_1244 = arith.constant 0 : i32
    %dma_wait3A_1245 = arith.constant 0 : i32
    %dma_wait3A_1246 = tpu.memref_slice %arg3[%add3A_35, %dma_wait3A_1243, %dma_wait3A_1244, %dma_wait3A_1245] : memref<40x64x128x128xf32, #tpu.memory_space<hbm>> -> memref<1x2x128x128xf32, #tpu.memory_space<hbm>>
    %dma_wait3A_1247 = arith.constant 1 : i32
    %dma_wait3A_1248 = arith.constant 0 : i32
    %dma_wait3A_1249 = arith.constant 0 : i32
    %dma_wait3A_1250 = arith.constant 0 : i32
    %dma_wait3A_1251 = tpu.memref_slice %arg4[%dma_wait3A_1247, %dma_wait3A_1248, %dma_wait3A_1249, %dma_wait3A_1250] : memref<3x2x128x128xf32, #tpu.memory_space<vmem>> -> memref<1x2x128x128xf32, #tpu.memory_space<vmem>>
    tpu.wait_dma2 semaphore(%dma_wait3A_1242 : memref<!tpu.dma_semaphore, #tpu.memory_space<semaphore_mem>>) src(%dma_wait3A_1251 : memref<1x2x128x128xf32, #tpu.memory_space<vmem>>) dst(%dma_wait3A_1246 : memref<1x2x128x128xf32, #tpu.memory_space<hbm>>)
    %dma_start3A_1252 = arith.constant 1 : i32
    %dma_start3A_1253 = arith.constant 1 : i32
    %dma_start3A_1254 = arith.constant 0 : i32
    %dma_start3A_1255 = arith.constant 0 : i32
    %dma_start3A_1256 = arith.constant 0 : i32
    %dma_start3A_1257 = tpu.memref_slice %arg4[%dma_start3A_1253, %dma_start3A_1254, %dma_start3A_1255, %dma_start3A_1256] : memref<3x2x128x128xf32, #tpu.memory_space<vmem>> -> memref<1x2x128x128xf32, #tpu.memory_space<vmem>>
    %dma_start3A_1258 = arith.constant 32 : i32
    %dma_start3A_1259 = arith.constant 0 : i32
    %dma_start3A_1260 = arith.constant 0 : i32
    %dma_start3A_1261 = tpu.memref_slice %arg2[%add3A_35, %dma_start3A_1258, %dma_start3A_1259, %dma_start3A_1260] : memref<40x64x128x128xf32, #tpu.memory_space<hbm>> -> memref<1x2x128x128xf32, #tpu.memory_space<hbm>>
    %dma_start3A_1262 = tpu.memref_slice %arg5[%dma_start3A_1252] : memref<3x!tpu.dma_semaphore, #tpu.memory_space<semaphore_mem>> -> memref<1x!tpu.dma_semaphore, #tpu.memory_space<semaphore_mem>>
    %dma_start3A_1263 = tpu.memref_squeeze %dma_start3A_1262 : memref<1x!tpu.dma_semaphore, #tpu.memory_space<semaphore_mem>> -> memref<!tpu.dma_semaphore, #tpu.memory_space<semaphore_mem>>
    %dma_start3A_1264 = arith.constant 1 : i32
    %dma_start3A_1265 = arith.constant 0 : i32
    %dma_start3A_1266 = arith.constant 0 : i32
    %dma_start3A_1267 = arith.constant 0 : i32
    %dma_start3A_1268 = tpu.memref_slice %arg4[%dma_start3A_1264, %dma_start3A_1265, %dma_start3A_1266, %dma_start3A_1267] : memref<3x2x128x128xf32, #tpu.memory_space<vmem>> -> memref<1x2x128x128xf32, #tpu.memory_space<vmem>>
    %dma_start3A_1269 = arith.constant 32 : i32
    %dma_start3A_1270 = arith.constant 0 : i32
    %dma_start3A_1271 = arith.constant 0 : i32
    %dma_start3A_1272 = tpu.memref_slice %arg2[%add3A_35, %dma_start3A_1269, %dma_start3A_1270, %dma_start3A_1271] : memref<40x64x128x128xf32, #tpu.memory_space<hbm>> -> memref<1x2x128x128xf32, #tpu.memory_space<hbm>>
    tpu.enqueue_dma source(%dma_start3A_1272 : memref<1x2x128x128xf32, #tpu.memory_space<hbm>>) target(%dma_start3A_1268 : memref<1x2x128x128xf32, #tpu.memory_space<vmem>>) target_semaphore(%dma_start3A_1263 : memref<!tpu.dma_semaphore, #tpu.memory_space<semaphore_mem>>)
    %dma_wait3A_1273 = arith.constant 2 : i32
    %dma_wait3A_1274 = arith.constant 2 : i32
    %dma_wait3A_1275 = arith.constant 0 : i32
    %dma_wait3A_1276 = arith.constant 0 : i32
    %dma_wait3A_1277 = arith.constant 0 : i32
    %dma_wait3A_1278 = tpu.memref_slice %arg4[%dma_wait3A_1274, %dma_wait3A_1275, %dma_wait3A_1276, %dma_wait3A_1277] : memref<3x2x128x128xf32, #tpu.memory_space<vmem>> -> memref<1x2x128x128xf32, #tpu.memory_space<vmem>>
    %dma_wait3A_1279 = arith.constant 28 : i32
    %dma_wait3A_1280 = arith.constant 0 : i32
    %dma_wait3A_1281 = arith.constant 0 : i32
    %dma_wait3A_1282 = tpu.memref_slice %arg2[%add3A_35, %dma_wait3A_1279, %dma_wait3A_1280, %dma_wait3A_1281] : memref<40x64x128x128xf32, #tpu.memory_space<hbm>> -> memref<1x2x128x128xf32, #tpu.memory_space<hbm>>
    %dma_wait3A_1283 = tpu.memref_slice %arg5[%dma_wait3A_1273] : memref<3x!tpu.dma_semaphore, #tpu.memory_space<semaphore_mem>> -> memref<1x!tpu.dma_semaphore, #tpu.memory_space<semaphore_mem>>
    %dma_wait3A_1284 = tpu.memref_squeeze %dma_wait3A_1283 : memref<1x!tpu.dma_semaphore, #tpu.memory_space<semaphore_mem>> -> memref<!tpu.dma_semaphore, #tpu.memory_space<semaphore_mem>>
    %dma_wait3A_1285 = arith.constant 2 : i32
    %dma_wait3A_1286 = arith.constant 0 : i32
    %dma_wait3A_1287 = arith.constant 0 : i32
    %dma_wait3A_1288 = arith.constant 0 : i32
    %dma_wait3A_1289 = tpu.memref_slice %arg4[%dma_wait3A_1285, %dma_wait3A_1286, %dma_wait3A_1287, %dma_wait3A_1288] : memref<3x2x128x128xf32, #tpu.memory_space<vmem>> -> memref<1x2x128x128xf32, #tpu.memory_space<vmem>>
    %dma_wait3A_1290 = arith.constant 28 : i32
    %dma_wait3A_1291 = arith.constant 0 : i32
    %dma_wait3A_1292 = arith.constant 0 : i32
    %dma_wait3A_1293 = tpu.memref_slice %arg2[%add3A_35, %dma_wait3A_1290, %dma_wait3A_1291, %dma_wait3A_1292] : memref<40x64x128x128xf32, #tpu.memory_space<hbm>> -> memref<1x2x128x128xf32, #tpu.memory_space<hbm>>
    tpu.wait_dma2 semaphore(%dma_wait3A_1284 : memref<!tpu.dma_semaphore, #tpu.memory_space<semaphore_mem>>) src(%dma_wait3A_1293 : memref<1x2x128x128xf32, #tpu.memory_space<hbm>>) dst(%dma_wait3A_1289 : memref<1x2x128x128xf32, #tpu.memory_space<vmem>>)
    %dma_start3A_1294 = arith.constant 2 : i32
    %dma_start3A_1295 = arith.constant 2 : i32
    %dma_start3A_1296 = arith.constant 0 : i32
    %dma_start3A_1297 = arith.constant 0 : i32
    %dma_start3A_1298 = arith.constant 0 : i32
    %dma_start3A_1299 = tpu.memref_slice %arg4[%dma_start3A_1295, %dma_start3A_1296, %dma_start3A_1297, %dma_start3A_1298] : memref<3x2x128x128xf32, #tpu.memory_space<vmem>> -> memref<1x2x128x128xf32, #tpu.memory_space<vmem>>
    %dma_start3A_1300 = arith.constant 28 : i32
    %dma_start3A_1301 = arith.constant 0 : i32
    %dma_start3A_1302 = arith.constant 0 : i32
    %dma_start3A_1303 = tpu.memref_slice %arg3[%add3A_35, %dma_start3A_1300, %dma_start3A_1301, %dma_start3A_1302] : memref<40x64x128x128xf32, #tpu.memory_space<hbm>> -> memref<1x2x128x128xf32, #tpu.memory_space<hbm>>
    %dma_start3A_1304 = tpu.memref_slice %arg6[%dma_start3A_1294] : memref<3x!tpu.dma_semaphore, #tpu.memory_space<semaphore_mem>> -> memref<1x!tpu.dma_semaphore, #tpu.memory_space<semaphore_mem>>
    %dma_start3A_1305 = tpu.memref_squeeze %dma_start3A_1304 : memref<1x!tpu.dma_semaphore, #tpu.memory_space<semaphore_mem>> -> memref<!tpu.dma_semaphore, #tpu.memory_space<semaphore_mem>>
    %dma_start3A_1306 = arith.constant 28 : i32
    %dma_start3A_1307 = arith.constant 0 : i32
    %dma_start3A_1308 = arith.constant 0 : i32
    %dma_start3A_1309 = tpu.memref_slice %arg3[%add3A_35, %dma_start3A_1306, %dma_start3A_1307, %dma_start3A_1308] : memref<40x64x128x128xf32, #tpu.memory_space<hbm>> -> memref<1x2x128x128xf32, #tpu.memory_space<hbm>>
    %dma_start3A_1310 = arith.constant 2 : i32
    %dma_start3A_1311 = arith.constant 0 : i32
    %dma_start3A_1312 = arith.constant 0 : i32
    %dma_start3A_1313 = arith.constant 0 : i32
    %dma_start3A_1314 = tpu.memref_slice %arg4[%dma_start3A_1310, %dma_start3A_1311, %dma_start3A_1312, %dma_start3A_1313] : memref<3x2x128x128xf32, #tpu.memory_space<vmem>> -> memref<1x2x128x128xf32, #tpu.memory_space<vmem>>
    tpu.enqueue_dma source(%dma_start3A_1314 : memref<1x2x128x128xf32, #tpu.memory_space<vmem>>) target(%dma_start3A_1309 : memref<1x2x128x128xf32, #tpu.memory_space<hbm>>) target_semaphore(%dma_start3A_1305 : memref<!tpu.dma_semaphore, #tpu.memory_space<semaphore_mem>>)
    %dma_wait3A_1315 = arith.constant 2 : i32
    %dma_wait3A_1316 = arith.constant 2 : i32
    %dma_wait3A_1317 = arith.constant 0 : i32
    %dma_wait3A_1318 = arith.constant 0 : i32
    %dma_wait3A_1319 = arith.constant 0 : i32
    %dma_wait3A_1320 = tpu.memref_slice %arg4[%dma_wait3A_1316, %dma_wait3A_1317, %dma_wait3A_1318, %dma_wait3A_1319] : memref<3x2x128x128xf32, #tpu.memory_space<vmem>> -> memref<1x2x128x128xf32, #tpu.memory_space<vmem>>
    %dma_wait3A_1321 = arith.constant 28 : i32
    %dma_wait3A_1322 = arith.constant 0 : i32
    %dma_wait3A_1323 = arith.constant 0 : i32
    %dma_wait3A_1324 = tpu.memref_slice %arg3[%add3A_35, %dma_wait3A_1321, %dma_wait3A_1322, %dma_wait3A_1323] : memref<40x64x128x128xf32, #tpu.memory_space<hbm>> -> memref<1x2x128x128xf32, #tpu.memory_space<hbm>>
    %dma_wait3A_1325 = tpu.memref_slice %arg6[%dma_wait3A_1315] : memref<3x!tpu.dma_semaphore, #tpu.memory_space<semaphore_mem>> -> memref<1x!tpu.dma_semaphore, #tpu.memory_space<semaphore_mem>>
    %dma_wait3A_1326 = tpu.memref_squeeze %dma_wait3A_1325 : memref<1x!tpu.dma_semaphore, #tpu.memory_space<semaphore_mem>> -> memref<!tpu.dma_semaphore, #tpu.memory_space<semaphore_mem>>
    %dma_wait3A_1327 = arith.constant 28 : i32
    %dma_wait3A_1328 = arith.constant 0 : i32
    %dma_wait3A_1329 = arith.constant 0 : i32
    %dma_wait3A_1330 = tpu.memref_slice %arg3[%add3A_35, %dma_wait3A_1327, %dma_wait3A_1328, %dma_wait3A_1329] : memref<40x64x128x128xf32, #tpu.memory_space<hbm>> -> memref<1x2x128x128xf32, #tpu.memory_space<hbm>>
    %dma_wait3A_1331 = arith.constant 2 : i32
    %dma_wait3A_1332 = arith.constant 0 : i32
    %dma_wait3A_1333 = arith.constant 0 : i32
    %dma_wait3A_1334 = arith.constant 0 : i32
    %dma_wait3A_1335 = tpu.memref_slice %arg4[%dma_wait3A_1331, %dma_wait3A_1332, %dma_wait3A_1333, %dma_wait3A_1334] : memref<3x2x128x128xf32, #tpu.memory_space<vmem>> -> memref<1x2x128x128xf32, #tpu.memory_space<vmem>>
    tpu.wait_dma2 semaphore(%dma_wait3A_1326 : memref<!tpu.dma_semaphore, #tpu.memory_space<semaphore_mem>>) src(%dma_wait3A_1335 : memref<1x2x128x128xf32, #tpu.memory_space<vmem>>) dst(%dma_wait3A_1330 : memref<1x2x128x128xf32, #tpu.memory_space<hbm>>)
    %dma_start3A_1336 = arith.constant 2 : i32
    %dma_start3A_1337 = arith.constant 2 : i32
    %dma_start3A_1338 = arith.constant 0 : i32
    %dma_start3A_1339 = arith.constant 0 : i32
    %dma_start3A_1340 = arith.constant 0 : i32
    %dma_start3A_1341 = tpu.memref_slice %arg4[%dma_start3A_1337, %dma_start3A_1338, %dma_start3A_1339, %dma_start3A_1340] : memref<3x2x128x128xf32, #tpu.memory_space<vmem>> -> memref<1x2x128x128xf32, #tpu.memory_space<vmem>>
    %dma_start3A_1342 = arith.constant 34 : i32
    %dma_start3A_1343 = arith.constant 0 : i32
    %dma_start3A_1344 = arith.constant 0 : i32
    %dma_start3A_1345 = tpu.memref_slice %arg2[%add3A_35, %dma_start3A_1342, %dma_start3A_1343, %dma_start3A_1344] : memref<40x64x128x128xf32, #tpu.memory_space<hbm>> -> memref<1x2x128x128xf32, #tpu.memory_space<hbm>>
    %dma_start3A_1346 = tpu.memref_slice %arg5[%dma_start3A_1336] : memref<3x!tpu.dma_semaphore, #tpu.memory_space<semaphore_mem>> -> memref<1x!tpu.dma_semaphore, #tpu.memory_space<semaphore_mem>>
    %dma_start3A_1347 = tpu.memref_squeeze %dma_start3A_1346 : memref<1x!tpu.dma_semaphore, #tpu.memory_space<semaphore_mem>> -> memref<!tpu.dma_semaphore, #tpu.memory_space<semaphore_mem>>
    %dma_start3A_1348 = arith.constant 2 : i32
    %dma_start3A_1349 = arith.constant 0 : i32
    %dma_start3A_1350 = arith.constant 0 : i32
    %dma_start3A_1351 = arith.constant 0 : i32
    %dma_start3A_1352 = tpu.memref_slice %arg4[%dma_start3A_1348, %dma_start3A_1349, %dma_start3A_1350, %dma_start3A_1351] : memref<3x2x128x128xf32, #tpu.memory_space<vmem>> -> memref<1x2x128x128xf32, #tpu.memory_space<vmem>>
    %dma_start3A_1353 = arith.constant 34 : i32
    %dma_start3A_1354 = arith.constant 0 : i32
    %dma_start3A_1355 = arith.constant 0 : i32
    %dma_start3A_1356 = tpu.memref_slice %arg2[%add3A_35, %dma_start3A_1353, %dma_start3A_1354, %dma_start3A_1355] : memref<40x64x128x128xf32, #tpu.memory_space<hbm>> -> memref<1x2x128x128xf32, #tpu.memory_space<hbm>>
    tpu.enqueue_dma source(%dma_start3A_1356 : memref<1x2x128x128xf32, #tpu.memory_space<hbm>>) target(%dma_start3A_1352 : memref<1x2x128x128xf32, #tpu.memory_space<vmem>>) target_semaphore(%dma_start3A_1347 : memref<!tpu.dma_semaphore, #tpu.memory_space<semaphore_mem>>)
    %dma_wait3A_1357 = arith.constant 0 : i32
    %dma_wait3A_1358 = arith.constant 0 : i32
    %dma_wait3A_1359 = arith.constant 0 : i32
    %dma_wait3A_1360 = arith.constant 0 : i32
    %dma_wait3A_1361 = arith.constant 0 : i32
    %dma_wait3A_1362 = tpu.memref_slice %arg4[%dma_wait3A_1358, %dma_wait3A_1359, %dma_wait3A_1360, %dma_wait3A_1361] : memref<3x2x128x128xf32, #tpu.memory_space<vmem>> -> memref<1x2x128x128xf32, #tpu.memory_space<vmem>>
    %dma_wait3A_1363 = arith.constant 30 : i32
    %dma_wait3A_1364 = arith.constant 0 : i32
    %dma_wait3A_1365 = arith.constant 0 : i32
    %dma_wait3A_1366 = tpu.memref_slice %arg2[%add3A_35, %dma_wait3A_1363, %dma_wait3A_1364, %dma_wait3A_1365] : memref<40x64x128x128xf32, #tpu.memory_space<hbm>> -> memref<1x2x128x128xf32, #tpu.memory_space<hbm>>
    %dma_wait3A_1367 = tpu.memref_slice %arg5[%dma_wait3A_1357] : memref<3x!tpu.dma_semaphore, #tpu.memory_space<semaphore_mem>> -> memref<1x!tpu.dma_semaphore, #tpu.memory_space<semaphore_mem>>
    %dma_wait3A_1368 = tpu.memref_squeeze %dma_wait3A_1367 : memref<1x!tpu.dma_semaphore, #tpu.memory_space<semaphore_mem>> -> memref<!tpu.dma_semaphore, #tpu.memory_space<semaphore_mem>>
    %dma_wait3A_1369 = arith.constant 0 : i32
    %dma_wait3A_1370 = arith.constant 0 : i32
    %dma_wait3A_1371 = arith.constant 0 : i32
    %dma_wait3A_1372 = arith.constant 0 : i32
    %dma_wait3A_1373 = tpu.memref_slice %arg4[%dma_wait3A_1369, %dma_wait3A_1370, %dma_wait3A_1371, %dma_wait3A_1372] : memref<3x2x128x128xf32, #tpu.memory_space<vmem>> -> memref<1x2x128x128xf32, #tpu.memory_space<vmem>>
    %dma_wait3A_1374 = arith.constant 30 : i32
    %dma_wait3A_1375 = arith.constant 0 : i32
    %dma_wait3A_1376 = arith.constant 0 : i32
    %dma_wait3A_1377 = tpu.memref_slice %arg2[%add3A_35, %dma_wait3A_1374, %dma_wait3A_1375, %dma_wait3A_1376] : memref<40x64x128x128xf32, #tpu.memory_space<hbm>> -> memref<1x2x128x128xf32, #tpu.memory_space<hbm>>
    tpu.wait_dma2 semaphore(%dma_wait3A_1368 : memref<!tpu.dma_semaphore, #tpu.memory_space<semaphore_mem>>) src(%dma_wait3A_1377 : memref<1x2x128x128xf32, #tpu.memory_space<hbm>>) dst(%dma_wait3A_1373 : memref<1x2x128x128xf32, #tpu.memory_space<vmem>>)
    %dma_start3A_1378 = arith.constant 0 : i32
    %dma_start3A_1379 = arith.constant 0 : i32
    %dma_start3A_1380 = arith.constant 0 : i32
    %dma_start3A_1381 = arith.constant 0 : i32
    %dma_start3A_1382 = arith.constant 0 : i32
    %dma_start3A_1383 = tpu.memref_slice %arg4[%dma_start3A_1379, %dma_start3A_1380, %dma_start3A_1381, %dma_start3A_1382] : memref<3x2x128x128xf32, #tpu.memory_space<vmem>> -> memref<1x2x128x128xf32, #tpu.memory_space<vmem>>
    %dma_start3A_1384 = arith.constant 30 : i32
    %dma_start3A_1385 = arith.constant 0 : i32
    %dma_start3A_1386 = arith.constant 0 : i32
    %dma_start3A_1387 = tpu.memref_slice %arg3[%add3A_35, %dma_start3A_1384, %dma_start3A_1385, %dma_start3A_1386] : memref<40x64x128x128xf32, #tpu.memory_space<hbm>> -> memref<1x2x128x128xf32, #tpu.memory_space<hbm>>
    %dma_start3A_1388 = tpu.memref_slice %arg6[%dma_start3A_1378] : memref<3x!tpu.dma_semaphore, #tpu.memory_space<semaphore_mem>> -> memref<1x!tpu.dma_semaphore, #tpu.memory_space<semaphore_mem>>
    %dma_start3A_1389 = tpu.memref_squeeze %dma_start3A_1388 : memref<1x!tpu.dma_semaphore, #tpu.memory_space<semaphore_mem>> -> memref<!tpu.dma_semaphore, #tpu.memory_space<semaphore_mem>>
    %dma_start3A_1390 = arith.constant 30 : i32
    %dma_start3A_1391 = arith.constant 0 : i32
    %dma_start3A_1392 = arith.constant 0 : i32
    %dma_start3A_1393 = tpu.memref_slice %arg3[%add3A_35, %dma_start3A_1390, %dma_start3A_1391, %dma_start3A_1392] : memref<40x64x128x128xf32, #tpu.memory_space<hbm>> -> memref<1x2x128x128xf32, #tpu.memory_space<hbm>>
    %dma_start3A_1394 = arith.constant 0 : i32
    %dma_start3A_1395 = arith.constant 0 : i32
    %dma_start3A_1396 = arith.constant 0 : i32
    %dma_start3A_1397 = arith.constant 0 : i32
    %dma_start3A_1398 = tpu.memref_slice %arg4[%dma_start3A_1394, %dma_start3A_1395, %dma_start3A_1396, %dma_start3A_1397] : memref<3x2x128x128xf32, #tpu.memory_space<vmem>> -> memref<1x2x128x128xf32, #tpu.memory_space<vmem>>
    tpu.enqueue_dma source(%dma_start3A_1398 : memref<1x2x128x128xf32, #tpu.memory_space<vmem>>) target(%dma_start3A_1393 : memref<1x2x128x128xf32, #tpu.memory_space<hbm>>) target_semaphore(%dma_start3A_1389 : memref<!tpu.dma_semaphore, #tpu.memory_space<semaphore_mem>>)
    %dma_wait3A_1399 = arith.constant 0 : i32
    %dma_wait3A_1400 = arith.constant 0 : i32
    %dma_wait3A_1401 = arith.constant 0 : i32
    %dma_wait3A_1402 = arith.constant 0 : i32
    %dma_wait3A_1403 = arith.constant 0 : i32
    %dma_wait3A_1404 = tpu.memref_slice %arg4[%dma_wait3A_1400, %dma_wait3A_1401, %dma_wait3A_1402, %dma_wait3A_1403] : memref<3x2x128x128xf32, #tpu.memory_space<vmem>> -> memref<1x2x128x128xf32, #tpu.memory_space<vmem>>
    %dma_wait3A_1405 = arith.constant 30 : i32
    %dma_wait3A_1406 = arith.constant 0 : i32
    %dma_wait3A_1407 = arith.constant 0 : i32
    %dma_wait3A_1408 = tpu.memref_slice %arg3[%add3A_35, %dma_wait3A_1405, %dma_wait3A_1406, %dma_wait3A_1407] : memref<40x64x128x128xf32, #tpu.memory_space<hbm>> -> memref<1x2x128x128xf32, #tpu.memory_space<hbm>>
    %dma_wait3A_1409 = tpu.memref_slice %arg6[%dma_wait3A_1399] : memref<3x!tpu.dma_semaphore, #tpu.memory_space<semaphore_mem>> -> memref<1x!tpu.dma_semaphore, #tpu.memory_space<semaphore_mem>>
    %dma_wait3A_1410 = tpu.memref_squeeze %dma_wait3A_1409 : memref<1x!tpu.dma_semaphore, #tpu.memory_space<semaphore_mem>> -> memref<!tpu.dma_semaphore, #tpu.memory_space<semaphore_mem>>
    %dma_wait3A_1411 = arith.constant 30 : i32
    %dma_wait3A_1412 = arith.constant 0 : i32
    %dma_wait3A_1413 = arith.constant 0 : i32
    %dma_wait3A_1414 = tpu.memref_slice %arg3[%add3A_35, %dma_wait3A_1411, %dma_wait3A_1412, %dma_wait3A_1413] : memref<40x64x128x128xf32, #tpu.memory_space<hbm>> -> memref<1x2x128x128xf32, #tpu.memory_space<hbm>>
    %dma_wait3A_1415 = arith.constant 0 : i32
    %dma_wait3A_1416 = arith.constant 0 : i32
    %dma_wait3A_1417 = arith.constant 0 : i32
    %dma_wait3A_1418 = arith.constant 0 : i32
    %dma_wait3A_1419 = tpu.memref_slice %arg4[%dma_wait3A_1415, %dma_wait3A_1416, %dma_wait3A_1417, %dma_wait3A_1418] : memref<3x2x128x128xf32, #tpu.memory_space<vmem>> -> memref<1x2x128x128xf32, #tpu.memory_space<vmem>>
    tpu.wait_dma2 semaphore(%dma_wait3A_1410 : memref<!tpu.dma_semaphore, #tpu.memory_space<semaphore_mem>>) src(%dma_wait3A_1419 : memref<1x2x128x128xf32, #tpu.memory_space<vmem>>) dst(%dma_wait3A_1414 : memref<1x2x128x128xf32, #tpu.memory_space<hbm>>)
    %dma_start3A_1420 = arith.constant 0 : i32
    %dma_start3A_1421 = arith.constant 0 : i32
    %dma_start3A_1422 = arith.constant 0 : i32
    %dma_start3A_1423 = arith.constant 0 : i32
    %dma_start3A_1424 = arith.constant 0 : i32
    %dma_start3A_1425 = tpu.memref_slice %arg4[%dma_start3A_1421, %dma_start3A_1422, %dma_start3A_1423, %dma_start3A_1424] : memref<3x2x128x128xf32, #tpu.memory_space<vmem>> -> memref<1x2x128x128xf32, #tpu.memory_space<vmem>>
    %dma_start3A_1426 = arith.constant 36 : i32
    %dma_start3A_1427 = arith.constant 0 : i32
    %dma_start3A_1428 = arith.constant 0 : i32
    %dma_start3A_1429 = tpu.memref_slice %arg2[%add3A_35, %dma_start3A_1426, %dma_start3A_1427, %dma_start3A_1428] : memref<40x64x128x128xf32, #tpu.memory_space<hbm>> -> memref<1x2x128x128xf32, #tpu.memory_space<hbm>>
    %dma_start3A_1430 = tpu.memref_slice %arg5[%dma_start3A_1420] : memref<3x!tpu.dma_semaphore, #tpu.memory_space<semaphore_mem>> -> memref<1x!tpu.dma_semaphore, #tpu.memory_space<semaphore_mem>>
    %dma_start3A_1431 = tpu.memref_squeeze %dma_start3A_1430 : memref<1x!tpu.dma_semaphore, #tpu.memory_space<semaphore_mem>> -> memref<!tpu.dma_semaphore, #tpu.memory_space<semaphore_mem>>
    %dma_start3A_1432 = arith.constant 0 : i32
    %dma_start3A_1433 = arith.constant 0 : i32
    %dma_start3A_1434 = arith.constant 0 : i32
    %dma_start3A_1435 = arith.constant 0 : i32
    %dma_start3A_1436 = tpu.memref_slice %arg4[%dma_start3A_1432, %dma_start3A_1433, %dma_start3A_1434, %dma_start3A_1435] : memref<3x2x128x128xf32, #tpu.memory_space<vmem>> -> memref<1x2x128x128xf32, #tpu.memory_space<vmem>>
    %dma_start3A_1437 = arith.constant 36 : i32
    %dma_start3A_1438 = arith.constant 0 : i32
    %dma_start3A_1439 = arith.constant 0 : i32
    %dma_start3A_1440 = tpu.memref_slice %arg2[%add3A_35, %dma_start3A_1437, %dma_start3A_1438, %dma_start3A_1439] : memref<40x64x128x128xf32, #tpu.memory_space<hbm>> -> memref<1x2x128x128xf32, #tpu.memory_space<hbm>>
    tpu.enqueue_dma source(%dma_start3A_1440 : memref<1x2x128x128xf32, #tpu.memory_space<hbm>>) target(%dma_start3A_1436 : memref<1x2x128x128xf32, #tpu.memory_space<vmem>>) target_semaphore(%dma_start3A_1431 : memref<!tpu.dma_semaphore, #tpu.memory_space<semaphore_mem>>)
    %dma_wait3A_1441 = arith.constant 1 : i32
    %dma_wait3A_1442 = arith.constant 1 : i32
    %dma_wait3A_1443 = arith.constant 0 : i32
    %dma_wait3A_1444 = arith.constant 0 : i32
    %dma_wait3A_1445 = arith.constant 0 : i32
    %dma_wait3A_1446 = tpu.memref_slice %arg4[%dma_wait3A_1442, %dma_wait3A_1443, %dma_wait3A_1444, %dma_wait3A_1445] : memref<3x2x128x128xf32, #tpu.memory_space<vmem>> -> memref<1x2x128x128xf32, #tpu.memory_space<vmem>>
    %dma_wait3A_1447 = arith.constant 32 : i32
    %dma_wait3A_1448 = arith.constant 0 : i32
    %dma_wait3A_1449 = arith.constant 0 : i32
    %dma_wait3A_1450 = tpu.memref_slice %arg2[%add3A_35, %dma_wait3A_1447, %dma_wait3A_1448, %dma_wait3A_1449] : memref<40x64x128x128xf32, #tpu.memory_space<hbm>> -> memref<1x2x128x128xf32, #tpu.memory_space<hbm>>
    %dma_wait3A_1451 = tpu.memref_slice %arg5[%dma_wait3A_1441] : memref<3x!tpu.dma_semaphore, #tpu.memory_space<semaphore_mem>> -> memref<1x!tpu.dma_semaphore, #tpu.memory_space<semaphore_mem>>
    %dma_wait3A_1452 = tpu.memref_squeeze %dma_wait3A_1451 : memref<1x!tpu.dma_semaphore, #tpu.memory_space<semaphore_mem>> -> memref<!tpu.dma_semaphore, #tpu.memory_space<semaphore_mem>>
    %dma_wait3A_1453 = arith.constant 1 : i32
    %dma_wait3A_1454 = arith.constant 0 : i32
    %dma_wait3A_1455 = arith.constant 0 : i32
    %dma_wait3A_1456 = arith.constant 0 : i32
    %dma_wait3A_1457 = tpu.memref_slice %arg4[%dma_wait3A_1453, %dma_wait3A_1454, %dma_wait3A_1455, %dma_wait3A_1456] : memref<3x2x128x128xf32, #tpu.memory_space<vmem>> -> memref<1x2x128x128xf32, #tpu.memory_space<vmem>>
    %dma_wait3A_1458 = arith.constant 32 : i32
    %dma_wait3A_1459 = arith.constant 0 : i32
    %dma_wait3A_1460 = arith.constant 0 : i32
    %dma_wait3A_1461 = tpu.memref_slice %arg2[%add3A_35, %dma_wait3A_1458, %dma_wait3A_1459, %dma_wait3A_1460] : memref<40x64x128x128xf32, #tpu.memory_space<hbm>> -> memref<1x2x128x128xf32, #tpu.memory_space<hbm>>
    tpu.wait_dma2 semaphore(%dma_wait3A_1452 : memref<!tpu.dma_semaphore, #tpu.memory_space<semaphore_mem>>) src(%dma_wait3A_1461 : memref<1x2x128x128xf32, #tpu.memory_space<hbm>>) dst(%dma_wait3A_1457 : memref<1x2x128x128xf32, #tpu.memory_space<vmem>>)
    %dma_start3A_1462 = arith.constant 1 : i32
    %dma_start3A_1463 = arith.constant 1 : i32
    %dma_start3A_1464 = arith.constant 0 : i32
    %dma_start3A_1465 = arith.constant 0 : i32
    %dma_start3A_1466 = arith.constant 0 : i32
    %dma_start3A_1467 = tpu.memref_slice %arg4[%dma_start3A_1463, %dma_start3A_1464, %dma_start3A_1465, %dma_start3A_1466] : memref<3x2x128x128xf32, #tpu.memory_space<vmem>> -> memref<1x2x128x128xf32, #tpu.memory_space<vmem>>
    %dma_start3A_1468 = arith.constant 32 : i32
    %dma_start3A_1469 = arith.constant 0 : i32
    %dma_start3A_1470 = arith.constant 0 : i32
    %dma_start3A_1471 = tpu.memref_slice %arg3[%add3A_35, %dma_start3A_1468, %dma_start3A_1469, %dma_start3A_1470] : memref<40x64x128x128xf32, #tpu.memory_space<hbm>> -> memref<1x2x128x128xf32, #tpu.memory_space<hbm>>
    %dma_start3A_1472 = tpu.memref_slice %arg6[%dma_start3A_1462] : memref<3x!tpu.dma_semaphore, #tpu.memory_space<semaphore_mem>> -> memref<1x!tpu.dma_semaphore, #tpu.memory_space<semaphore_mem>>
    %dma_start3A_1473 = tpu.memref_squeeze %dma_start3A_1472 : memref<1x!tpu.dma_semaphore, #tpu.memory_space<semaphore_mem>> -> memref<!tpu.dma_semaphore, #tpu.memory_space<semaphore_mem>>
    %dma_start3A_1474 = arith.constant 32 : i32
    %dma_start3A_1475 = arith.constant 0 : i32
    %dma_start3A_1476 = arith.constant 0 : i32
    %dma_start3A_1477 = tpu.memref_slice %arg3[%add3A_35, %dma_start3A_1474, %dma_start3A_1475, %dma_start3A_1476] : memref<40x64x128x128xf32, #tpu.memory_space<hbm>> -> memref<1x2x128x128xf32, #tpu.memory_space<hbm>>
    %dma_start3A_1478 = arith.constant 1 : i32
    %dma_start3A_1479 = arith.constant 0 : i32
    %dma_start3A_1480 = arith.constant 0 : i32
    %dma_start3A_1481 = arith.constant 0 : i32
    %dma_start3A_1482 = tpu.memref_slice %arg4[%dma_start3A_1478, %dma_start3A_1479, %dma_start3A_1480, %dma_start3A_1481] : memref<3x2x128x128xf32, #tpu.memory_space<vmem>> -> memref<1x2x128x128xf32, #tpu.memory_space<vmem>>
    tpu.enqueue_dma source(%dma_start3A_1482 : memref<1x2x128x128xf32, #tpu.memory_space<vmem>>) target(%dma_start3A_1477 : memref<1x2x128x128xf32, #tpu.memory_space<hbm>>) target_semaphore(%dma_start3A_1473 : memref<!tpu.dma_semaphore, #tpu.memory_space<semaphore_mem>>)
    %dma_wait3A_1483 = arith.constant 1 : i32
    %dma_wait3A_1484 = arith.constant 1 : i32
    %dma_wait3A_1485 = arith.constant 0 : i32
    %dma_wait3A_1486 = arith.constant 0 : i32
    %dma_wait3A_1487 = arith.constant 0 : i32
    %dma_wait3A_1488 = tpu.memref_slice %arg4[%dma_wait3A_1484, %dma_wait3A_1485, %dma_wait3A_1486, %dma_wait3A_1487] : memref<3x2x128x128xf32, #tpu.memory_space<vmem>> -> memref<1x2x128x128xf32, #tpu.memory_space<vmem>>
    %dma_wait3A_1489 = arith.constant 32 : i32
    %dma_wait3A_1490 = arith.constant 0 : i32
    %dma_wait3A_1491 = arith.constant 0 : i32
    %dma_wait3A_1492 = tpu.memref_slice %arg3[%add3A_35, %dma_wait3A_1489, %dma_wait3A_1490, %dma_wait3A_1491] : memref<40x64x128x128xf32, #tpu.memory_space<hbm>> -> memref<1x2x128x128xf32, #tpu.memory_space<hbm>>
    %dma_wait3A_1493 = tpu.memref_slice %arg6[%dma_wait3A_1483] : memref<3x!tpu.dma_semaphore, #tpu.memory_space<semaphore_mem>> -> memref<1x!tpu.dma_semaphore, #tpu.memory_space<semaphore_mem>>
    %dma_wait3A_1494 = tpu.memref_squeeze %dma_wait3A_1493 : memref<1x!tpu.dma_semaphore, #tpu.memory_space<semaphore_mem>> -> memref<!tpu.dma_semaphore, #tpu.memory_space<semaphore_mem>>
    %dma_wait3A_1495 = arith.constant 32 : i32
    %dma_wait3A_1496 = arith.constant 0 : i32
    %dma_wait3A_1497 = arith.constant 0 : i32
    %dma_wait3A_1498 = tpu.memref_slice %arg3[%add3A_35, %dma_wait3A_1495, %dma_wait3A_1496, %dma_wait3A_1497] : memref<40x64x128x128xf32, #tpu.memory_space<hbm>> -> memref<1x2x128x128xf32, #tpu.memory_space<hbm>>
    %dma_wait3A_1499 = arith.constant 1 : i32
    %dma_wait3A_1500 = arith.constant 0 : i32
    %dma_wait3A_1501 = arith.constant 0 : i32
    %dma_wait3A_1502 = arith.constant 0 : i32
    %dma_wait3A_1503 = tpu.memref_slice %arg4[%dma_wait3A_1499, %dma_wait3A_1500, %dma_wait3A_1501, %dma_wait3A_1502] : memref<3x2x128x128xf32, #tpu.memory_space<vmem>> -> memref<1x2x128x128xf32, #tpu.memory_space<vmem>>
    tpu.wait_dma2 semaphore(%dma_wait3A_1494 : memref<!tpu.dma_semaphore, #tpu.memory_space<semaphore_mem>>) src(%dma_wait3A_1503 : memref<1x2x128x128xf32, #tpu.memory_space<vmem>>) dst(%dma_wait3A_1498 : memref<1x2x128x128xf32, #tpu.memory_space<hbm>>)
    %dma_start3A_1504 = arith.constant 1 : i32
    %dma_start3A_1505 = arith.constant 1 : i32
    %dma_start3A_1506 = arith.constant 0 : i32
    %dma_start3A_1507 = arith.constant 0 : i32
    %dma_start3A_1508 = arith.constant 0 : i32
    %dma_start3A_1509 = tpu.memref_slice %arg4[%dma_start3A_1505, %dma_start3A_1506, %dma_start3A_1507, %dma_start3A_1508] : memref<3x2x128x128xf32, #tpu.memory_space<vmem>> -> memref<1x2x128x128xf32, #tpu.memory_space<vmem>>
    %dma_start3A_1510 = arith.constant 38 : i32
    %dma_start3A_1511 = arith.constant 0 : i32
    %dma_start3A_1512 = arith.constant 0 : i32
    %dma_start3A_1513 = tpu.memref_slice %arg2[%add3A_35, %dma_start3A_1510, %dma_start3A_1511, %dma_start3A_1512] : memref<40x64x128x128xf32, #tpu.memory_space<hbm>> -> memref<1x2x128x128xf32, #tpu.memory_space<hbm>>
    %dma_start3A_1514 = tpu.memref_slice %arg5[%dma_start3A_1504] : memref<3x!tpu.dma_semaphore, #tpu.memory_space<semaphore_mem>> -> memref<1x!tpu.dma_semaphore, #tpu.memory_space<semaphore_mem>>
    %dma_start3A_1515 = tpu.memref_squeeze %dma_start3A_1514 : memref<1x!tpu.dma_semaphore, #tpu.memory_space<semaphore_mem>> -> memref<!tpu.dma_semaphore, #tpu.memory_space<semaphore_mem>>
    %dma_start3A_1516 = arith.constant 1 : i32
    %dma_start3A_1517 = arith.constant 0 : i32
    %dma_start3A_1518 = arith.constant 0 : i32
    %dma_start3A_1519 = arith.constant 0 : i32
    %dma_start3A_1520 = tpu.memref_slice %arg4[%dma_start3A_1516, %dma_start3A_1517, %dma_start3A_1518, %dma_start3A_1519] : memref<3x2x128x128xf32, #tpu.memory_space<vmem>> -> memref<1x2x128x128xf32, #tpu.memory_space<vmem>>
    %dma_start3A_1521 = arith.constant 38 : i32
    %dma_start3A_1522 = arith.constant 0 : i32
    %dma_start3A_1523 = arith.constant 0 : i32
    %dma_start3A_1524 = tpu.memref_slice %arg2[%add3A_35, %dma_start3A_1521, %dma_start3A_1522, %dma_start3A_1523] : memref<40x64x128x128xf32, #tpu.memory_space<hbm>> -> memref<1x2x128x128xf32, #tpu.memory_space<hbm>>
    tpu.enqueue_dma source(%dma_start3A_1524 : memref<1x2x128x128xf32, #tpu.memory_space<hbm>>) target(%dma_start3A_1520 : memref<1x2x128x128xf32, #tpu.memory_space<vmem>>) target_semaphore(%dma_start3A_1515 : memref<!tpu.dma_semaphore, #tpu.memory_space<semaphore_mem>>)
    %dma_wait3A_1525 = arith.constant 2 : i32
    %dma_wait3A_1526 = arith.constant 2 : i32
    %dma_wait3A_1527 = arith.constant 0 : i32
    %dma_wait3A_1528 = arith.constant 0 : i32
    %dma_wait3A_1529 = arith.constant 0 : i32
    %dma_wait3A_1530 = tpu.memref_slice %arg4[%dma_wait3A_1526, %dma_wait3A_1527, %dma_wait3A_1528, %dma_wait3A_1529] : memref<3x2x128x128xf32, #tpu.memory_space<vmem>> -> memref<1x2x128x128xf32, #tpu.memory_space<vmem>>
    %dma_wait3A_1531 = arith.constant 34 : i32
    %dma_wait3A_1532 = arith.constant 0 : i32
    %dma_wait3A_1533 = arith.constant 0 : i32
    %dma_wait3A_1534 = tpu.memref_slice %arg2[%add3A_35, %dma_wait3A_1531, %dma_wait3A_1532, %dma_wait3A_1533] : memref<40x64x128x128xf32, #tpu.memory_space<hbm>> -> memref<1x2x128x128xf32, #tpu.memory_space<hbm>>
    %dma_wait3A_1535 = tpu.memref_slice %arg5[%dma_wait3A_1525] : memref<3x!tpu.dma_semaphore, #tpu.memory_space<semaphore_mem>> -> memref<1x!tpu.dma_semaphore, #tpu.memory_space<semaphore_mem>>
    %dma_wait3A_1536 = tpu.memref_squeeze %dma_wait3A_1535 : memref<1x!tpu.dma_semaphore, #tpu.memory_space<semaphore_mem>> -> memref<!tpu.dma_semaphore, #tpu.memory_space<semaphore_mem>>
    %dma_wait3A_1537 = arith.constant 2 : i32
    %dma_wait3A_1538 = arith.constant 0 : i32
    %dma_wait3A_1539 = arith.constant 0 : i32
    %dma_wait3A_1540 = arith.constant 0 : i32
    %dma_wait3A_1541 = tpu.memref_slice %arg4[%dma_wait3A_1537, %dma_wait3A_1538, %dma_wait3A_1539, %dma_wait3A_1540] : memref<3x2x128x128xf32, #tpu.memory_space<vmem>> -> memref<1x2x128x128xf32, #tpu.memory_space<vmem>>
    %dma_wait3A_1542 = arith.constant 34 : i32
    %dma_wait3A_1543 = arith.constant 0 : i32
    %dma_wait3A_1544 = arith.constant 0 : i32
    %dma_wait3A_1545 = tpu.memref_slice %arg2[%add3A_35, %dma_wait3A_1542, %dma_wait3A_1543, %dma_wait3A_1544] : memref<40x64x128x128xf32, #tpu.memory_space<hbm>> -> memref<1x2x128x128xf32, #tpu.memory_space<hbm>>
    tpu.wait_dma2 semaphore(%dma_wait3A_1536 : memref<!tpu.dma_semaphore, #tpu.memory_space<semaphore_mem>>) src(%dma_wait3A_1545 : memref<1x2x128x128xf32, #tpu.memory_space<hbm>>) dst(%dma_wait3A_1541 : memref<1x2x128x128xf32, #tpu.memory_space<vmem>>)
    %dma_start3A_1546 = arith.constant 2 : i32
    %dma_start3A_1547 = arith.constant 2 : i32
    %dma_start3A_1548 = arith.constant 0 : i32
    %dma_start3A_1549 = arith.constant 0 : i32
    %dma_start3A_1550 = arith.constant 0 : i32
    %dma_start3A_1551 = tpu.memref_slice %arg4[%dma_start3A_1547, %dma_start3A_1548, %dma_start3A_1549, %dma_start3A_1550] : memref<3x2x128x128xf32, #tpu.memory_space<vmem>> -> memref<1x2x128x128xf32, #tpu.memory_space<vmem>>
    %dma_start3A_1552 = arith.constant 34 : i32
    %dma_start3A_1553 = arith.constant 0 : i32
    %dma_start3A_1554 = arith.constant 0 : i32
    %dma_start3A_1555 = tpu.memref_slice %arg3[%add3A_35, %dma_start3A_1552, %dma_start3A_1553, %dma_start3A_1554] : memref<40x64x128x128xf32, #tpu.memory_space<hbm>> -> memref<1x2x128x128xf32, #tpu.memory_space<hbm>>
    %dma_start3A_1556 = tpu.memref_slice %arg6[%dma_start3A_1546] : memref<3x!tpu.dma_semaphore, #tpu.memory_space<semaphore_mem>> -> memref<1x!tpu.dma_semaphore, #tpu.memory_space<semaphore_mem>>
    %dma_start3A_1557 = tpu.memref_squeeze %dma_start3A_1556 : memref<1x!tpu.dma_semaphore, #tpu.memory_space<semaphore_mem>> -> memref<!tpu.dma_semaphore, #tpu.memory_space<semaphore_mem>>
    %dma_start3A_1558 = arith.constant 34 : i32
    %dma_start3A_1559 = arith.constant 0 : i32
    %dma_start3A_1560 = arith.constant 0 : i32
    %dma_start3A_1561 = tpu.memref_slice %arg3[%add3A_35, %dma_start3A_1558, %dma_start3A_1559, %dma_start3A_1560] : memref<40x64x128x128xf32, #tpu.memory_space<hbm>> -> memref<1x2x128x128xf32, #tpu.memory_space<hbm>>
    %dma_start3A_1562 = arith.constant 2 : i32
    %dma_start3A_1563 = arith.constant 0 : i32
    %dma_start3A_1564 = arith.constant 0 : i32
    %dma_start3A_1565 = arith.constant 0 : i32
    %dma_start3A_1566 = tpu.memref_slice %arg4[%dma_start3A_1562, %dma_start3A_1563, %dma_start3A_1564, %dma_start3A_1565] : memref<3x2x128x128xf32, #tpu.memory_space<vmem>> -> memref<1x2x128x128xf32, #tpu.memory_space<vmem>>
    tpu.enqueue_dma source(%dma_start3A_1566 : memref<1x2x128x128xf32, #tpu.memory_space<vmem>>) target(%dma_start3A_1561 : memref<1x2x128x128xf32, #tpu.memory_space<hbm>>) target_semaphore(%dma_start3A_1557 : memref<!tpu.dma_semaphore, #tpu.memory_space<semaphore_mem>>)
    %dma_wait3A_1567 = arith.constant 2 : i32
    %dma_wait3A_1568 = arith.constant 2 : i32
    %dma_wait3A_1569 = arith.constant 0 : i32
    %dma_wait3A_1570 = arith.constant 0 : i32
    %dma_wait3A_1571 = arith.constant 0 : i32
    %dma_wait3A_1572 = tpu.memref_slice %arg4[%dma_wait3A_1568, %dma_wait3A_1569, %dma_wait3A_1570, %dma_wait3A_1571] : memref<3x2x128x128xf32, #tpu.memory_space<vmem>> -> memref<1x2x128x128xf32, #tpu.memory_space<vmem>>
    %dma_wait3A_1573 = arith.constant 34 : i32
    %dma_wait3A_1574 = arith.constant 0 : i32
    %dma_wait3A_1575 = arith.constant 0 : i32
    %dma_wait3A_1576 = tpu.memref_slice %arg3[%add3A_35, %dma_wait3A_1573, %dma_wait3A_1574, %dma_wait3A_1575] : memref<40x64x128x128xf32, #tpu.memory_space<hbm>> -> memref<1x2x128x128xf32, #tpu.memory_space<hbm>>
    %dma_wait3A_1577 = tpu.memref_slice %arg6[%dma_wait3A_1567] : memref<3x!tpu.dma_semaphore, #tpu.memory_space<semaphore_mem>> -> memref<1x!tpu.dma_semaphore, #tpu.memory_space<semaphore_mem>>
    %dma_wait3A_1578 = tpu.memref_squeeze %dma_wait3A_1577 : memref<1x!tpu.dma_semaphore, #tpu.memory_space<semaphore_mem>> -> memref<!tpu.dma_semaphore, #tpu.memory_space<semaphore_mem>>
    %dma_wait3A_1579 = arith.constant 34 : i32
    %dma_wait3A_1580 = arith.constant 0 : i32
    %dma_wait3A_1581 = arith.constant 0 : i32
    %dma_wait3A_1582 = tpu.memref_slice %arg3[%add3A_35, %dma_wait3A_1579, %dma_wait3A_1580, %dma_wait3A_1581] : memref<40x64x128x128xf32, #tpu.memory_space<hbm>> -> memref<1x2x128x128xf32, #tpu.memory_space<hbm>>
    %dma_wait3A_1583 = arith.constant 2 : i32
    %dma_wait3A_1584 = arith.constant 0 : i32
    %dma_wait3A_1585 = arith.constant 0 : i32
    %dma_wait3A_1586 = arith.constant 0 : i32
    %dma_wait3A_1587 = tpu.memref_slice %arg4[%dma_wait3A_1583, %dma_wait3A_1584, %dma_wait3A_1585, %dma_wait3A_1586] : memref<3x2x128x128xf32, #tpu.memory_space<vmem>> -> memref<1x2x128x128xf32, #tpu.memory_space<vmem>>
    tpu.wait_dma2 semaphore(%dma_wait3A_1578 : memref<!tpu.dma_semaphore, #tpu.memory_space<semaphore_mem>>) src(%dma_wait3A_1587 : memref<1x2x128x128xf32, #tpu.memory_space<vmem>>) dst(%dma_wait3A_1582 : memref<1x2x128x128xf32, #tpu.memory_space<hbm>>)
    %dma_start3A_1588 = arith.constant 2 : i32
    %dma_start3A_1589 = arith.constant 2 : i32
    %dma_start3A_1590 = arith.constant 0 : i32
    %dma_start3A_1591 = arith.constant 0 : i32
    %dma_start3A_1592 = arith.constant 0 : i32
    %dma_start3A_1593 = tpu.memref_slice %arg4[%dma_start3A_1589, %dma_start3A_1590, %dma_start3A_1591, %dma_start3A_1592] : memref<3x2x128x128xf32, #tpu.memory_space<vmem>> -> memref<1x2x128x128xf32, #tpu.memory_space<vmem>>
    %dma_start3A_1594 = arith.constant 40 : i32
    %dma_start3A_1595 = arith.constant 0 : i32
    %dma_start3A_1596 = arith.constant 0 : i32
    %dma_start3A_1597 = tpu.memref_slice %arg2[%add3A_35, %dma_start3A_1594, %dma_start3A_1595, %dma_start3A_1596] : memref<40x64x128x128xf32, #tpu.memory_space<hbm>> -> memref<1x2x128x128xf32, #tpu.memory_space<hbm>>
    %dma_start3A_1598 = tpu.memref_slice %arg5[%dma_start3A_1588] : memref<3x!tpu.dma_semaphore, #tpu.memory_space<semaphore_mem>> -> memref<1x!tpu.dma_semaphore, #tpu.memory_space<semaphore_mem>>
    %dma_start3A_1599 = tpu.memref_squeeze %dma_start3A_1598 : memref<1x!tpu.dma_semaphore, #tpu.memory_space<semaphore_mem>> -> memref<!tpu.dma_semaphore, #tpu.memory_space<semaphore_mem>>
    %dma_start3A_1600 = arith.constant 2 : i32
    %dma_start3A_1601 = arith.constant 0 : i32
    %dma_start3A_1602 = arith.constant 0 : i32
    %dma_start3A_1603 = arith.constant 0 : i32
    %dma_start3A_1604 = tpu.memref_slice %arg4[%dma_start3A_1600, %dma_start3A_1601, %dma_start3A_1602, %dma_start3A_1603] : memref<3x2x128x128xf32, #tpu.memory_space<vmem>> -> memref<1x2x128x128xf32, #tpu.memory_space<vmem>>
    %dma_start3A_1605 = arith.constant 40 : i32
    %dma_start3A_1606 = arith.constant 0 : i32
    %dma_start3A_1607 = arith.constant 0 : i32
    %dma_start3A_1608 = tpu.memref_slice %arg2[%add3A_35, %dma_start3A_1605, %dma_start3A_1606, %dma_start3A_1607] : memref<40x64x128x128xf32, #tpu.memory_space<hbm>> -> memref<1x2x128x128xf32, #tpu.memory_space<hbm>>
    tpu.enqueue_dma source(%dma_start3A_1608 : memref<1x2x128x128xf32, #tpu.memory_space<hbm>>) target(%dma_start3A_1604 : memref<1x2x128x128xf32, #tpu.memory_space<vmem>>) target_semaphore(%dma_start3A_1599 : memref<!tpu.dma_semaphore, #tpu.memory_space<semaphore_mem>>)
    %dma_wait3A_1609 = arith.constant 0 : i32
    %dma_wait3A_1610 = arith.constant 0 : i32
    %dma_wait3A_1611 = arith.constant 0 : i32
    %dma_wait3A_1612 = arith.constant 0 : i32
    %dma_wait3A_1613 = arith.constant 0 : i32
    %dma_wait3A_1614 = tpu.memref_slice %arg4[%dma_wait3A_1610, %dma_wait3A_1611, %dma_wait3A_1612, %dma_wait3A_1613] : memref<3x2x128x128xf32, #tpu.memory_space<vmem>> -> memref<1x2x128x128xf32, #tpu.memory_space<vmem>>
    %dma_wait3A_1615 = arith.constant 36 : i32
    %dma_wait3A_1616 = arith.constant 0 : i32
    %dma_wait3A_1617 = arith.constant 0 : i32
    %dma_wait3A_1618 = tpu.memref_slice %arg2[%add3A_35, %dma_wait3A_1615, %dma_wait3A_1616, %dma_wait3A_1617] : memref<40x64x128x128xf32, #tpu.memory_space<hbm>> -> memref<1x2x128x128xf32, #tpu.memory_space<hbm>>
    %dma_wait3A_1619 = tpu.memref_slice %arg5[%dma_wait3A_1609] : memref<3x!tpu.dma_semaphore, #tpu.memory_space<semaphore_mem>> -> memref<1x!tpu.dma_semaphore, #tpu.memory_space<semaphore_mem>>
    %dma_wait3A_1620 = tpu.memref_squeeze %dma_wait3A_1619 : memref<1x!tpu.dma_semaphore, #tpu.memory_space<semaphore_mem>> -> memref<!tpu.dma_semaphore, #tpu.memory_space<semaphore_mem>>
    %dma_wait3A_1621 = arith.constant 0 : i32
    %dma_wait3A_1622 = arith.constant 0 : i32
    %dma_wait3A_1623 = arith.constant 0 : i32
    %dma_wait3A_1624 = arith.constant 0 : i32
    %dma_wait3A_1625 = tpu.memref_slice %arg4[%dma_wait3A_1621, %dma_wait3A_1622, %dma_wait3A_1623, %dma_wait3A_1624] : memref<3x2x128x128xf32, #tpu.memory_space<vmem>> -> memref<1x2x128x128xf32, #tpu.memory_space<vmem>>
    %dma_wait3A_1626 = arith.constant 36 : i32
    %dma_wait3A_1627 = arith.constant 0 : i32
    %dma_wait3A_1628 = arith.constant 0 : i32
    %dma_wait3A_1629 = tpu.memref_slice %arg2[%add3A_35, %dma_wait3A_1626, %dma_wait3A_1627, %dma_wait3A_1628] : memref<40x64x128x128xf32, #tpu.memory_space<hbm>> -> memref<1x2x128x128xf32, #tpu.memory_space<hbm>>
    tpu.wait_dma2 semaphore(%dma_wait3A_1620 : memref<!tpu.dma_semaphore, #tpu.memory_space<semaphore_mem>>) src(%dma_wait3A_1629 : memref<1x2x128x128xf32, #tpu.memory_space<hbm>>) dst(%dma_wait3A_1625 : memref<1x2x128x128xf32, #tpu.memory_space<vmem>>)
    %dma_start3A_1630 = arith.constant 0 : i32
    %dma_start3A_1631 = arith.constant 0 : i32
    %dma_start3A_1632 = arith.constant 0 : i32
    %dma_start3A_1633 = arith.constant 0 : i32
    %dma_start3A_1634 = arith.constant 0 : i32
    %dma_start3A_1635 = tpu.memref_slice %arg4[%dma_start3A_1631, %dma_start3A_1632, %dma_start3A_1633, %dma_start3A_1634] : memref<3x2x128x128xf32, #tpu.memory_space<vmem>> -> memref<1x2x128x128xf32, #tpu.memory_space<vmem>>
    %dma_start3A_1636 = arith.constant 36 : i32
    %dma_start3A_1637 = arith.constant 0 : i32
    %dma_start3A_1638 = arith.constant 0 : i32
    %dma_start3A_1639 = tpu.memref_slice %arg3[%add3A_35, %dma_start3A_1636, %dma_start3A_1637, %dma_start3A_1638] : memref<40x64x128x128xf32, #tpu.memory_space<hbm>> -> memref<1x2x128x128xf32, #tpu.memory_space<hbm>>
    %dma_start3A_1640 = tpu.memref_slice %arg6[%dma_start3A_1630] : memref<3x!tpu.dma_semaphore, #tpu.memory_space<semaphore_mem>> -> memref<1x!tpu.dma_semaphore, #tpu.memory_space<semaphore_mem>>
    %dma_start3A_1641 = tpu.memref_squeeze %dma_start3A_1640 : memref<1x!tpu.dma_semaphore, #tpu.memory_space<semaphore_mem>> -> memref<!tpu.dma_semaphore, #tpu.memory_space<semaphore_mem>>
    %dma_start3A_1642 = arith.constant 36 : i32
    %dma_start3A_1643 = arith.constant 0 : i32
    %dma_start3A_1644 = arith.constant 0 : i32
    %dma_start3A_1645 = tpu.memref_slice %arg3[%add3A_35, %dma_start3A_1642, %dma_start3A_1643, %dma_start3A_1644] : memref<40x64x128x128xf32, #tpu.memory_space<hbm>> -> memref<1x2x128x128xf32, #tpu.memory_space<hbm>>
    %dma_start3A_1646 = arith.constant 0 : i32
    %dma_start3A_1647 = arith.constant 0 : i32
    %dma_start3A_1648 = arith.constant 0 : i32
    %dma_start3A_1649 = arith.constant 0 : i32
    %dma_start3A_1650 = tpu.memref_slice %arg4[%dma_start3A_1646, %dma_start3A_1647, %dma_start3A_1648, %dma_start3A_1649] : memref<3x2x128x128xf32, #tpu.memory_space<vmem>> -> memref<1x2x128x128xf32, #tpu.memory_space<vmem>>
    tpu.enqueue_dma source(%dma_start3A_1650 : memref<1x2x128x128xf32, #tpu.memory_space<vmem>>) target(%dma_start3A_1645 : memref<1x2x128x128xf32, #tpu.memory_space<hbm>>) target_semaphore(%dma_start3A_1641 : memref<!tpu.dma_semaphore, #tpu.memory_space<semaphore_mem>>)
    %dma_wait3A_1651 = arith.constant 0 : i32
    %dma_wait3A_1652 = arith.constant 0 : i32
    %dma_wait3A_1653 = arith.constant 0 : i32
    %dma_wait3A_1654 = arith.constant 0 : i32
    %dma_wait3A_1655 = arith.constant 0 : i32
    %dma_wait3A_1656 = tpu.memref_slice %arg4[%dma_wait3A_1652, %dma_wait3A_1653, %dma_wait3A_1654, %dma_wait3A_1655] : memref<3x2x128x128xf32, #tpu.memory_space<vmem>> -> memref<1x2x128x128xf32, #tpu.memory_space<vmem>>
    %dma_wait3A_1657 = arith.constant 36 : i32
    %dma_wait3A_1658 = arith.constant 0 : i32
    %dma_wait3A_1659 = arith.constant 0 : i32
    %dma_wait3A_1660 = tpu.memref_slice %arg3[%add3A_35, %dma_wait3A_1657, %dma_wait3A_1658, %dma_wait3A_1659] : memref<40x64x128x128xf32, #tpu.memory_space<hbm>> -> memref<1x2x128x128xf32, #tpu.memory_space<hbm>>
    %dma_wait3A_1661 = tpu.memref_slice %arg6[%dma_wait3A_1651] : memref<3x!tpu.dma_semaphore, #tpu.memory_space<semaphore_mem>> -> memref<1x!tpu.dma_semaphore, #tpu.memory_space<semaphore_mem>>
    %dma_wait3A_1662 = tpu.memref_squeeze %dma_wait3A_1661 : memref<1x!tpu.dma_semaphore, #tpu.memory_space<semaphore_mem>> -> memref<!tpu.dma_semaphore, #tpu.memory_space<semaphore_mem>>
    %dma_wait3A_1663 = arith.constant 36 : i32
    %dma_wait3A_1664 = arith.constant 0 : i32
    %dma_wait3A_1665 = arith.constant 0 : i32
    %dma_wait3A_1666 = tpu.memref_slice %arg3[%add3A_35, %dma_wait3A_1663, %dma_wait3A_1664, %dma_wait3A_1665] : memref<40x64x128x128xf32, #tpu.memory_space<hbm>> -> memref<1x2x128x128xf32, #tpu.memory_space<hbm>>
    %dma_wait3A_1667 = arith.constant 0 : i32
    %dma_wait3A_1668 = arith.constant 0 : i32
    %dma_wait3A_1669 = arith.constant 0 : i32
    %dma_wait3A_1670 = arith.constant 0 : i32
    %dma_wait3A_1671 = tpu.memref_slice %arg4[%dma_wait3A_1667, %dma_wait3A_1668, %dma_wait3A_1669, %dma_wait3A_1670] : memref<3x2x128x128xf32, #tpu.memory_space<vmem>> -> memref<1x2x128x128xf32, #tpu.memory_space<vmem>>
    tpu.wait_dma2 semaphore(%dma_wait3A_1662 : memref<!tpu.dma_semaphore, #tpu.memory_space<semaphore_mem>>) src(%dma_wait3A_1671 : memref<1x2x128x128xf32, #tpu.memory_space<vmem>>) dst(%dma_wait3A_1666 : memref<1x2x128x128xf32, #tpu.memory_space<hbm>>)
    %dma_start3A_1672 = arith.constant 0 : i32
    %dma_start3A_1673 = arith.constant 0 : i32
    %dma_start3A_1674 = arith.constant 0 : i32
    %dma_start3A_1675 = arith.constant 0 : i32
    %dma_start3A_1676 = arith.constant 0 : i32
    %dma_start3A_1677 = tpu.memref_slice %arg4[%dma_start3A_1673, %dma_start3A_1674, %dma_start3A_1675, %dma_start3A_1676] : memref<3x2x128x128xf32, #tpu.memory_space<vmem>> -> memref<1x2x128x128xf32, #tpu.memory_space<vmem>>
    %dma_start3A_1678 = arith.constant 42 : i32
    %dma_start3A_1679 = arith.constant 0 : i32
    %dma_start3A_1680 = arith.constant 0 : i32
    %dma_start3A_1681 = tpu.memref_slice %arg2[%add3A_35, %dma_start3A_1678, %dma_start3A_1679, %dma_start3A_1680] : memref<40x64x128x128xf32, #tpu.memory_space<hbm>> -> memref<1x2x128x128xf32, #tpu.memory_space<hbm>>
    %dma_start3A_1682 = tpu.memref_slice %arg5[%dma_start3A_1672] : memref<3x!tpu.dma_semaphore, #tpu.memory_space<semaphore_mem>> -> memref<1x!tpu.dma_semaphore, #tpu.memory_space<semaphore_mem>>
    %dma_start3A_1683 = tpu.memref_squeeze %dma_start3A_1682 : memref<1x!tpu.dma_semaphore, #tpu.memory_space<semaphore_mem>> -> memref<!tpu.dma_semaphore, #tpu.memory_space<semaphore_mem>>
    %dma_start3A_1684 = arith.constant 0 : i32
    %dma_start3A_1685 = arith.constant 0 : i32
    %dma_start3A_1686 = arith.constant 0 : i32
    %dma_start3A_1687 = arith.constant 0 : i32
    %dma_start3A_1688 = tpu.memref_slice %arg4[%dma_start3A_1684, %dma_start3A_1685, %dma_start3A_1686, %dma_start3A_1687] : memref<3x2x128x128xf32, #tpu.memory_space<vmem>> -> memref<1x2x128x128xf32, #tpu.memory_space<vmem>>
    %dma_start3A_1689 = arith.constant 42 : i32
    %dma_start3A_1690 = arith.constant 0 : i32
    %dma_start3A_1691 = arith.constant 0 : i32
    %dma_start3A_1692 = tpu.memref_slice %arg2[%add3A_35, %dma_start3A_1689, %dma_start3A_1690, %dma_start3A_1691] : memref<40x64x128x128xf32, #tpu.memory_space<hbm>> -> memref<1x2x128x128xf32, #tpu.memory_space<hbm>>
    tpu.enqueue_dma source(%dma_start3A_1692 : memref<1x2x128x128xf32, #tpu.memory_space<hbm>>) target(%dma_start3A_1688 : memref<1x2x128x128xf32, #tpu.memory_space<vmem>>) target_semaphore(%dma_start3A_1683 : memref<!tpu.dma_semaphore, #tpu.memory_space<semaphore_mem>>)
    %dma_wait3A_1693 = arith.constant 1 : i32
    %dma_wait3A_1694 = arith.constant 1 : i32
    %dma_wait3A_1695 = arith.constant 0 : i32
    %dma_wait3A_1696 = arith.constant 0 : i32
    %dma_wait3A_1697 = arith.constant 0 : i32
    %dma_wait3A_1698 = tpu.memref_slice %arg4[%dma_wait3A_1694, %dma_wait3A_1695, %dma_wait3A_1696, %dma_wait3A_1697] : memref<3x2x128x128xf32, #tpu.memory_space<vmem>> -> memref<1x2x128x128xf32, #tpu.memory_space<vmem>>
    %dma_wait3A_1699 = arith.constant 38 : i32
    %dma_wait3A_1700 = arith.constant 0 : i32
    %dma_wait3A_1701 = arith.constant 0 : i32
    %dma_wait3A_1702 = tpu.memref_slice %arg2[%add3A_35, %dma_wait3A_1699, %dma_wait3A_1700, %dma_wait3A_1701] : memref<40x64x128x128xf32, #tpu.memory_space<hbm>> -> memref<1x2x128x128xf32, #tpu.memory_space<hbm>>
    %dma_wait3A_1703 = tpu.memref_slice %arg5[%dma_wait3A_1693] : memref<3x!tpu.dma_semaphore, #tpu.memory_space<semaphore_mem>> -> memref<1x!tpu.dma_semaphore, #tpu.memory_space<semaphore_mem>>
    %dma_wait3A_1704 = tpu.memref_squeeze %dma_wait3A_1703 : memref<1x!tpu.dma_semaphore, #tpu.memory_space<semaphore_mem>> -> memref<!tpu.dma_semaphore, #tpu.memory_space<semaphore_mem>>
    %dma_wait3A_1705 = arith.constant 1 : i32
    %dma_wait3A_1706 = arith.constant 0 : i32
    %dma_wait3A_1707 = arith.constant 0 : i32
    %dma_wait3A_1708 = arith.constant 0 : i32
    %dma_wait3A_1709 = tpu.memref_slice %arg4[%dma_wait3A_1705, %dma_wait3A_1706, %dma_wait3A_1707, %dma_wait3A_1708] : memref<3x2x128x128xf32, #tpu.memory_space<vmem>> -> memref<1x2x128x128xf32, #tpu.memory_space<vmem>>
    %dma_wait3A_1710 = arith.constant 38 : i32
    %dma_wait3A_1711 = arith.constant 0 : i32
    %dma_wait3A_1712 = arith.constant 0 : i32
    %dma_wait3A_1713 = tpu.memref_slice %arg2[%add3A_35, %dma_wait3A_1710, %dma_wait3A_1711, %dma_wait3A_1712] : memref<40x64x128x128xf32, #tpu.memory_space<hbm>> -> memref<1x2x128x128xf32, #tpu.memory_space<hbm>>
    tpu.wait_dma2 semaphore(%dma_wait3A_1704 : memref<!tpu.dma_semaphore, #tpu.memory_space<semaphore_mem>>) src(%dma_wait3A_1713 : memref<1x2x128x128xf32, #tpu.memory_space<hbm>>) dst(%dma_wait3A_1709 : memref<1x2x128x128xf32, #tpu.memory_space<vmem>>)
    %dma_start3A_1714 = arith.constant 1 : i32
    %dma_start3A_1715 = arith.constant 1 : i32
    %dma_start3A_1716 = arith.constant 0 : i32
    %dma_start3A_1717 = arith.constant 0 : i32
    %dma_start3A_1718 = arith.constant 0 : i32
    %dma_start3A_1719 = tpu.memref_slice %arg4[%dma_start3A_1715, %dma_start3A_1716, %dma_start3A_1717, %dma_start3A_1718] : memref<3x2x128x128xf32, #tpu.memory_space<vmem>> -> memref<1x2x128x128xf32, #tpu.memory_space<vmem>>
    %dma_start3A_1720 = arith.constant 38 : i32
    %dma_start3A_1721 = arith.constant 0 : i32
    %dma_start3A_1722 = arith.constant 0 : i32
    %dma_start3A_1723 = tpu.memref_slice %arg3[%add3A_35, %dma_start3A_1720, %dma_start3A_1721, %dma_start3A_1722] : memref<40x64x128x128xf32, #tpu.memory_space<hbm>> -> memref<1x2x128x128xf32, #tpu.memory_space<hbm>>
    %dma_start3A_1724 = tpu.memref_slice %arg6[%dma_start3A_1714] : memref<3x!tpu.dma_semaphore, #tpu.memory_space<semaphore_mem>> -> memref<1x!tpu.dma_semaphore, #tpu.memory_space<semaphore_mem>>
    %dma_start3A_1725 = tpu.memref_squeeze %dma_start3A_1724 : memref<1x!tpu.dma_semaphore, #tpu.memory_space<semaphore_mem>> -> memref<!tpu.dma_semaphore, #tpu.memory_space<semaphore_mem>>
    %dma_start3A_1726 = arith.constant 38 : i32
    %dma_start3A_1727 = arith.constant 0 : i32
    %dma_start3A_1728 = arith.constant 0 : i32
    %dma_start3A_1729 = tpu.memref_slice %arg3[%add3A_35, %dma_start3A_1726, %dma_start3A_1727, %dma_start3A_1728] : memref<40x64x128x128xf32, #tpu.memory_space<hbm>> -> memref<1x2x128x128xf32, #tpu.memory_space<hbm>>
    %dma_start3A_1730 = arith.constant 1 : i32
    %dma_start3A_1731 = arith.constant 0 : i32
    %dma_start3A_1732 = arith.constant 0 : i32
    %dma_start3A_1733 = arith.constant 0 : i32
    %dma_start3A_1734 = tpu.memref_slice %arg4[%dma_start3A_1730, %dma_start3A_1731, %dma_start3A_1732, %dma_start3A_1733] : memref<3x2x128x128xf32, #tpu.memory_space<vmem>> -> memref<1x2x128x128xf32, #tpu.memory_space<vmem>>
    tpu.enqueue_dma source(%dma_start3A_1734 : memref<1x2x128x128xf32, #tpu.memory_space<vmem>>) target(%dma_start3A_1729 : memref<1x2x128x128xf32, #tpu.memory_space<hbm>>) target_semaphore(%dma_start3A_1725 : memref<!tpu.dma_semaphore, #tpu.memory_space<semaphore_mem>>)
    %dma_wait3A_1735 = arith.constant 1 : i32
    %dma_wait3A_1736 = arith.constant 1 : i32
    %dma_wait3A_1737 = arith.constant 0 : i32
    %dma_wait3A_1738 = arith.constant 0 : i32
    %dma_wait3A_1739 = arith.constant 0 : i32
    %dma_wait3A_1740 = tpu.memref_slice %arg4[%dma_wait3A_1736, %dma_wait3A_1737, %dma_wait3A_1738, %dma_wait3A_1739] : memref<3x2x128x128xf32, #tpu.memory_space<vmem>> -> memref<1x2x128x128xf32, #tpu.memory_space<vmem>>
    %dma_wait3A_1741 = arith.constant 38 : i32
    %dma_wait3A_1742 = arith.constant 0 : i32
    %dma_wait3A_1743 = arith.constant 0 : i32
    %dma_wait3A_1744 = tpu.memref_slice %arg3[%add3A_35, %dma_wait3A_1741, %dma_wait3A_1742, %dma_wait3A_1743] : memref<40x64x128x128xf32, #tpu.memory_space<hbm>> -> memref<1x2x128x128xf32, #tpu.memory_space<hbm>>
    %dma_wait3A_1745 = tpu.memref_slice %arg6[%dma_wait3A_1735] : memref<3x!tpu.dma_semaphore, #tpu.memory_space<semaphore_mem>> -> memref<1x!tpu.dma_semaphore, #tpu.memory_space<semaphore_mem>>
    %dma_wait3A_1746 = tpu.memref_squeeze %dma_wait3A_1745 : memref<1x!tpu.dma_semaphore, #tpu.memory_space<semaphore_mem>> -> memref<!tpu.dma_semaphore, #tpu.memory_space<semaphore_mem>>
    %dma_wait3A_1747 = arith.constant 38 : i32
    %dma_wait3A_1748 = arith.constant 0 : i32
    %dma_wait3A_1749 = arith.constant 0 : i32
    %dma_wait3A_1750 = tpu.memref_slice %arg3[%add3A_35, %dma_wait3A_1747, %dma_wait3A_1748, %dma_wait3A_1749] : memref<40x64x128x128xf32, #tpu.memory_space<hbm>> -> memref<1x2x128x128xf32, #tpu.memory_space<hbm>>
    %dma_wait3A_1751 = arith.constant 1 : i32
    %dma_wait3A_1752 = arith.constant 0 : i32
    %dma_wait3A_1753 = arith.constant 0 : i32
    %dma_wait3A_1754 = arith.constant 0 : i32
    %dma_wait3A_1755 = tpu.memref_slice %arg4[%dma_wait3A_1751, %dma_wait3A_1752, %dma_wait3A_1753, %dma_wait3A_1754] : memref<3x2x128x128xf32, #tpu.memory_space<vmem>> -> memref<1x2x128x128xf32, #tpu.memory_space<vmem>>
    tpu.wait_dma2 semaphore(%dma_wait3A_1746 : memref<!tpu.dma_semaphore, #tpu.memory_space<semaphore_mem>>) src(%dma_wait3A_1755 : memref<1x2x128x128xf32, #tpu.memory_space<vmem>>) dst(%dma_wait3A_1750 : memref<1x2x128x128xf32, #tpu.memory_space<hbm>>)
    %dma_start3A_1756 = arith.constant 1 : i32
    %dma_start3A_1757 = arith.constant 1 : i32
    %dma_start3A_1758 = arith.constant 0 : i32
    %dma_start3A_1759 = arith.constant 0 : i32
    %dma_start3A_1760 = arith.constant 0 : i32
    %dma_start3A_1761 = tpu.memref_slice %arg4[%dma_start3A_1757, %dma_start3A_1758, %dma_start3A_1759, %dma_start3A_1760] : memref<3x2x128x128xf32, #tpu.memory_space<vmem>> -> memref<1x2x128x128xf32, #tpu.memory_space<vmem>>
    %dma_start3A_1762 = arith.constant 44 : i32
    %dma_start3A_1763 = arith.constant 0 : i32
    %dma_start3A_1764 = arith.constant 0 : i32
    %dma_start3A_1765 = tpu.memref_slice %arg2[%add3A_35, %dma_start3A_1762, %dma_start3A_1763, %dma_start3A_1764] : memref<40x64x128x128xf32, #tpu.memory_space<hbm>> -> memref<1x2x128x128xf32, #tpu.memory_space<hbm>>
    %dma_start3A_1766 = tpu.memref_slice %arg5[%dma_start3A_1756] : memref<3x!tpu.dma_semaphore, #tpu.memory_space<semaphore_mem>> -> memref<1x!tpu.dma_semaphore, #tpu.memory_space<semaphore_mem>>
    %dma_start3A_1767 = tpu.memref_squeeze %dma_start3A_1766 : memref<1x!tpu.dma_semaphore, #tpu.memory_space<semaphore_mem>> -> memref<!tpu.dma_semaphore, #tpu.memory_space<semaphore_mem>>
    %dma_start3A_1768 = arith.constant 1 : i32
    %dma_start3A_1769 = arith.constant 0 : i32
    %dma_start3A_1770 = arith.constant 0 : i32
    %dma_start3A_1771 = arith.constant 0 : i32
    %dma_start3A_1772 = tpu.memref_slice %arg4[%dma_start3A_1768, %dma_start3A_1769, %dma_start3A_1770, %dma_start3A_1771] : memref<3x2x128x128xf32, #tpu.memory_space<vmem>> -> memref<1x2x128x128xf32, #tpu.memory_space<vmem>>
    %dma_start3A_1773 = arith.constant 44 : i32
    %dma_start3A_1774 = arith.constant 0 : i32
    %dma_start3A_1775 = arith.constant 0 : i32
    %dma_start3A_1776 = tpu.memref_slice %arg2[%add3A_35, %dma_start3A_1773, %dma_start3A_1774, %dma_start3A_1775] : memref<40x64x128x128xf32, #tpu.memory_space<hbm>> -> memref<1x2x128x128xf32, #tpu.memory_space<hbm>>
    tpu.enqueue_dma source(%dma_start3A_1776 : memref<1x2x128x128xf32, #tpu.memory_space<hbm>>) target(%dma_start3A_1772 : memref<1x2x128x128xf32, #tpu.memory_space<vmem>>) target_semaphore(%dma_start3A_1767 : memref<!tpu.dma_semaphore, #tpu.memory_space<semaphore_mem>>)
    %dma_wait3A_1777 = arith.constant 2 : i32
    %dma_wait3A_1778 = arith.constant 2 : i32
    %dma_wait3A_1779 = arith.constant 0 : i32
    %dma_wait3A_1780 = arith.constant 0 : i32
    %dma_wait3A_1781 = arith.constant 0 : i32
    %dma_wait3A_1782 = tpu.memref_slice %arg4[%dma_wait3A_1778, %dma_wait3A_1779, %dma_wait3A_1780, %dma_wait3A_1781] : memref<3x2x128x128xf32, #tpu.memory_space<vmem>> -> memref<1x2x128x128xf32, #tpu.memory_space<vmem>>
    %dma_wait3A_1783 = arith.constant 40 : i32
    %dma_wait3A_1784 = arith.constant 0 : i32
    %dma_wait3A_1785 = arith.constant 0 : i32
    %dma_wait3A_1786 = tpu.memref_slice %arg2[%add3A_35, %dma_wait3A_1783, %dma_wait3A_1784, %dma_wait3A_1785] : memref<40x64x128x128xf32, #tpu.memory_space<hbm>> -> memref<1x2x128x128xf32, #tpu.memory_space<hbm>>
    %dma_wait3A_1787 = tpu.memref_slice %arg5[%dma_wait3A_1777] : memref<3x!tpu.dma_semaphore, #tpu.memory_space<semaphore_mem>> -> memref<1x!tpu.dma_semaphore, #tpu.memory_space<semaphore_mem>>
    %dma_wait3A_1788 = tpu.memref_squeeze %dma_wait3A_1787 : memref<1x!tpu.dma_semaphore, #tpu.memory_space<semaphore_mem>> -> memref<!tpu.dma_semaphore, #tpu.memory_space<semaphore_mem>>
    %dma_wait3A_1789 = arith.constant 2 : i32
    %dma_wait3A_1790 = arith.constant 0 : i32
    %dma_wait3A_1791 = arith.constant 0 : i32
    %dma_wait3A_1792 = arith.constant 0 : i32
    %dma_wait3A_1793 = tpu.memref_slice %arg4[%dma_wait3A_1789, %dma_wait3A_1790, %dma_wait3A_1791, %dma_wait3A_1792] : memref<3x2x128x128xf32, #tpu.memory_space<vmem>> -> memref<1x2x128x128xf32, #tpu.memory_space<vmem>>
    %dma_wait3A_1794 = arith.constant 40 : i32
    %dma_wait3A_1795 = arith.constant 0 : i32
    %dma_wait3A_1796 = arith.constant 0 : i32
    %dma_wait3A_1797 = tpu.memref_slice %arg2[%add3A_35, %dma_wait3A_1794, %dma_wait3A_1795, %dma_wait3A_1796] : memref<40x64x128x128xf32, #tpu.memory_space<hbm>> -> memref<1x2x128x128xf32, #tpu.memory_space<hbm>>
    tpu.wait_dma2 semaphore(%dma_wait3A_1788 : memref<!tpu.dma_semaphore, #tpu.memory_space<semaphore_mem>>) src(%dma_wait3A_1797 : memref<1x2x128x128xf32, #tpu.memory_space<hbm>>) dst(%dma_wait3A_1793 : memref<1x2x128x128xf32, #tpu.memory_space<vmem>>)
    %dma_start3A_1798 = arith.constant 2 : i32
    %dma_start3A_1799 = arith.constant 2 : i32
    %dma_start3A_1800 = arith.constant 0 : i32
    %dma_start3A_1801 = arith.constant 0 : i32
    %dma_start3A_1802 = arith.constant 0 : i32
    %dma_start3A_1803 = tpu.memref_slice %arg4[%dma_start3A_1799, %dma_start3A_1800, %dma_start3A_1801, %dma_start3A_1802] : memref<3x2x128x128xf32, #tpu.memory_space<vmem>> -> memref<1x2x128x128xf32, #tpu.memory_space<vmem>>
    %dma_start3A_1804 = arith.constant 40 : i32
    %dma_start3A_1805 = arith.constant 0 : i32
    %dma_start3A_1806 = arith.constant 0 : i32
    %dma_start3A_1807 = tpu.memref_slice %arg3[%add3A_35, %dma_start3A_1804, %dma_start3A_1805, %dma_start3A_1806] : memref<40x64x128x128xf32, #tpu.memory_space<hbm>> -> memref<1x2x128x128xf32, #tpu.memory_space<hbm>>
    %dma_start3A_1808 = tpu.memref_slice %arg6[%dma_start3A_1798] : memref<3x!tpu.dma_semaphore, #tpu.memory_space<semaphore_mem>> -> memref<1x!tpu.dma_semaphore, #tpu.memory_space<semaphore_mem>>
    %dma_start3A_1809 = tpu.memref_squeeze %dma_start3A_1808 : memref<1x!tpu.dma_semaphore, #tpu.memory_space<semaphore_mem>> -> memref<!tpu.dma_semaphore, #tpu.memory_space<semaphore_mem>>
    %dma_start3A_1810 = arith.constant 40 : i32
    %dma_start3A_1811 = arith.constant 0 : i32
    %dma_start3A_1812 = arith.constant 0 : i32
    %dma_start3A_1813 = tpu.memref_slice %arg3[%add3A_35, %dma_start3A_1810, %dma_start3A_1811, %dma_start3A_1812] : memref<40x64x128x128xf32, #tpu.memory_space<hbm>> -> memref<1x2x128x128xf32, #tpu.memory_space<hbm>>
    %dma_start3A_1814 = arith.constant 2 : i32
    %dma_start3A_1815 = arith.constant 0 : i32
    %dma_start3A_1816 = arith.constant 0 : i32
    %dma_start3A_1817 = arith.constant 0 : i32
    %dma_start3A_1818 = tpu.memref_slice %arg4[%dma_start3A_1814, %dma_start3A_1815, %dma_start3A_1816, %dma_start3A_1817] : memref<3x2x128x128xf32, #tpu.memory_space<vmem>> -> memref<1x2x128x128xf32, #tpu.memory_space<vmem>>
    tpu.enqueue_dma source(%dma_start3A_1818 : memref<1x2x128x128xf32, #tpu.memory_space<vmem>>) target(%dma_start3A_1813 : memref<1x2x128x128xf32, #tpu.memory_space<hbm>>) target_semaphore(%dma_start3A_1809 : memref<!tpu.dma_semaphore, #tpu.memory_space<semaphore_mem>>)
    %dma_wait3A_1819 = arith.constant 2 : i32
    %dma_wait3A_1820 = arith.constant 2 : i32
    %dma_wait3A_1821 = arith.constant 0 : i32
    %dma_wait3A_1822 = arith.constant 0 : i32
    %dma_wait3A_1823 = arith.constant 0 : i32
    %dma_wait3A_1824 = tpu.memref_slice %arg4[%dma_wait3A_1820, %dma_wait3A_1821, %dma_wait3A_1822, %dma_wait3A_1823] : memref<3x2x128x128xf32, #tpu.memory_space<vmem>> -> memref<1x2x128x128xf32, #tpu.memory_space<vmem>>
    %dma_wait3A_1825 = arith.constant 40 : i32
    %dma_wait3A_1826 = arith.constant 0 : i32
    %dma_wait3A_1827 = arith.constant 0 : i32
    %dma_wait3A_1828 = tpu.memref_slice %arg3[%add3A_35, %dma_wait3A_1825, %dma_wait3A_1826, %dma_wait3A_1827] : memref<40x64x128x128xf32, #tpu.memory_space<hbm>> -> memref<1x2x128x128xf32, #tpu.memory_space<hbm>>
    %dma_wait3A_1829 = tpu.memref_slice %arg6[%dma_wait3A_1819] : memref<3x!tpu.dma_semaphore, #tpu.memory_space<semaphore_mem>> -> memref<1x!tpu.dma_semaphore, #tpu.memory_space<semaphore_mem>>
    %dma_wait3A_1830 = tpu.memref_squeeze %dma_wait3A_1829 : memref<1x!tpu.dma_semaphore, #tpu.memory_space<semaphore_mem>> -> memref<!tpu.dma_semaphore, #tpu.memory_space<semaphore_mem>>
    %dma_wait3A_1831 = arith.constant 40 : i32
    %dma_wait3A_1832 = arith.constant 0 : i32
    %dma_wait3A_1833 = arith.constant 0 : i32
    %dma_wait3A_1834 = tpu.memref_slice %arg3[%add3A_35, %dma_wait3A_1831, %dma_wait3A_1832, %dma_wait3A_1833] : memref<40x64x128x128xf32, #tpu.memory_space<hbm>> -> memref<1x2x128x128xf32, #tpu.memory_space<hbm>>
    %dma_wait3A_1835 = arith.constant 2 : i32
    %dma_wait3A_1836 = arith.constant 0 : i32
    %dma_wait3A_1837 = arith.constant 0 : i32
    %dma_wait3A_1838 = arith.constant 0 : i32
    %dma_wait3A_1839 = tpu.memref_slice %arg4[%dma_wait3A_1835, %dma_wait3A_1836, %dma_wait3A_1837, %dma_wait3A_1838] : memref<3x2x128x128xf32, #tpu.memory_space<vmem>> -> memref<1x2x128x128xf32, #tpu.memory_space<vmem>>
    tpu.wait_dma2 semaphore(%dma_wait3A_1830 : memref<!tpu.dma_semaphore, #tpu.memory_space<semaphore_mem>>) src(%dma_wait3A_1839 : memref<1x2x128x128xf32, #tpu.memory_space<vmem>>) dst(%dma_wait3A_1834 : memref<1x2x128x128xf32, #tpu.memory_space<hbm>>)
    %dma_start3A_1840 = arith.constant 2 : i32
    %dma_start3A_1841 = arith.constant 2 : i32
    %dma_start3A_1842 = arith.constant 0 : i32
    %dma_start3A_1843 = arith.constant 0 : i32
    %dma_start3A_1844 = arith.constant 0 : i32
    %dma_start3A_1845 = tpu.memref_slice %arg4[%dma_start3A_1841, %dma_start3A_1842, %dma_start3A_1843, %dma_start3A_1844] : memref<3x2x128x128xf32, #tpu.memory_space<vmem>> -> memref<1x2x128x128xf32, #tpu.memory_space<vmem>>
    %dma_start3A_1846 = arith.constant 46 : i32
    %dma_start3A_1847 = arith.constant 0 : i32
    %dma_start3A_1848 = arith.constant 0 : i32
    %dma_start3A_1849 = tpu.memref_slice %arg2[%add3A_35, %dma_start3A_1846, %dma_start3A_1847, %dma_start3A_1848] : memref<40x64x128x128xf32, #tpu.memory_space<hbm>> -> memref<1x2x128x128xf32, #tpu.memory_space<hbm>>
    %dma_start3A_1850 = tpu.memref_slice %arg5[%dma_start3A_1840] : memref<3x!tpu.dma_semaphore, #tpu.memory_space<semaphore_mem>> -> memref<1x!tpu.dma_semaphore, #tpu.memory_space<semaphore_mem>>
    %dma_start3A_1851 = tpu.memref_squeeze %dma_start3A_1850 : memref<1x!tpu.dma_semaphore, #tpu.memory_space<semaphore_mem>> -> memref<!tpu.dma_semaphore, #tpu.memory_space<semaphore_mem>>
    %dma_start3A_1852 = arith.constant 2 : i32
    %dma_start3A_1853 = arith.constant 0 : i32
    %dma_start3A_1854 = arith.constant 0 : i32
    %dma_start3A_1855 = arith.constant 0 : i32
    %dma_start3A_1856 = tpu.memref_slice %arg4[%dma_start3A_1852, %dma_start3A_1853, %dma_start3A_1854, %dma_start3A_1855] : memref<3x2x128x128xf32, #tpu.memory_space<vmem>> -> memref<1x2x128x128xf32, #tpu.memory_space<vmem>>
    %dma_start3A_1857 = arith.constant 46 : i32
    %dma_start3A_1858 = arith.constant 0 : i32
    %dma_start3A_1859 = arith.constant 0 : i32
    %dma_start3A_1860 = tpu.memref_slice %arg2[%add3A_35, %dma_start3A_1857, %dma_start3A_1858, %dma_start3A_1859] : memref<40x64x128x128xf32, #tpu.memory_space<hbm>> -> memref<1x2x128x128xf32, #tpu.memory_space<hbm>>
    tpu.enqueue_dma source(%dma_start3A_1860 : memref<1x2x128x128xf32, #tpu.memory_space<hbm>>) target(%dma_start3A_1856 : memref<1x2x128x128xf32, #tpu.memory_space<vmem>>) target_semaphore(%dma_start3A_1851 : memref<!tpu.dma_semaphore, #tpu.memory_space<semaphore_mem>>)
    %dma_wait3A_1861 = arith.constant 0 : i32
    %dma_wait3A_1862 = arith.constant 0 : i32
    %dma_wait3A_1863 = arith.constant 0 : i32
    %dma_wait3A_1864 = arith.constant 0 : i32
    %dma_wait3A_1865 = arith.constant 0 : i32
    %dma_wait3A_1866 = tpu.memref_slice %arg4[%dma_wait3A_1862, %dma_wait3A_1863, %dma_wait3A_1864, %dma_wait3A_1865] : memref<3x2x128x128xf32, #tpu.memory_space<vmem>> -> memref<1x2x128x128xf32, #tpu.memory_space<vmem>>
    %dma_wait3A_1867 = arith.constant 42 : i32
    %dma_wait3A_1868 = arith.constant 0 : i32
    %dma_wait3A_1869 = arith.constant 0 : i32
    %dma_wait3A_1870 = tpu.memref_slice %arg2[%add3A_35, %dma_wait3A_1867, %dma_wait3A_1868, %dma_wait3A_1869] : memref<40x64x128x128xf32, #tpu.memory_space<hbm>> -> memref<1x2x128x128xf32, #tpu.memory_space<hbm>>
    %dma_wait3A_1871 = tpu.memref_slice %arg5[%dma_wait3A_1861] : memref<3x!tpu.dma_semaphore, #tpu.memory_space<semaphore_mem>> -> memref<1x!tpu.dma_semaphore, #tpu.memory_space<semaphore_mem>>
    %dma_wait3A_1872 = tpu.memref_squeeze %dma_wait3A_1871 : memref<1x!tpu.dma_semaphore, #tpu.memory_space<semaphore_mem>> -> memref<!tpu.dma_semaphore, #tpu.memory_space<semaphore_mem>>
    %dma_wait3A_1873 = arith.constant 0 : i32
    %dma_wait3A_1874 = arith.constant 0 : i32
    %dma_wait3A_1875 = arith.constant 0 : i32
    %dma_wait3A_1876 = arith.constant 0 : i32
    %dma_wait3A_1877 = tpu.memref_slice %arg4[%dma_wait3A_1873, %dma_wait3A_1874, %dma_wait3A_1875, %dma_wait3A_1876] : memref<3x2x128x128xf32, #tpu.memory_space<vmem>> -> memref<1x2x128x128xf32, #tpu.memory_space<vmem>>
    %dma_wait3A_1878 = arith.constant 42 : i32
    %dma_wait3A_1879 = arith.constant 0 : i32
    %dma_wait3A_1880 = arith.constant 0 : i32
    %dma_wait3A_1881 = tpu.memref_slice %arg2[%add3A_35, %dma_wait3A_1878, %dma_wait3A_1879, %dma_wait3A_1880] : memref<40x64x128x128xf32, #tpu.memory_space<hbm>> -> memref<1x2x128x128xf32, #tpu.memory_space<hbm>>
    tpu.wait_dma2 semaphore(%dma_wait3A_1872 : memref<!tpu.dma_semaphore, #tpu.memory_space<semaphore_mem>>) src(%dma_wait3A_1881 : memref<1x2x128x128xf32, #tpu.memory_space<hbm>>) dst(%dma_wait3A_1877 : memref<1x2x128x128xf32, #tpu.memory_space<vmem>>)
    %dma_start3A_1882 = arith.constant 0 : i32
    %dma_start3A_1883 = arith.constant 0 : i32
    %dma_start3A_1884 = arith.constant 0 : i32
    %dma_start3A_1885 = arith.constant 0 : i32
    %dma_start3A_1886 = arith.constant 0 : i32
    %dma_start3A_1887 = tpu.memref_slice %arg4[%dma_start3A_1883, %dma_start3A_1884, %dma_start3A_1885, %dma_start3A_1886] : memref<3x2x128x128xf32, #tpu.memory_space<vmem>> -> memref<1x2x128x128xf32, #tpu.memory_space<vmem>>
    %dma_start3A_1888 = arith.constant 42 : i32
    %dma_start3A_1889 = arith.constant 0 : i32
    %dma_start3A_1890 = arith.constant 0 : i32
    %dma_start3A_1891 = tpu.memref_slice %arg3[%add3A_35, %dma_start3A_1888, %dma_start3A_1889, %dma_start3A_1890] : memref<40x64x128x128xf32, #tpu.memory_space<hbm>> -> memref<1x2x128x128xf32, #tpu.memory_space<hbm>>
    %dma_start3A_1892 = tpu.memref_slice %arg6[%dma_start3A_1882] : memref<3x!tpu.dma_semaphore, #tpu.memory_space<semaphore_mem>> -> memref<1x!tpu.dma_semaphore, #tpu.memory_space<semaphore_mem>>
    %dma_start3A_1893 = tpu.memref_squeeze %dma_start3A_1892 : memref<1x!tpu.dma_semaphore, #tpu.memory_space<semaphore_mem>> -> memref<!tpu.dma_semaphore, #tpu.memory_space<semaphore_mem>>
    %dma_start3A_1894 = arith.constant 42 : i32
    %dma_start3A_1895 = arith.constant 0 : i32
    %dma_start3A_1896 = arith.constant 0 : i32
    %dma_start3A_1897 = tpu.memref_slice %arg3[%add3A_35, %dma_start3A_1894, %dma_start3A_1895, %dma_start3A_1896] : memref<40x64x128x128xf32, #tpu.memory_space<hbm>> -> memref<1x2x128x128xf32, #tpu.memory_space<hbm>>
    %dma_start3A_1898 = arith.constant 0 : i32
    %dma_start3A_1899 = arith.constant 0 : i32
    %dma_start3A_1900 = arith.constant 0 : i32
    %dma_start3A_1901 = arith.constant 0 : i32
    %dma_start3A_1902 = tpu.memref_slice %arg4[%dma_start3A_1898, %dma_start3A_1899, %dma_start3A_1900, %dma_start3A_1901] : memref<3x2x128x128xf32, #tpu.memory_space<vmem>> -> memref<1x2x128x128xf32, #tpu.memory_space<vmem>>
    tpu.enqueue_dma source(%dma_start3A_1902 : memref<1x2x128x128xf32, #tpu.memory_space<vmem>>) target(%dma_start3A_1897 : memref<1x2x128x128xf32, #tpu.memory_space<hbm>>) target_semaphore(%dma_start3A_1893 : memref<!tpu.dma_semaphore, #tpu.memory_space<semaphore_mem>>)
    %dma_wait3A_1903 = arith.constant 0 : i32
    %dma_wait3A_1904 = arith.constant 0 : i32
    %dma_wait3A_1905 = arith.constant 0 : i32
    %dma_wait3A_1906 = arith.constant 0 : i32
    %dma_wait3A_1907 = arith.constant 0 : i32
    %dma_wait3A_1908 = tpu.memref_slice %arg4[%dma_wait3A_1904, %dma_wait3A_1905, %dma_wait3A_1906, %dma_wait3A_1907] : memref<3x2x128x128xf32, #tpu.memory_space<vmem>> -> memref<1x2x128x128xf32, #tpu.memory_space<vmem>>
    %dma_wait3A_1909 = arith.constant 42 : i32
    %dma_wait3A_1910 = arith.constant 0 : i32
    %dma_wait3A_1911 = arith.constant 0 : i32
    %dma_wait3A_1912 = tpu.memref_slice %arg3[%add3A_35, %dma_wait3A_1909, %dma_wait3A_1910, %dma_wait3A_1911] : memref<40x64x128x128xf32, #tpu.memory_space<hbm>> -> memref<1x2x128x128xf32, #tpu.memory_space<hbm>>
    %dma_wait3A_1913 = tpu.memref_slice %arg6[%dma_wait3A_1903] : memref<3x!tpu.dma_semaphore, #tpu.memory_space<semaphore_mem>> -> memref<1x!tpu.dma_semaphore, #tpu.memory_space<semaphore_mem>>
    %dma_wait3A_1914 = tpu.memref_squeeze %dma_wait3A_1913 : memref<1x!tpu.dma_semaphore, #tpu.memory_space<semaphore_mem>> -> memref<!tpu.dma_semaphore, #tpu.memory_space<semaphore_mem>>
    %dma_wait3A_1915 = arith.constant 42 : i32
    %dma_wait3A_1916 = arith.constant 0 : i32
    %dma_wait3A_1917 = arith.constant 0 : i32
    %dma_wait3A_1918 = tpu.memref_slice %arg3[%add3A_35, %dma_wait3A_1915, %dma_wait3A_1916, %dma_wait3A_1917] : memref<40x64x128x128xf32, #tpu.memory_space<hbm>> -> memref<1x2x128x128xf32, #tpu.memory_space<hbm>>
    %dma_wait3A_1919 = arith.constant 0 : i32
    %dma_wait3A_1920 = arith.constant 0 : i32
    %dma_wait3A_1921 = arith.constant 0 : i32
    %dma_wait3A_1922 = arith.constant 0 : i32
    %dma_wait3A_1923 = tpu.memref_slice %arg4[%dma_wait3A_1919, %dma_wait3A_1920, %dma_wait3A_1921, %dma_wait3A_1922] : memref<3x2x128x128xf32, #tpu.memory_space<vmem>> -> memref<1x2x128x128xf32, #tpu.memory_space<vmem>>
    tpu.wait_dma2 semaphore(%dma_wait3A_1914 : memref<!tpu.dma_semaphore, #tpu.memory_space<semaphore_mem>>) src(%dma_wait3A_1923 : memref<1x2x128x128xf32, #tpu.memory_space<vmem>>) dst(%dma_wait3A_1918 : memref<1x2x128x128xf32, #tpu.memory_space<hbm>>)
    %dma_start3A_1924 = arith.constant 0 : i32
    %dma_start3A_1925 = arith.constant 0 : i32
    %dma_start3A_1926 = arith.constant 0 : i32
    %dma_start3A_1927 = arith.constant 0 : i32
    %dma_start3A_1928 = arith.constant 0 : i32
    %dma_start3A_1929 = tpu.memref_slice %arg4[%dma_start3A_1925, %dma_start3A_1926, %dma_start3A_1927, %dma_start3A_1928] : memref<3x2x128x128xf32, #tpu.memory_space<vmem>> -> memref<1x2x128x128xf32, #tpu.memory_space<vmem>>
    %dma_start3A_1930 = arith.constant 48 : i32
    %dma_start3A_1931 = arith.constant 0 : i32
    %dma_start3A_1932 = arith.constant 0 : i32
    %dma_start3A_1933 = tpu.memref_slice %arg2[%add3A_35, %dma_start3A_1930, %dma_start3A_1931, %dma_start3A_1932] : memref<40x64x128x128xf32, #tpu.memory_space<hbm>> -> memref<1x2x128x128xf32, #tpu.memory_space<hbm>>
    %dma_start3A_1934 = tpu.memref_slice %arg5[%dma_start3A_1924] : memref<3x!tpu.dma_semaphore, #tpu.memory_space<semaphore_mem>> -> memref<1x!tpu.dma_semaphore, #tpu.memory_space<semaphore_mem>>
    %dma_start3A_1935 = tpu.memref_squeeze %dma_start3A_1934 : memref<1x!tpu.dma_semaphore, #tpu.memory_space<semaphore_mem>> -> memref<!tpu.dma_semaphore, #tpu.memory_space<semaphore_mem>>
    %dma_start3A_1936 = arith.constant 0 : i32
    %dma_start3A_1937 = arith.constant 0 : i32
    %dma_start3A_1938 = arith.constant 0 : i32
    %dma_start3A_1939 = arith.constant 0 : i32
    %dma_start3A_1940 = tpu.memref_slice %arg4[%dma_start3A_1936, %dma_start3A_1937, %dma_start3A_1938, %dma_start3A_1939] : memref<3x2x128x128xf32, #tpu.memory_space<vmem>> -> memref<1x2x128x128xf32, #tpu.memory_space<vmem>>
    %dma_start3A_1941 = arith.constant 48 : i32
    %dma_start3A_1942 = arith.constant 0 : i32
    %dma_start3A_1943 = arith.constant 0 : i32
    %dma_start3A_1944 = tpu.memref_slice %arg2[%add3A_35, %dma_start3A_1941, %dma_start3A_1942, %dma_start3A_1943] : memref<40x64x128x128xf32, #tpu.memory_space<hbm>> -> memref<1x2x128x128xf32, #tpu.memory_space<hbm>>
    tpu.enqueue_dma source(%dma_start3A_1944 : memref<1x2x128x128xf32, #tpu.memory_space<hbm>>) target(%dma_start3A_1940 : memref<1x2x128x128xf32, #tpu.memory_space<vmem>>) target_semaphore(%dma_start3A_1935 : memref<!tpu.dma_semaphore, #tpu.memory_space<semaphore_mem>>)
    %dma_wait3A_1945 = arith.constant 1 : i32
    %dma_wait3A_1946 = arith.constant 1 : i32
    %dma_wait3A_1947 = arith.constant 0 : i32
    %dma_wait3A_1948 = arith.constant 0 : i32
    %dma_wait3A_1949 = arith.constant 0 : i32
    %dma_wait3A_1950 = tpu.memref_slice %arg4[%dma_wait3A_1946, %dma_wait3A_1947, %dma_wait3A_1948, %dma_wait3A_1949] : memref<3x2x128x128xf32, #tpu.memory_space<vmem>> -> memref<1x2x128x128xf32, #tpu.memory_space<vmem>>
    %dma_wait3A_1951 = arith.constant 44 : i32
    %dma_wait3A_1952 = arith.constant 0 : i32
    %dma_wait3A_1953 = arith.constant 0 : i32
    %dma_wait3A_1954 = tpu.memref_slice %arg2[%add3A_35, %dma_wait3A_1951, %dma_wait3A_1952, %dma_wait3A_1953] : memref<40x64x128x128xf32, #tpu.memory_space<hbm>> -> memref<1x2x128x128xf32, #tpu.memory_space<hbm>>
    %dma_wait3A_1955 = tpu.memref_slice %arg5[%dma_wait3A_1945] : memref<3x!tpu.dma_semaphore, #tpu.memory_space<semaphore_mem>> -> memref<1x!tpu.dma_semaphore, #tpu.memory_space<semaphore_mem>>
    %dma_wait3A_1956 = tpu.memref_squeeze %dma_wait3A_1955 : memref<1x!tpu.dma_semaphore, #tpu.memory_space<semaphore_mem>> -> memref<!tpu.dma_semaphore, #tpu.memory_space<semaphore_mem>>
    %dma_wait3A_1957 = arith.constant 1 : i32
    %dma_wait3A_1958 = arith.constant 0 : i32
    %dma_wait3A_1959 = arith.constant 0 : i32
    %dma_wait3A_1960 = arith.constant 0 : i32
    %dma_wait3A_1961 = tpu.memref_slice %arg4[%dma_wait3A_1957, %dma_wait3A_1958, %dma_wait3A_1959, %dma_wait3A_1960] : memref<3x2x128x128xf32, #tpu.memory_space<vmem>> -> memref<1x2x128x128xf32, #tpu.memory_space<vmem>>
    %dma_wait3A_1962 = arith.constant 44 : i32
    %dma_wait3A_1963 = arith.constant 0 : i32
    %dma_wait3A_1964 = arith.constant 0 : i32
    %dma_wait3A_1965 = tpu.memref_slice %arg2[%add3A_35, %dma_wait3A_1962, %dma_wait3A_1963, %dma_wait3A_1964] : memref<40x64x128x128xf32, #tpu.memory_space<hbm>> -> memref<1x2x128x128xf32, #tpu.memory_space<hbm>>
    tpu.wait_dma2 semaphore(%dma_wait3A_1956 : memref<!tpu.dma_semaphore, #tpu.memory_space<semaphore_mem>>) src(%dma_wait3A_1965 : memref<1x2x128x128xf32, #tpu.memory_space<hbm>>) dst(%dma_wait3A_1961 : memref<1x2x128x128xf32, #tpu.memory_space<vmem>>)
    %dma_start3A_1966 = arith.constant 1 : i32
    %dma_start3A_1967 = arith.constant 1 : i32
    %dma_start3A_1968 = arith.constant 0 : i32
    %dma_start3A_1969 = arith.constant 0 : i32
    %dma_start3A_1970 = arith.constant 0 : i32
    %dma_start3A_1971 = tpu.memref_slice %arg4[%dma_start3A_1967, %dma_start3A_1968, %dma_start3A_1969, %dma_start3A_1970] : memref<3x2x128x128xf32, #tpu.memory_space<vmem>> -> memref<1x2x128x128xf32, #tpu.memory_space<vmem>>
    %dma_start3A_1972 = arith.constant 44 : i32
    %dma_start3A_1973 = arith.constant 0 : i32
    %dma_start3A_1974 = arith.constant 0 : i32
    %dma_start3A_1975 = tpu.memref_slice %arg3[%add3A_35, %dma_start3A_1972, %dma_start3A_1973, %dma_start3A_1974] : memref<40x64x128x128xf32, #tpu.memory_space<hbm>> -> memref<1x2x128x128xf32, #tpu.memory_space<hbm>>
    %dma_start3A_1976 = tpu.memref_slice %arg6[%dma_start3A_1966] : memref<3x!tpu.dma_semaphore, #tpu.memory_space<semaphore_mem>> -> memref<1x!tpu.dma_semaphore, #tpu.memory_space<semaphore_mem>>
    %dma_start3A_1977 = tpu.memref_squeeze %dma_start3A_1976 : memref<1x!tpu.dma_semaphore, #tpu.memory_space<semaphore_mem>> -> memref<!tpu.dma_semaphore, #tpu.memory_space<semaphore_mem>>
    %dma_start3A_1978 = arith.constant 44 : i32
    %dma_start3A_1979 = arith.constant 0 : i32
    %dma_start3A_1980 = arith.constant 0 : i32
    %dma_start3A_1981 = tpu.memref_slice %arg3[%add3A_35, %dma_start3A_1978, %dma_start3A_1979, %dma_start3A_1980] : memref<40x64x128x128xf32, #tpu.memory_space<hbm>> -> memref<1x2x128x128xf32, #tpu.memory_space<hbm>>
    %dma_start3A_1982 = arith.constant 1 : i32
    %dma_start3A_1983 = arith.constant 0 : i32
    %dma_start3A_1984 = arith.constant 0 : i32
    %dma_start3A_1985 = arith.constant 0 : i32
    %dma_start3A_1986 = tpu.memref_slice %arg4[%dma_start3A_1982, %dma_start3A_1983, %dma_start3A_1984, %dma_start3A_1985] : memref<3x2x128x128xf32, #tpu.memory_space<vmem>> -> memref<1x2x128x128xf32, #tpu.memory_space<vmem>>
    tpu.enqueue_dma source(%dma_start3A_1986 : memref<1x2x128x128xf32, #tpu.memory_space<vmem>>) target(%dma_start3A_1981 : memref<1x2x128x128xf32, #tpu.memory_space<hbm>>) target_semaphore(%dma_start3A_1977 : memref<!tpu.dma_semaphore, #tpu.memory_space<semaphore_mem>>)
    %dma_wait3A_1987 = arith.constant 1 : i32
    %dma_wait3A_1988 = arith.constant 1 : i32
    %dma_wait3A_1989 = arith.constant 0 : i32
    %dma_wait3A_1990 = arith.constant 0 : i32
    %dma_wait3A_1991 = arith.constant 0 : i32
    %dma_wait3A_1992 = tpu.memref_slice %arg4[%dma_wait3A_1988, %dma_wait3A_1989, %dma_wait3A_1990, %dma_wait3A_1991] : memref<3x2x128x128xf32, #tpu.memory_space<vmem>> -> memref<1x2x128x128xf32, #tpu.memory_space<vmem>>
    %dma_wait3A_1993 = arith.constant 44 : i32
    %dma_wait3A_1994 = arith.constant 0 : i32
    %dma_wait3A_1995 = arith.constant 0 : i32
    %dma_wait3A_1996 = tpu.memref_slice %arg3[%add3A_35, %dma_wait3A_1993, %dma_wait3A_1994, %dma_wait3A_1995] : memref<40x64x128x128xf32, #tpu.memory_space<hbm>> -> memref<1x2x128x128xf32, #tpu.memory_space<hbm>>
    %dma_wait3A_1997 = tpu.memref_slice %arg6[%dma_wait3A_1987] : memref<3x!tpu.dma_semaphore, #tpu.memory_space<semaphore_mem>> -> memref<1x!tpu.dma_semaphore, #tpu.memory_space<semaphore_mem>>
    %dma_wait3A_1998 = tpu.memref_squeeze %dma_wait3A_1997 : memref<1x!tpu.dma_semaphore, #tpu.memory_space<semaphore_mem>> -> memref<!tpu.dma_semaphore, #tpu.memory_space<semaphore_mem>>
    %dma_wait3A_1999 = arith.constant 44 : i32
    %dma_wait3A_2000 = arith.constant 0 : i32
    %dma_wait3A_2001 = arith.constant 0 : i32
    %dma_wait3A_2002 = tpu.memref_slice %arg3[%add3A_35, %dma_wait3A_1999, %dma_wait3A_2000, %dma_wait3A_2001] : memref<40x64x128x128xf32, #tpu.memory_space<hbm>> -> memref<1x2x128x128xf32, #tpu.memory_space<hbm>>
    %dma_wait3A_2003 = arith.constant 1 : i32
    %dma_wait3A_2004 = arith.constant 0 : i32
    %dma_wait3A_2005 = arith.constant 0 : i32
    %dma_wait3A_2006 = arith.constant 0 : i32
    %dma_wait3A_2007 = tpu.memref_slice %arg4[%dma_wait3A_2003, %dma_wait3A_2004, %dma_wait3A_2005, %dma_wait3A_2006] : memref<3x2x128x128xf32, #tpu.memory_space<vmem>> -> memref<1x2x128x128xf32, #tpu.memory_space<vmem>>
    tpu.wait_dma2 semaphore(%dma_wait3A_1998 : memref<!tpu.dma_semaphore, #tpu.memory_space<semaphore_mem>>) src(%dma_wait3A_2007 : memref<1x2x128x128xf32, #tpu.memory_space<vmem>>) dst(%dma_wait3A_2002 : memref<1x2x128x128xf32, #tpu.memory_space<hbm>>)
    %dma_start3A_2008 = arith.constant 1 : i32
    %dma_start3A_2009 = arith.constant 1 : i32
    %dma_start3A_2010 = arith.constant 0 : i32
    %dma_start3A_2011 = arith.constant 0 : i32
    %dma_start3A_2012 = arith.constant 0 : i32
    %dma_start3A_2013 = tpu.memref_slice %arg4[%dma_start3A_2009, %dma_start3A_2010, %dma_start3A_2011, %dma_start3A_2012] : memref<3x2x128x128xf32, #tpu.memory_space<vmem>> -> memref<1x2x128x128xf32, #tpu.memory_space<vmem>>
    %dma_start3A_2014 = arith.constant 50 : i32
    %dma_start3A_2015 = arith.constant 0 : i32
    %dma_start3A_2016 = arith.constant 0 : i32
    %dma_start3A_2017 = tpu.memref_slice %arg2[%add3A_35, %dma_start3A_2014, %dma_start3A_2015, %dma_start3A_2016] : memref<40x64x128x128xf32, #tpu.memory_space<hbm>> -> memref<1x2x128x128xf32, #tpu.memory_space<hbm>>
    %dma_start3A_2018 = tpu.memref_slice %arg5[%dma_start3A_2008] : memref<3x!tpu.dma_semaphore, #tpu.memory_space<semaphore_mem>> -> memref<1x!tpu.dma_semaphore, #tpu.memory_space<semaphore_mem>>
    %dma_start3A_2019 = tpu.memref_squeeze %dma_start3A_2018 : memref<1x!tpu.dma_semaphore, #tpu.memory_space<semaphore_mem>> -> memref<!tpu.dma_semaphore, #tpu.memory_space<semaphore_mem>>
    %dma_start3A_2020 = arith.constant 1 : i32
    %dma_start3A_2021 = arith.constant 0 : i32
    %dma_start3A_2022 = arith.constant 0 : i32
    %dma_start3A_2023 = arith.constant 0 : i32
    %dma_start3A_2024 = tpu.memref_slice %arg4[%dma_start3A_2020, %dma_start3A_2021, %dma_start3A_2022, %dma_start3A_2023] : memref<3x2x128x128xf32, #tpu.memory_space<vmem>> -> memref<1x2x128x128xf32, #tpu.memory_space<vmem>>
    %dma_start3A_2025 = arith.constant 50 : i32
    %dma_start3A_2026 = arith.constant 0 : i32
    %dma_start3A_2027 = arith.constant 0 : i32
    %dma_start3A_2028 = tpu.memref_slice %arg2[%add3A_35, %dma_start3A_2025, %dma_start3A_2026, %dma_start3A_2027] : memref<40x64x128x128xf32, #tpu.memory_space<hbm>> -> memref<1x2x128x128xf32, #tpu.memory_space<hbm>>
    tpu.enqueue_dma source(%dma_start3A_2028 : memref<1x2x128x128xf32, #tpu.memory_space<hbm>>) target(%dma_start3A_2024 : memref<1x2x128x128xf32, #tpu.memory_space<vmem>>) target_semaphore(%dma_start3A_2019 : memref<!tpu.dma_semaphore, #tpu.memory_space<semaphore_mem>>)
    %dma_wait3A_2029 = arith.constant 2 : i32
    %dma_wait3A_2030 = arith.constant 2 : i32
    %dma_wait3A_2031 = arith.constant 0 : i32
    %dma_wait3A_2032 = arith.constant 0 : i32
    %dma_wait3A_2033 = arith.constant 0 : i32
    %dma_wait3A_2034 = tpu.memref_slice %arg4[%dma_wait3A_2030, %dma_wait3A_2031, %dma_wait3A_2032, %dma_wait3A_2033] : memref<3x2x128x128xf32, #tpu.memory_space<vmem>> -> memref<1x2x128x128xf32, #tpu.memory_space<vmem>>
    %dma_wait3A_2035 = arith.constant 46 : i32
    %dma_wait3A_2036 = arith.constant 0 : i32
    %dma_wait3A_2037 = arith.constant 0 : i32
    %dma_wait3A_2038 = tpu.memref_slice %arg2[%add3A_35, %dma_wait3A_2035, %dma_wait3A_2036, %dma_wait3A_2037] : memref<40x64x128x128xf32, #tpu.memory_space<hbm>> -> memref<1x2x128x128xf32, #tpu.memory_space<hbm>>
    %dma_wait3A_2039 = tpu.memref_slice %arg5[%dma_wait3A_2029] : memref<3x!tpu.dma_semaphore, #tpu.memory_space<semaphore_mem>> -> memref<1x!tpu.dma_semaphore, #tpu.memory_space<semaphore_mem>>
    %dma_wait3A_2040 = tpu.memref_squeeze %dma_wait3A_2039 : memref<1x!tpu.dma_semaphore, #tpu.memory_space<semaphore_mem>> -> memref<!tpu.dma_semaphore, #tpu.memory_space<semaphore_mem>>
    %dma_wait3A_2041 = arith.constant 2 : i32
    %dma_wait3A_2042 = arith.constant 0 : i32
    %dma_wait3A_2043 = arith.constant 0 : i32
    %dma_wait3A_2044 = arith.constant 0 : i32
    %dma_wait3A_2045 = tpu.memref_slice %arg4[%dma_wait3A_2041, %dma_wait3A_2042, %dma_wait3A_2043, %dma_wait3A_2044] : memref<3x2x128x128xf32, #tpu.memory_space<vmem>> -> memref<1x2x128x128xf32, #tpu.memory_space<vmem>>
    %dma_wait3A_2046 = arith.constant 46 : i32
    %dma_wait3A_2047 = arith.constant 0 : i32
    %dma_wait3A_2048 = arith.constant 0 : i32
    %dma_wait3A_2049 = tpu.memref_slice %arg2[%add3A_35, %dma_wait3A_2046, %dma_wait3A_2047, %dma_wait3A_2048] : memref<40x64x128x128xf32, #tpu.memory_space<hbm>> -> memref<1x2x128x128xf32, #tpu.memory_space<hbm>>
    tpu.wait_dma2 semaphore(%dma_wait3A_2040 : memref<!tpu.dma_semaphore, #tpu.memory_space<semaphore_mem>>) src(%dma_wait3A_2049 : memref<1x2x128x128xf32, #tpu.memory_space<hbm>>) dst(%dma_wait3A_2045 : memref<1x2x128x128xf32, #tpu.memory_space<vmem>>)
    %dma_start3A_2050 = arith.constant 2 : i32
    %dma_start3A_2051 = arith.constant 2 : i32
    %dma_start3A_2052 = arith.constant 0 : i32
    %dma_start3A_2053 = arith.constant 0 : i32
    %dma_start3A_2054 = arith.constant 0 : i32
    %dma_start3A_2055 = tpu.memref_slice %arg4[%dma_start3A_2051, %dma_start3A_2052, %dma_start3A_2053, %dma_start3A_2054] : memref<3x2x128x128xf32, #tpu.memory_space<vmem>> -> memref<1x2x128x128xf32, #tpu.memory_space<vmem>>
    %dma_start3A_2056 = arith.constant 46 : i32
    %dma_start3A_2057 = arith.constant 0 : i32
    %dma_start3A_2058 = arith.constant 0 : i32
    %dma_start3A_2059 = tpu.memref_slice %arg3[%add3A_35, %dma_start3A_2056, %dma_start3A_2057, %dma_start3A_2058] : memref<40x64x128x128xf32, #tpu.memory_space<hbm>> -> memref<1x2x128x128xf32, #tpu.memory_space<hbm>>
    %dma_start3A_2060 = tpu.memref_slice %arg6[%dma_start3A_2050] : memref<3x!tpu.dma_semaphore, #tpu.memory_space<semaphore_mem>> -> memref<1x!tpu.dma_semaphore, #tpu.memory_space<semaphore_mem>>
    %dma_start3A_2061 = tpu.memref_squeeze %dma_start3A_2060 : memref<1x!tpu.dma_semaphore, #tpu.memory_space<semaphore_mem>> -> memref<!tpu.dma_semaphore, #tpu.memory_space<semaphore_mem>>
    %dma_start3A_2062 = arith.constant 46 : i32
    %dma_start3A_2063 = arith.constant 0 : i32
    %dma_start3A_2064 = arith.constant 0 : i32
    %dma_start3A_2065 = tpu.memref_slice %arg3[%add3A_35, %dma_start3A_2062, %dma_start3A_2063, %dma_start3A_2064] : memref<40x64x128x128xf32, #tpu.memory_space<hbm>> -> memref<1x2x128x128xf32, #tpu.memory_space<hbm>>
    %dma_start3A_2066 = arith.constant 2 : i32
    %dma_start3A_2067 = arith.constant 0 : i32
    %dma_start3A_2068 = arith.constant 0 : i32
    %dma_start3A_2069 = arith.constant 0 : i32
    %dma_start3A_2070 = tpu.memref_slice %arg4[%dma_start3A_2066, %dma_start3A_2067, %dma_start3A_2068, %dma_start3A_2069] : memref<3x2x128x128xf32, #tpu.memory_space<vmem>> -> memref<1x2x128x128xf32, #tpu.memory_space<vmem>>
    tpu.enqueue_dma source(%dma_start3A_2070 : memref<1x2x128x128xf32, #tpu.memory_space<vmem>>) target(%dma_start3A_2065 : memref<1x2x128x128xf32, #tpu.memory_space<hbm>>) target_semaphore(%dma_start3A_2061 : memref<!tpu.dma_semaphore, #tpu.memory_space<semaphore_mem>>)
    %dma_wait3A_2071 = arith.constant 2 : i32
    %dma_wait3A_2072 = arith.constant 2 : i32
    %dma_wait3A_2073 = arith.constant 0 : i32
    %dma_wait3A_2074 = arith.constant 0 : i32
    %dma_wait3A_2075 = arith.constant 0 : i32
    %dma_wait3A_2076 = tpu.memref_slice %arg4[%dma_wait3A_2072, %dma_wait3A_2073, %dma_wait3A_2074, %dma_wait3A_2075] : memref<3x2x128x128xf32, #tpu.memory_space<vmem>> -> memref<1x2x128x128xf32, #tpu.memory_space<vmem>>
    %dma_wait3A_2077 = arith.constant 46 : i32
    %dma_wait3A_2078 = arith.constant 0 : i32
    %dma_wait3A_2079 = arith.constant 0 : i32
    %dma_wait3A_2080 = tpu.memref_slice %arg3[%add3A_35, %dma_wait3A_2077, %dma_wait3A_2078, %dma_wait3A_2079] : memref<40x64x128x128xf32, #tpu.memory_space<hbm>> -> memref<1x2x128x128xf32, #tpu.memory_space<hbm>>
    %dma_wait3A_2081 = tpu.memref_slice %arg6[%dma_wait3A_2071] : memref<3x!tpu.dma_semaphore, #tpu.memory_space<semaphore_mem>> -> memref<1x!tpu.dma_semaphore, #tpu.memory_space<semaphore_mem>>
    %dma_wait3A_2082 = tpu.memref_squeeze %dma_wait3A_2081 : memref<1x!tpu.dma_semaphore, #tpu.memory_space<semaphore_mem>> -> memref<!tpu.dma_semaphore, #tpu.memory_space<semaphore_mem>>
    %dma_wait3A_2083 = arith.constant 46 : i32
    %dma_wait3A_2084 = arith.constant 0 : i32
    %dma_wait3A_2085 = arith.constant 0 : i32
    %dma_wait3A_2086 = tpu.memref_slice %arg3[%add3A_35, %dma_wait3A_2083, %dma_wait3A_2084, %dma_wait3A_2085] : memref<40x64x128x128xf32, #tpu.memory_space<hbm>> -> memref<1x2x128x128xf32, #tpu.memory_space<hbm>>
    %dma_wait3A_2087 = arith.constant 2 : i32
    %dma_wait3A_2088 = arith.constant 0 : i32
    %dma_wait3A_2089 = arith.constant 0 : i32
    %dma_wait3A_2090 = arith.constant 0 : i32
    %dma_wait3A_2091 = tpu.memref_slice %arg4[%dma_wait3A_2087, %dma_wait3A_2088, %dma_wait3A_2089, %dma_wait3A_2090] : memref<3x2x128x128xf32, #tpu.memory_space<vmem>> -> memref<1x2x128x128xf32, #tpu.memory_space<vmem>>
    tpu.wait_dma2 semaphore(%dma_wait3A_2082 : memref<!tpu.dma_semaphore, #tpu.memory_space<semaphore_mem>>) src(%dma_wait3A_2091 : memref<1x2x128x128xf32, #tpu.memory_space<vmem>>) dst(%dma_wait3A_2086 : memref<1x2x128x128xf32, #tpu.memory_space<hbm>>)
    %dma_start3A_2092 = arith.constant 2 : i32
    %dma_start3A_2093 = arith.constant 2 : i32
    %dma_start3A_2094 = arith.constant 0 : i32
    %dma_start3A_2095 = arith.constant 0 : i32
    %dma_start3A_2096 = arith.constant 0 : i32
    %dma_start3A_2097 = tpu.memref_slice %arg4[%dma_start3A_2093, %dma_start3A_2094, %dma_start3A_2095, %dma_start3A_2096] : memref<3x2x128x128xf32, #tpu.memory_space<vmem>> -> memref<1x2x128x128xf32, #tpu.memory_space<vmem>>
    %dma_start3A_2098 = arith.constant 52 : i32
    %dma_start3A_2099 = arith.constant 0 : i32
    %dma_start3A_2100 = arith.constant 0 : i32
    %dma_start3A_2101 = tpu.memref_slice %arg2[%add3A_35, %dma_start3A_2098, %dma_start3A_2099, %dma_start3A_2100] : memref<40x64x128x128xf32, #tpu.memory_space<hbm>> -> memref<1x2x128x128xf32, #tpu.memory_space<hbm>>
    %dma_start3A_2102 = tpu.memref_slice %arg5[%dma_start3A_2092] : memref<3x!tpu.dma_semaphore, #tpu.memory_space<semaphore_mem>> -> memref<1x!tpu.dma_semaphore, #tpu.memory_space<semaphore_mem>>
    %dma_start3A_2103 = tpu.memref_squeeze %dma_start3A_2102 : memref<1x!tpu.dma_semaphore, #tpu.memory_space<semaphore_mem>> -> memref<!tpu.dma_semaphore, #tpu.memory_space<semaphore_mem>>
    %dma_start3A_2104 = arith.constant 2 : i32
    %dma_start3A_2105 = arith.constant 0 : i32
    %dma_start3A_2106 = arith.constant 0 : i32
    %dma_start3A_2107 = arith.constant 0 : i32
    %dma_start3A_2108 = tpu.memref_slice %arg4[%dma_start3A_2104, %dma_start3A_2105, %dma_start3A_2106, %dma_start3A_2107] : memref<3x2x128x128xf32, #tpu.memory_space<vmem>> -> memref<1x2x128x128xf32, #tpu.memory_space<vmem>>
    %dma_start3A_2109 = arith.constant 52 : i32
    %dma_start3A_2110 = arith.constant 0 : i32
    %dma_start3A_2111 = arith.constant 0 : i32
    %dma_start3A_2112 = tpu.memref_slice %arg2[%add3A_35, %dma_start3A_2109, %dma_start3A_2110, %dma_start3A_2111] : memref<40x64x128x128xf32, #tpu.memory_space<hbm>> -> memref<1x2x128x128xf32, #tpu.memory_space<hbm>>
    tpu.enqueue_dma source(%dma_start3A_2112 : memref<1x2x128x128xf32, #tpu.memory_space<hbm>>) target(%dma_start3A_2108 : memref<1x2x128x128xf32, #tpu.memory_space<vmem>>) target_semaphore(%dma_start3A_2103 : memref<!tpu.dma_semaphore, #tpu.memory_space<semaphore_mem>>)
    %dma_wait3A_2113 = arith.constant 0 : i32
    %dma_wait3A_2114 = arith.constant 0 : i32
    %dma_wait3A_2115 = arith.constant 0 : i32
    %dma_wait3A_2116 = arith.constant 0 : i32
    %dma_wait3A_2117 = arith.constant 0 : i32
    %dma_wait3A_2118 = tpu.memref_slice %arg4[%dma_wait3A_2114, %dma_wait3A_2115, %dma_wait3A_2116, %dma_wait3A_2117] : memref<3x2x128x128xf32, #tpu.memory_space<vmem>> -> memref<1x2x128x128xf32, #tpu.memory_space<vmem>>
    %dma_wait3A_2119 = arith.constant 48 : i32
    %dma_wait3A_2120 = arith.constant 0 : i32
    %dma_wait3A_2121 = arith.constant 0 : i32
    %dma_wait3A_2122 = tpu.memref_slice %arg2[%add3A_35, %dma_wait3A_2119, %dma_wait3A_2120, %dma_wait3A_2121] : memref<40x64x128x128xf32, #tpu.memory_space<hbm>> -> memref<1x2x128x128xf32, #tpu.memory_space<hbm>>
    %dma_wait3A_2123 = tpu.memref_slice %arg5[%dma_wait3A_2113] : memref<3x!tpu.dma_semaphore, #tpu.memory_space<semaphore_mem>> -> memref<1x!tpu.dma_semaphore, #tpu.memory_space<semaphore_mem>>
    %dma_wait3A_2124 = tpu.memref_squeeze %dma_wait3A_2123 : memref<1x!tpu.dma_semaphore, #tpu.memory_space<semaphore_mem>> -> memref<!tpu.dma_semaphore, #tpu.memory_space<semaphore_mem>>
    %dma_wait3A_2125 = arith.constant 0 : i32
    %dma_wait3A_2126 = arith.constant 0 : i32
    %dma_wait3A_2127 = arith.constant 0 : i32
    %dma_wait3A_2128 = arith.constant 0 : i32
    %dma_wait3A_2129 = tpu.memref_slice %arg4[%dma_wait3A_2125, %dma_wait3A_2126, %dma_wait3A_2127, %dma_wait3A_2128] : memref<3x2x128x128xf32, #tpu.memory_space<vmem>> -> memref<1x2x128x128xf32, #tpu.memory_space<vmem>>
    %dma_wait3A_2130 = arith.constant 48 : i32
    %dma_wait3A_2131 = arith.constant 0 : i32
    %dma_wait3A_2132 = arith.constant 0 : i32
    %dma_wait3A_2133 = tpu.memref_slice %arg2[%add3A_35, %dma_wait3A_2130, %dma_wait3A_2131, %dma_wait3A_2132] : memref<40x64x128x128xf32, #tpu.memory_space<hbm>> -> memref<1x2x128x128xf32, #tpu.memory_space<hbm>>
    tpu.wait_dma2 semaphore(%dma_wait3A_2124 : memref<!tpu.dma_semaphore, #tpu.memory_space<semaphore_mem>>) src(%dma_wait3A_2133 : memref<1x2x128x128xf32, #tpu.memory_space<hbm>>) dst(%dma_wait3A_2129 : memref<1x2x128x128xf32, #tpu.memory_space<vmem>>)
    %dma_start3A_2134 = arith.constant 0 : i32
    %dma_start3A_2135 = arith.constant 0 : i32
    %dma_start3A_2136 = arith.constant 0 : i32
    %dma_start3A_2137 = arith.constant 0 : i32
    %dma_start3A_2138 = arith.constant 0 : i32
    %dma_start3A_2139 = tpu.memref_slice %arg4[%dma_start3A_2135, %dma_start3A_2136, %dma_start3A_2137, %dma_start3A_2138] : memref<3x2x128x128xf32, #tpu.memory_space<vmem>> -> memref<1x2x128x128xf32, #tpu.memory_space<vmem>>
    %dma_start3A_2140 = arith.constant 48 : i32
    %dma_start3A_2141 = arith.constant 0 : i32
    %dma_start3A_2142 = arith.constant 0 : i32
    %dma_start3A_2143 = tpu.memref_slice %arg3[%add3A_35, %dma_start3A_2140, %dma_start3A_2141, %dma_start3A_2142] : memref<40x64x128x128xf32, #tpu.memory_space<hbm>> -> memref<1x2x128x128xf32, #tpu.memory_space<hbm>>
    %dma_start3A_2144 = tpu.memref_slice %arg6[%dma_start3A_2134] : memref<3x!tpu.dma_semaphore, #tpu.memory_space<semaphore_mem>> -> memref<1x!tpu.dma_semaphore, #tpu.memory_space<semaphore_mem>>
    %dma_start3A_2145 = tpu.memref_squeeze %dma_start3A_2144 : memref<1x!tpu.dma_semaphore, #tpu.memory_space<semaphore_mem>> -> memref<!tpu.dma_semaphore, #tpu.memory_space<semaphore_mem>>
    %dma_start3A_2146 = arith.constant 48 : i32
    %dma_start3A_2147 = arith.constant 0 : i32
    %dma_start3A_2148 = arith.constant 0 : i32
    %dma_start3A_2149 = tpu.memref_slice %arg3[%add3A_35, %dma_start3A_2146, %dma_start3A_2147, %dma_start3A_2148] : memref<40x64x128x128xf32, #tpu.memory_space<hbm>> -> memref<1x2x128x128xf32, #tpu.memory_space<hbm>>
    %dma_start3A_2150 = arith.constant 0 : i32
    %dma_start3A_2151 = arith.constant 0 : i32
    %dma_start3A_2152 = arith.constant 0 : i32
    %dma_start3A_2153 = arith.constant 0 : i32
    %dma_start3A_2154 = tpu.memref_slice %arg4[%dma_start3A_2150, %dma_start3A_2151, %dma_start3A_2152, %dma_start3A_2153] : memref<3x2x128x128xf32, #tpu.memory_space<vmem>> -> memref<1x2x128x128xf32, #tpu.memory_space<vmem>>
    tpu.enqueue_dma source(%dma_start3A_2154 : memref<1x2x128x128xf32, #tpu.memory_space<vmem>>) target(%dma_start3A_2149 : memref<1x2x128x128xf32, #tpu.memory_space<hbm>>) target_semaphore(%dma_start3A_2145 : memref<!tpu.dma_semaphore, #tpu.memory_space<semaphore_mem>>)
    %dma_wait3A_2155 = arith.constant 0 : i32
    %dma_wait3A_2156 = arith.constant 0 : i32
    %dma_wait3A_2157 = arith.constant 0 : i32
    %dma_wait3A_2158 = arith.constant 0 : i32
    %dma_wait3A_2159 = arith.constant 0 : i32
    %dma_wait3A_2160 = tpu.memref_slice %arg4[%dma_wait3A_2156, %dma_wait3A_2157, %dma_wait3A_2158, %dma_wait3A_2159] : memref<3x2x128x128xf32, #tpu.memory_space<vmem>> -> memref<1x2x128x128xf32, #tpu.memory_space<vmem>>
    %dma_wait3A_2161 = arith.constant 48 : i32
    %dma_wait3A_2162 = arith.constant 0 : i32
    %dma_wait3A_2163 = arith.constant 0 : i32
    %dma_wait3A_2164 = tpu.memref_slice %arg3[%add3A_35, %dma_wait3A_2161, %dma_wait3A_2162, %dma_wait3A_2163] : memref<40x64x128x128xf32, #tpu.memory_space<hbm>> -> memref<1x2x128x128xf32, #tpu.memory_space<hbm>>
    %dma_wait3A_2165 = tpu.memref_slice %arg6[%dma_wait3A_2155] : memref<3x!tpu.dma_semaphore, #tpu.memory_space<semaphore_mem>> -> memref<1x!tpu.dma_semaphore, #tpu.memory_space<semaphore_mem>>
    %dma_wait3A_2166 = tpu.memref_squeeze %dma_wait3A_2165 : memref<1x!tpu.dma_semaphore, #tpu.memory_space<semaphore_mem>> -> memref<!tpu.dma_semaphore, #tpu.memory_space<semaphore_mem>>
    %dma_wait3A_2167 = arith.constant 48 : i32
    %dma_wait3A_2168 = arith.constant 0 : i32
    %dma_wait3A_2169 = arith.constant 0 : i32
    %dma_wait3A_2170 = tpu.memref_slice %arg3[%add3A_35, %dma_wait3A_2167, %dma_wait3A_2168, %dma_wait3A_2169] : memref<40x64x128x128xf32, #tpu.memory_space<hbm>> -> memref<1x2x128x128xf32, #tpu.memory_space<hbm>>
    %dma_wait3A_2171 = arith.constant 0 : i32
    %dma_wait3A_2172 = arith.constant 0 : i32
    %dma_wait3A_2173 = arith.constant 0 : i32
    %dma_wait3A_2174 = arith.constant 0 : i32
    %dma_wait3A_2175 = tpu.memref_slice %arg4[%dma_wait3A_2171, %dma_wait3A_2172, %dma_wait3A_2173, %dma_wait3A_2174] : memref<3x2x128x128xf32, #tpu.memory_space<vmem>> -> memref<1x2x128x128xf32, #tpu.memory_space<vmem>>
    tpu.wait_dma2 semaphore(%dma_wait3A_2166 : memref<!tpu.dma_semaphore, #tpu.memory_space<semaphore_mem>>) src(%dma_wait3A_2175 : memref<1x2x128x128xf32, #tpu.memory_space<vmem>>) dst(%dma_wait3A_2170 : memref<1x2x128x128xf32, #tpu.memory_space<hbm>>)
    %dma_start3A_2176 = arith.constant 0 : i32
    %dma_start3A_2177 = arith.constant 0 : i32
    %dma_start3A_2178 = arith.constant 0 : i32
    %dma_start3A_2179 = arith.constant 0 : i32
    %dma_start3A_2180 = arith.constant 0 : i32
    %dma_start3A_2181 = tpu.memref_slice %arg4[%dma_start3A_2177, %dma_start3A_2178, %dma_start3A_2179, %dma_start3A_2180] : memref<3x2x128x128xf32, #tpu.memory_space<vmem>> -> memref<1x2x128x128xf32, #tpu.memory_space<vmem>>
    %dma_start3A_2182 = arith.constant 54 : i32
    %dma_start3A_2183 = arith.constant 0 : i32
    %dma_start3A_2184 = arith.constant 0 : i32
    %dma_start3A_2185 = tpu.memref_slice %arg2[%add3A_35, %dma_start3A_2182, %dma_start3A_2183, %dma_start3A_2184] : memref<40x64x128x128xf32, #tpu.memory_space<hbm>> -> memref<1x2x128x128xf32, #tpu.memory_space<hbm>>
    %dma_start3A_2186 = tpu.memref_slice %arg5[%dma_start3A_2176] : memref<3x!tpu.dma_semaphore, #tpu.memory_space<semaphore_mem>> -> memref<1x!tpu.dma_semaphore, #tpu.memory_space<semaphore_mem>>
    %dma_start3A_2187 = tpu.memref_squeeze %dma_start3A_2186 : memref<1x!tpu.dma_semaphore, #tpu.memory_space<semaphore_mem>> -> memref<!tpu.dma_semaphore, #tpu.memory_space<semaphore_mem>>
    %dma_start3A_2188 = arith.constant 0 : i32
    %dma_start3A_2189 = arith.constant 0 : i32
    %dma_start3A_2190 = arith.constant 0 : i32
    %dma_start3A_2191 = arith.constant 0 : i32
    %dma_start3A_2192 = tpu.memref_slice %arg4[%dma_start3A_2188, %dma_start3A_2189, %dma_start3A_2190, %dma_start3A_2191] : memref<3x2x128x128xf32, #tpu.memory_space<vmem>> -> memref<1x2x128x128xf32, #tpu.memory_space<vmem>>
    %dma_start3A_2193 = arith.constant 54 : i32
    %dma_start3A_2194 = arith.constant 0 : i32
    %dma_start3A_2195 = arith.constant 0 : i32
    %dma_start3A_2196 = tpu.memref_slice %arg2[%add3A_35, %dma_start3A_2193, %dma_start3A_2194, %dma_start3A_2195] : memref<40x64x128x128xf32, #tpu.memory_space<hbm>> -> memref<1x2x128x128xf32, #tpu.memory_space<hbm>>
    tpu.enqueue_dma source(%dma_start3A_2196 : memref<1x2x128x128xf32, #tpu.memory_space<hbm>>) target(%dma_start3A_2192 : memref<1x2x128x128xf32, #tpu.memory_space<vmem>>) target_semaphore(%dma_start3A_2187 : memref<!tpu.dma_semaphore, #tpu.memory_space<semaphore_mem>>)
    %dma_wait3A_2197 = arith.constant 1 : i32
    %dma_wait3A_2198 = arith.constant 1 : i32
    %dma_wait3A_2199 = arith.constant 0 : i32
    %dma_wait3A_2200 = arith.constant 0 : i32
    %dma_wait3A_2201 = arith.constant 0 : i32
    %dma_wait3A_2202 = tpu.memref_slice %arg4[%dma_wait3A_2198, %dma_wait3A_2199, %dma_wait3A_2200, %dma_wait3A_2201] : memref<3x2x128x128xf32, #tpu.memory_space<vmem>> -> memref<1x2x128x128xf32, #tpu.memory_space<vmem>>
    %dma_wait3A_2203 = arith.constant 50 : i32
    %dma_wait3A_2204 = arith.constant 0 : i32
    %dma_wait3A_2205 = arith.constant 0 : i32
    %dma_wait3A_2206 = tpu.memref_slice %arg2[%add3A_35, %dma_wait3A_2203, %dma_wait3A_2204, %dma_wait3A_2205] : memref<40x64x128x128xf32, #tpu.memory_space<hbm>> -> memref<1x2x128x128xf32, #tpu.memory_space<hbm>>
    %dma_wait3A_2207 = tpu.memref_slice %arg5[%dma_wait3A_2197] : memref<3x!tpu.dma_semaphore, #tpu.memory_space<semaphore_mem>> -> memref<1x!tpu.dma_semaphore, #tpu.memory_space<semaphore_mem>>
    %dma_wait3A_2208 = tpu.memref_squeeze %dma_wait3A_2207 : memref<1x!tpu.dma_semaphore, #tpu.memory_space<semaphore_mem>> -> memref<!tpu.dma_semaphore, #tpu.memory_space<semaphore_mem>>
    %dma_wait3A_2209 = arith.constant 1 : i32
    %dma_wait3A_2210 = arith.constant 0 : i32
    %dma_wait3A_2211 = arith.constant 0 : i32
    %dma_wait3A_2212 = arith.constant 0 : i32
    %dma_wait3A_2213 = tpu.memref_slice %arg4[%dma_wait3A_2209, %dma_wait3A_2210, %dma_wait3A_2211, %dma_wait3A_2212] : memref<3x2x128x128xf32, #tpu.memory_space<vmem>> -> memref<1x2x128x128xf32, #tpu.memory_space<vmem>>
    %dma_wait3A_2214 = arith.constant 50 : i32
    %dma_wait3A_2215 = arith.constant 0 : i32
    %dma_wait3A_2216 = arith.constant 0 : i32
    %dma_wait3A_2217 = tpu.memref_slice %arg2[%add3A_35, %dma_wait3A_2214, %dma_wait3A_2215, %dma_wait3A_2216] : memref<40x64x128x128xf32, #tpu.memory_space<hbm>> -> memref<1x2x128x128xf32, #tpu.memory_space<hbm>>
    tpu.wait_dma2 semaphore(%dma_wait3A_2208 : memref<!tpu.dma_semaphore, #tpu.memory_space<semaphore_mem>>) src(%dma_wait3A_2217 : memref<1x2x128x128xf32, #tpu.memory_space<hbm>>) dst(%dma_wait3A_2213 : memref<1x2x128x128xf32, #tpu.memory_space<vmem>>)
    %dma_start3A_2218 = arith.constant 1 : i32
    %dma_start3A_2219 = arith.constant 1 : i32
    %dma_start3A_2220 = arith.constant 0 : i32
    %dma_start3A_2221 = arith.constant 0 : i32
    %dma_start3A_2222 = arith.constant 0 : i32
    %dma_start3A_2223 = tpu.memref_slice %arg4[%dma_start3A_2219, %dma_start3A_2220, %dma_start3A_2221, %dma_start3A_2222] : memref<3x2x128x128xf32, #tpu.memory_space<vmem>> -> memref<1x2x128x128xf32, #tpu.memory_space<vmem>>
    %dma_start3A_2224 = arith.constant 50 : i32
    %dma_start3A_2225 = arith.constant 0 : i32
    %dma_start3A_2226 = arith.constant 0 : i32
    %dma_start3A_2227 = tpu.memref_slice %arg3[%add3A_35, %dma_start3A_2224, %dma_start3A_2225, %dma_start3A_2226] : memref<40x64x128x128xf32, #tpu.memory_space<hbm>> -> memref<1x2x128x128xf32, #tpu.memory_space<hbm>>
    %dma_start3A_2228 = tpu.memref_slice %arg6[%dma_start3A_2218] : memref<3x!tpu.dma_semaphore, #tpu.memory_space<semaphore_mem>> -> memref<1x!tpu.dma_semaphore, #tpu.memory_space<semaphore_mem>>
    %dma_start3A_2229 = tpu.memref_squeeze %dma_start3A_2228 : memref<1x!tpu.dma_semaphore, #tpu.memory_space<semaphore_mem>> -> memref<!tpu.dma_semaphore, #tpu.memory_space<semaphore_mem>>
    %dma_start3A_2230 = arith.constant 50 : i32
    %dma_start3A_2231 = arith.constant 0 : i32
    %dma_start3A_2232 = arith.constant 0 : i32
    %dma_start3A_2233 = tpu.memref_slice %arg3[%add3A_35, %dma_start3A_2230, %dma_start3A_2231, %dma_start3A_2232] : memref<40x64x128x128xf32, #tpu.memory_space<hbm>> -> memref<1x2x128x128xf32, #tpu.memory_space<hbm>>
    %dma_start3A_2234 = arith.constant 1 : i32
    %dma_start3A_2235 = arith.constant 0 : i32
    %dma_start3A_2236 = arith.constant 0 : i32
    %dma_start3A_2237 = arith.constant 0 : i32
    %dma_start3A_2238 = tpu.memref_slice %arg4[%dma_start3A_2234, %dma_start3A_2235, %dma_start3A_2236, %dma_start3A_2237] : memref<3x2x128x128xf32, #tpu.memory_space<vmem>> -> memref<1x2x128x128xf32, #tpu.memory_space<vmem>>
    tpu.enqueue_dma source(%dma_start3A_2238 : memref<1x2x128x128xf32, #tpu.memory_space<vmem>>) target(%dma_start3A_2233 : memref<1x2x128x128xf32, #tpu.memory_space<hbm>>) target_semaphore(%dma_start3A_2229 : memref<!tpu.dma_semaphore, #tpu.memory_space<semaphore_mem>>)
    %dma_wait3A_2239 = arith.constant 1 : i32
    %dma_wait3A_2240 = arith.constant 1 : i32
    %dma_wait3A_2241 = arith.constant 0 : i32
    %dma_wait3A_2242 = arith.constant 0 : i32
    %dma_wait3A_2243 = arith.constant 0 : i32
    %dma_wait3A_2244 = tpu.memref_slice %arg4[%dma_wait3A_2240, %dma_wait3A_2241, %dma_wait3A_2242, %dma_wait3A_2243] : memref<3x2x128x128xf32, #tpu.memory_space<vmem>> -> memref<1x2x128x128xf32, #tpu.memory_space<vmem>>
    %dma_wait3A_2245 = arith.constant 50 : i32
    %dma_wait3A_2246 = arith.constant 0 : i32
    %dma_wait3A_2247 = arith.constant 0 : i32
    %dma_wait3A_2248 = tpu.memref_slice %arg3[%add3A_35, %dma_wait3A_2245, %dma_wait3A_2246, %dma_wait3A_2247] : memref<40x64x128x128xf32, #tpu.memory_space<hbm>> -> memref<1x2x128x128xf32, #tpu.memory_space<hbm>>
    %dma_wait3A_2249 = tpu.memref_slice %arg6[%dma_wait3A_2239] : memref<3x!tpu.dma_semaphore, #tpu.memory_space<semaphore_mem>> -> memref<1x!tpu.dma_semaphore, #tpu.memory_space<semaphore_mem>>
    %dma_wait3A_2250 = tpu.memref_squeeze %dma_wait3A_2249 : memref<1x!tpu.dma_semaphore, #tpu.memory_space<semaphore_mem>> -> memref<!tpu.dma_semaphore, #tpu.memory_space<semaphore_mem>>
    %dma_wait3A_2251 = arith.constant 50 : i32
    %dma_wait3A_2252 = arith.constant 0 : i32
    %dma_wait3A_2253 = arith.constant 0 : i32
    %dma_wait3A_2254 = tpu.memref_slice %arg3[%add3A_35, %dma_wait3A_2251, %dma_wait3A_2252, %dma_wait3A_2253] : memref<40x64x128x128xf32, #tpu.memory_space<hbm>> -> memref<1x2x128x128xf32, #tpu.memory_space<hbm>>
    %dma_wait3A_2255 = arith.constant 1 : i32
    %dma_wait3A_2256 = arith.constant 0 : i32
    %dma_wait3A_2257 = arith.constant 0 : i32
    %dma_wait3A_2258 = arith.constant 0 : i32
    %dma_wait3A_2259 = tpu.memref_slice %arg4[%dma_wait3A_2255, %dma_wait3A_2256, %dma_wait3A_2257, %dma_wait3A_2258] : memref<3x2x128x128xf32, #tpu.memory_space<vmem>> -> memref<1x2x128x128xf32, #tpu.memory_space<vmem>>
    tpu.wait_dma2 semaphore(%dma_wait3A_2250 : memref<!tpu.dma_semaphore, #tpu.memory_space<semaphore_mem>>) src(%dma_wait3A_2259 : memref<1x2x128x128xf32, #tpu.memory_space<vmem>>) dst(%dma_wait3A_2254 : memref<1x2x128x128xf32, #tpu.memory_space<hbm>>)
    %dma_start3A_2260 = arith.constant 1 : i32
    %dma_start3A_2261 = arith.constant 1 : i32
    %dma_start3A_2262 = arith.constant 0 : i32
    %dma_start3A_2263 = arith.constant 0 : i32
    %dma_start3A_2264 = arith.constant 0 : i32
    %dma_start3A_2265 = tpu.memref_slice %arg4[%dma_start3A_2261, %dma_start3A_2262, %dma_start3A_2263, %dma_start3A_2264] : memref<3x2x128x128xf32, #tpu.memory_space<vmem>> -> memref<1x2x128x128xf32, #tpu.memory_space<vmem>>
    %dma_start3A_2266 = arith.constant 56 : i32
    %dma_start3A_2267 = arith.constant 0 : i32
    %dma_start3A_2268 = arith.constant 0 : i32
    %dma_start3A_2269 = tpu.memref_slice %arg2[%add3A_35, %dma_start3A_2266, %dma_start3A_2267, %dma_start3A_2268] : memref<40x64x128x128xf32, #tpu.memory_space<hbm>> -> memref<1x2x128x128xf32, #tpu.memory_space<hbm>>
    %dma_start3A_2270 = tpu.memref_slice %arg5[%dma_start3A_2260] : memref<3x!tpu.dma_semaphore, #tpu.memory_space<semaphore_mem>> -> memref<1x!tpu.dma_semaphore, #tpu.memory_space<semaphore_mem>>
    %dma_start3A_2271 = tpu.memref_squeeze %dma_start3A_2270 : memref<1x!tpu.dma_semaphore, #tpu.memory_space<semaphore_mem>> -> memref<!tpu.dma_semaphore, #tpu.memory_space<semaphore_mem>>
    %dma_start3A_2272 = arith.constant 1 : i32
    %dma_start3A_2273 = arith.constant 0 : i32
    %dma_start3A_2274 = arith.constant 0 : i32
    %dma_start3A_2275 = arith.constant 0 : i32
    %dma_start3A_2276 = tpu.memref_slice %arg4[%dma_start3A_2272, %dma_start3A_2273, %dma_start3A_2274, %dma_start3A_2275] : memref<3x2x128x128xf32, #tpu.memory_space<vmem>> -> memref<1x2x128x128xf32, #tpu.memory_space<vmem>>
    %dma_start3A_2277 = arith.constant 56 : i32
    %dma_start3A_2278 = arith.constant 0 : i32
    %dma_start3A_2279 = arith.constant 0 : i32
    %dma_start3A_2280 = tpu.memref_slice %arg2[%add3A_35, %dma_start3A_2277, %dma_start3A_2278, %dma_start3A_2279] : memref<40x64x128x128xf32, #tpu.memory_space<hbm>> -> memref<1x2x128x128xf32, #tpu.memory_space<hbm>>
    tpu.enqueue_dma source(%dma_start3A_2280 : memref<1x2x128x128xf32, #tpu.memory_space<hbm>>) target(%dma_start3A_2276 : memref<1x2x128x128xf32, #tpu.memory_space<vmem>>) target_semaphore(%dma_start3A_2271 : memref<!tpu.dma_semaphore, #tpu.memory_space<semaphore_mem>>)
    %dma_wait3A_2281 = arith.constant 2 : i32
    %dma_wait3A_2282 = arith.constant 2 : i32
    %dma_wait3A_2283 = arith.constant 0 : i32
    %dma_wait3A_2284 = arith.constant 0 : i32
    %dma_wait3A_2285 = arith.constant 0 : i32
    %dma_wait3A_2286 = tpu.memref_slice %arg4[%dma_wait3A_2282, %dma_wait3A_2283, %dma_wait3A_2284, %dma_wait3A_2285] : memref<3x2x128x128xf32, #tpu.memory_space<vmem>> -> memref<1x2x128x128xf32, #tpu.memory_space<vmem>>
    %dma_wait3A_2287 = arith.constant 52 : i32
    %dma_wait3A_2288 = arith.constant 0 : i32
    %dma_wait3A_2289 = arith.constant 0 : i32
    %dma_wait3A_2290 = tpu.memref_slice %arg2[%add3A_35, %dma_wait3A_2287, %dma_wait3A_2288, %dma_wait3A_2289] : memref<40x64x128x128xf32, #tpu.memory_space<hbm>> -> memref<1x2x128x128xf32, #tpu.memory_space<hbm>>
    %dma_wait3A_2291 = tpu.memref_slice %arg5[%dma_wait3A_2281] : memref<3x!tpu.dma_semaphore, #tpu.memory_space<semaphore_mem>> -> memref<1x!tpu.dma_semaphore, #tpu.memory_space<semaphore_mem>>
    %dma_wait3A_2292 = tpu.memref_squeeze %dma_wait3A_2291 : memref<1x!tpu.dma_semaphore, #tpu.memory_space<semaphore_mem>> -> memref<!tpu.dma_semaphore, #tpu.memory_space<semaphore_mem>>
    %dma_wait3A_2293 = arith.constant 2 : i32
    %dma_wait3A_2294 = arith.constant 0 : i32
    %dma_wait3A_2295 = arith.constant 0 : i32
    %dma_wait3A_2296 = arith.constant 0 : i32
    %dma_wait3A_2297 = tpu.memref_slice %arg4[%dma_wait3A_2293, %dma_wait3A_2294, %dma_wait3A_2295, %dma_wait3A_2296] : memref<3x2x128x128xf32, #tpu.memory_space<vmem>> -> memref<1x2x128x128xf32, #tpu.memory_space<vmem>>
    %dma_wait3A_2298 = arith.constant 52 : i32
    %dma_wait3A_2299 = arith.constant 0 : i32
    %dma_wait3A_2300 = arith.constant 0 : i32
    %dma_wait3A_2301 = tpu.memref_slice %arg2[%add3A_35, %dma_wait3A_2298, %dma_wait3A_2299, %dma_wait3A_2300] : memref<40x64x128x128xf32, #tpu.memory_space<hbm>> -> memref<1x2x128x128xf32, #tpu.memory_space<hbm>>
    tpu.wait_dma2 semaphore(%dma_wait3A_2292 : memref<!tpu.dma_semaphore, #tpu.memory_space<semaphore_mem>>) src(%dma_wait3A_2301 : memref<1x2x128x128xf32, #tpu.memory_space<hbm>>) dst(%dma_wait3A_2297 : memref<1x2x128x128xf32, #tpu.memory_space<vmem>>)
    %dma_start3A_2302 = arith.constant 2 : i32
    %dma_start3A_2303 = arith.constant 2 : i32
    %dma_start3A_2304 = arith.constant 0 : i32
    %dma_start3A_2305 = arith.constant 0 : i32
    %dma_start3A_2306 = arith.constant 0 : i32
    %dma_start3A_2307 = tpu.memref_slice %arg4[%dma_start3A_2303, %dma_start3A_2304, %dma_start3A_2305, %dma_start3A_2306] : memref<3x2x128x128xf32, #tpu.memory_space<vmem>> -> memref<1x2x128x128xf32, #tpu.memory_space<vmem>>
    %dma_start3A_2308 = arith.constant 52 : i32
    %dma_start3A_2309 = arith.constant 0 : i32
    %dma_start3A_2310 = arith.constant 0 : i32
    %dma_start3A_2311 = tpu.memref_slice %arg3[%add3A_35, %dma_start3A_2308, %dma_start3A_2309, %dma_start3A_2310] : memref<40x64x128x128xf32, #tpu.memory_space<hbm>> -> memref<1x2x128x128xf32, #tpu.memory_space<hbm>>
    %dma_start3A_2312 = tpu.memref_slice %arg6[%dma_start3A_2302] : memref<3x!tpu.dma_semaphore, #tpu.memory_space<semaphore_mem>> -> memref<1x!tpu.dma_semaphore, #tpu.memory_space<semaphore_mem>>
    %dma_start3A_2313 = tpu.memref_squeeze %dma_start3A_2312 : memref<1x!tpu.dma_semaphore, #tpu.memory_space<semaphore_mem>> -> memref<!tpu.dma_semaphore, #tpu.memory_space<semaphore_mem>>
    %dma_start3A_2314 = arith.constant 52 : i32
    %dma_start3A_2315 = arith.constant 0 : i32
    %dma_start3A_2316 = arith.constant 0 : i32
    %dma_start3A_2317 = tpu.memref_slice %arg3[%add3A_35, %dma_start3A_2314, %dma_start3A_2315, %dma_start3A_2316] : memref<40x64x128x128xf32, #tpu.memory_space<hbm>> -> memref<1x2x128x128xf32, #tpu.memory_space<hbm>>
    %dma_start3A_2318 = arith.constant 2 : i32
    %dma_start3A_2319 = arith.constant 0 : i32
    %dma_start3A_2320 = arith.constant 0 : i32
    %dma_start3A_2321 = arith.constant 0 : i32
    %dma_start3A_2322 = tpu.memref_slice %arg4[%dma_start3A_2318, %dma_start3A_2319, %dma_start3A_2320, %dma_start3A_2321] : memref<3x2x128x128xf32, #tpu.memory_space<vmem>> -> memref<1x2x128x128xf32, #tpu.memory_space<vmem>>
    tpu.enqueue_dma source(%dma_start3A_2322 : memref<1x2x128x128xf32, #tpu.memory_space<vmem>>) target(%dma_start3A_2317 : memref<1x2x128x128xf32, #tpu.memory_space<hbm>>) target_semaphore(%dma_start3A_2313 : memref<!tpu.dma_semaphore, #tpu.memory_space<semaphore_mem>>)
    %dma_wait3A_2323 = arith.constant 2 : i32
    %dma_wait3A_2324 = arith.constant 2 : i32
    %dma_wait3A_2325 = arith.constant 0 : i32
    %dma_wait3A_2326 = arith.constant 0 : i32
    %dma_wait3A_2327 = arith.constant 0 : i32
    %dma_wait3A_2328 = tpu.memref_slice %arg4[%dma_wait3A_2324, %dma_wait3A_2325, %dma_wait3A_2326, %dma_wait3A_2327] : memref<3x2x128x128xf32, #tpu.memory_space<vmem>> -> memref<1x2x128x128xf32, #tpu.memory_space<vmem>>
    %dma_wait3A_2329 = arith.constant 52 : i32
    %dma_wait3A_2330 = arith.constant 0 : i32
    %dma_wait3A_2331 = arith.constant 0 : i32
    %dma_wait3A_2332 = tpu.memref_slice %arg3[%add3A_35, %dma_wait3A_2329, %dma_wait3A_2330, %dma_wait3A_2331] : memref<40x64x128x128xf32, #tpu.memory_space<hbm>> -> memref<1x2x128x128xf32, #tpu.memory_space<hbm>>
    %dma_wait3A_2333 = tpu.memref_slice %arg6[%dma_wait3A_2323] : memref<3x!tpu.dma_semaphore, #tpu.memory_space<semaphore_mem>> -> memref<1x!tpu.dma_semaphore, #tpu.memory_space<semaphore_mem>>
    %dma_wait3A_2334 = tpu.memref_squeeze %dma_wait3A_2333 : memref<1x!tpu.dma_semaphore, #tpu.memory_space<semaphore_mem>> -> memref<!tpu.dma_semaphore, #tpu.memory_space<semaphore_mem>>
    %dma_wait3A_2335 = arith.constant 52 : i32
    %dma_wait3A_2336 = arith.constant 0 : i32
    %dma_wait3A_2337 = arith.constant 0 : i32
    %dma_wait3A_2338 = tpu.memref_slice %arg3[%add3A_35, %dma_wait3A_2335, %dma_wait3A_2336, %dma_wait3A_2337] : memref<40x64x128x128xf32, #tpu.memory_space<hbm>> -> memref<1x2x128x128xf32, #tpu.memory_space<hbm>>
    %dma_wait3A_2339 = arith.constant 2 : i32
    %dma_wait3A_2340 = arith.constant 0 : i32
    %dma_wait3A_2341 = arith.constant 0 : i32
    %dma_wait3A_2342 = arith.constant 0 : i32
    %dma_wait3A_2343 = tpu.memref_slice %arg4[%dma_wait3A_2339, %dma_wait3A_2340, %dma_wait3A_2341, %dma_wait3A_2342] : memref<3x2x128x128xf32, #tpu.memory_space<vmem>> -> memref<1x2x128x128xf32, #tpu.memory_space<vmem>>
    tpu.wait_dma2 semaphore(%dma_wait3A_2334 : memref<!tpu.dma_semaphore, #tpu.memory_space<semaphore_mem>>) src(%dma_wait3A_2343 : memref<1x2x128x128xf32, #tpu.memory_space<vmem>>) dst(%dma_wait3A_2338 : memref<1x2x128x128xf32, #tpu.memory_space<hbm>>)
    %dma_start3A_2344 = arith.constant 2 : i32
    %dma_start3A_2345 = arith.constant 2 : i32
    %dma_start3A_2346 = arith.constant 0 : i32
    %dma_start3A_2347 = arith.constant 0 : i32
    %dma_start3A_2348 = arith.constant 0 : i32
    %dma_start3A_2349 = tpu.memref_slice %arg4[%dma_start3A_2345, %dma_start3A_2346, %dma_start3A_2347, %dma_start3A_2348] : memref<3x2x128x128xf32, #tpu.memory_space<vmem>> -> memref<1x2x128x128xf32, #tpu.memory_space<vmem>>
    %dma_start3A_2350 = arith.constant 58 : i32
    %dma_start3A_2351 = arith.constant 0 : i32
    %dma_start3A_2352 = arith.constant 0 : i32
    %dma_start3A_2353 = tpu.memref_slice %arg2[%add3A_35, %dma_start3A_2350, %dma_start3A_2351, %dma_start3A_2352] : memref<40x64x128x128xf32, #tpu.memory_space<hbm>> -> memref<1x2x128x128xf32, #tpu.memory_space<hbm>>
    %dma_start3A_2354 = tpu.memref_slice %arg5[%dma_start3A_2344] : memref<3x!tpu.dma_semaphore, #tpu.memory_space<semaphore_mem>> -> memref<1x!tpu.dma_semaphore, #tpu.memory_space<semaphore_mem>>
    %dma_start3A_2355 = tpu.memref_squeeze %dma_start3A_2354 : memref<1x!tpu.dma_semaphore, #tpu.memory_space<semaphore_mem>> -> memref<!tpu.dma_semaphore, #tpu.memory_space<semaphore_mem>>
    %dma_start3A_2356 = arith.constant 2 : i32
    %dma_start3A_2357 = arith.constant 0 : i32
    %dma_start3A_2358 = arith.constant 0 : i32
    %dma_start3A_2359 = arith.constant 0 : i32
    %dma_start3A_2360 = tpu.memref_slice %arg4[%dma_start3A_2356, %dma_start3A_2357, %dma_start3A_2358, %dma_start3A_2359] : memref<3x2x128x128xf32, #tpu.memory_space<vmem>> -> memref<1x2x128x128xf32, #tpu.memory_space<vmem>>
    %dma_start3A_2361 = arith.constant 58 : i32
    %dma_start3A_2362 = arith.constant 0 : i32
    %dma_start3A_2363 = arith.constant 0 : i32
    %dma_start3A_2364 = tpu.memref_slice %arg2[%add3A_35, %dma_start3A_2361, %dma_start3A_2362, %dma_start3A_2363] : memref<40x64x128x128xf32, #tpu.memory_space<hbm>> -> memref<1x2x128x128xf32, #tpu.memory_space<hbm>>
    tpu.enqueue_dma source(%dma_start3A_2364 : memref<1x2x128x128xf32, #tpu.memory_space<hbm>>) target(%dma_start3A_2360 : memref<1x2x128x128xf32, #tpu.memory_space<vmem>>) target_semaphore(%dma_start3A_2355 : memref<!tpu.dma_semaphore, #tpu.memory_space<semaphore_mem>>)
    %dma_wait3A_2365 = arith.constant 0 : i32
    %dma_wait3A_2366 = arith.constant 0 : i32
    %dma_wait3A_2367 = arith.constant 0 : i32
    %dma_wait3A_2368 = arith.constant 0 : i32
    %dma_wait3A_2369 = arith.constant 0 : i32
    %dma_wait3A_2370 = tpu.memref_slice %arg4[%dma_wait3A_2366, %dma_wait3A_2367, %dma_wait3A_2368, %dma_wait3A_2369] : memref<3x2x128x128xf32, #tpu.memory_space<vmem>> -> memref<1x2x128x128xf32, #tpu.memory_space<vmem>>
    %dma_wait3A_2371 = arith.constant 54 : i32
    %dma_wait3A_2372 = arith.constant 0 : i32
    %dma_wait3A_2373 = arith.constant 0 : i32
    %dma_wait3A_2374 = tpu.memref_slice %arg2[%add3A_35, %dma_wait3A_2371, %dma_wait3A_2372, %dma_wait3A_2373] : memref<40x64x128x128xf32, #tpu.memory_space<hbm>> -> memref<1x2x128x128xf32, #tpu.memory_space<hbm>>
    %dma_wait3A_2375 = tpu.memref_slice %arg5[%dma_wait3A_2365] : memref<3x!tpu.dma_semaphore, #tpu.memory_space<semaphore_mem>> -> memref<1x!tpu.dma_semaphore, #tpu.memory_space<semaphore_mem>>
    %dma_wait3A_2376 = tpu.memref_squeeze %dma_wait3A_2375 : memref<1x!tpu.dma_semaphore, #tpu.memory_space<semaphore_mem>> -> memref<!tpu.dma_semaphore, #tpu.memory_space<semaphore_mem>>
    %dma_wait3A_2377 = arith.constant 0 : i32
    %dma_wait3A_2378 = arith.constant 0 : i32
    %dma_wait3A_2379 = arith.constant 0 : i32
    %dma_wait3A_2380 = arith.constant 0 : i32
    %dma_wait3A_2381 = tpu.memref_slice %arg4[%dma_wait3A_2377, %dma_wait3A_2378, %dma_wait3A_2379, %dma_wait3A_2380] : memref<3x2x128x128xf32, #tpu.memory_space<vmem>> -> memref<1x2x128x128xf32, #tpu.memory_space<vmem>>
    %dma_wait3A_2382 = arith.constant 54 : i32
    %dma_wait3A_2383 = arith.constant 0 : i32
    %dma_wait3A_2384 = arith.constant 0 : i32
    %dma_wait3A_2385 = tpu.memref_slice %arg2[%add3A_35, %dma_wait3A_2382, %dma_wait3A_2383, %dma_wait3A_2384] : memref<40x64x128x128xf32, #tpu.memory_space<hbm>> -> memref<1x2x128x128xf32, #tpu.memory_space<hbm>>
    tpu.wait_dma2 semaphore(%dma_wait3A_2376 : memref<!tpu.dma_semaphore, #tpu.memory_space<semaphore_mem>>) src(%dma_wait3A_2385 : memref<1x2x128x128xf32, #tpu.memory_space<hbm>>) dst(%dma_wait3A_2381 : memref<1x2x128x128xf32, #tpu.memory_space<vmem>>)
    %dma_start3A_2386 = arith.constant 0 : i32
    %dma_start3A_2387 = arith.constant 0 : i32
    %dma_start3A_2388 = arith.constant 0 : i32
    %dma_start3A_2389 = arith.constant 0 : i32
    %dma_start3A_2390 = arith.constant 0 : i32
    %dma_start3A_2391 = tpu.memref_slice %arg4[%dma_start3A_2387, %dma_start3A_2388, %dma_start3A_2389, %dma_start3A_2390] : memref<3x2x128x128xf32, #tpu.memory_space<vmem>> -> memref<1x2x128x128xf32, #tpu.memory_space<vmem>>
    %dma_start3A_2392 = arith.constant 54 : i32
    %dma_start3A_2393 = arith.constant 0 : i32
    %dma_start3A_2394 = arith.constant 0 : i32
    %dma_start3A_2395 = tpu.memref_slice %arg3[%add3A_35, %dma_start3A_2392, %dma_start3A_2393, %dma_start3A_2394] : memref<40x64x128x128xf32, #tpu.memory_space<hbm>> -> memref<1x2x128x128xf32, #tpu.memory_space<hbm>>
    %dma_start3A_2396 = tpu.memref_slice %arg6[%dma_start3A_2386] : memref<3x!tpu.dma_semaphore, #tpu.memory_space<semaphore_mem>> -> memref<1x!tpu.dma_semaphore, #tpu.memory_space<semaphore_mem>>
    %dma_start3A_2397 = tpu.memref_squeeze %dma_start3A_2396 : memref<1x!tpu.dma_semaphore, #tpu.memory_space<semaphore_mem>> -> memref<!tpu.dma_semaphore, #tpu.memory_space<semaphore_mem>>
    %dma_start3A_2398 = arith.constant 54 : i32
    %dma_start3A_2399 = arith.constant 0 : i32
    %dma_start3A_2400 = arith.constant 0 : i32
    %dma_start3A_2401 = tpu.memref_slice %arg3[%add3A_35, %dma_start3A_2398, %dma_start3A_2399, %dma_start3A_2400] : memref<40x64x128x128xf32, #tpu.memory_space<hbm>> -> memref<1x2x128x128xf32, #tpu.memory_space<hbm>>
    %dma_start3A_2402 = arith.constant 0 : i32
    %dma_start3A_2403 = arith.constant 0 : i32
    %dma_start3A_2404 = arith.constant 0 : i32
    %dma_start3A_2405 = arith.constant 0 : i32
    %dma_start3A_2406 = tpu.memref_slice %arg4[%dma_start3A_2402, %dma_start3A_2403, %dma_start3A_2404, %dma_start3A_2405] : memref<3x2x128x128xf32, #tpu.memory_space<vmem>> -> memref<1x2x128x128xf32, #tpu.memory_space<vmem>>
    tpu.enqueue_dma source(%dma_start3A_2406 : memref<1x2x128x128xf32, #tpu.memory_space<vmem>>) target(%dma_start3A_2401 : memref<1x2x128x128xf32, #tpu.memory_space<hbm>>) target_semaphore(%dma_start3A_2397 : memref<!tpu.dma_semaphore, #tpu.memory_space<semaphore_mem>>)
    %dma_wait3A_2407 = arith.constant 0 : i32
    %dma_wait3A_2408 = arith.constant 0 : i32
    %dma_wait3A_2409 = arith.constant 0 : i32
    %dma_wait3A_2410 = arith.constant 0 : i32
    %dma_wait3A_2411 = arith.constant 0 : i32
    %dma_wait3A_2412 = tpu.memref_slice %arg4[%dma_wait3A_2408, %dma_wait3A_2409, %dma_wait3A_2410, %dma_wait3A_2411] : memref<3x2x128x128xf32, #tpu.memory_space<vmem>> -> memref<1x2x128x128xf32, #tpu.memory_space<vmem>>
    %dma_wait3A_2413 = arith.constant 54 : i32
    %dma_wait3A_2414 = arith.constant 0 : i32
    %dma_wait3A_2415 = arith.constant 0 : i32
    %dma_wait3A_2416 = tpu.memref_slice %arg3[%add3A_35, %dma_wait3A_2413, %dma_wait3A_2414, %dma_wait3A_2415] : memref<40x64x128x128xf32, #tpu.memory_space<hbm>> -> memref<1x2x128x128xf32, #tpu.memory_space<hbm>>
    %dma_wait3A_2417 = tpu.memref_slice %arg6[%dma_wait3A_2407] : memref<3x!tpu.dma_semaphore, #tpu.memory_space<semaphore_mem>> -> memref<1x!tpu.dma_semaphore, #tpu.memory_space<semaphore_mem>>
    %dma_wait3A_2418 = tpu.memref_squeeze %dma_wait3A_2417 : memref<1x!tpu.dma_semaphore, #tpu.memory_space<semaphore_mem>> -> memref<!tpu.dma_semaphore, #tpu.memory_space<semaphore_mem>>
    %dma_wait3A_2419 = arith.constant 54 : i32
    %dma_wait3A_2420 = arith.constant 0 : i32
    %dma_wait3A_2421 = arith.constant 0 : i32
    %dma_wait3A_2422 = tpu.memref_slice %arg3[%add3A_35, %dma_wait3A_2419, %dma_wait3A_2420, %dma_wait3A_2421] : memref<40x64x128x128xf32, #tpu.memory_space<hbm>> -> memref<1x2x128x128xf32, #tpu.memory_space<hbm>>
    %dma_wait3A_2423 = arith.constant 0 : i32
    %dma_wait3A_2424 = arith.constant 0 : i32
    %dma_wait3A_2425 = arith.constant 0 : i32
    %dma_wait3A_2426 = arith.constant 0 : i32
    %dma_wait3A_2427 = tpu.memref_slice %arg4[%dma_wait3A_2423, %dma_wait3A_2424, %dma_wait3A_2425, %dma_wait3A_2426] : memref<3x2x128x128xf32, #tpu.memory_space<vmem>> -> memref<1x2x128x128xf32, #tpu.memory_space<vmem>>
    tpu.wait_dma2 semaphore(%dma_wait3A_2418 : memref<!tpu.dma_semaphore, #tpu.memory_space<semaphore_mem>>) src(%dma_wait3A_2427 : memref<1x2x128x128xf32, #tpu.memory_space<vmem>>) dst(%dma_wait3A_2422 : memref<1x2x128x128xf32, #tpu.memory_space<hbm>>)
    %dma_start3A_2428 = arith.constant 0 : i32
    %dma_start3A_2429 = arith.constant 0 : i32
    %dma_start3A_2430 = arith.constant 0 : i32
    %dma_start3A_2431 = arith.constant 0 : i32
    %dma_start3A_2432 = arith.constant 0 : i32
    %dma_start3A_2433 = tpu.memref_slice %arg4[%dma_start3A_2429, %dma_start3A_2430, %dma_start3A_2431, %dma_start3A_2432] : memref<3x2x128x128xf32, #tpu.memory_space<vmem>> -> memref<1x2x128x128xf32, #tpu.memory_space<vmem>>
    %dma_start3A_2434 = arith.constant 60 : i32
    %dma_start3A_2435 = arith.constant 0 : i32
    %dma_start3A_2436 = arith.constant 0 : i32
    %dma_start3A_2437 = tpu.memref_slice %arg2[%add3A_35, %dma_start3A_2434, %dma_start3A_2435, %dma_start3A_2436] : memref<40x64x128x128xf32, #tpu.memory_space<hbm>> -> memref<1x2x128x128xf32, #tpu.memory_space<hbm>>
    %dma_start3A_2438 = tpu.memref_slice %arg5[%dma_start3A_2428] : memref<3x!tpu.dma_semaphore, #tpu.memory_space<semaphore_mem>> -> memref<1x!tpu.dma_semaphore, #tpu.memory_space<semaphore_mem>>
    %dma_start3A_2439 = tpu.memref_squeeze %dma_start3A_2438 : memref<1x!tpu.dma_semaphore, #tpu.memory_space<semaphore_mem>> -> memref<!tpu.dma_semaphore, #tpu.memory_space<semaphore_mem>>
    %dma_start3A_2440 = arith.constant 0 : i32
    %dma_start3A_2441 = arith.constant 0 : i32
    %dma_start3A_2442 = arith.constant 0 : i32
    %dma_start3A_2443 = arith.constant 0 : i32
    %dma_start3A_2444 = tpu.memref_slice %arg4[%dma_start3A_2440, %dma_start3A_2441, %dma_start3A_2442, %dma_start3A_2443] : memref<3x2x128x128xf32, #tpu.memory_space<vmem>> -> memref<1x2x128x128xf32, #tpu.memory_space<vmem>>
    %dma_start3A_2445 = arith.constant 60 : i32
    %dma_start3A_2446 = arith.constant 0 : i32
    %dma_start3A_2447 = arith.constant 0 : i32
    %dma_start3A_2448 = tpu.memref_slice %arg2[%add3A_35, %dma_start3A_2445, %dma_start3A_2446, %dma_start3A_2447] : memref<40x64x128x128xf32, #tpu.memory_space<hbm>> -> memref<1x2x128x128xf32, #tpu.memory_space<hbm>>
    tpu.enqueue_dma source(%dma_start3A_2448 : memref<1x2x128x128xf32, #tpu.memory_space<hbm>>) target(%dma_start3A_2444 : memref<1x2x128x128xf32, #tpu.memory_space<vmem>>) target_semaphore(%dma_start3A_2439 : memref<!tpu.dma_semaphore, #tpu.memory_space<semaphore_mem>>)
    %dma_wait3A_2449 = arith.constant 1 : i32
    %dma_wait3A_2450 = arith.constant 1 : i32
    %dma_wait3A_2451 = arith.constant 0 : i32
    %dma_wait3A_2452 = arith.constant 0 : i32
    %dma_wait3A_2453 = arith.constant 0 : i32
    %dma_wait3A_2454 = tpu.memref_slice %arg4[%dma_wait3A_2450, %dma_wait3A_2451, %dma_wait3A_2452, %dma_wait3A_2453] : memref<3x2x128x128xf32, #tpu.memory_space<vmem>> -> memref<1x2x128x128xf32, #tpu.memory_space<vmem>>
    %dma_wait3A_2455 = arith.constant 56 : i32
    %dma_wait3A_2456 = arith.constant 0 : i32
    %dma_wait3A_2457 = arith.constant 0 : i32
    %dma_wait3A_2458 = tpu.memref_slice %arg2[%add3A_35, %dma_wait3A_2455, %dma_wait3A_2456, %dma_wait3A_2457] : memref<40x64x128x128xf32, #tpu.memory_space<hbm>> -> memref<1x2x128x128xf32, #tpu.memory_space<hbm>>
    %dma_wait3A_2459 = tpu.memref_slice %arg5[%dma_wait3A_2449] : memref<3x!tpu.dma_semaphore, #tpu.memory_space<semaphore_mem>> -> memref<1x!tpu.dma_semaphore, #tpu.memory_space<semaphore_mem>>
    %dma_wait3A_2460 = tpu.memref_squeeze %dma_wait3A_2459 : memref<1x!tpu.dma_semaphore, #tpu.memory_space<semaphore_mem>> -> memref<!tpu.dma_semaphore, #tpu.memory_space<semaphore_mem>>
    %dma_wait3A_2461 = arith.constant 1 : i32
    %dma_wait3A_2462 = arith.constant 0 : i32
    %dma_wait3A_2463 = arith.constant 0 : i32
    %dma_wait3A_2464 = arith.constant 0 : i32
    %dma_wait3A_2465 = tpu.memref_slice %arg4[%dma_wait3A_2461, %dma_wait3A_2462, %dma_wait3A_2463, %dma_wait3A_2464] : memref<3x2x128x128xf32, #tpu.memory_space<vmem>> -> memref<1x2x128x128xf32, #tpu.memory_space<vmem>>
    %dma_wait3A_2466 = arith.constant 56 : i32
    %dma_wait3A_2467 = arith.constant 0 : i32
    %dma_wait3A_2468 = arith.constant 0 : i32
    %dma_wait3A_2469 = tpu.memref_slice %arg2[%add3A_35, %dma_wait3A_2466, %dma_wait3A_2467, %dma_wait3A_2468] : memref<40x64x128x128xf32, #tpu.memory_space<hbm>> -> memref<1x2x128x128xf32, #tpu.memory_space<hbm>>
    tpu.wait_dma2 semaphore(%dma_wait3A_2460 : memref<!tpu.dma_semaphore, #tpu.memory_space<semaphore_mem>>) src(%dma_wait3A_2469 : memref<1x2x128x128xf32, #tpu.memory_space<hbm>>) dst(%dma_wait3A_2465 : memref<1x2x128x128xf32, #tpu.memory_space<vmem>>)
    %dma_start3A_2470 = arith.constant 1 : i32
    %dma_start3A_2471 = arith.constant 1 : i32
    %dma_start3A_2472 = arith.constant 0 : i32
    %dma_start3A_2473 = arith.constant 0 : i32
    %dma_start3A_2474 = arith.constant 0 : i32
    %dma_start3A_2475 = tpu.memref_slice %arg4[%dma_start3A_2471, %dma_start3A_2472, %dma_start3A_2473, %dma_start3A_2474] : memref<3x2x128x128xf32, #tpu.memory_space<vmem>> -> memref<1x2x128x128xf32, #tpu.memory_space<vmem>>
    %dma_start3A_2476 = arith.constant 56 : i32
    %dma_start3A_2477 = arith.constant 0 : i32
    %dma_start3A_2478 = arith.constant 0 : i32
    %dma_start3A_2479 = tpu.memref_slice %arg3[%add3A_35, %dma_start3A_2476, %dma_start3A_2477, %dma_start3A_2478] : memref<40x64x128x128xf32, #tpu.memory_space<hbm>> -> memref<1x2x128x128xf32, #tpu.memory_space<hbm>>
    %dma_start3A_2480 = tpu.memref_slice %arg6[%dma_start3A_2470] : memref<3x!tpu.dma_semaphore, #tpu.memory_space<semaphore_mem>> -> memref<1x!tpu.dma_semaphore, #tpu.memory_space<semaphore_mem>>
    %dma_start3A_2481 = tpu.memref_squeeze %dma_start3A_2480 : memref<1x!tpu.dma_semaphore, #tpu.memory_space<semaphore_mem>> -> memref<!tpu.dma_semaphore, #tpu.memory_space<semaphore_mem>>
    %dma_start3A_2482 = arith.constant 56 : i32
    %dma_start3A_2483 = arith.constant 0 : i32
    %dma_start3A_2484 = arith.constant 0 : i32
    %dma_start3A_2485 = tpu.memref_slice %arg3[%add3A_35, %dma_start3A_2482, %dma_start3A_2483, %dma_start3A_2484] : memref<40x64x128x128xf32, #tpu.memory_space<hbm>> -> memref<1x2x128x128xf32, #tpu.memory_space<hbm>>
    %dma_start3A_2486 = arith.constant 1 : i32
    %dma_start3A_2487 = arith.constant 0 : i32
    %dma_start3A_2488 = arith.constant 0 : i32
    %dma_start3A_2489 = arith.constant 0 : i32
    %dma_start3A_2490 = tpu.memref_slice %arg4[%dma_start3A_2486, %dma_start3A_2487, %dma_start3A_2488, %dma_start3A_2489] : memref<3x2x128x128xf32, #tpu.memory_space<vmem>> -> memref<1x2x128x128xf32, #tpu.memory_space<vmem>>
    tpu.enqueue_dma source(%dma_start3A_2490 : memref<1x2x128x128xf32, #tpu.memory_space<vmem>>) target(%dma_start3A_2485 : memref<1x2x128x128xf32, #tpu.memory_space<hbm>>) target_semaphore(%dma_start3A_2481 : memref<!tpu.dma_semaphore, #tpu.memory_space<semaphore_mem>>)
    %dma_wait3A_2491 = arith.constant 1 : i32
    %dma_wait3A_2492 = arith.constant 1 : i32
    %dma_wait3A_2493 = arith.constant 0 : i32
    %dma_wait3A_2494 = arith.constant 0 : i32
    %dma_wait3A_2495 = arith.constant 0 : i32
    %dma_wait3A_2496 = tpu.memref_slice %arg4[%dma_wait3A_2492, %dma_wait3A_2493, %dma_wait3A_2494, %dma_wait3A_2495] : memref<3x2x128x128xf32, #tpu.memory_space<vmem>> -> memref<1x2x128x128xf32, #tpu.memory_space<vmem>>
    %dma_wait3A_2497 = arith.constant 56 : i32
    %dma_wait3A_2498 = arith.constant 0 : i32
    %dma_wait3A_2499 = arith.constant 0 : i32
    %dma_wait3A_2500 = tpu.memref_slice %arg3[%add3A_35, %dma_wait3A_2497, %dma_wait3A_2498, %dma_wait3A_2499] : memref<40x64x128x128xf32, #tpu.memory_space<hbm>> -> memref<1x2x128x128xf32, #tpu.memory_space<hbm>>
    %dma_wait3A_2501 = tpu.memref_slice %arg6[%dma_wait3A_2491] : memref<3x!tpu.dma_semaphore, #tpu.memory_space<semaphore_mem>> -> memref<1x!tpu.dma_semaphore, #tpu.memory_space<semaphore_mem>>
    %dma_wait3A_2502 = tpu.memref_squeeze %dma_wait3A_2501 : memref<1x!tpu.dma_semaphore, #tpu.memory_space<semaphore_mem>> -> memref<!tpu.dma_semaphore, #tpu.memory_space<semaphore_mem>>
    %dma_wait3A_2503 = arith.constant 56 : i32
    %dma_wait3A_2504 = arith.constant 0 : i32
    %dma_wait3A_2505 = arith.constant 0 : i32
    %dma_wait3A_2506 = tpu.memref_slice %arg3[%add3A_35, %dma_wait3A_2503, %dma_wait3A_2504, %dma_wait3A_2505] : memref<40x64x128x128xf32, #tpu.memory_space<hbm>> -> memref<1x2x128x128xf32, #tpu.memory_space<hbm>>
    %dma_wait3A_2507 = arith.constant 1 : i32
    %dma_wait3A_2508 = arith.constant 0 : i32
    %dma_wait3A_2509 = arith.constant 0 : i32
    %dma_wait3A_2510 = arith.constant 0 : i32
    %dma_wait3A_2511 = tpu.memref_slice %arg4[%dma_wait3A_2507, %dma_wait3A_2508, %dma_wait3A_2509, %dma_wait3A_2510] : memref<3x2x128x128xf32, #tpu.memory_space<vmem>> -> memref<1x2x128x128xf32, #tpu.memory_space<vmem>>
    tpu.wait_dma2 semaphore(%dma_wait3A_2502 : memref<!tpu.dma_semaphore, #tpu.memory_space<semaphore_mem>>) src(%dma_wait3A_2511 : memref<1x2x128x128xf32, #tpu.memory_space<vmem>>) dst(%dma_wait3A_2506 : memref<1x2x128x128xf32, #tpu.memory_space<hbm>>)
    %dma_start3A_2512 = arith.constant 1 : i32
    %dma_start3A_2513 = arith.constant 1 : i32
    %dma_start3A_2514 = arith.constant 0 : i32
    %dma_start3A_2515 = arith.constant 0 : i32
    %dma_start3A_2516 = arith.constant 0 : i32
    %dma_start3A_2517 = tpu.memref_slice %arg4[%dma_start3A_2513, %dma_start3A_2514, %dma_start3A_2515, %dma_start3A_2516] : memref<3x2x128x128xf32, #tpu.memory_space<vmem>> -> memref<1x2x128x128xf32, #tpu.memory_space<vmem>>
    %dma_start3A_2518 = arith.constant 62 : i32
    %dma_start3A_2519 = arith.constant 0 : i32
    %dma_start3A_2520 = arith.constant 0 : i32
    %dma_start3A_2521 = tpu.memref_slice %arg2[%add3A_35, %dma_start3A_2518, %dma_start3A_2519, %dma_start3A_2520] : memref<40x64x128x128xf32, #tpu.memory_space<hbm>> -> memref<1x2x128x128xf32, #tpu.memory_space<hbm>>
    %dma_start3A_2522 = tpu.memref_slice %arg5[%dma_start3A_2512] : memref<3x!tpu.dma_semaphore, #tpu.memory_space<semaphore_mem>> -> memref<1x!tpu.dma_semaphore, #tpu.memory_space<semaphore_mem>>
    %dma_start3A_2523 = tpu.memref_squeeze %dma_start3A_2522 : memref<1x!tpu.dma_semaphore, #tpu.memory_space<semaphore_mem>> -> memref<!tpu.dma_semaphore, #tpu.memory_space<semaphore_mem>>
    %dma_start3A_2524 = arith.constant 1 : i32
    %dma_start3A_2525 = arith.constant 0 : i32
    %dma_start3A_2526 = arith.constant 0 : i32
    %dma_start3A_2527 = arith.constant 0 : i32
    %dma_start3A_2528 = tpu.memref_slice %arg4[%dma_start3A_2524, %dma_start3A_2525, %dma_start3A_2526, %dma_start3A_2527] : memref<3x2x128x128xf32, #tpu.memory_space<vmem>> -> memref<1x2x128x128xf32, #tpu.memory_space<vmem>>
    %dma_start3A_2529 = arith.constant 62 : i32
    %dma_start3A_2530 = arith.constant 0 : i32
    %dma_start3A_2531 = arith.constant 0 : i32
    %dma_start3A_2532 = tpu.memref_slice %arg2[%add3A_35, %dma_start3A_2529, %dma_start3A_2530, %dma_start3A_2531] : memref<40x64x128x128xf32, #tpu.memory_space<hbm>> -> memref<1x2x128x128xf32, #tpu.memory_space<hbm>>
    tpu.enqueue_dma source(%dma_start3A_2532 : memref<1x2x128x128xf32, #tpu.memory_space<hbm>>) target(%dma_start3A_2528 : memref<1x2x128x128xf32, #tpu.memory_space<vmem>>) target_semaphore(%dma_start3A_2523 : memref<!tpu.dma_semaphore, #tpu.memory_space<semaphore_mem>>)
    %dma_wait3A_2533 = arith.constant 2 : i32
    %dma_wait3A_2534 = arith.constant 2 : i32
    %dma_wait3A_2535 = arith.constant 0 : i32
    %dma_wait3A_2536 = arith.constant 0 : i32
    %dma_wait3A_2537 = arith.constant 0 : i32
    %dma_wait3A_2538 = tpu.memref_slice %arg4[%dma_wait3A_2534, %dma_wait3A_2535, %dma_wait3A_2536, %dma_wait3A_2537] : memref<3x2x128x128xf32, #tpu.memory_space<vmem>> -> memref<1x2x128x128xf32, #tpu.memory_space<vmem>>
    %dma_wait3A_2539 = arith.constant 58 : i32
    %dma_wait3A_2540 = arith.constant 0 : i32
    %dma_wait3A_2541 = arith.constant 0 : i32
    %dma_wait3A_2542 = tpu.memref_slice %arg2[%add3A_35, %dma_wait3A_2539, %dma_wait3A_2540, %dma_wait3A_2541] : memref<40x64x128x128xf32, #tpu.memory_space<hbm>> -> memref<1x2x128x128xf32, #tpu.memory_space<hbm>>
    %dma_wait3A_2543 = tpu.memref_slice %arg5[%dma_wait3A_2533] : memref<3x!tpu.dma_semaphore, #tpu.memory_space<semaphore_mem>> -> memref<1x!tpu.dma_semaphore, #tpu.memory_space<semaphore_mem>>
    %dma_wait3A_2544 = tpu.memref_squeeze %dma_wait3A_2543 : memref<1x!tpu.dma_semaphore, #tpu.memory_space<semaphore_mem>> -> memref<!tpu.dma_semaphore, #tpu.memory_space<semaphore_mem>>
    %dma_wait3A_2545 = arith.constant 2 : i32
    %dma_wait3A_2546 = arith.constant 0 : i32
    %dma_wait3A_2547 = arith.constant 0 : i32
    %dma_wait3A_2548 = arith.constant 0 : i32
    %dma_wait3A_2549 = tpu.memref_slice %arg4[%dma_wait3A_2545, %dma_wait3A_2546, %dma_wait3A_2547, %dma_wait3A_2548] : memref<3x2x128x128xf32, #tpu.memory_space<vmem>> -> memref<1x2x128x128xf32, #tpu.memory_space<vmem>>
    %dma_wait3A_2550 = arith.constant 58 : i32
    %dma_wait3A_2551 = arith.constant 0 : i32
    %dma_wait3A_2552 = arith.constant 0 : i32
    %dma_wait3A_2553 = tpu.memref_slice %arg2[%add3A_35, %dma_wait3A_2550, %dma_wait3A_2551, %dma_wait3A_2552] : memref<40x64x128x128xf32, #tpu.memory_space<hbm>> -> memref<1x2x128x128xf32, #tpu.memory_space<hbm>>
    tpu.wait_dma2 semaphore(%dma_wait3A_2544 : memref<!tpu.dma_semaphore, #tpu.memory_space<semaphore_mem>>) src(%dma_wait3A_2553 : memref<1x2x128x128xf32, #tpu.memory_space<hbm>>) dst(%dma_wait3A_2549 : memref<1x2x128x128xf32, #tpu.memory_space<vmem>>)
    %dma_start3A_2554 = arith.constant 2 : i32
    %dma_start3A_2555 = arith.constant 2 : i32
    %dma_start3A_2556 = arith.constant 0 : i32
    %dma_start3A_2557 = arith.constant 0 : i32
    %dma_start3A_2558 = arith.constant 0 : i32
    %dma_start3A_2559 = tpu.memref_slice %arg4[%dma_start3A_2555, %dma_start3A_2556, %dma_start3A_2557, %dma_start3A_2558] : memref<3x2x128x128xf32, #tpu.memory_space<vmem>> -> memref<1x2x128x128xf32, #tpu.memory_space<vmem>>
    %dma_start3A_2560 = arith.constant 58 : i32
    %dma_start3A_2561 = arith.constant 0 : i32
    %dma_start3A_2562 = arith.constant 0 : i32
    %dma_start3A_2563 = tpu.memref_slice %arg3[%add3A_35, %dma_start3A_2560, %dma_start3A_2561, %dma_start3A_2562] : memref<40x64x128x128xf32, #tpu.memory_space<hbm>> -> memref<1x2x128x128xf32, #tpu.memory_space<hbm>>
    %dma_start3A_2564 = tpu.memref_slice %arg6[%dma_start3A_2554] : memref<3x!tpu.dma_semaphore, #tpu.memory_space<semaphore_mem>> -> memref<1x!tpu.dma_semaphore, #tpu.memory_space<semaphore_mem>>
    %dma_start3A_2565 = tpu.memref_squeeze %dma_start3A_2564 : memref<1x!tpu.dma_semaphore, #tpu.memory_space<semaphore_mem>> -> memref<!tpu.dma_semaphore, #tpu.memory_space<semaphore_mem>>
    %dma_start3A_2566 = arith.constant 58 : i32
    %dma_start3A_2567 = arith.constant 0 : i32
    %dma_start3A_2568 = arith.constant 0 : i32
    %dma_start3A_2569 = tpu.memref_slice %arg3[%add3A_35, %dma_start3A_2566, %dma_start3A_2567, %dma_start3A_2568] : memref<40x64x128x128xf32, #tpu.memory_space<hbm>> -> memref<1x2x128x128xf32, #tpu.memory_space<hbm>>
    %dma_start3A_2570 = arith.constant 2 : i32
    %dma_start3A_2571 = arith.constant 0 : i32
    %dma_start3A_2572 = arith.constant 0 : i32
    %dma_start3A_2573 = arith.constant 0 : i32
    %dma_start3A_2574 = tpu.memref_slice %arg4[%dma_start3A_2570, %dma_start3A_2571, %dma_start3A_2572, %dma_start3A_2573] : memref<3x2x128x128xf32, #tpu.memory_space<vmem>> -> memref<1x2x128x128xf32, #tpu.memory_space<vmem>>
    tpu.enqueue_dma source(%dma_start3A_2574 : memref<1x2x128x128xf32, #tpu.memory_space<vmem>>) target(%dma_start3A_2569 : memref<1x2x128x128xf32, #tpu.memory_space<hbm>>) target_semaphore(%dma_start3A_2565 : memref<!tpu.dma_semaphore, #tpu.memory_space<semaphore_mem>>)
    %dma_wait3A_2575 = arith.constant 0 : i32
    %dma_wait3A_2576 = arith.constant 0 : i32
    %dma_wait3A_2577 = arith.constant 0 : i32
    %dma_wait3A_2578 = arith.constant 0 : i32
    %dma_wait3A_2579 = arith.constant 0 : i32
    %dma_wait3A_2580 = tpu.memref_slice %arg4[%dma_wait3A_2576, %dma_wait3A_2577, %dma_wait3A_2578, %dma_wait3A_2579] : memref<3x2x128x128xf32, #tpu.memory_space<vmem>> -> memref<1x2x128x128xf32, #tpu.memory_space<vmem>>
    %dma_wait3A_2581 = arith.constant 60 : i32
    %dma_wait3A_2582 = arith.constant 0 : i32
    %dma_wait3A_2583 = arith.constant 0 : i32
    %dma_wait3A_2584 = tpu.memref_slice %arg2[%add3A_35, %dma_wait3A_2581, %dma_wait3A_2582, %dma_wait3A_2583] : memref<40x64x128x128xf32, #tpu.memory_space<hbm>> -> memref<1x2x128x128xf32, #tpu.memory_space<hbm>>
    %dma_wait3A_2585 = tpu.memref_slice %arg5[%dma_wait3A_2575] : memref<3x!tpu.dma_semaphore, #tpu.memory_space<semaphore_mem>> -> memref<1x!tpu.dma_semaphore, #tpu.memory_space<semaphore_mem>>
    %dma_wait3A_2586 = tpu.memref_squeeze %dma_wait3A_2585 : memref<1x!tpu.dma_semaphore, #tpu.memory_space<semaphore_mem>> -> memref<!tpu.dma_semaphore, #tpu.memory_space<semaphore_mem>>
    %dma_wait3A_2587 = arith.constant 0 : i32
    %dma_wait3A_2588 = arith.constant 0 : i32
    %dma_wait3A_2589 = arith.constant 0 : i32
    %dma_wait3A_2590 = arith.constant 0 : i32
    %dma_wait3A_2591 = tpu.memref_slice %arg4[%dma_wait3A_2587, %dma_wait3A_2588, %dma_wait3A_2589, %dma_wait3A_2590] : memref<3x2x128x128xf32, #tpu.memory_space<vmem>> -> memref<1x2x128x128xf32, #tpu.memory_space<vmem>>
    %dma_wait3A_2592 = arith.constant 60 : i32
    %dma_wait3A_2593 = arith.constant 0 : i32
    %dma_wait3A_2594 = arith.constant 0 : i32
    %dma_wait3A_2595 = tpu.memref_slice %arg2[%add3A_35, %dma_wait3A_2592, %dma_wait3A_2593, %dma_wait3A_2594] : memref<40x64x128x128xf32, #tpu.memory_space<hbm>> -> memref<1x2x128x128xf32, #tpu.memory_space<hbm>>
    tpu.wait_dma2 semaphore(%dma_wait3A_2586 : memref<!tpu.dma_semaphore, #tpu.memory_space<semaphore_mem>>) src(%dma_wait3A_2595 : memref<1x2x128x128xf32, #tpu.memory_space<hbm>>) dst(%dma_wait3A_2591 : memref<1x2x128x128xf32, #tpu.memory_space<vmem>>)
    %dma_start3A_2596 = arith.constant 0 : i32
    %dma_start3A_2597 = arith.constant 0 : i32
    %dma_start3A_2598 = arith.constant 0 : i32
    %dma_start3A_2599 = arith.constant 0 : i32
    %dma_start3A_2600 = arith.constant 0 : i32
    %dma_start3A_2601 = tpu.memref_slice %arg4[%dma_start3A_2597, %dma_start3A_2598, %dma_start3A_2599, %dma_start3A_2600] : memref<3x2x128x128xf32, #tpu.memory_space<vmem>> -> memref<1x2x128x128xf32, #tpu.memory_space<vmem>>
    %dma_start3A_2602 = arith.constant 60 : i32
    %dma_start3A_2603 = arith.constant 0 : i32
    %dma_start3A_2604 = arith.constant 0 : i32
    %dma_start3A_2605 = tpu.memref_slice %arg3[%add3A_35, %dma_start3A_2602, %dma_start3A_2603, %dma_start3A_2604] : memref<40x64x128x128xf32, #tpu.memory_space<hbm>> -> memref<1x2x128x128xf32, #tpu.memory_space<hbm>>
    %dma_start3A_2606 = tpu.memref_slice %arg6[%dma_start3A_2596] : memref<3x!tpu.dma_semaphore, #tpu.memory_space<semaphore_mem>> -> memref<1x!tpu.dma_semaphore, #tpu.memory_space<semaphore_mem>>
    %dma_start3A_2607 = tpu.memref_squeeze %dma_start3A_2606 : memref<1x!tpu.dma_semaphore, #tpu.memory_space<semaphore_mem>> -> memref<!tpu.dma_semaphore, #tpu.memory_space<semaphore_mem>>
    %dma_start3A_2608 = arith.constant 60 : i32
    %dma_start3A_2609 = arith.constant 0 : i32
    %dma_start3A_2610 = arith.constant 0 : i32
    %dma_start3A_2611 = tpu.memref_slice %arg3[%add3A_35, %dma_start3A_2608, %dma_start3A_2609, %dma_start3A_2610] : memref<40x64x128x128xf32, #tpu.memory_space<hbm>> -> memref<1x2x128x128xf32, #tpu.memory_space<hbm>>
    %dma_start3A_2612 = arith.constant 0 : i32
    %dma_start3A_2613 = arith.constant 0 : i32
    %dma_start3A_2614 = arith.constant 0 : i32
    %dma_start3A_2615 = arith.constant 0 : i32
    %dma_start3A_2616 = tpu.memref_slice %arg4[%dma_start3A_2612, %dma_start3A_2613, %dma_start3A_2614, %dma_start3A_2615] : memref<3x2x128x128xf32, #tpu.memory_space<vmem>> -> memref<1x2x128x128xf32, #tpu.memory_space<vmem>>
    tpu.enqueue_dma source(%dma_start3A_2616 : memref<1x2x128x128xf32, #tpu.memory_space<vmem>>) target(%dma_start3A_2611 : memref<1x2x128x128xf32, #tpu.memory_space<hbm>>) target_semaphore(%dma_start3A_2607 : memref<!tpu.dma_semaphore, #tpu.memory_space<semaphore_mem>>)
    %dma_wait3A_2617 = arith.constant 1 : i32
    %dma_wait3A_2618 = arith.constant 1 : i32
    %dma_wait3A_2619 = arith.constant 0 : i32
    %dma_wait3A_2620 = arith.constant 0 : i32
    %dma_wait3A_2621 = arith.constant 0 : i32
    %dma_wait3A_2622 = tpu.memref_slice %arg4[%dma_wait3A_2618, %dma_wait3A_2619, %dma_wait3A_2620, %dma_wait3A_2621] : memref<3x2x128x128xf32, #tpu.memory_space<vmem>> -> memref<1x2x128x128xf32, #tpu.memory_space<vmem>>
    %dma_wait3A_2623 = arith.constant 62 : i32
    %dma_wait3A_2624 = arith.constant 0 : i32
    %dma_wait3A_2625 = arith.constant 0 : i32
    %dma_wait3A_2626 = tpu.memref_slice %arg2[%add3A_35, %dma_wait3A_2623, %dma_wait3A_2624, %dma_wait3A_2625] : memref<40x64x128x128xf32, #tpu.memory_space<hbm>> -> memref<1x2x128x128xf32, #tpu.memory_space<hbm>>
    %dma_wait3A_2627 = tpu.memref_slice %arg5[%dma_wait3A_2617] : memref<3x!tpu.dma_semaphore, #tpu.memory_space<semaphore_mem>> -> memref<1x!tpu.dma_semaphore, #tpu.memory_space<semaphore_mem>>
    %dma_wait3A_2628 = tpu.memref_squeeze %dma_wait3A_2627 : memref<1x!tpu.dma_semaphore, #tpu.memory_space<semaphore_mem>> -> memref<!tpu.dma_semaphore, #tpu.memory_space<semaphore_mem>>
    %dma_wait3A_2629 = arith.constant 1 : i32
    %dma_wait3A_2630 = arith.constant 0 : i32
    %dma_wait3A_2631 = arith.constant 0 : i32
    %dma_wait3A_2632 = arith.constant 0 : i32
    %dma_wait3A_2633 = tpu.memref_slice %arg4[%dma_wait3A_2629, %dma_wait3A_2630, %dma_wait3A_2631, %dma_wait3A_2632] : memref<3x2x128x128xf32, #tpu.memory_space<vmem>> -> memref<1x2x128x128xf32, #tpu.memory_space<vmem>>
    %dma_wait3A_2634 = arith.constant 62 : i32
    %dma_wait3A_2635 = arith.constant 0 : i32
    %dma_wait3A_2636 = arith.constant 0 : i32
    %dma_wait3A_2637 = tpu.memref_slice %arg2[%add3A_35, %dma_wait3A_2634, %dma_wait3A_2635, %dma_wait3A_2636] : memref<40x64x128x128xf32, #tpu.memory_space<hbm>> -> memref<1x2x128x128xf32, #tpu.memory_space<hbm>>
    tpu.wait_dma2 semaphore(%dma_wait3A_2628 : memref<!tpu.dma_semaphore, #tpu.memory_space<semaphore_mem>>) src(%dma_wait3A_2637 : memref<1x2x128x128xf32, #tpu.memory_space<hbm>>) dst(%dma_wait3A_2633 : memref<1x2x128x128xf32, #tpu.memory_space<vmem>>)
    %dma_start3A_2638 = arith.constant 1 : i32
    %dma_start3A_2639 = arith.constant 1 : i32
    %dma_start3A_2640 = arith.constant 0 : i32
    %dma_start3A_2641 = arith.constant 0 : i32
    %dma_start3A_2642 = arith.constant 0 : i32
    %dma_start3A_2643 = tpu.memref_slice %arg4[%dma_start3A_2639, %dma_start3A_2640, %dma_start3A_2641, %dma_start3A_2642] : memref<3x2x128x128xf32, #tpu.memory_space<vmem>> -> memref<1x2x128x128xf32, #tpu.memory_space<vmem>>
    %dma_start3A_2644 = arith.constant 62 : i32
    %dma_start3A_2645 = arith.constant 0 : i32
    %dma_start3A_2646 = arith.constant 0 : i32
    %dma_start3A_2647 = tpu.memref_slice %arg3[%add3A_35, %dma_start3A_2644, %dma_start3A_2645, %dma_start3A_2646] : memref<40x64x128x128xf32, #tpu.memory_space<hbm>> -> memref<1x2x128x128xf32, #tpu.memory_space<hbm>>
    %dma_start3A_2648 = tpu.memref_slice %arg6[%dma_start3A_2638] : memref<3x!tpu.dma_semaphore, #tpu.memory_space<semaphore_mem>> -> memref<1x!tpu.dma_semaphore, #tpu.memory_space<semaphore_mem>>
    %dma_start3A_2649 = tpu.memref_squeeze %dma_start3A_2648 : memref<1x!tpu.dma_semaphore, #tpu.memory_space<semaphore_mem>> -> memref<!tpu.dma_semaphore, #tpu.memory_space<semaphore_mem>>
    %dma_start3A_2650 = arith.constant 62 : i32
    %dma_start3A_2651 = arith.constant 0 : i32
    %dma_start3A_2652 = arith.constant 0 : i32
    %dma_start3A_2653 = tpu.memref_slice %arg3[%add3A_35, %dma_start3A_2650, %dma_start3A_2651, %dma_start3A_2652] : memref<40x64x128x128xf32, #tpu.memory_space<hbm>> -> memref<1x2x128x128xf32, #tpu.memory_space<hbm>>
    %dma_start3A_2654 = arith.constant 1 : i32
    %dma_start3A_2655 = arith.constant 0 : i32
    %dma_start3A_2656 = arith.constant 0 : i32
    %dma_start3A_2657 = arith.constant 0 : i32
    %dma_start3A_2658 = tpu.memref_slice %arg4[%dma_start3A_2654, %dma_start3A_2655, %dma_start3A_2656, %dma_start3A_2657] : memref<3x2x128x128xf32, #tpu.memory_space<vmem>> -> memref<1x2x128x128xf32, #tpu.memory_space<vmem>>
    tpu.enqueue_dma source(%dma_start3A_2658 : memref<1x2x128x128xf32, #tpu.memory_space<vmem>>) target(%dma_start3A_2653 : memref<1x2x128x128xf32, #tpu.memory_space<hbm>>) target_semaphore(%dma_start3A_2649 : memref<!tpu.dma_semaphore, #tpu.memory_space<semaphore_mem>>)
    %dma_wait3A_2659 = arith.constant 2 : i32
    %dma_wait3A_2660 = arith.constant 2 : i32
    %dma_wait3A_2661 = arith.constant 0 : i32
    %dma_wait3A_2662 = arith.constant 0 : i32
    %dma_wait3A_2663 = arith.constant 0 : i32
    %dma_wait3A_2664 = tpu.memref_slice %arg4[%dma_wait3A_2660, %dma_wait3A_2661, %dma_wait3A_2662, %dma_wait3A_2663] : memref<3x2x128x128xf32, #tpu.memory_space<vmem>> -> memref<1x2x128x128xf32, #tpu.memory_space<vmem>>
    %dma_wait3A_2665 = arith.constant 58 : i32
    %dma_wait3A_2666 = arith.constant 0 : i32
    %dma_wait3A_2667 = arith.constant 0 : i32
    %dma_wait3A_2668 = tpu.memref_slice %arg3[%add3A_35, %dma_wait3A_2665, %dma_wait3A_2666, %dma_wait3A_2667] : memref<40x64x128x128xf32, #tpu.memory_space<hbm>> -> memref<1x2x128x128xf32, #tpu.memory_space<hbm>>
    %dma_wait3A_2669 = tpu.memref_slice %arg6[%dma_wait3A_2659] : memref<3x!tpu.dma_semaphore, #tpu.memory_space<semaphore_mem>> -> memref<1x!tpu.dma_semaphore, #tpu.memory_space<semaphore_mem>>
    %dma_wait3A_2670 = tpu.memref_squeeze %dma_wait3A_2669 : memref<1x!tpu.dma_semaphore, #tpu.memory_space<semaphore_mem>> -> memref<!tpu.dma_semaphore, #tpu.memory_space<semaphore_mem>>
    %dma_wait3A_2671 = arith.constant 58 : i32
    %dma_wait3A_2672 = arith.constant 0 : i32
    %dma_wait3A_2673 = arith.constant 0 : i32
    %dma_wait3A_2674 = tpu.memref_slice %arg3[%add3A_35, %dma_wait3A_2671, %dma_wait3A_2672, %dma_wait3A_2673] : memref<40x64x128x128xf32, #tpu.memory_space<hbm>> -> memref<1x2x128x128xf32, #tpu.memory_space<hbm>>
    %dma_wait3A_2675 = arith.constant 2 : i32
    %dma_wait3A_2676 = arith.constant 0 : i32
    %dma_wait3A_2677 = arith.constant 0 : i32
    %dma_wait3A_2678 = arith.constant 0 : i32
    %dma_wait3A_2679 = tpu.memref_slice %arg4[%dma_wait3A_2675, %dma_wait3A_2676, %dma_wait3A_2677, %dma_wait3A_2678] : memref<3x2x128x128xf32, #tpu.memory_space<vmem>> -> memref<1x2x128x128xf32, #tpu.memory_space<vmem>>
    tpu.wait_dma2 semaphore(%dma_wait3A_2670 : memref<!tpu.dma_semaphore, #tpu.memory_space<semaphore_mem>>) src(%dma_wait3A_2679 : memref<1x2x128x128xf32, #tpu.memory_space<vmem>>) dst(%dma_wait3A_2674 : memref<1x2x128x128xf32, #tpu.memory_space<hbm>>)
    %dma_wait3A_2680 = arith.constant 0 : i32
    %dma_wait3A_2681 = arith.constant 0 : i32
    %dma_wait3A_2682 = arith.constant 0 : i32
    %dma_wait3A_2683 = arith.constant 0 : i32
    %dma_wait3A_2684 = arith.constant 0 : i32
    %dma_wait3A_2685 = tpu.memref_slice %arg4[%dma_wait3A_2681, %dma_wait3A_2682, %dma_wait3A_2683, %dma_wait3A_2684] : memref<3x2x128x128xf32, #tpu.memory_space<vmem>> -> memref<1x2x128x128xf32, #tpu.memory_space<vmem>>
    %dma_wait3A_2686 = arith.constant 60 : i32
    %dma_wait3A_2687 = arith.constant 0 : i32
    %dma_wait3A_2688 = arith.constant 0 : i32
    %dma_wait3A_2689 = tpu.memref_slice %arg3[%add3A_35, %dma_wait3A_2686, %dma_wait3A_2687, %dma_wait3A_2688] : memref<40x64x128x128xf32, #tpu.memory_space<hbm>> -> memref<1x2x128x128xf32, #tpu.memory_space<hbm>>
    %dma_wait3A_2690 = tpu.memref_slice %arg6[%dma_wait3A_2680] : memref<3x!tpu.dma_semaphore, #tpu.memory_space<semaphore_mem>> -> memref<1x!tpu.dma_semaphore, #tpu.memory_space<semaphore_mem>>
    %dma_wait3A_2691 = tpu.memref_squeeze %dma_wait3A_2690 : memref<1x!tpu.dma_semaphore, #tpu.memory_space<semaphore_mem>> -> memref<!tpu.dma_semaphore, #tpu.memory_space<semaphore_mem>>
    %dma_wait3A_2692 = arith.constant 60 : i32
    %dma_wait3A_2693 = arith.constant 0 : i32
    %dma_wait3A_2694 = arith.constant 0 : i32
    %dma_wait3A_2695 = tpu.memref_slice %arg3[%add3A_35, %dma_wait3A_2692, %dma_wait3A_2693, %dma_wait3A_2694] : memref<40x64x128x128xf32, #tpu.memory_space<hbm>> -> memref<1x2x128x128xf32, #tpu.memory_space<hbm>>
    %dma_wait3A_2696 = arith.constant 0 : i32
    %dma_wait3A_2697 = arith.constant 0 : i32
    %dma_wait3A_2698 = arith.constant 0 : i32
    %dma_wait3A_2699 = arith.constant 0 : i32
    %dma_wait3A_2700 = tpu.memref_slice %arg4[%dma_wait3A_2696, %dma_wait3A_2697, %dma_wait3A_2698, %dma_wait3A_2699] : memref<3x2x128x128xf32, #tpu.memory_space<vmem>> -> memref<1x2x128x128xf32, #tpu.memory_space<vmem>>
    tpu.wait_dma2 semaphore(%dma_wait3A_2691 : memref<!tpu.dma_semaphore, #tpu.memory_space<semaphore_mem>>) src(%dma_wait3A_2700 : memref<1x2x128x128xf32, #tpu.memory_space<vmem>>) dst(%dma_wait3A_2695 : memref<1x2x128x128xf32, #tpu.memory_space<hbm>>)
    %dma_wait3A_2701 = arith.constant 1 : i32
    %dma_wait3A_2702 = arith.constant 1 : i32
    %dma_wait3A_2703 = arith.constant 0 : i32
    %dma_wait3A_2704 = arith.constant 0 : i32
    %dma_wait3A_2705 = arith.constant 0 : i32
    %dma_wait3A_2706 = tpu.memref_slice %arg4[%dma_wait3A_2702, %dma_wait3A_2703, %dma_wait3A_2704, %dma_wait3A_2705] : memref<3x2x128x128xf32, #tpu.memory_space<vmem>> -> memref<1x2x128x128xf32, #tpu.memory_space<vmem>>
    %dma_wait3A_2707 = arith.constant 62 : i32
    %dma_wait3A_2708 = arith.constant 0 : i32
    %dma_wait3A_2709 = arith.constant 0 : i32
    %dma_wait3A_2710 = tpu.memref_slice %arg3[%add3A_35, %dma_wait3A_2707, %dma_wait3A_2708, %dma_wait3A_2709] : memref<40x64x128x128xf32, #tpu.memory_space<hbm>> -> memref<1x2x128x128xf32, #tpu.memory_space<hbm>>
    %dma_wait3A_2711 = tpu.memref_slice %arg6[%dma_wait3A_2701] : memref<3x!tpu.dma_semaphore, #tpu.memory_space<semaphore_mem>> -> memref<1x!tpu.dma_semaphore, #tpu.memory_space<semaphore_mem>>
    %dma_wait3A_2712 = tpu.memref_squeeze %dma_wait3A_2711 : memref<1x!tpu.dma_semaphore, #tpu.memory_space<semaphore_mem>> -> memref<!tpu.dma_semaphore, #tpu.memory_space<semaphore_mem>>
    %dma_wait3A_2713 = arith.constant 62 : i32
    %dma_wait3A_2714 = arith.constant 0 : i32
    %dma_wait3A_2715 = arith.constant 0 : i32
    %dma_wait3A_2716 = tpu.memref_slice %arg3[%add3A_35, %dma_wait3A_2713, %dma_wait3A_2714, %dma_wait3A_2715] : memref<40x64x128x128xf32, #tpu.memory_space<hbm>> -> memref<1x2x128x128xf32, #tpu.memory_space<hbm>>
    %dma_wait3A_2717 = arith.constant 1 : i32
    %dma_wait3A_2718 = arith.constant 0 : i32
    %dma_wait3A_2719 = arith.constant 0 : i32
    %dma_wait3A_2720 = arith.constant 0 : i32
    %dma_wait3A_2721 = tpu.memref_slice %arg4[%dma_wait3A_2717, %dma_wait3A_2718, %dma_wait3A_2719, %dma_wait3A_2720] : memref<3x2x128x128xf32, #tpu.memory_space<vmem>> -> memref<1x2x128x128xf32, #tpu.memory_space<vmem>>
    tpu.wait_dma2 semaphore(%dma_wait3A_2712 : memref<!tpu.dma_semaphore, #tpu.memory_space<semaphore_mem>>) src(%dma_wait3A_2721 : memref<1x2x128x128xf32, #tpu.memory_space<vmem>>) dst(%dma_wait3A_2716 : memref<1x2x128x128xf32, #tpu.memory_space<hbm>>)
    return
  }
}

module attributes {stable_mosaic.version = 14 : i64} {
  func.func @_tc_body(%arg0: memref<8xi32, #tpu.memory_space<smem>>, %arg1: memref<8x64x128x128xf32, #tpu.memory_space<hbm>>, %arg2: memref<40x64x128x128xf32, #tpu.memory_space<hbm>>, %arg3: memref<40x64x128x128xf32, #tpu.memory_space<hbm>>, %arg4: memref<4x64x128x128xf32, #tpu.memory_space<vmem>>, %arg5: memref<8x!tpu.dma_semaphore, #tpu.memory_space<semaphore_mem>>, %arg6: memref<8x!tpu.dma_semaphore, #tpu.memory_space<semaphore_mem>>) attributes {dimension_semantics = [], scalar_prefetch = 0 : i64, scratch_operands = 3 : i64, tpu.core_type = #tpu.core_type<tc>} {
    %get3A = arith.constant 0 : index
    %get3A_0 = memref.load %arg0[%get3A] : memref<8xi32, #tpu.memory_space<smem>>
    %dma_start3A = arith.constant 0 : i32
    %dma_start3A_1 = tpu.memref_slice %arg5[%dma_start3A] : memref<8x!tpu.dma_semaphore, #tpu.memory_space<semaphore_mem>> -> memref<1x!tpu.dma_semaphore, #tpu.memory_space<semaphore_mem>>
    %dma_start3A_2 = tpu.memref_squeeze %dma_start3A_1 : memref<1x!tpu.dma_semaphore, #tpu.memory_space<semaphore_mem>> -> memref<!tpu.dma_semaphore, #tpu.memory_space<semaphore_mem>>
    %dma_start3A_3 = arith.constant 0 : i32
    %dma_start3A_4 = arith.constant 0 : i32
    %dma_start3A_5 = arith.constant 0 : i32
    %dma_start3A_6 = arith.constant 0 : i32
    %dma_start3A_7 = tpu.memref_slice %arg4[%dma_start3A_3, %dma_start3A_4, %dma_start3A_5, %dma_start3A_6] : memref<4x64x128x128xf32, #tpu.memory_space<vmem>> -> memref<1x64x128x128xf32, #tpu.memory_space<vmem>>
    %dma_start3A_8 = arith.constant 0 : i32
    %dma_start3A_9 = arith.constant 0 : i32
    %dma_start3A_10 = arith.constant 0 : i32
    %dma_start3A_11 = tpu.memref_slice %arg1[%get3A_0, %dma_start3A_8, %dma_start3A_9, %dma_start3A_10] : memref<8x64x128x128xf32, #tpu.memory_space<hbm>> -> memref<1x64x128x128xf32, #tpu.memory_space<hbm>>
    tpu.enqueue_dma source(%dma_start3A_11 : memref<1x64x128x128xf32, #tpu.memory_space<hbm>>) target(%dma_start3A_7 : memref<1x64x128x128xf32, #tpu.memory_space<vmem>>) target_semaphore(%dma_start3A_2 : memref<!tpu.dma_semaphore, #tpu.memory_space<semaphore_mem>>)
    %get3A_12 = arith.constant 1 : index
    %get3A_13 = memref.load %arg0[%get3A_12] : memref<8xi32, #tpu.memory_space<smem>>
    %dma_start3A_14 = arith.constant 1 : i32
    %dma_start3A_15 = tpu.memref_slice %arg5[%dma_start3A_14] : memref<8x!tpu.dma_semaphore, #tpu.memory_space<semaphore_mem>> -> memref<1x!tpu.dma_semaphore, #tpu.memory_space<semaphore_mem>>
    %dma_start3A_16 = tpu.memref_squeeze %dma_start3A_15 : memref<1x!tpu.dma_semaphore, #tpu.memory_space<semaphore_mem>> -> memref<!tpu.dma_semaphore, #tpu.memory_space<semaphore_mem>>
    %dma_start3A_17 = arith.constant 1 : i32
    %dma_start3A_18 = arith.constant 0 : i32
    %dma_start3A_19 = arith.constant 0 : i32
    %dma_start3A_20 = arith.constant 0 : i32
    %dma_start3A_21 = tpu.memref_slice %arg4[%dma_start3A_17, %dma_start3A_18, %dma_start3A_19, %dma_start3A_20] : memref<4x64x128x128xf32, #tpu.memory_space<vmem>> -> memref<1x64x128x128xf32, #tpu.memory_space<vmem>>
    %dma_start3A_22 = arith.constant 0 : i32
    %dma_start3A_23 = arith.constant 0 : i32
    %dma_start3A_24 = arith.constant 0 : i32
    %dma_start3A_25 = tpu.memref_slice %arg1[%get3A_13, %dma_start3A_22, %dma_start3A_23, %dma_start3A_24] : memref<8x64x128x128xf32, #tpu.memory_space<hbm>> -> memref<1x64x128x128xf32, #tpu.memory_space<hbm>>
    tpu.enqueue_dma source(%dma_start3A_25 : memref<1x64x128x128xf32, #tpu.memory_space<hbm>>) target(%dma_start3A_21 : memref<1x64x128x128xf32, #tpu.memory_space<vmem>>) target_semaphore(%dma_start3A_16 : memref<!tpu.dma_semaphore, #tpu.memory_space<semaphore_mem>>)
    %get3A_26 = arith.constant 2 : index
    %get3A_27 = memref.load %arg0[%get3A_26] : memref<8xi32, #tpu.memory_space<smem>>
    %dma_start3A_28 = arith.constant 2 : i32
    %dma_start3A_29 = tpu.memref_slice %arg5[%dma_start3A_28] : memref<8x!tpu.dma_semaphore, #tpu.memory_space<semaphore_mem>> -> memref<1x!tpu.dma_semaphore, #tpu.memory_space<semaphore_mem>>
    %dma_start3A_30 = tpu.memref_squeeze %dma_start3A_29 : memref<1x!tpu.dma_semaphore, #tpu.memory_space<semaphore_mem>> -> memref<!tpu.dma_semaphore, #tpu.memory_space<semaphore_mem>>
    %dma_start3A_31 = arith.constant 2 : i32
    %dma_start3A_32 = arith.constant 0 : i32
    %dma_start3A_33 = arith.constant 0 : i32
    %dma_start3A_34 = arith.constant 0 : i32
    %dma_start3A_35 = tpu.memref_slice %arg4[%dma_start3A_31, %dma_start3A_32, %dma_start3A_33, %dma_start3A_34] : memref<4x64x128x128xf32, #tpu.memory_space<vmem>> -> memref<1x64x128x128xf32, #tpu.memory_space<vmem>>
    %dma_start3A_36 = arith.constant 0 : i32
    %dma_start3A_37 = arith.constant 0 : i32
    %dma_start3A_38 = arith.constant 0 : i32
    %dma_start3A_39 = tpu.memref_slice %arg1[%get3A_27, %dma_start3A_36, %dma_start3A_37, %dma_start3A_38] : memref<8x64x128x128xf32, #tpu.memory_space<hbm>> -> memref<1x64x128x128xf32, #tpu.memory_space<hbm>>
    tpu.enqueue_dma source(%dma_start3A_39 : memref<1x64x128x128xf32, #tpu.memory_space<hbm>>) target(%dma_start3A_35 : memref<1x64x128x128xf32, #tpu.memory_space<vmem>>) target_semaphore(%dma_start3A_30 : memref<!tpu.dma_semaphore, #tpu.memory_space<semaphore_mem>>)
    %get3A_40 = arith.constant 3 : index
    %get3A_41 = memref.load %arg0[%get3A_40] : memref<8xi32, #tpu.memory_space<smem>>
    %dma_start3A_42 = arith.constant 3 : i32
    %dma_start3A_43 = tpu.memref_slice %arg5[%dma_start3A_42] : memref<8x!tpu.dma_semaphore, #tpu.memory_space<semaphore_mem>> -> memref<1x!tpu.dma_semaphore, #tpu.memory_space<semaphore_mem>>
    %dma_start3A_44 = tpu.memref_squeeze %dma_start3A_43 : memref<1x!tpu.dma_semaphore, #tpu.memory_space<semaphore_mem>> -> memref<!tpu.dma_semaphore, #tpu.memory_space<semaphore_mem>>
    %dma_start3A_45 = arith.constant 3 : i32
    %dma_start3A_46 = arith.constant 0 : i32
    %dma_start3A_47 = arith.constant 0 : i32
    %dma_start3A_48 = arith.constant 0 : i32
    %dma_start3A_49 = tpu.memref_slice %arg4[%dma_start3A_45, %dma_start3A_46, %dma_start3A_47, %dma_start3A_48] : memref<4x64x128x128xf32, #tpu.memory_space<vmem>> -> memref<1x64x128x128xf32, #tpu.memory_space<vmem>>
    %dma_start3A_50 = arith.constant 0 : i32
    %dma_start3A_51 = arith.constant 0 : i32
    %dma_start3A_52 = arith.constant 0 : i32
    %dma_start3A_53 = tpu.memref_slice %arg1[%get3A_41, %dma_start3A_50, %dma_start3A_51, %dma_start3A_52] : memref<8x64x128x128xf32, #tpu.memory_space<hbm>> -> memref<1x64x128x128xf32, #tpu.memory_space<hbm>>
    tpu.enqueue_dma source(%dma_start3A_53 : memref<1x64x128x128xf32, #tpu.memory_space<hbm>>) target(%dma_start3A_49 : memref<1x64x128x128xf32, #tpu.memory_space<vmem>>) target_semaphore(%dma_start3A_44 : memref<!tpu.dma_semaphore, #tpu.memory_space<semaphore_mem>>)
    %get3A_54 = arith.constant 0 : index
    %get3A_55 = memref.load %arg0[%get3A_54] : memref<8xi32, #tpu.memory_space<smem>>
    %dma_wait3A = arith.constant 0 : i32
    %dma_wait3A_56 = tpu.memref_slice %arg5[%dma_wait3A] : memref<8x!tpu.dma_semaphore, #tpu.memory_space<semaphore_mem>> -> memref<1x!tpu.dma_semaphore, #tpu.memory_space<semaphore_mem>>
    %dma_wait3A_57 = tpu.memref_squeeze %dma_wait3A_56 : memref<1x!tpu.dma_semaphore, #tpu.memory_space<semaphore_mem>> -> memref<!tpu.dma_semaphore, #tpu.memory_space<semaphore_mem>>
    %dma_wait3A_58 = arith.constant 0 : i32
    %dma_wait3A_59 = arith.constant 0 : i32
    %dma_wait3A_60 = arith.constant 0 : i32
    %dma_wait3A_61 = arith.constant 0 : i32
    %dma_wait3A_62 = tpu.memref_slice %arg4[%dma_wait3A_58, %dma_wait3A_59, %dma_wait3A_60, %dma_wait3A_61] : memref<4x64x128x128xf32, #tpu.memory_space<vmem>> -> memref<1x64x128x128xf32, #tpu.memory_space<vmem>>
    %dma_wait3A_63 = arith.constant 0 : i32
    %dma_wait3A_64 = arith.constant 0 : i32
    %dma_wait3A_65 = arith.constant 0 : i32
    %dma_wait3A_66 = tpu.memref_slice %arg1[%get3A_55, %dma_wait3A_63, %dma_wait3A_64, %dma_wait3A_65] : memref<8x64x128x128xf32, #tpu.memory_space<hbm>> -> memref<1x64x128x128xf32, #tpu.memory_space<hbm>>
    tpu.wait_dma2 semaphore(%dma_wait3A_57 : memref<!tpu.dma_semaphore, #tpu.memory_space<semaphore_mem>>) src(%dma_wait3A_66 : memref<1x64x128x128xf32, #tpu.memory_space<hbm>>) dst(%dma_wait3A_62 : memref<1x64x128x128xf32, #tpu.memory_space<vmem>>)
    %dma_start3A_67 = arith.constant 0 : i32
    %dma_start3A_68 = tpu.memref_slice %arg6[%dma_start3A_67] : memref<8x!tpu.dma_semaphore, #tpu.memory_space<semaphore_mem>> -> memref<1x!tpu.dma_semaphore, #tpu.memory_space<semaphore_mem>>
    %dma_start3A_69 = tpu.memref_squeeze %dma_start3A_68 : memref<1x!tpu.dma_semaphore, #tpu.memory_space<semaphore_mem>> -> memref<!tpu.dma_semaphore, #tpu.memory_space<semaphore_mem>>
    %dma_start3A_70 = arith.constant 0 : i32
    %dma_start3A_71 = arith.constant 0 : i32
    %dma_start3A_72 = arith.constant 0 : i32
    %dma_start3A_73 = arith.constant 0 : i32
    %dma_start3A_74 = tpu.memref_slice %arg3[%dma_start3A_70, %dma_start3A_71, %dma_start3A_72, %dma_start3A_73] : memref<40x64x128x128xf32, #tpu.memory_space<hbm>> -> memref<1x64x128x128xf32, #tpu.memory_space<hbm>>
    %dma_start3A_75 = arith.constant 0 : i32
    %dma_start3A_76 = arith.constant 0 : i32
    %dma_start3A_77 = arith.constant 0 : i32
    %dma_start3A_78 = arith.constant 0 : i32
    %dma_start3A_79 = tpu.memref_slice %arg4[%dma_start3A_75, %dma_start3A_76, %dma_start3A_77, %dma_start3A_78] : memref<4x64x128x128xf32, #tpu.memory_space<vmem>> -> memref<1x64x128x128xf32, #tpu.memory_space<vmem>>
    tpu.enqueue_dma source(%dma_start3A_79 : memref<1x64x128x128xf32, #tpu.memory_space<vmem>>) target(%dma_start3A_74 : memref<1x64x128x128xf32, #tpu.memory_space<hbm>>) target_semaphore(%dma_start3A_69 : memref<!tpu.dma_semaphore, #tpu.memory_space<semaphore_mem>>)
    %dma_wait3A_80 = arith.constant 0 : i32
    %dma_wait3A_81 = tpu.memref_slice %arg6[%dma_wait3A_80] : memref<8x!tpu.dma_semaphore, #tpu.memory_space<semaphore_mem>> -> memref<1x!tpu.dma_semaphore, #tpu.memory_space<semaphore_mem>>
    %dma_wait3A_82 = tpu.memref_squeeze %dma_wait3A_81 : memref<1x!tpu.dma_semaphore, #tpu.memory_space<semaphore_mem>> -> memref<!tpu.dma_semaphore, #tpu.memory_space<semaphore_mem>>
    %dma_wait3A_83 = arith.constant 0 : i32
    %dma_wait3A_84 = arith.constant 0 : i32
    %dma_wait3A_85 = arith.constant 0 : i32
    %dma_wait3A_86 = arith.constant 0 : i32
    %dma_wait3A_87 = tpu.memref_slice %arg3[%dma_wait3A_83, %dma_wait3A_84, %dma_wait3A_85, %dma_wait3A_86] : memref<40x64x128x128xf32, #tpu.memory_space<hbm>> -> memref<1x64x128x128xf32, #tpu.memory_space<hbm>>
    %dma_wait3A_88 = arith.constant 0 : i32
    %dma_wait3A_89 = arith.constant 0 : i32
    %dma_wait3A_90 = arith.constant 0 : i32
    %dma_wait3A_91 = arith.constant 0 : i32
    %dma_wait3A_92 = tpu.memref_slice %arg4[%dma_wait3A_88, %dma_wait3A_89, %dma_wait3A_90, %dma_wait3A_91] : memref<4x64x128x128xf32, #tpu.memory_space<vmem>> -> memref<1x64x128x128xf32, #tpu.memory_space<vmem>>
    tpu.wait_dma2 semaphore(%dma_wait3A_82 : memref<!tpu.dma_semaphore, #tpu.memory_space<semaphore_mem>>) src(%dma_wait3A_92 : memref<1x64x128x128xf32, #tpu.memory_space<vmem>>) dst(%dma_wait3A_87 : memref<1x64x128x128xf32, #tpu.memory_space<hbm>>)
    %get3A_93 = arith.constant 4 : index
    %get3A_94 = memref.load %arg0[%get3A_93] : memref<8xi32, #tpu.memory_space<smem>>
    %dma_start3A_95 = arith.constant 4 : i32
    %dma_start3A_96 = tpu.memref_slice %arg5[%dma_start3A_95] : memref<8x!tpu.dma_semaphore, #tpu.memory_space<semaphore_mem>> -> memref<1x!tpu.dma_semaphore, #tpu.memory_space<semaphore_mem>>
    %dma_start3A_97 = tpu.memref_squeeze %dma_start3A_96 : memref<1x!tpu.dma_semaphore, #tpu.memory_space<semaphore_mem>> -> memref<!tpu.dma_semaphore, #tpu.memory_space<semaphore_mem>>
    %dma_start3A_98 = arith.constant 0 : i32
    %dma_start3A_99 = arith.constant 0 : i32
    %dma_start3A_100 = arith.constant 0 : i32
    %dma_start3A_101 = arith.constant 0 : i32
    %dma_start3A_102 = tpu.memref_slice %arg4[%dma_start3A_98, %dma_start3A_99, %dma_start3A_100, %dma_start3A_101] : memref<4x64x128x128xf32, #tpu.memory_space<vmem>> -> memref<1x64x128x128xf32, #tpu.memory_space<vmem>>
    %dma_start3A_103 = arith.constant 0 : i32
    %dma_start3A_104 = arith.constant 0 : i32
    %dma_start3A_105 = arith.constant 0 : i32
    %dma_start3A_106 = tpu.memref_slice %arg1[%get3A_94, %dma_start3A_103, %dma_start3A_104, %dma_start3A_105] : memref<8x64x128x128xf32, #tpu.memory_space<hbm>> -> memref<1x64x128x128xf32, #tpu.memory_space<hbm>>
    tpu.enqueue_dma source(%dma_start3A_106 : memref<1x64x128x128xf32, #tpu.memory_space<hbm>>) target(%dma_start3A_102 : memref<1x64x128x128xf32, #tpu.memory_space<vmem>>) target_semaphore(%dma_start3A_97 : memref<!tpu.dma_semaphore, #tpu.memory_space<semaphore_mem>>)
    %get3A_107 = arith.constant 1 : index
    %get3A_108 = memref.load %arg0[%get3A_107] : memref<8xi32, #tpu.memory_space<smem>>
    %dma_wait3A_109 = arith.constant 1 : i32
    %dma_wait3A_110 = tpu.memref_slice %arg5[%dma_wait3A_109] : memref<8x!tpu.dma_semaphore, #tpu.memory_space<semaphore_mem>> -> memref<1x!tpu.dma_semaphore, #tpu.memory_space<semaphore_mem>>
    %dma_wait3A_111 = tpu.memref_squeeze %dma_wait3A_110 : memref<1x!tpu.dma_semaphore, #tpu.memory_space<semaphore_mem>> -> memref<!tpu.dma_semaphore, #tpu.memory_space<semaphore_mem>>
    %dma_wait3A_112 = arith.constant 1 : i32
    %dma_wait3A_113 = arith.constant 0 : i32
    %dma_wait3A_114 = arith.constant 0 : i32
    %dma_wait3A_115 = arith.constant 0 : i32
    %dma_wait3A_116 = tpu.memref_slice %arg4[%dma_wait3A_112, %dma_wait3A_113, %dma_wait3A_114, %dma_wait3A_115] : memref<4x64x128x128xf32, #tpu.memory_space<vmem>> -> memref<1x64x128x128xf32, #tpu.memory_space<vmem>>
    %dma_wait3A_117 = arith.constant 0 : i32
    %dma_wait3A_118 = arith.constant 0 : i32
    %dma_wait3A_119 = arith.constant 0 : i32
    %dma_wait3A_120 = tpu.memref_slice %arg1[%get3A_108, %dma_wait3A_117, %dma_wait3A_118, %dma_wait3A_119] : memref<8x64x128x128xf32, #tpu.memory_space<hbm>> -> memref<1x64x128x128xf32, #tpu.memory_space<hbm>>
    tpu.wait_dma2 semaphore(%dma_wait3A_111 : memref<!tpu.dma_semaphore, #tpu.memory_space<semaphore_mem>>) src(%dma_wait3A_120 : memref<1x64x128x128xf32, #tpu.memory_space<hbm>>) dst(%dma_wait3A_116 : memref<1x64x128x128xf32, #tpu.memory_space<vmem>>)
    %dma_start3A_121 = arith.constant 1 : i32
    %dma_start3A_122 = tpu.memref_slice %arg6[%dma_start3A_121] : memref<8x!tpu.dma_semaphore, #tpu.memory_space<semaphore_mem>> -> memref<1x!tpu.dma_semaphore, #tpu.memory_space<semaphore_mem>>
    %dma_start3A_123 = tpu.memref_squeeze %dma_start3A_122 : memref<1x!tpu.dma_semaphore, #tpu.memory_space<semaphore_mem>> -> memref<!tpu.dma_semaphore, #tpu.memory_space<semaphore_mem>>
    %dma_start3A_124 = arith.constant 5 : i32
    %dma_start3A_125 = arith.constant 0 : i32
    %dma_start3A_126 = arith.constant 0 : i32
    %dma_start3A_127 = arith.constant 0 : i32
    %dma_start3A_128 = tpu.memref_slice %arg3[%dma_start3A_124, %dma_start3A_125, %dma_start3A_126, %dma_start3A_127] : memref<40x64x128x128xf32, #tpu.memory_space<hbm>> -> memref<1x64x128x128xf32, #tpu.memory_space<hbm>>
    %dma_start3A_129 = arith.constant 1 : i32
    %dma_start3A_130 = arith.constant 0 : i32
    %dma_start3A_131 = arith.constant 0 : i32
    %dma_start3A_132 = arith.constant 0 : i32
    %dma_start3A_133 = tpu.memref_slice %arg4[%dma_start3A_129, %dma_start3A_130, %dma_start3A_131, %dma_start3A_132] : memref<4x64x128x128xf32, #tpu.memory_space<vmem>> -> memref<1x64x128x128xf32, #tpu.memory_space<vmem>>
    tpu.enqueue_dma source(%dma_start3A_133 : memref<1x64x128x128xf32, #tpu.memory_space<vmem>>) target(%dma_start3A_128 : memref<1x64x128x128xf32, #tpu.memory_space<hbm>>) target_semaphore(%dma_start3A_123 : memref<!tpu.dma_semaphore, #tpu.memory_space<semaphore_mem>>)
    %dma_wait3A_134 = arith.constant 1 : i32
    %dma_wait3A_135 = tpu.memref_slice %arg6[%dma_wait3A_134] : memref<8x!tpu.dma_semaphore, #tpu.memory_space<semaphore_mem>> -> memref<1x!tpu.dma_semaphore, #tpu.memory_space<semaphore_mem>>
    %dma_wait3A_136 = tpu.memref_squeeze %dma_wait3A_135 : memref<1x!tpu.dma_semaphore, #tpu.memory_space<semaphore_mem>> -> memref<!tpu.dma_semaphore, #tpu.memory_space<semaphore_mem>>
    %dma_wait3A_137 = arith.constant 5 : i32
    %dma_wait3A_138 = arith.constant 0 : i32
    %dma_wait3A_139 = arith.constant 0 : i32
    %dma_wait3A_140 = arith.constant 0 : i32
    %dma_wait3A_141 = tpu.memref_slice %arg3[%dma_wait3A_137, %dma_wait3A_138, %dma_wait3A_139, %dma_wait3A_140] : memref<40x64x128x128xf32, #tpu.memory_space<hbm>> -> memref<1x64x128x128xf32, #tpu.memory_space<hbm>>
    %dma_wait3A_142 = arith.constant 1 : i32
    %dma_wait3A_143 = arith.constant 0 : i32
    %dma_wait3A_144 = arith.constant 0 : i32
    %dma_wait3A_145 = arith.constant 0 : i32
    %dma_wait3A_146 = tpu.memref_slice %arg4[%dma_wait3A_142, %dma_wait3A_143, %dma_wait3A_144, %dma_wait3A_145] : memref<4x64x128x128xf32, #tpu.memory_space<vmem>> -> memref<1x64x128x128xf32, #tpu.memory_space<vmem>>
    tpu.wait_dma2 semaphore(%dma_wait3A_136 : memref<!tpu.dma_semaphore, #tpu.memory_space<semaphore_mem>>) src(%dma_wait3A_146 : memref<1x64x128x128xf32, #tpu.memory_space<vmem>>) dst(%dma_wait3A_141 : memref<1x64x128x128xf32, #tpu.memory_space<hbm>>)
    %get3A_147 = arith.constant 5 : index
    %get3A_148 = memref.load %arg0[%get3A_147] : memref<8xi32, #tpu.memory_space<smem>>
    %dma_start3A_149 = arith.constant 5 : i32
    %dma_start3A_150 = tpu.memref_slice %arg5[%dma_start3A_149] : memref<8x!tpu.dma_semaphore, #tpu.memory_space<semaphore_mem>> -> memref<1x!tpu.dma_semaphore, #tpu.memory_space<semaphore_mem>>
    %dma_start3A_151 = tpu.memref_squeeze %dma_start3A_150 : memref<1x!tpu.dma_semaphore, #tpu.memory_space<semaphore_mem>> -> memref<!tpu.dma_semaphore, #tpu.memory_space<semaphore_mem>>
    %dma_start3A_152 = arith.constant 1 : i32
    %dma_start3A_153 = arith.constant 0 : i32
    %dma_start3A_154 = arith.constant 0 : i32
    %dma_start3A_155 = arith.constant 0 : i32
    %dma_start3A_156 = tpu.memref_slice %arg4[%dma_start3A_152, %dma_start3A_153, %dma_start3A_154, %dma_start3A_155] : memref<4x64x128x128xf32, #tpu.memory_space<vmem>> -> memref<1x64x128x128xf32, #tpu.memory_space<vmem>>
    %dma_start3A_157 = arith.constant 0 : i32
    %dma_start3A_158 = arith.constant 0 : i32
    %dma_start3A_159 = arith.constant 0 : i32
    %dma_start3A_160 = tpu.memref_slice %arg1[%get3A_148, %dma_start3A_157, %dma_start3A_158, %dma_start3A_159] : memref<8x64x128x128xf32, #tpu.memory_space<hbm>> -> memref<1x64x128x128xf32, #tpu.memory_space<hbm>>
    tpu.enqueue_dma source(%dma_start3A_160 : memref<1x64x128x128xf32, #tpu.memory_space<hbm>>) target(%dma_start3A_156 : memref<1x64x128x128xf32, #tpu.memory_space<vmem>>) target_semaphore(%dma_start3A_151 : memref<!tpu.dma_semaphore, #tpu.memory_space<semaphore_mem>>)
    %get3A_161 = arith.constant 2 : index
    %get3A_162 = memref.load %arg0[%get3A_161] : memref<8xi32, #tpu.memory_space<smem>>
    %dma_wait3A_163 = arith.constant 2 : i32
    %dma_wait3A_164 = tpu.memref_slice %arg5[%dma_wait3A_163] : memref<8x!tpu.dma_semaphore, #tpu.memory_space<semaphore_mem>> -> memref<1x!tpu.dma_semaphore, #tpu.memory_space<semaphore_mem>>
    %dma_wait3A_165 = tpu.memref_squeeze %dma_wait3A_164 : memref<1x!tpu.dma_semaphore, #tpu.memory_space<semaphore_mem>> -> memref<!tpu.dma_semaphore, #tpu.memory_space<semaphore_mem>>
    %dma_wait3A_166 = arith.constant 2 : i32
    %dma_wait3A_167 = arith.constant 0 : i32
    %dma_wait3A_168 = arith.constant 0 : i32
    %dma_wait3A_169 = arith.constant 0 : i32
    %dma_wait3A_170 = tpu.memref_slice %arg4[%dma_wait3A_166, %dma_wait3A_167, %dma_wait3A_168, %dma_wait3A_169] : memref<4x64x128x128xf32, #tpu.memory_space<vmem>> -> memref<1x64x128x128xf32, #tpu.memory_space<vmem>>
    %dma_wait3A_171 = arith.constant 0 : i32
    %dma_wait3A_172 = arith.constant 0 : i32
    %dma_wait3A_173 = arith.constant 0 : i32
    %dma_wait3A_174 = tpu.memref_slice %arg1[%get3A_162, %dma_wait3A_171, %dma_wait3A_172, %dma_wait3A_173] : memref<8x64x128x128xf32, #tpu.memory_space<hbm>> -> memref<1x64x128x128xf32, #tpu.memory_space<hbm>>
    tpu.wait_dma2 semaphore(%dma_wait3A_165 : memref<!tpu.dma_semaphore, #tpu.memory_space<semaphore_mem>>) src(%dma_wait3A_174 : memref<1x64x128x128xf32, #tpu.memory_space<hbm>>) dst(%dma_wait3A_170 : memref<1x64x128x128xf32, #tpu.memory_space<vmem>>)
    %dma_start3A_175 = arith.constant 2 : i32
    %dma_start3A_176 = tpu.memref_slice %arg6[%dma_start3A_175] : memref<8x!tpu.dma_semaphore, #tpu.memory_space<semaphore_mem>> -> memref<1x!tpu.dma_semaphore, #tpu.memory_space<semaphore_mem>>
    %dma_start3A_177 = tpu.memref_squeeze %dma_start3A_176 : memref<1x!tpu.dma_semaphore, #tpu.memory_space<semaphore_mem>> -> memref<!tpu.dma_semaphore, #tpu.memory_space<semaphore_mem>>
    %dma_start3A_178 = arith.constant 10 : i32
    %dma_start3A_179 = arith.constant 0 : i32
    %dma_start3A_180 = arith.constant 0 : i32
    %dma_start3A_181 = arith.constant 0 : i32
    %dma_start3A_182 = tpu.memref_slice %arg3[%dma_start3A_178, %dma_start3A_179, %dma_start3A_180, %dma_start3A_181] : memref<40x64x128x128xf32, #tpu.memory_space<hbm>> -> memref<1x64x128x128xf32, #tpu.memory_space<hbm>>
    %dma_start3A_183 = arith.constant 2 : i32
    %dma_start3A_184 = arith.constant 0 : i32
    %dma_start3A_185 = arith.constant 0 : i32
    %dma_start3A_186 = arith.constant 0 : i32
    %dma_start3A_187 = tpu.memref_slice %arg4[%dma_start3A_183, %dma_start3A_184, %dma_start3A_185, %dma_start3A_186] : memref<4x64x128x128xf32, #tpu.memory_space<vmem>> -> memref<1x64x128x128xf32, #tpu.memory_space<vmem>>
    tpu.enqueue_dma source(%dma_start3A_187 : memref<1x64x128x128xf32, #tpu.memory_space<vmem>>) target(%dma_start3A_182 : memref<1x64x128x128xf32, #tpu.memory_space<hbm>>) target_semaphore(%dma_start3A_177 : memref<!tpu.dma_semaphore, #tpu.memory_space<semaphore_mem>>)
    %dma_wait3A_188 = arith.constant 2 : i32
    %dma_wait3A_189 = tpu.memref_slice %arg6[%dma_wait3A_188] : memref<8x!tpu.dma_semaphore, #tpu.memory_space<semaphore_mem>> -> memref<1x!tpu.dma_semaphore, #tpu.memory_space<semaphore_mem>>
    %dma_wait3A_190 = tpu.memref_squeeze %dma_wait3A_189 : memref<1x!tpu.dma_semaphore, #tpu.memory_space<semaphore_mem>> -> memref<!tpu.dma_semaphore, #tpu.memory_space<semaphore_mem>>
    %dma_wait3A_191 = arith.constant 10 : i32
    %dma_wait3A_192 = arith.constant 0 : i32
    %dma_wait3A_193 = arith.constant 0 : i32
    %dma_wait3A_194 = arith.constant 0 : i32
    %dma_wait3A_195 = tpu.memref_slice %arg3[%dma_wait3A_191, %dma_wait3A_192, %dma_wait3A_193, %dma_wait3A_194] : memref<40x64x128x128xf32, #tpu.memory_space<hbm>> -> memref<1x64x128x128xf32, #tpu.memory_space<hbm>>
    %dma_wait3A_196 = arith.constant 2 : i32
    %dma_wait3A_197 = arith.constant 0 : i32
    %dma_wait3A_198 = arith.constant 0 : i32
    %dma_wait3A_199 = arith.constant 0 : i32
    %dma_wait3A_200 = tpu.memref_slice %arg4[%dma_wait3A_196, %dma_wait3A_197, %dma_wait3A_198, %dma_wait3A_199] : memref<4x64x128x128xf32, #tpu.memory_space<vmem>> -> memref<1x64x128x128xf32, #tpu.memory_space<vmem>>
    tpu.wait_dma2 semaphore(%dma_wait3A_190 : memref<!tpu.dma_semaphore, #tpu.memory_space<semaphore_mem>>) src(%dma_wait3A_200 : memref<1x64x128x128xf32, #tpu.memory_space<vmem>>) dst(%dma_wait3A_195 : memref<1x64x128x128xf32, #tpu.memory_space<hbm>>)
    %get3A_201 = arith.constant 6 : index
    %get3A_202 = memref.load %arg0[%get3A_201] : memref<8xi32, #tpu.memory_space<smem>>
    %dma_start3A_203 = arith.constant 6 : i32
    %dma_start3A_204 = tpu.memref_slice %arg5[%dma_start3A_203] : memref<8x!tpu.dma_semaphore, #tpu.memory_space<semaphore_mem>> -> memref<1x!tpu.dma_semaphore, #tpu.memory_space<semaphore_mem>>
    %dma_start3A_205 = tpu.memref_squeeze %dma_start3A_204 : memref<1x!tpu.dma_semaphore, #tpu.memory_space<semaphore_mem>> -> memref<!tpu.dma_semaphore, #tpu.memory_space<semaphore_mem>>
    %dma_start3A_206 = arith.constant 2 : i32
    %dma_start3A_207 = arith.constant 0 : i32
    %dma_start3A_208 = arith.constant 0 : i32
    %dma_start3A_209 = arith.constant 0 : i32
    %dma_start3A_210 = tpu.memref_slice %arg4[%dma_start3A_206, %dma_start3A_207, %dma_start3A_208, %dma_start3A_209] : memref<4x64x128x128xf32, #tpu.memory_space<vmem>> -> memref<1x64x128x128xf32, #tpu.memory_space<vmem>>
    %dma_start3A_211 = arith.constant 0 : i32
    %dma_start3A_212 = arith.constant 0 : i32
    %dma_start3A_213 = arith.constant 0 : i32
    %dma_start3A_214 = tpu.memref_slice %arg1[%get3A_202, %dma_start3A_211, %dma_start3A_212, %dma_start3A_213] : memref<8x64x128x128xf32, #tpu.memory_space<hbm>> -> memref<1x64x128x128xf32, #tpu.memory_space<hbm>>
    tpu.enqueue_dma source(%dma_start3A_214 : memref<1x64x128x128xf32, #tpu.memory_space<hbm>>) target(%dma_start3A_210 : memref<1x64x128x128xf32, #tpu.memory_space<vmem>>) target_semaphore(%dma_start3A_205 : memref<!tpu.dma_semaphore, #tpu.memory_space<semaphore_mem>>)
    %get3A_215 = arith.constant 3 : index
    %get3A_216 = memref.load %arg0[%get3A_215] : memref<8xi32, #tpu.memory_space<smem>>
    %dma_wait3A_217 = arith.constant 3 : i32
    %dma_wait3A_218 = tpu.memref_slice %arg5[%dma_wait3A_217] : memref<8x!tpu.dma_semaphore, #tpu.memory_space<semaphore_mem>> -> memref<1x!tpu.dma_semaphore, #tpu.memory_space<semaphore_mem>>
    %dma_wait3A_219 = tpu.memref_squeeze %dma_wait3A_218 : memref<1x!tpu.dma_semaphore, #tpu.memory_space<semaphore_mem>> -> memref<!tpu.dma_semaphore, #tpu.memory_space<semaphore_mem>>
    %dma_wait3A_220 = arith.constant 3 : i32
    %dma_wait3A_221 = arith.constant 0 : i32
    %dma_wait3A_222 = arith.constant 0 : i32
    %dma_wait3A_223 = arith.constant 0 : i32
    %dma_wait3A_224 = tpu.memref_slice %arg4[%dma_wait3A_220, %dma_wait3A_221, %dma_wait3A_222, %dma_wait3A_223] : memref<4x64x128x128xf32, #tpu.memory_space<vmem>> -> memref<1x64x128x128xf32, #tpu.memory_space<vmem>>
    %dma_wait3A_225 = arith.constant 0 : i32
    %dma_wait3A_226 = arith.constant 0 : i32
    %dma_wait3A_227 = arith.constant 0 : i32
    %dma_wait3A_228 = tpu.memref_slice %arg1[%get3A_216, %dma_wait3A_225, %dma_wait3A_226, %dma_wait3A_227] : memref<8x64x128x128xf32, #tpu.memory_space<hbm>> -> memref<1x64x128x128xf32, #tpu.memory_space<hbm>>
    tpu.wait_dma2 semaphore(%dma_wait3A_219 : memref<!tpu.dma_semaphore, #tpu.memory_space<semaphore_mem>>) src(%dma_wait3A_228 : memref<1x64x128x128xf32, #tpu.memory_space<hbm>>) dst(%dma_wait3A_224 : memref<1x64x128x128xf32, #tpu.memory_space<vmem>>)
    %dma_start3A_229 = arith.constant 3 : i32
    %dma_start3A_230 = tpu.memref_slice %arg6[%dma_start3A_229] : memref<8x!tpu.dma_semaphore, #tpu.memory_space<semaphore_mem>> -> memref<1x!tpu.dma_semaphore, #tpu.memory_space<semaphore_mem>>
    %dma_start3A_231 = tpu.memref_squeeze %dma_start3A_230 : memref<1x!tpu.dma_semaphore, #tpu.memory_space<semaphore_mem>> -> memref<!tpu.dma_semaphore, #tpu.memory_space<semaphore_mem>>
    %dma_start3A_232 = arith.constant 15 : i32
    %dma_start3A_233 = arith.constant 0 : i32
    %dma_start3A_234 = arith.constant 0 : i32
    %dma_start3A_235 = arith.constant 0 : i32
    %dma_start3A_236 = tpu.memref_slice %arg3[%dma_start3A_232, %dma_start3A_233, %dma_start3A_234, %dma_start3A_235] : memref<40x64x128x128xf32, #tpu.memory_space<hbm>> -> memref<1x64x128x128xf32, #tpu.memory_space<hbm>>
    %dma_start3A_237 = arith.constant 3 : i32
    %dma_start3A_238 = arith.constant 0 : i32
    %dma_start3A_239 = arith.constant 0 : i32
    %dma_start3A_240 = arith.constant 0 : i32
    %dma_start3A_241 = tpu.memref_slice %arg4[%dma_start3A_237, %dma_start3A_238, %dma_start3A_239, %dma_start3A_240] : memref<4x64x128x128xf32, #tpu.memory_space<vmem>> -> memref<1x64x128x128xf32, #tpu.memory_space<vmem>>
    tpu.enqueue_dma source(%dma_start3A_241 : memref<1x64x128x128xf32, #tpu.memory_space<vmem>>) target(%dma_start3A_236 : memref<1x64x128x128xf32, #tpu.memory_space<hbm>>) target_semaphore(%dma_start3A_231 : memref<!tpu.dma_semaphore, #tpu.memory_space<semaphore_mem>>)
    %dma_wait3A_242 = arith.constant 3 : i32
    %dma_wait3A_243 = tpu.memref_slice %arg6[%dma_wait3A_242] : memref<8x!tpu.dma_semaphore, #tpu.memory_space<semaphore_mem>> -> memref<1x!tpu.dma_semaphore, #tpu.memory_space<semaphore_mem>>
    %dma_wait3A_244 = tpu.memref_squeeze %dma_wait3A_243 : memref<1x!tpu.dma_semaphore, #tpu.memory_space<semaphore_mem>> -> memref<!tpu.dma_semaphore, #tpu.memory_space<semaphore_mem>>
    %dma_wait3A_245 = arith.constant 15 : i32
    %dma_wait3A_246 = arith.constant 0 : i32
    %dma_wait3A_247 = arith.constant 0 : i32
    %dma_wait3A_248 = arith.constant 0 : i32
    %dma_wait3A_249 = tpu.memref_slice %arg3[%dma_wait3A_245, %dma_wait3A_246, %dma_wait3A_247, %dma_wait3A_248] : memref<40x64x128x128xf32, #tpu.memory_space<hbm>> -> memref<1x64x128x128xf32, #tpu.memory_space<hbm>>
    %dma_wait3A_250 = arith.constant 3 : i32
    %dma_wait3A_251 = arith.constant 0 : i32
    %dma_wait3A_252 = arith.constant 0 : i32
    %dma_wait3A_253 = arith.constant 0 : i32
    %dma_wait3A_254 = tpu.memref_slice %arg4[%dma_wait3A_250, %dma_wait3A_251, %dma_wait3A_252, %dma_wait3A_253] : memref<4x64x128x128xf32, #tpu.memory_space<vmem>> -> memref<1x64x128x128xf32, #tpu.memory_space<vmem>>
    tpu.wait_dma2 semaphore(%dma_wait3A_244 : memref<!tpu.dma_semaphore, #tpu.memory_space<semaphore_mem>>) src(%dma_wait3A_254 : memref<1x64x128x128xf32, #tpu.memory_space<vmem>>) dst(%dma_wait3A_249 : memref<1x64x128x128xf32, #tpu.memory_space<hbm>>)
    %get3A_255 = arith.constant 7 : index
    %get3A_256 = memref.load %arg0[%get3A_255] : memref<8xi32, #tpu.memory_space<smem>>
    %dma_start3A_257 = arith.constant 7 : i32
    %dma_start3A_258 = tpu.memref_slice %arg5[%dma_start3A_257] : memref<8x!tpu.dma_semaphore, #tpu.memory_space<semaphore_mem>> -> memref<1x!tpu.dma_semaphore, #tpu.memory_space<semaphore_mem>>
    %dma_start3A_259 = tpu.memref_squeeze %dma_start3A_258 : memref<1x!tpu.dma_semaphore, #tpu.memory_space<semaphore_mem>> -> memref<!tpu.dma_semaphore, #tpu.memory_space<semaphore_mem>>
    %dma_start3A_260 = arith.constant 3 : i32
    %dma_start3A_261 = arith.constant 0 : i32
    %dma_start3A_262 = arith.constant 0 : i32
    %dma_start3A_263 = arith.constant 0 : i32
    %dma_start3A_264 = tpu.memref_slice %arg4[%dma_start3A_260, %dma_start3A_261, %dma_start3A_262, %dma_start3A_263] : memref<4x64x128x128xf32, #tpu.memory_space<vmem>> -> memref<1x64x128x128xf32, #tpu.memory_space<vmem>>
    %dma_start3A_265 = arith.constant 0 : i32
    %dma_start3A_266 = arith.constant 0 : i32
    %dma_start3A_267 = arith.constant 0 : i32
    %dma_start3A_268 = tpu.memref_slice %arg1[%get3A_256, %dma_start3A_265, %dma_start3A_266, %dma_start3A_267] : memref<8x64x128x128xf32, #tpu.memory_space<hbm>> -> memref<1x64x128x128xf32, #tpu.memory_space<hbm>>
    tpu.enqueue_dma source(%dma_start3A_268 : memref<1x64x128x128xf32, #tpu.memory_space<hbm>>) target(%dma_start3A_264 : memref<1x64x128x128xf32, #tpu.memory_space<vmem>>) target_semaphore(%dma_start3A_259 : memref<!tpu.dma_semaphore, #tpu.memory_space<semaphore_mem>>)
    %get3A_269 = arith.constant 4 : index
    %get3A_270 = memref.load %arg0[%get3A_269] : memref<8xi32, #tpu.memory_space<smem>>
    %dma_wait3A_271 = arith.constant 4 : i32
    %dma_wait3A_272 = tpu.memref_slice %arg5[%dma_wait3A_271] : memref<8x!tpu.dma_semaphore, #tpu.memory_space<semaphore_mem>> -> memref<1x!tpu.dma_semaphore, #tpu.memory_space<semaphore_mem>>
    %dma_wait3A_273 = tpu.memref_squeeze %dma_wait3A_272 : memref<1x!tpu.dma_semaphore, #tpu.memory_space<semaphore_mem>> -> memref<!tpu.dma_semaphore, #tpu.memory_space<semaphore_mem>>
    %dma_wait3A_274 = arith.constant 0 : i32
    %dma_wait3A_275 = arith.constant 0 : i32
    %dma_wait3A_276 = arith.constant 0 : i32
    %dma_wait3A_277 = arith.constant 0 : i32
    %dma_wait3A_278 = tpu.memref_slice %arg4[%dma_wait3A_274, %dma_wait3A_275, %dma_wait3A_276, %dma_wait3A_277] : memref<4x64x128x128xf32, #tpu.memory_space<vmem>> -> memref<1x64x128x128xf32, #tpu.memory_space<vmem>>
    %dma_wait3A_279 = arith.constant 0 : i32
    %dma_wait3A_280 = arith.constant 0 : i32
    %dma_wait3A_281 = arith.constant 0 : i32
    %dma_wait3A_282 = tpu.memref_slice %arg1[%get3A_270, %dma_wait3A_279, %dma_wait3A_280, %dma_wait3A_281] : memref<8x64x128x128xf32, #tpu.memory_space<hbm>> -> memref<1x64x128x128xf32, #tpu.memory_space<hbm>>
    tpu.wait_dma2 semaphore(%dma_wait3A_273 : memref<!tpu.dma_semaphore, #tpu.memory_space<semaphore_mem>>) src(%dma_wait3A_282 : memref<1x64x128x128xf32, #tpu.memory_space<hbm>>) dst(%dma_wait3A_278 : memref<1x64x128x128xf32, #tpu.memory_space<vmem>>)
    %dma_start3A_283 = arith.constant 4 : i32
    %dma_start3A_284 = tpu.memref_slice %arg6[%dma_start3A_283] : memref<8x!tpu.dma_semaphore, #tpu.memory_space<semaphore_mem>> -> memref<1x!tpu.dma_semaphore, #tpu.memory_space<semaphore_mem>>
    %dma_start3A_285 = tpu.memref_squeeze %dma_start3A_284 : memref<1x!tpu.dma_semaphore, #tpu.memory_space<semaphore_mem>> -> memref<!tpu.dma_semaphore, #tpu.memory_space<semaphore_mem>>
    %dma_start3A_286 = arith.constant 20 : i32
    %dma_start3A_287 = arith.constant 0 : i32
    %dma_start3A_288 = arith.constant 0 : i32
    %dma_start3A_289 = arith.constant 0 : i32
    %dma_start3A_290 = tpu.memref_slice %arg3[%dma_start3A_286, %dma_start3A_287, %dma_start3A_288, %dma_start3A_289] : memref<40x64x128x128xf32, #tpu.memory_space<hbm>> -> memref<1x64x128x128xf32, #tpu.memory_space<hbm>>
    %dma_start3A_291 = arith.constant 0 : i32
    %dma_start3A_292 = arith.constant 0 : i32
    %dma_start3A_293 = arith.constant 0 : i32
    %dma_start3A_294 = arith.constant 0 : i32
    %dma_start3A_295 = tpu.memref_slice %arg4[%dma_start3A_291, %dma_start3A_292, %dma_start3A_293, %dma_start3A_294] : memref<4x64x128x128xf32, #tpu.memory_space<vmem>> -> memref<1x64x128x128xf32, #tpu.memory_space<vmem>>
    tpu.enqueue_dma source(%dma_start3A_295 : memref<1x64x128x128xf32, #tpu.memory_space<vmem>>) target(%dma_start3A_290 : memref<1x64x128x128xf32, #tpu.memory_space<hbm>>) target_semaphore(%dma_start3A_285 : memref<!tpu.dma_semaphore, #tpu.memory_space<semaphore_mem>>)
    %get3A_296 = arith.constant 5 : index
    %get3A_297 = memref.load %arg0[%get3A_296] : memref<8xi32, #tpu.memory_space<smem>>
    %dma_wait3A_298 = arith.constant 5 : i32
    %dma_wait3A_299 = tpu.memref_slice %arg5[%dma_wait3A_298] : memref<8x!tpu.dma_semaphore, #tpu.memory_space<semaphore_mem>> -> memref<1x!tpu.dma_semaphore, #tpu.memory_space<semaphore_mem>>
    %dma_wait3A_300 = tpu.memref_squeeze %dma_wait3A_299 : memref<1x!tpu.dma_semaphore, #tpu.memory_space<semaphore_mem>> -> memref<!tpu.dma_semaphore, #tpu.memory_space<semaphore_mem>>
    %dma_wait3A_301 = arith.constant 1 : i32
    %dma_wait3A_302 = arith.constant 0 : i32
    %dma_wait3A_303 = arith.constant 0 : i32
    %dma_wait3A_304 = arith.constant 0 : i32
    %dma_wait3A_305 = tpu.memref_slice %arg4[%dma_wait3A_301, %dma_wait3A_302, %dma_wait3A_303, %dma_wait3A_304] : memref<4x64x128x128xf32, #tpu.memory_space<vmem>> -> memref<1x64x128x128xf32, #tpu.memory_space<vmem>>
    %dma_wait3A_306 = arith.constant 0 : i32
    %dma_wait3A_307 = arith.constant 0 : i32
    %dma_wait3A_308 = arith.constant 0 : i32
    %dma_wait3A_309 = tpu.memref_slice %arg1[%get3A_297, %dma_wait3A_306, %dma_wait3A_307, %dma_wait3A_308] : memref<8x64x128x128xf32, #tpu.memory_space<hbm>> -> memref<1x64x128x128xf32, #tpu.memory_space<hbm>>
    tpu.wait_dma2 semaphore(%dma_wait3A_300 : memref<!tpu.dma_semaphore, #tpu.memory_space<semaphore_mem>>) src(%dma_wait3A_309 : memref<1x64x128x128xf32, #tpu.memory_space<hbm>>) dst(%dma_wait3A_305 : memref<1x64x128x128xf32, #tpu.memory_space<vmem>>)
    %dma_start3A_310 = arith.constant 5 : i32
    %dma_start3A_311 = tpu.memref_slice %arg6[%dma_start3A_310] : memref<8x!tpu.dma_semaphore, #tpu.memory_space<semaphore_mem>> -> memref<1x!tpu.dma_semaphore, #tpu.memory_space<semaphore_mem>>
    %dma_start3A_312 = tpu.memref_squeeze %dma_start3A_311 : memref<1x!tpu.dma_semaphore, #tpu.memory_space<semaphore_mem>> -> memref<!tpu.dma_semaphore, #tpu.memory_space<semaphore_mem>>
    %dma_start3A_313 = arith.constant 25 : i32
    %dma_start3A_314 = arith.constant 0 : i32
    %dma_start3A_315 = arith.constant 0 : i32
    %dma_start3A_316 = arith.constant 0 : i32
    %dma_start3A_317 = tpu.memref_slice %arg3[%dma_start3A_313, %dma_start3A_314, %dma_start3A_315, %dma_start3A_316] : memref<40x64x128x128xf32, #tpu.memory_space<hbm>> -> memref<1x64x128x128xf32, #tpu.memory_space<hbm>>
    %dma_start3A_318 = arith.constant 1 : i32
    %dma_start3A_319 = arith.constant 0 : i32
    %dma_start3A_320 = arith.constant 0 : i32
    %dma_start3A_321 = arith.constant 0 : i32
    %dma_start3A_322 = tpu.memref_slice %arg4[%dma_start3A_318, %dma_start3A_319, %dma_start3A_320, %dma_start3A_321] : memref<4x64x128x128xf32, #tpu.memory_space<vmem>> -> memref<1x64x128x128xf32, #tpu.memory_space<vmem>>
    tpu.enqueue_dma source(%dma_start3A_322 : memref<1x64x128x128xf32, #tpu.memory_space<vmem>>) target(%dma_start3A_317 : memref<1x64x128x128xf32, #tpu.memory_space<hbm>>) target_semaphore(%dma_start3A_312 : memref<!tpu.dma_semaphore, #tpu.memory_space<semaphore_mem>>)
    %get3A_323 = arith.constant 6 : index
    %get3A_324 = memref.load %arg0[%get3A_323] : memref<8xi32, #tpu.memory_space<smem>>
    %dma_wait3A_325 = arith.constant 6 : i32
    %dma_wait3A_326 = tpu.memref_slice %arg5[%dma_wait3A_325] : memref<8x!tpu.dma_semaphore, #tpu.memory_space<semaphore_mem>> -> memref<1x!tpu.dma_semaphore, #tpu.memory_space<semaphore_mem>>
    %dma_wait3A_327 = tpu.memref_squeeze %dma_wait3A_326 : memref<1x!tpu.dma_semaphore, #tpu.memory_space<semaphore_mem>> -> memref<!tpu.dma_semaphore, #tpu.memory_space<semaphore_mem>>
    %dma_wait3A_328 = arith.constant 2 : i32
    %dma_wait3A_329 = arith.constant 0 : i32
    %dma_wait3A_330 = arith.constant 0 : i32
    %dma_wait3A_331 = arith.constant 0 : i32
    %dma_wait3A_332 = tpu.memref_slice %arg4[%dma_wait3A_328, %dma_wait3A_329, %dma_wait3A_330, %dma_wait3A_331] : memref<4x64x128x128xf32, #tpu.memory_space<vmem>> -> memref<1x64x128x128xf32, #tpu.memory_space<vmem>>
    %dma_wait3A_333 = arith.constant 0 : i32
    %dma_wait3A_334 = arith.constant 0 : i32
    %dma_wait3A_335 = arith.constant 0 : i32
    %dma_wait3A_336 = tpu.memref_slice %arg1[%get3A_324, %dma_wait3A_333, %dma_wait3A_334, %dma_wait3A_335] : memref<8x64x128x128xf32, #tpu.memory_space<hbm>> -> memref<1x64x128x128xf32, #tpu.memory_space<hbm>>
    tpu.wait_dma2 semaphore(%dma_wait3A_327 : memref<!tpu.dma_semaphore, #tpu.memory_space<semaphore_mem>>) src(%dma_wait3A_336 : memref<1x64x128x128xf32, #tpu.memory_space<hbm>>) dst(%dma_wait3A_332 : memref<1x64x128x128xf32, #tpu.memory_space<vmem>>)
    %dma_start3A_337 = arith.constant 6 : i32
    %dma_start3A_338 = tpu.memref_slice %arg6[%dma_start3A_337] : memref<8x!tpu.dma_semaphore, #tpu.memory_space<semaphore_mem>> -> memref<1x!tpu.dma_semaphore, #tpu.memory_space<semaphore_mem>>
    %dma_start3A_339 = tpu.memref_squeeze %dma_start3A_338 : memref<1x!tpu.dma_semaphore, #tpu.memory_space<semaphore_mem>> -> memref<!tpu.dma_semaphore, #tpu.memory_space<semaphore_mem>>
    %dma_start3A_340 = arith.constant 30 : i32
    %dma_start3A_341 = arith.constant 0 : i32
    %dma_start3A_342 = arith.constant 0 : i32
    %dma_start3A_343 = arith.constant 0 : i32
    %dma_start3A_344 = tpu.memref_slice %arg3[%dma_start3A_340, %dma_start3A_341, %dma_start3A_342, %dma_start3A_343] : memref<40x64x128x128xf32, #tpu.memory_space<hbm>> -> memref<1x64x128x128xf32, #tpu.memory_space<hbm>>
    %dma_start3A_345 = arith.constant 2 : i32
    %dma_start3A_346 = arith.constant 0 : i32
    %dma_start3A_347 = arith.constant 0 : i32
    %dma_start3A_348 = arith.constant 0 : i32
    %dma_start3A_349 = tpu.memref_slice %arg4[%dma_start3A_345, %dma_start3A_346, %dma_start3A_347, %dma_start3A_348] : memref<4x64x128x128xf32, #tpu.memory_space<vmem>> -> memref<1x64x128x128xf32, #tpu.memory_space<vmem>>
    tpu.enqueue_dma source(%dma_start3A_349 : memref<1x64x128x128xf32, #tpu.memory_space<vmem>>) target(%dma_start3A_344 : memref<1x64x128x128xf32, #tpu.memory_space<hbm>>) target_semaphore(%dma_start3A_339 : memref<!tpu.dma_semaphore, #tpu.memory_space<semaphore_mem>>)
    %get3A_350 = arith.constant 7 : index
    %get3A_351 = memref.load %arg0[%get3A_350] : memref<8xi32, #tpu.memory_space<smem>>
    %dma_wait3A_352 = arith.constant 7 : i32
    %dma_wait3A_353 = tpu.memref_slice %arg5[%dma_wait3A_352] : memref<8x!tpu.dma_semaphore, #tpu.memory_space<semaphore_mem>> -> memref<1x!tpu.dma_semaphore, #tpu.memory_space<semaphore_mem>>
    %dma_wait3A_354 = tpu.memref_squeeze %dma_wait3A_353 : memref<1x!tpu.dma_semaphore, #tpu.memory_space<semaphore_mem>> -> memref<!tpu.dma_semaphore, #tpu.memory_space<semaphore_mem>>
    %dma_wait3A_355 = arith.constant 3 : i32
    %dma_wait3A_356 = arith.constant 0 : i32
    %dma_wait3A_357 = arith.constant 0 : i32
    %dma_wait3A_358 = arith.constant 0 : i32
    %dma_wait3A_359 = tpu.memref_slice %arg4[%dma_wait3A_355, %dma_wait3A_356, %dma_wait3A_357, %dma_wait3A_358] : memref<4x64x128x128xf32, #tpu.memory_space<vmem>> -> memref<1x64x128x128xf32, #tpu.memory_space<vmem>>
    %dma_wait3A_360 = arith.constant 0 : i32
    %dma_wait3A_361 = arith.constant 0 : i32
    %dma_wait3A_362 = arith.constant 0 : i32
    %dma_wait3A_363 = tpu.memref_slice %arg1[%get3A_351, %dma_wait3A_360, %dma_wait3A_361, %dma_wait3A_362] : memref<8x64x128x128xf32, #tpu.memory_space<hbm>> -> memref<1x64x128x128xf32, #tpu.memory_space<hbm>>
    tpu.wait_dma2 semaphore(%dma_wait3A_354 : memref<!tpu.dma_semaphore, #tpu.memory_space<semaphore_mem>>) src(%dma_wait3A_363 : memref<1x64x128x128xf32, #tpu.memory_space<hbm>>) dst(%dma_wait3A_359 : memref<1x64x128x128xf32, #tpu.memory_space<vmem>>)
    %dma_start3A_364 = arith.constant 7 : i32
    %dma_start3A_365 = tpu.memref_slice %arg6[%dma_start3A_364] : memref<8x!tpu.dma_semaphore, #tpu.memory_space<semaphore_mem>> -> memref<1x!tpu.dma_semaphore, #tpu.memory_space<semaphore_mem>>
    %dma_start3A_366 = tpu.memref_squeeze %dma_start3A_365 : memref<1x!tpu.dma_semaphore, #tpu.memory_space<semaphore_mem>> -> memref<!tpu.dma_semaphore, #tpu.memory_space<semaphore_mem>>
    %dma_start3A_367 = arith.constant 35 : i32
    %dma_start3A_368 = arith.constant 0 : i32
    %dma_start3A_369 = arith.constant 0 : i32
    %dma_start3A_370 = arith.constant 0 : i32
    %dma_start3A_371 = tpu.memref_slice %arg3[%dma_start3A_367, %dma_start3A_368, %dma_start3A_369, %dma_start3A_370] : memref<40x64x128x128xf32, #tpu.memory_space<hbm>> -> memref<1x64x128x128xf32, #tpu.memory_space<hbm>>
    %dma_start3A_372 = arith.constant 3 : i32
    %dma_start3A_373 = arith.constant 0 : i32
    %dma_start3A_374 = arith.constant 0 : i32
    %dma_start3A_375 = arith.constant 0 : i32
    %dma_start3A_376 = tpu.memref_slice %arg4[%dma_start3A_372, %dma_start3A_373, %dma_start3A_374, %dma_start3A_375] : memref<4x64x128x128xf32, #tpu.memory_space<vmem>> -> memref<1x64x128x128xf32, #tpu.memory_space<vmem>>
    tpu.enqueue_dma source(%dma_start3A_376 : memref<1x64x128x128xf32, #tpu.memory_space<vmem>>) target(%dma_start3A_371 : memref<1x64x128x128xf32, #tpu.memory_space<hbm>>) target_semaphore(%dma_start3A_366 : memref<!tpu.dma_semaphore, #tpu.memory_space<semaphore_mem>>)
    %dma_wait3A_377 = arith.constant 4 : i32
    %dma_wait3A_378 = tpu.memref_slice %arg6[%dma_wait3A_377] : memref<8x!tpu.dma_semaphore, #tpu.memory_space<semaphore_mem>> -> memref<1x!tpu.dma_semaphore, #tpu.memory_space<semaphore_mem>>
    %dma_wait3A_379 = tpu.memref_squeeze %dma_wait3A_378 : memref<1x!tpu.dma_semaphore, #tpu.memory_space<semaphore_mem>> -> memref<!tpu.dma_semaphore, #tpu.memory_space<semaphore_mem>>
    %dma_wait3A_380 = arith.constant 20 : i32
    %dma_wait3A_381 = arith.constant 0 : i32
    %dma_wait3A_382 = arith.constant 0 : i32
    %dma_wait3A_383 = arith.constant 0 : i32
    %dma_wait3A_384 = tpu.memref_slice %arg3[%dma_wait3A_380, %dma_wait3A_381, %dma_wait3A_382, %dma_wait3A_383] : memref<40x64x128x128xf32, #tpu.memory_space<hbm>> -> memref<1x64x128x128xf32, #tpu.memory_space<hbm>>
    %dma_wait3A_385 = arith.constant 0 : i32
    %dma_wait3A_386 = arith.constant 0 : i32
    %dma_wait3A_387 = arith.constant 0 : i32
    %dma_wait3A_388 = arith.constant 0 : i32
    %dma_wait3A_389 = tpu.memref_slice %arg4[%dma_wait3A_385, %dma_wait3A_386, %dma_wait3A_387, %dma_wait3A_388] : memref<4x64x128x128xf32, #tpu.memory_space<vmem>> -> memref<1x64x128x128xf32, #tpu.memory_space<vmem>>
    tpu.wait_dma2 semaphore(%dma_wait3A_379 : memref<!tpu.dma_semaphore, #tpu.memory_space<semaphore_mem>>) src(%dma_wait3A_389 : memref<1x64x128x128xf32, #tpu.memory_space<vmem>>) dst(%dma_wait3A_384 : memref<1x64x128x128xf32, #tpu.memory_space<hbm>>)
    %dma_wait3A_390 = arith.constant 5 : i32
    %dma_wait3A_391 = tpu.memref_slice %arg6[%dma_wait3A_390] : memref<8x!tpu.dma_semaphore, #tpu.memory_space<semaphore_mem>> -> memref<1x!tpu.dma_semaphore, #tpu.memory_space<semaphore_mem>>
    %dma_wait3A_392 = tpu.memref_squeeze %dma_wait3A_391 : memref<1x!tpu.dma_semaphore, #tpu.memory_space<semaphore_mem>> -> memref<!tpu.dma_semaphore, #tpu.memory_space<semaphore_mem>>
    %dma_wait3A_393 = arith.constant 25 : i32
    %dma_wait3A_394 = arith.constant 0 : i32
    %dma_wait3A_395 = arith.constant 0 : i32
    %dma_wait3A_396 = arith.constant 0 : i32
    %dma_wait3A_397 = tpu.memref_slice %arg3[%dma_wait3A_393, %dma_wait3A_394, %dma_wait3A_395, %dma_wait3A_396] : memref<40x64x128x128xf32, #tpu.memory_space<hbm>> -> memref<1x64x128x128xf32, #tpu.memory_space<hbm>>
    %dma_wait3A_398 = arith.constant 1 : i32
    %dma_wait3A_399 = arith.constant 0 : i32
    %dma_wait3A_400 = arith.constant 0 : i32
    %dma_wait3A_401 = arith.constant 0 : i32
    %dma_wait3A_402 = tpu.memref_slice %arg4[%dma_wait3A_398, %dma_wait3A_399, %dma_wait3A_400, %dma_wait3A_401] : memref<4x64x128x128xf32, #tpu.memory_space<vmem>> -> memref<1x64x128x128xf32, #tpu.memory_space<vmem>>
    tpu.wait_dma2 semaphore(%dma_wait3A_392 : memref<!tpu.dma_semaphore, #tpu.memory_space<semaphore_mem>>) src(%dma_wait3A_402 : memref<1x64x128x128xf32, #tpu.memory_space<vmem>>) dst(%dma_wait3A_397 : memref<1x64x128x128xf32, #tpu.memory_space<hbm>>)
    %dma_wait3A_403 = arith.constant 6 : i32
    %dma_wait3A_404 = tpu.memref_slice %arg6[%dma_wait3A_403] : memref<8x!tpu.dma_semaphore, #tpu.memory_space<semaphore_mem>> -> memref<1x!tpu.dma_semaphore, #tpu.memory_space<semaphore_mem>>
    %dma_wait3A_405 = tpu.memref_squeeze %dma_wait3A_404 : memref<1x!tpu.dma_semaphore, #tpu.memory_space<semaphore_mem>> -> memref<!tpu.dma_semaphore, #tpu.memory_space<semaphore_mem>>
    %dma_wait3A_406 = arith.constant 30 : i32
    %dma_wait3A_407 = arith.constant 0 : i32
    %dma_wait3A_408 = arith.constant 0 : i32
    %dma_wait3A_409 = arith.constant 0 : i32
    %dma_wait3A_410 = tpu.memref_slice %arg3[%dma_wait3A_406, %dma_wait3A_407, %dma_wait3A_408, %dma_wait3A_409] : memref<40x64x128x128xf32, #tpu.memory_space<hbm>> -> memref<1x64x128x128xf32, #tpu.memory_space<hbm>>
    %dma_wait3A_411 = arith.constant 2 : i32
    %dma_wait3A_412 = arith.constant 0 : i32
    %dma_wait3A_413 = arith.constant 0 : i32
    %dma_wait3A_414 = arith.constant 0 : i32
    %dma_wait3A_415 = tpu.memref_slice %arg4[%dma_wait3A_411, %dma_wait3A_412, %dma_wait3A_413, %dma_wait3A_414] : memref<4x64x128x128xf32, #tpu.memory_space<vmem>> -> memref<1x64x128x128xf32, #tpu.memory_space<vmem>>
    tpu.wait_dma2 semaphore(%dma_wait3A_405 : memref<!tpu.dma_semaphore, #tpu.memory_space<semaphore_mem>>) src(%dma_wait3A_415 : memref<1x64x128x128xf32, #tpu.memory_space<vmem>>) dst(%dma_wait3A_410 : memref<1x64x128x128xf32, #tpu.memory_space<hbm>>)
    %dma_wait3A_416 = arith.constant 7 : i32
    %dma_wait3A_417 = tpu.memref_slice %arg6[%dma_wait3A_416] : memref<8x!tpu.dma_semaphore, #tpu.memory_space<semaphore_mem>> -> memref<1x!tpu.dma_semaphore, #tpu.memory_space<semaphore_mem>>
    %dma_wait3A_418 = tpu.memref_squeeze %dma_wait3A_417 : memref<1x!tpu.dma_semaphore, #tpu.memory_space<semaphore_mem>> -> memref<!tpu.dma_semaphore, #tpu.memory_space<semaphore_mem>>
    %dma_wait3A_419 = arith.constant 35 : i32
    %dma_wait3A_420 = arith.constant 0 : i32
    %dma_wait3A_421 = arith.constant 0 : i32
    %dma_wait3A_422 = arith.constant 0 : i32
    %dma_wait3A_423 = tpu.memref_slice %arg3[%dma_wait3A_419, %dma_wait3A_420, %dma_wait3A_421, %dma_wait3A_422] : memref<40x64x128x128xf32, #tpu.memory_space<hbm>> -> memref<1x64x128x128xf32, #tpu.memory_space<hbm>>
    %dma_wait3A_424 = arith.constant 3 : i32
    %dma_wait3A_425 = arith.constant 0 : i32
    %dma_wait3A_426 = arith.constant 0 : i32
    %dma_wait3A_427 = arith.constant 0 : i32
    %dma_wait3A_428 = tpu.memref_slice %arg4[%dma_wait3A_424, %dma_wait3A_425, %dma_wait3A_426, %dma_wait3A_427] : memref<4x64x128x128xf32, #tpu.memory_space<vmem>> -> memref<1x64x128x128xf32, #tpu.memory_space<vmem>>
    tpu.wait_dma2 semaphore(%dma_wait3A_418 : memref<!tpu.dma_semaphore, #tpu.memory_space<semaphore_mem>>) src(%dma_wait3A_428 : memref<1x64x128x128xf32, #tpu.memory_space<vmem>>) dst(%dma_wait3A_423 : memref<1x64x128x128xf32, #tpu.memory_space<hbm>>)
    return
  }
}

</mosaic_0001>

<sc_bundles>
// kernel: kernel.4.cloned.1.call-start
scs
__scs_entry_jumppad:
0x0: {  	(pc) =	sbr.rel $0x88, $3  }
0x1: {  	(tag) =	ssettag $0x0;
	lr =	simm.s32 $0x1  }
0x2: {  	[smem:$0x3F9E] =	sst lr;
	_ =	strace $0xD0000000  }
0x3: {  	_ = 	snop  }
0x4: {  	_ = 	snop  }
0x5: {  	_ = 	snop  }
0x6: {  	_ = 	snop  }
0x7: {  	_ = 	snop  }
__scs_overlays_trampoline_lowered:
0x8: {  	[smem:$0x3FAD] =	sst s0  }
0x9: {  	[smem:$0x3FAE] =	sst s1  }
0xa: {  	[smem:$0x3FAF] =	sst s2  }
0xb: {  	[smem:$0x3FB0] =	sst s3  }
0xc: {  	[smem:$0x3FB1] =	sst s4  }
0xd: {  	[smem:$0x3FB2] =	sst s5  }
0xe: {  	[smem:$0x3FB3] =	sst s6  }
0xf: {  	[smem:$0x3FB4] =	sst s7  }
0x10: {  	[smem:$0x3FB5] =	sst s8  }
0x11: {  	[smem:$0x3FB6] =	sst s9;
	s0 =	simm.s32 @!p0 $0x0  }
0x12: {  	s1 =	sld [smem:$0x3F9C];
	s0 =	simm.s32 @p0 $0x1  }
0x13: {  	[smem:$0x3FB7] =	sst s0;
	s0 =	simm.s32 @!p1 $0x0  }
0x14: {  	s2 =	sld [smem:$0x3F9B];
	s0 =	simm.s32 @p1 $0x1  }
0x15: {  	[smem:$0x3FB8] =	sst s0;
	s0 =	simm.s32 @!p2 $0x0  }
0x16: {  	s3 =	sld [smem:$0x3FDB];
	s0 =	simm.s32 @p2 $0x1  }
0x17: {  	s4 =	simm.s32 $0x1BF5;
	[smem:$0x3FBA] =	sst s0  }
0x18: {  	s0 =	sld [smem:$0x3F9D];
	_ =	swait.ge [sflag:s4], $0x0  }
0x19: {  	s7 =	sld [smem:$0x3F9E]  }
0x1a: {  	s8 =	sadd.s32 $0xFFFFE003, lr  }
0x1b: {  	s9 =	sadd.s32 $0xFFFFFEF7, lr;
	s5 =	simm.s32 $0xFFFFFFFF;
	p2 =	slt.u32 s8, $0xFFFFF086  }
0x1c: {  	p1 =	slt.u32 s9, $0xF7A;
	s5 =	simm.s32 @!p2 $0x0  }
0x1d: {  	s5 =	simm.s32 @p1 $0x1;
	p0 =	seq.s32 s7, s2  }
0x1e: {  	s7 =	smul.u32 @!p0 $0xF7A, s2;
	p2 =	seq.s32 @!p0 s5, $0x0  }
0x1f: {  	s9 =	smul.u32 $0xF7A, s1;
	s8 =	simm.s32 @!p0 $0x1BF5;
	p2 =	por !p2, p0  }
0x20: {  	[sflag:s8] =	ssyncset.s32 @!p0 $0xFFFFF086;
	s6 =	sadd.s32 @!p0 s3, s7;
	s7 =	simm.s32 @!p0 $0x108  }
0x21: {  	s3 =	sadd.s32 s3, s9;
	s6 =	sadd.s32 @!p0 $0x88, s6;
	s7 =	simm.s32 @p2 $0x1082  }
0x22: {  	[simem:s7], [sflag:s8] =	dma.local @!p0 [hbm:s6], $0xF7A  }
0x23: {  	s9 =	sor.u32 $0xD0000000, s2;
	s6 =	simm.s32 $0x108;
	_ =	swait.ge @!p0 [sflag:s8], $0x0  }
0x24: {  	s3 =	sadd.s32 $0x88, s3;
	s6 =	simm.s32 @!p1 $0x1082;
	[sflag:s4] =	ssyncset.s32 $0xFFFFF086  }
0x25: {  	[simem:s6], [sflag:s4] =	dma.local [hbm:s3], $0xF7A  }
0x26: {  	[smem:$0x3F9E] =	sst s1;
	(tag) =	ssettag s2;
	_ =	strace s9  }
0x27: {  	s1 =	sld [smem:$0x3FAE]  }
0x28: {  	s2 =	sld [smem:$0x3FAF]  }
0x29: {  	s4 =	sld [smem:$0x3FB1]  }
0x2a: {  	p0 =	seq.s32 s5, $0x0;
	s5 =	sld [smem:$0x3FB2]  }
0x2b: {  	s6 =	sld [smem:$0x3FB3]  }
0x2c: {  	s7 =	sld [smem:$0x3FB4]  }
0x2d: {  	s3 =	simm.s32 $0x108;
	s8 =	sld [smem:$0x3FB5]  }
0x2e: {  	s3 =	simm.s32 @!p0 $0x1082;
	s9 =	sld [smem:$0x3FB6]  }
0x2f: {  	lr =	sadd.s32 s0, s3;
	s0 =	sld [smem:$0x3FAD]  }
0x30: {  	s3 =	sld [smem:$0x3FB0]  }
0x31: {  	[smem:$0x3FB9] =	sst s10  }
0x32: {  	s10 =	sld [smem:$0x3FB7];
	_ =	sdelay $0x3  }
0x33: {  	p0 =	seq.s32 s10, $0x1;
	s10 =	sld [smem:$0x3FB9];
	_ =	sdelay $0x3  }
0x34: {  	[smem:$0x3FB9] =	sst s10  }
0x35: {  	s10 =	sld [smem:$0x3FB8];
	_ =	sdelay $0x3  }
0x36: {  	p1 =	seq.s32 s10, $0x1;
	s10 =	sld [smem:$0x3FB9];
	_ =	sdelay $0x3  }
0x37: {  	[smem:$0x3FB9] =	sst s10  }
0x38: {  	s10 =	sld [smem:$0x3FBA]  }
0x39: {  	_ = 	snop;
	(pc) =	sbr.ind lr, $3  }
0x3a: {  	_ = 	snop  }
0x3b: {  	_ = 	snop  }
0x3c: {  	p2 =	seq.s32 s10, $0x1;
	s10 =	sld [smem:$0x3FB9]  }
0x3d: {  	_ =	shalt  }
0x3e: {  	_ =	shalt  }
0x3f: {  	_ =	shalt  }
0x40: {  	_ =	shalt  }
0x41: {  	_ =	shalt  }
0x42: {  	_ =	shalt  }
0x43: {  	_ =	shalt  }
0x44: {  	_ =	shalt  }
0x45: {  	_ =	shalt  }
0x46: {  	_ =	shalt  }
0x47: {  	_ =	shalt  }
0x48: {  	_ =	shalt  }
0x49: {  	_ =	shalt  }
0x4a: {  	_ =	shalt  }
0x4b: {  	_ =	shalt  }
0x4c: {  	_ =	shalt  }
0x4d: {  	_ =	shalt  }
0x4e: {  	_ =	shalt  }
0x4f: {  	_ =	shalt  }
0x50: {  	_ =	shalt  }
0x51: {  	_ =	shalt  }
0x52: {  	_ =	shalt  }
0x53: {  	_ =	shalt  }
0x54: {  	_ =	shalt  }
0x55: {  	_ =	shalt  }
0x56: {  	_ =	shalt  }
0x57: {  	_ =	shalt  }
0x58: {  	_ =	shalt  }
0x59: {  	_ =	shalt  }
0x5a: {  	_ =	shalt  }
0x5b: {  	_ =	shalt  }
0x5c: {  	_ =	shalt  }
0x5d: {  	_ =	shalt  }
0x5e: {  	_ =	shalt  }
0x5f: {  	_ =	shalt  }
0x60: {  	_ =	shalt  }
0x61: {  	_ =	shalt  }
0x62: {  	_ =	shalt  }
0x63: {  	_ =	shalt  }
0x64: {  	_ =	shalt  }
0x65: {  	_ =	shalt  }
0x66: {  	_ =	shalt  }
0x67: {  	_ =	shalt  }
0x68: {  	_ =	shalt  }
0x69: {  	_ =	shalt  }
0x6a: {  	_ =	shalt  }
0x6b: {  	_ =	shalt  }
0x6c: {  	_ =	shalt  }
0x6d: {  	_ =	shalt  }
0x6e: {  	_ =	shalt  }
0x6f: {  	_ =	shalt  }
0x70: {  	_ =	shalt  }
0x71: {  	_ =	shalt  }
0x72: {  	_ =	shalt  }
0x73: {  	_ =	shalt  }
0x74: {  	_ =	shalt  }
0x75: {  	_ =	shalt  }
0x76: {  	_ =	shalt  }
0x77: {  	_ =	shalt  }
0x78: {  	_ =	shalt  }
0x79: {  	_ =	shalt  }
0x7a: {  	_ =	shalt  }
0x7b: {  	_ =	shalt  }
0x7c: {  	_ =	shalt  }
0x7d: {  	_ =	shalt  }
0x7e: {  	_ =	shalt  }
0x7f: {  	_ =	shalt  }
0x80: {  	_ =	shalt  }
0x81: {  	_ =	shalt  }
0x82: {  	_ =	shalt  }
0x83: {  	_ =	shalt  }
0x84: {  	_ =	shalt  }
0x85: {  	_ =	shalt  }
0x86: {  	_ =	shalt  }
0x87: {  	_ =	shalt  }
.Lfunc_end0:
.L_simem_size_0:
called_computation_lowered:
.L_overlay_start_0:
0x88: {  	s2 =	sld [smem:$0x3FD9]  }
0x89: {  	s3 =	sld [smem:$0x3FFE];
	_ =	sdelay $0x1  }
0x8a: {  	s1 =	srdreg.scid  }
0x8b: {  	s0 =	sand.u32 $0x1, s1  }
0x8c: {  	s15 =	sshll.u32 s0, $0xA;
	s2 =	sadd.s32 s3, s2  }
0x8d: {  	s2 =	sadd.s32 s2, s15  }
0x8e: {  	[smem:$0x3FC5] =	sst s2  }
0x8f: {  	_ = 	snop  }
0x90: {  	s2 =	sld [smem:$0x3FD0];
	_ =	sdelay $0x2  }
0x91: {  	s4 =	simm.s32 $0xA;
	s5 =	simm.s32 $0x10;
	s16 =	sld [smem:$0x3FC8]  }
0x92: {  	[smem:s5], [sflag:s4] =	dma.local [hbm:s2], $0x1  }
0x93: {  	_ =	swait.eq [sflag:s4], $0x1  }
0x94: {  	[sflag:s4] =	ssyncset.done $0x0  }
0x95: {  	[sflag:s4] =	ssyncadd.s32 $0xFFFFFFFF  }
0x96: {  	s17 =	sld [smem:$0x10];
	(tm) =	ssettm $0x1  }
0x97: {  	s18 =	sld [smem:$0x3FFB];
	_ =	sdelay $0x3  }
0x98: {  	_ =	strace s18  }
0x99: {  	s4 =	sld [smem:$0x3FFC];
	_ =	sdelay $0x3  }
0x9a: {  	_ =	strace s4  }
0x9b: {  	s4 =	sld [smem:$0x3FFD];
	_ =	sdelay $0x3  }
0x9c: {  	_ =	strace s4  }
0x9d: {  	_ =	strace $0x8FFFFFFF  }
0x9e: {  	s19 =	sld [smem:$0x3FDB];
	_ =	sdelay $0x1  }
0x9f: {  	s20 =	simm.s32 $_scs_section_size  }
0xa0: {  	s6 =	simm.s32 $_size__tile_overlayer_lowered;
	s7 =	simm.s32 $_tile_overlayer_lowered  }
0xa1: {  	s23 =	simm.s32 $0x1BFF;
	s22 =	sshll.u32 s7, $0x1;
	s4 =	sadd.s32 s20, s19  }
0xa2: {  	s8 =	simm.s32 $0x0;
	s21 =	sshll.u32 s6, $0x1;
	s6 =	sadd.s32 s22, s4  }
0xa3: {  	[timem:s8], [sflag:s23] =	dma.local [hbm:s6], s21  }
0xa4: {  	_ =	swait.ge [sflag:s23], s21  }
0xa5: {  	s5 =	ssub.s32 $0x0, s21;
	[sflag:s23] =	ssyncset.done $0x0  }
0xa6: {  	[sflag:s23] =	ssyncadd.s32 s5;
	_ =	sdelay $0x1  }
0xa7: {  	s24 =	simm.s32 $0x1B8B  }
0xa8: {  	_ =	swait.ge [sflag:s24], $0x1  }
0xa9: {  	[sflag:s24] =	ssyncset.done $0x0  }
0xaa: {  	s25 =	simm.s32 $0x1B8E;
	[sflag:s24] =	ssyncadd.s32 $0xFFFFFFFF  }
0xab: {  	s26 =	simm.s32 $execute0_lowered;
	[smem:$0x3FD2] =	sst s25  }
0xac: {  	s5 =	sshll.u32 s26, $0x1;
	_ =	strace $0x80000046;
	[dreg:$0x1] =	wrdreg $0xFFFFFFFF  }
0xad: {  	s28 =	simm.s32 $_size_execute0_lowered;
	s4 =	sadd.s32 s4, s5;
	[dreg:$0x0] =	wrdreg $0x0  }
0xae: {  	s5 =	sshll.u32 s28, $0x1;
	[dreg:$0x2] =	wrdreg s4  }
0xaf: {  	[dreg:$0x3] =	wrdreg s5  }
0xb0: {  	[dreg:$0x4] =	wrdreg $0xC0  }
0xb1: {  	_ =	task [dreg:s8], $0x5FFFF  }
0xb2: {  	[dreg:$0x1] =	wrdreg $0xFFFFFFFF  }
0xb3: {  	[dreg:$0x0] =	wrdreg $0x60  }
0xb4: {  	[dreg:$0x2] =	wrdreg s16  }
0xb5: {  	[dreg:$0x3] =	wrdreg s17  }
0xb6: {  	[dreg:$0x4] =	wrdreg $0x9  }
0xb7: {  	_ =	task.clear_ibuf [dreg:s8], $0x5FFFF;
	_ =	strace $0x90000046  }
0xb8: {  	s29 =	simm.s32 $0x9;
	_ =	strace $0x80000048  }
0xb9: {  	_ =	swait.ge [sflag:s29], $0x1  }
0xba: {  	[sflag:s29] =	ssyncadd.s32 $0xFFFFFFFF  }
0xbb: {  	_ =	strace $0x90000048  }
0xbc: {  	_ =	sfence  }
0xbd: {  	s30 =	sld [smem:$0x0];
	_ =	sdelay $0x2  }
0xbe: {  	s31 =	sshll.u32 s1, $0xD;
	s1 =	sshrl.u32 s1, $0x2  }
0xbf: {  	s3 =	sand.u32 $0x4000, s31;
	s1 =	sadd.s32 s1, s30  }
0xc0: {  	s0 =	sor.u32 s3, s0;
	s1 =	sshll.u32 s1, $0x11  }
0xc1: {  	s0 =	sor.u32 s1, s0  }
0xc2: {  	s0 =	sadd.s32 $0x8F2B, s0  }
0xc3: {  	[sflag:s0] =	ssyncadd.remote.s32 $0x1  }
0xc4: {  	_ =	sfence.sel $0xFFFF  }
0xc5: {  	[dreg:$0x0] =	wrdreg $0xFFFFFFFF;
	(pc) =	sbr.abs _section_cstart, $3  }
0xc6: {  	[dreg:$0x1] =	wrdreg $0xFFFFFFFF  }
0xc7: {  	_ =	task.clear_ibuf [dreg:s8], $0x2FFFF;
	_ =	strace $0x9FFFFFFF  }
0xc8: {  	(tm) =	ssettm $0x7FFFFFFF  }
0xc9: {  	_ =	shalt  }
tec
execute0_lowered:
.L_overlay_start_1:
0x0: {  	(tag) =	ssettag $0x1  }
0x1: {  	s2 =	stileid.u32  }
0x2: {  	s0 =	srdreg.scid;
	s1 =	sshll.u32 s2, $0x1;
	s2 =	sshrl.u32 s2, $0x1  }
0x3: {  	s5 =	sand.u32 $0x1, s0;
	s10 =	sand.u32 $0x2, s1;
	s2 =	smul.u32 $0x5, s2  }
0x4: {  	s0 =	sor.u32 s5, s10  }
0x5: {  	s3 =	rddreg [dreg:$0x0];
	s0 =	sadd.s32 s2, s0  }
0x6: {  	s1 =	rddreg [dreg:$0x1];
	s2 =	simm.s32 $0x0;
	s4 =	sshll.u32 s0, $0x11  }
0x7: {  	[smem:$0x7FF] =	sst s2;
	s0 =	sadd.s32 $0x20000, s4  }
0x8: {  	_ =	strace $0x80000047;
	s7 =	sadd.s32 $0x21000, s4;
	s6 =	sadd.s32 s3, s0  }
0x9: {  	s8 =	sadd.s32 $0x22000, s4;
	s11 =	sadd.s32 s3, s7;
	[dreg:$0x3] =	wrdreg s6  }
0xa: {  	s12 =	sadd.s32 s3, s8;
	[dreg:$0x4] =	wrdreg s11  }
0xb: {  	s13 =	sadd.s32 $0x23000, s4;
	s0 =	sadd.s32 s1, s0;
	[dreg:$0x5] =	wrdreg s12  }
0xc: {  	s14 =	sadd.s32 s3, s13;
	[dreg:$0x6] =	wrdreg s0  }
0xd: {  	s16 =	sadd.s32 $0x24000, s4;
	s15 =	sadd.s32 s1, s7;
	[dreg:$0x7] =	wrdreg s14  }
0xe: {  	s17 =	sadd.s32 s3, s16;
	[dreg:$0x8] =	wrdreg s15  }
0xf: {  	s19 =	sadd.s32 $0x25000, s4;
	s18 =	sadd.s32 s1, s8;
	[dreg:$0x9] =	wrdreg s17  }
0x10: {  	s20 =	sadd.s32 s3, s19;
	[dreg:$0xa] =	wrdreg s18  }
0x11: {  	s22 =	sadd.s32 $0x26000, s4;
	s21 =	sadd.s32 s1, s13;
	[dreg:$0xb] =	wrdreg s20  }
0x12: {  	s23 =	sadd.s32 s3, s22;
	[dreg:$0xc] =	wrdreg s21  }
0x13: {  	s25 =	sadd.s32 $0x27000, s4;
	s24 =	sadd.s32 s1, s16;
	[dreg:$0xd] =	wrdreg s23  }
0x14: {  	s26 =	sadd.s32 s3, s25;
	[dreg:$0xe] =	wrdreg s24  }
0x15: {  	s10 =	sadd.s32 $0x28000, s4;
	s9 =	sadd.s32 s1, s19;
	[dreg:$0xf] =	wrdreg s26  }
0x16: {  	[dreg:$0x10] =	wrdreg s9;
	s11 =	sadd.s32 s3, s10  }
0x17: {  	s13 =	sadd.s32 $0x29000, s4;
	s12 =	sadd.s32 s1, s22;
	[dreg:$0x11] =	wrdreg s11  }
0x18: {  	s14 =	sadd.s32 s3, s13;
	[dreg:$0x12] =	wrdreg s12  }
0x19: {  	s16 =	sadd.s32 $0x2A000, s4;
	s15 =	sadd.s32 s1, s25;
	[dreg:$0x13] =	wrdreg s14  }
0x1a: {  	s17 =	sadd.s32 s3, s16;
	[dreg:$0x14] =	wrdreg s15  }
0x1b: {  	s19 =	sadd.s32 $0x2B000, s4;
	s18 =	sadd.s32 s1, s10;
	[dreg:$0x15] =	wrdreg s17  }
0x1c: {  	s20 =	sadd.s32 s3, s19;
	[dreg:$0x16] =	wrdreg s18  }
0x1d: {  	s21 =	sadd.s32 s1, s13;
	[dreg:$0x17] =	wrdreg s20  }
0x1e: {  	p0 =	por $0x0, $0x0;
	s24 =	sadd.s32 s1, s16;
	[dreg:$0x18] =	wrdreg s21  }
0x1f: {  	s5 =	ssub.s32 $0x2, s5;
	s9 =	sadd.s32 s1, s19;
	[dreg:$0x1a] =	wrdreg s24  }
0x20: {  	s22 =	sadd.s32 $0x2C000, s4;
	s25 =	sadd.s32 $0x2D000, s4;
	[dreg:$0x1c] =	wrdreg s9  }
0x21: {  	s10 =	sadd.s32 $0x2E000, s4;
	s23 =	sadd.s32 s3, s22;
	s0 =	rddreg [dreg:$0x3]  }
0x22: {  	s13 =	sadd.s32 $0x2F000, s4;
	s26 =	sadd.s32 s3, s25;
	[dreg:$0x19] =	wrdreg s23  }
0x23: {  	s16 =	sadd.s32 $0x30000, s4;
	s11 =	sadd.s32 s3, s10;
	[dreg:$0x1b] =	wrdreg s26  }
0x24: {  	s19 =	sadd.s32 $0x31000, s4;
	s12 =	sadd.s32 s1, s22;
	[dreg:$0x1d] =	wrdreg s11  }
0x25: {  	s6 =	simm.s32 $0x4;
	s14 =	sadd.s32 s3, s13;
	[dreg:$0x1e] =	wrdreg s12  }
0x26: {  	s15 =	sadd.s32 s1, s25;
	s17 =	sadd.s32 s3, s16;
	[dreg:$0x1f] =	wrdreg s14  }
0x27: {  	s18 =	sadd.s32 s1, s10;
	s20 =	sadd.s32 s3, s19;
	[smem:$0x7EF] =	sst s15  }
0x28: {  	s21 =	sadd.s32 s1, s13;
	s22 =	sadd.s32 $0x32000, s4;
	[smem:$0x7F0] =	sst s17  }
0x29: {  	s24 =	sadd.s32 s1, s16;
	s25 =	sadd.s32 $0x33000, s4;
	[smem:$0x7F1] =	sst s18  }
0x2a: {  	s9 =	sadd.s32 s1, s19;
	s10 =	sadd.s32 $0x34000, s4;
	[smem:$0x7F2] =	sst s20  }
0x2b: {  	s13 =	sadd.s32 $0x35000, s4;
	s16 =	sadd.s32 $0x36000, s4;
	[smem:$0x7F3] =	sst s21  }
0x2c: {  	s19 =	sadd.s32 $0x37000, s4;
	s23 =	sadd.s32 s3, s22;
	[smem:$0x7F5] =	sst s24  }
0x2d: {  	s26 =	sadd.s32 s3, s25;
	[smem:$0x7F7] =	sst s9;
	s11 =	sadd.s32 s3, s10  }
0x2e: {  	s12 =	sadd.s32 s1, s22;
	s9 =	sshrl.u32 s5, $0x1;
	[smem:$0x7F4] =	sst s23  }
0x2f: {  	s14 =	sadd.s32 s3, s13;
	s15 =	sadd.s32 s1, s25;
	[smem:$0x7F6] =	sst s26  }
0x30: {  	s17 =	sadd.s32 s3, s16;
	s18 =	sadd.s32 s1, s10;
	[smem:$0x7F8] =	sst s11  }
0x31: {  	s31 =	sadd.s32 s3, s19;
	s20 =	sadd.s32 $0x38000, s4;
	[smem:$0x7F9] =	sst s12  }
0x32: {  	s30 =	sadd.s32 s1, s13;
	s21 =	sadd.s32 $0x39000, s4;
	[smem:$0x7FA] =	sst s14  }
0x33: {  	s28 =	sadd.s32 s1, s16;
	s25 =	sadd.s32 s1, s19;
	[smem:$0x7FB] =	sst s15  }
0x34: {  	s10 =	sadd.s32 $0x3B000, s4;
	s5 =	ssub.s32 s5, s9;
	[smem:$0x7FC] =	sst s17  }
0x35: {  	[smem:$0x7FD] =	sst s18;
	s29 =	sadd.s32 s3, s20;
	s26 =	sadd.s32 s3, s21  }
0x36: {  	s9 =	sadd.s32 $0x3A000, s4;
	s23 =	sadd.s32 s1, s20;
	s22 =	sadd.s32 s3, s10  }
0x37: {  	s11 =	sadd.s32 $0x3C000, s4;
	s21 =	sadd.s32 s1, s21;
	s12 =	sadd.s32 $0x3D000, s4  }
0x38: {  	s14 =	sadd.s32 $0x3E000, s4;
	s16 =	sadd.s32 s1, s10;
	s4 =	sadd.s32 $0x3F000, s4  }
0x39: {  	s10 =	simm.s32 $0x6;
	s24 =	sadd.s32 s3, s9;
	s18 =	smax.u32 s5, $0x1  }
0x3a: {  	s20 =	sadd.s32 s3, s11;
	s19 =	sadd.s32 s1, s9;
	p1 =	sne.s32 s18, $0x1  }
.Ltmp0:
0x3b: {  	s17 =	sadd.s32 s3, s12;
	s15 =	sadd.s32 s3, s14;
	(pc) =	sbr.rel @!p1 .LBB2_3-.Ltmp0, $4  }
0x3c: {  	s13 =	sadd.s32 s1, s11;
	s9 =	sadd.s32 s3, s4;
	s8 =	sadd.s32 s1, s12  }
0x3d: {  	s7 =	sadd.s32 s1, s14;
	s3 =	sadd.s32 s1, s4;
	s5 =	simm.s32 $0x8000  }
0x3e: {  	s12 =	simm.s32 $0x10000;
	s14 =	simm.s32 $0x1;
	s11 =	simm.s32 $0x2  }
0x3f: {  	s4 =	simm.s32 $0x5;
	s1 =	sadd.s32 $0xFFFFFFFF, s18;
	s18 =	simm.s32 $0x3  }
0x40: {  	[smem:$0x7EE] =	sst s1  }
0x41: {  	[tilespmem:s2], [sflag:$0x1] =	stream.linear.gather [hbm4b:s0+s2], $0x8000, $0x38;
	[tilespmem:$0x18000] =	vst v63  }
0x42: {  	s1 =	rddreg [dreg:$0x4]  }
0x43: {  	[tilespmem:s5], [sflag:$0x2] =	stream.linear.gather [hbm4b:s1+s2], $0x8000, $0x38;
	[tilespmem:$0x18000] =	vst v63  }
0x44: {  	s0 =	rddreg [dreg:$0x5]  }
0x45: {  	[tilespmem:s12], [sflag:$0x3] =	stream.linear.gather [hbm4b:s0+s2], $0x8000, $0x38;
	[tilespmem:$0x18000] =	vst v63  }
0x46: {  	_ =	swait.ge [sflag:s14], $0x8000  }
0x47: {  	[sflag:s14] =	ssyncset.done $0x0  }
0x48: {  	s1 =	rddreg [dreg:$0x6];
	[sflag:s14] =	ssyncadd.s32 $0xFFFF8000  }
0x49: {  	[hbm4b:s1+s2] =	stream.linear.scatter [tilespmem:s2], [sflag:$0x4], $0x8000, $0x38;
	[tilespmem:$0x18000] =	vst v63  }
0x4a: {  	_ =	swait.ge [sflag:s6], $0x8000  }
0x4b: {  	[sflag:s6] =	ssyncset.done $0x0  }
0x4c: {  	s1 =	rddreg [dreg:$0x7];
	[sflag:s6] =	ssyncadd.s32 $0xFFFF8000  }
0x4d: {  	[tilespmem:s2], [sflag:$0x1] =	stream.linear.gather [hbm4b:s1+s2], $0x8000, $0x38;
	[tilespmem:$0x18000] =	vst v63  }
0x4e: {  	_ =	swait.ge [sflag:s11], $0x8000  }
0x4f: {  	[sflag:s11] =	ssyncset.done $0x0  }
0x50: {  	s1 =	rddreg [dreg:$0x8];
	[sflag:s11] =	ssyncadd.s32 $0xFFFF8000  }
0x51: {  	[hbm4b:s1+s2] =	stream.linear.scatter [tilespmem:s5], [sflag:$0x5], $0x8000, $0x38;
	[tilespmem:$0x18000] =	vst v63  }
0x52: {  	_ =	swait.ge [sflag:s4], $0x8000  }
0x53: {  	[sflag:s4] =	ssyncset.done $0x0  }
0x54: {  	s1 =	rddreg [dreg:$0x9];
	[sflag:s4] =	ssyncadd.s32 $0xFFFF8000  }
0x55: {  	[tilespmem:s5], [sflag:$0x2] =	stream.linear.gather [hbm4b:s1+s2], $0x8000, $0x38;
	[tilespmem:$0x18000] =	vst v63  }
0x56: {  	_ =	swait.ge [sflag:s18], $0x8000  }
0x57: {  	[sflag:s18] =	ssyncset.done $0x0  }
0x58: {  	s1 =	rddreg [dreg:$0xa];
	[sflag:s18] =	ssyncadd.s32 $0xFFFF8000  }
0x59: {  	[hbm4b:s1+s2] =	stream.linear.scatter [tilespmem:s12], [sflag:$0x6], $0x8000, $0x38;
	[tilespmem:$0x18000] =	vst v63  }
0x5a: {  	_ =	swait.ge [sflag:s10], $0x8000  }
0x5b: {  	[sflag:s10] =	ssyncset.done $0x0  }
0x5c: {  	s1 =	rddreg [dreg:$0xb];
	[sflag:s10] =	ssyncadd.s32 $0xFFFF8000  }
0x5d: {  	[tilespmem:s12], [sflag:$0x3] =	stream.linear.gather [hbm4b:s1+s2], $0x8000, $0x38;
	[tilespmem:$0x18000] =	vst v63  }
0x5e: {  	_ =	swait.ge [sflag:s14], $0x8000  }
0x5f: {  	[sflag:s14] =	ssyncset.done $0x0  }
0x60: {  	s1 =	rddreg [dreg:$0xc];
	[sflag:s14] =	ssyncadd.s32 $0xFFFF8000  }
0x61: {  	[hbm4b:s1+s2] =	stream.linear.scatter [tilespmem:s2], [sflag:$0x4], $0x8000, $0x38;
	[tilespmem:$0x18000] =	vst v63  }
0x62: {  	_ =	swait.ge [sflag:s6], $0x8000  }
0x63: {  	[sflag:s6] =	ssyncset.done $0x0  }
0x64: {  	s1 =	rddreg [dreg:$0xd];
	[sflag:s6] =	ssyncadd.s32 $0xFFFF8000  }
0x65: {  	[tilespmem:s2], [sflag:$0x1] =	stream.linear.gather [hbm4b:s1+s2], $0x8000, $0x38;
	[tilespmem:$0x18000] =	vst v63  }
0x66: {  	_ =	swait.ge [sflag:s11], $0x8000  }
0x67: {  	[sflag:s11] =	ssyncset.done $0x0  }
0x68: {  	s1 =	rddreg [dreg:$0xe];
	[sflag:s11] =	ssyncadd.s32 $0xFFFF8000  }
0x69: {  	[hbm4b:s1+s2] =	stream.linear.scatter [tilespmem:s5], [sflag:$0x5], $0x8000, $0x38;
	[tilespmem:$0x18000] =	vst v63  }
0x6a: {  	_ =	swait.ge [sflag:s4], $0x8000  }
0x6b: {  	[sflag:s4] =	ssyncset.done $0x0  }
0x6c: {  	s1 =	rddreg [dreg:$0xf];
	[sflag:s4] =	ssyncadd.s32 $0xFFFF8000  }
0x6d: {  	[tilespmem:s5], [sflag:$0x2] =	stream.linear.gather [hbm4b:s1+s2], $0x8000, $0x38;
	[tilespmem:$0x18000] =	vst v63  }
0x6e: {  	_ =	swait.ge [sflag:s18], $0x8000  }
0x6f: {  	[sflag:s18] =	ssyncset.done $0x0  }
0x70: {  	s1 =	rddreg [dreg:$0x10];
	[sflag:s18] =	ssyncadd.s32 $0xFFFF8000  }
0x71: {  	[hbm4b:s1+s2] =	stream.linear.scatter [tilespmem:s12], [sflag:$0x6], $0x8000, $0x38;
	[tilespmem:$0x18000] =	vst v63  }
0x72: {  	_ =	swait.ge [sflag:s10], $0x8000  }
0x73: {  	[sflag:s10] =	ssyncset.done $0x0  }
0x74: {  	s1 =	rddreg [dreg:$0x11];
	[sflag:s10] =	ssyncadd.s32 $0xFFFF8000  }
0x75: {  	[tilespmem:s12], [sflag:$0x3] =	stream.linear.gather [hbm4b:s1+s2], $0x8000, $0x38;
	[tilespmem:$0x18000] =	vst v63  }
0x76: {  	_ =	swait.ge [sflag:s14], $0x8000  }
0x77: {  	[sflag:s14] =	ssyncset.done $0x0  }
0x78: {  	s1 =	rddreg [dreg:$0x12];
	[sflag:s14] =	ssyncadd.s32 $0xFFFF8000  }
0x79: {  	[hbm4b:s1+s2] =	stream.linear.scatter [tilespmem:s2], [sflag:$0x4], $0x8000, $0x38;
	[tilespmem:$0x18000] =	vst v63  }
0x7a: {  	_ =	swait.ge [sflag:s6], $0x8000  }
0x7b: {  	[sflag:s6] =	ssyncset.done $0x0  }
0x7c: {  	s1 =	rddreg [dreg:$0x13];
	[sflag:s6] =	ssyncadd.s32 $0xFFFF8000  }
0x7d: {  	[tilespmem:s2], [sflag:$0x1] =	stream.linear.gather [hbm4b:s1+s2], $0x8000, $0x38;
	[tilespmem:$0x18000] =	vst v63  }
0x7e: {  	_ =	swait.ge [sflag:s11], $0x8000  }
0x7f: {  	[sflag:s11] =	ssyncset.done $0x0  }
0x80: {  	s1 =	rddreg [dreg:$0x14];
	[sflag:s11] =	ssyncadd.s32 $0xFFFF8000  }
0x81: {  	[hbm4b:s1+s2] =	stream.linear.scatter [tilespmem:s5], [sflag:$0x5], $0x8000, $0x38;
	[tilespmem:$0x18000] =	vst v63  }
0x82: {  	_ =	swait.ge [sflag:s4], $0x8000  }
0x83: {  	[sflag:s4] =	ssyncset.done $0x0  }
0x84: {  	s1 =	rddreg [dreg:$0x15];
	[sflag:s4] =	ssyncadd.s32 $0xFFFF8000  }
0x85: {  	[tilespmem:s5], [sflag:$0x2] =	stream.linear.gather [hbm4b:s1+s2], $0x8000, $0x38;
	[tilespmem:$0x18000] =	vst v63  }
0x86: {  	_ =	swait.ge [sflag:s18], $0x8000  }
0x87: {  	[sflag:s18] =	ssyncset.done $0x0  }
0x88: {  	s1 =	rddreg [dreg:$0x16];
	[sflag:s18] =	ssyncadd.s32 $0xFFFF8000  }
0x89: {  	[hbm4b:s1+s2] =	stream.linear.scatter [tilespmem:s12], [sflag:$0x6], $0x8000, $0x38;
	[tilespmem:$0x18000] =	vst v63  }
0x8a: {  	_ =	swait.ge [sflag:s10], $0x8000  }
0x8b: {  	[sflag:s10] =	ssyncset.done $0x0  }
0x8c: {  	s1 =	rddreg [dreg:$0x17];
	[sflag:s10] =	ssyncadd.s32 $0xFFFF8000  }
0x8d: {  	[tilespmem:s12], [sflag:$0x3] =	stream.linear.gather [hbm4b:s1+s2], $0x8000, $0x38;
	[tilespmem:$0x18000] =	vst v63  }
0x8e: {  	_ =	swait.ge [sflag:s14], $0x8000  }
0x8f: {  	[sflag:s14] =	ssyncset.done $0x0  }
0x90: {  	s1 =	rddreg [dreg:$0x18];
	[sflag:s14] =	ssyncadd.s32 $0xFFFF8000  }
0x91: {  	[hbm4b:s1+s2] =	stream.linear.scatter [tilespmem:s2], [sflag:$0x4], $0x8000, $0x38;
	[tilespmem:$0x18000] =	vst v63  }
0x92: {  	_ =	swait.ge [sflag:s6], $0x8000  }
0x93: {  	[sflag:s6] =	ssyncset.done $0x0  }
0x94: {  	s1 =	rddreg [dreg:$0x19];
	[sflag:s6] =	ssyncadd.s32 $0xFFFF8000  }
0x95: {  	[tilespmem:s2], [sflag:$0x1] =	stream.linear.gather [hbm4b:s1+s2], $0x8000, $0x38;
	[tilespmem:$0x18000] =	vst v63  }
0x96: {  	_ =	swait.ge [sflag:s11], $0x8000  }
0x97: {  	[sflag:s11] =	ssyncset.done $0x0  }
0x98: {  	s1 =	rddreg [dreg:$0x1a];
	[sflag:s11] =	ssyncadd.s32 $0xFFFF8000  }
0x99: {  	[hbm4b:s1+s2] =	stream.linear.scatter [tilespmem:s5], [sflag:$0x5], $0x8000, $0x38;
	[tilespmem:$0x18000] =	vst v63  }
0x9a: {  	_ =	swait.ge [sflag:s4], $0x8000  }
0x9b: {  	[sflag:s4] =	ssyncset.done $0x0  }
0x9c: {  	s1 =	rddreg [dreg:$0x1b];
	[sflag:s4] =	ssyncadd.s32 $0xFFFF8000  }
0x9d: {  	[tilespmem:s5], [sflag:$0x2] =	stream.linear.gather [hbm4b:s1+s2], $0x8000, $0x38;
	[tilespmem:$0x18000] =	vst v63  }
0x9e: {  	_ =	swait.ge [sflag:s18], $0x8000  }
0x9f: {  	[sflag:s18] =	ssyncset.done $0x0  }
0xa0: {  	s1 =	rddreg [dreg:$0x1c];
	[sflag:s18] =	ssyncadd.s32 $0xFFFF8000  }
0xa1: {  	[hbm4b:s1+s2] =	stream.linear.scatter [tilespmem:s12], [sflag:$0x6], $0x8000, $0x38;
	[tilespmem:$0x18000] =	vst v63  }
0xa2: {  	_ =	swait.ge [sflag:s10], $0x8000  }
0xa3: {  	[sflag:s10] =	ssyncset.done $0x0  }
0xa4: {  	s1 =	rddreg [dreg:$0x1d];
	[sflag:s10] =	ssyncadd.s32 $0xFFFF8000  }
0xa5: {  	[tilespmem:s12], [sflag:$0x3] =	stream.linear.gather [hbm4b:s1+s2], $0x8000, $0x38;
	[tilespmem:$0x18000] =	vst v63  }
0xa6: {  	_ =	swait.ge [sflag:s14], $0x8000  }
0xa7: {  	[sflag:s14] =	ssyncset.done $0x0  }
0xa8: {  	s1 =	rddreg [dreg:$0x1e];
	[sflag:s14] =	ssyncadd.s32 $0xFFFF8000  }
0xa9: {  	[hbm4b:s1+s2] =	stream.linear.scatter [tilespmem:s2], [sflag:$0x4], $0x8000, $0x38;
	[tilespmem:$0x18000] =	vst v63  }
0xaa: {  	_ =	swait.ge [sflag:s6], $0x8000  }
0xab: {  	[sflag:s6] =	ssyncset.done $0x0  }
0xac: {  	s1 =	rddreg [dreg:$0x1f];
	[sflag:s6] =	ssyncadd.s32 $0xFFFF8000  }
0xad: {  	[tilespmem:s2], [sflag:$0x1] =	stream.linear.gather [hbm4b:s1+s2], $0x8000, $0x38;
	[tilespmem:$0x18000] =	vst v63  }
0xae: {  	_ =	swait.ge [sflag:s11], $0x8000  }
0xaf: {  	s1 =	sld [smem:$0x7EF]  }
0xb0: {  	[sflag:s11] =	ssyncset.done $0x0  }
0xb1: {  	[sflag:s11] =	ssyncadd.s32 $0xFFFF8000  }
0xb2: {  	[hbm4b:s1+s2] =	stream.linear.scatter [tilespmem:s5], [sflag:$0x5], $0x8000, $0x38;
	[tilespmem:$0x18000] =	vst v63  }
0xb3: {  	_ =	swait.ge [sflag:s4], $0x8000  }
0xb4: {  	s1 =	sld [smem:$0x7F0]  }
0xb5: {  	[sflag:s4] =	ssyncset.done $0x0  }
0xb6: {  	[sflag:s4] =	ssyncadd.s32 $0xFFFF8000  }
0xb7: {  	[tilespmem:s5], [sflag:$0x2] =	stream.linear.gather [hbm4b:s1+s2], $0x8000, $0x38;
	[tilespmem:$0x18000] =	vst v63  }
0xb8: {  	_ =	swait.ge [sflag:s18], $0x8000  }
0xb9: {  	s1 =	sld [smem:$0x7F1]  }
0xba: {  	[sflag:s18] =	ssyncset.done $0x0  }
0xbb: {  	[sflag:s18] =	ssyncadd.s32 $0xFFFF8000  }
0xbc: {  	[hbm4b:s1+s2] =	stream.linear.scatter [tilespmem:s12], [sflag:$0x6], $0x8000, $0x38;
	[tilespmem:$0x18000] =	vst v63  }
0xbd: {  	_ =	swait.ge [sflag:s10], $0x8000  }
0xbe: {  	s1 =	sld [smem:$0x7F2]  }
0xbf: {  	[sflag:s10] =	ssyncset.done $0x0  }
0xc0: {  	[sflag:s10] =	ssyncadd.s32 $0xFFFF8000  }
0xc1: {  	[tilespmem:s12], [sflag:$0x3] =	stream.linear.gather [hbm4b:s1+s2], $0x8000, $0x38;
	[tilespmem:$0x18000] =	vst v63  }
0xc2: {  	_ =	swait.ge [sflag:s14], $0x8000  }
0xc3: {  	s1 =	sld [smem:$0x7F3]  }
0xc4: {  	[sflag:s14] =	ssyncset.done $0x0  }
0xc5: {  	[sflag:s14] =	ssyncadd.s32 $0xFFFF8000  }
0xc6: {  	[hbm4b:s1+s2] =	stream.linear.scatter [tilespmem:s2], [sflag:$0x4], $0x8000, $0x38;
	[tilespmem:$0x18000] =	vst v63  }
0xc7: {  	_ =	swait.ge [sflag:s6], $0x8000  }
0xc8: {  	s1 =	sld [smem:$0x7F4]  }
0xc9: {  	[sflag:s6] =	ssyncset.done $0x0  }
0xca: {  	[sflag:s6] =	ssyncadd.s32 $0xFFFF8000  }
0xcb: {  	[tilespmem:s2], [sflag:$0x1] =	stream.linear.gather [hbm4b:s1+s2], $0x8000, $0x38;
	[tilespmem:$0x18000] =	vst v63  }
0xcc: {  	_ =	swait.ge [sflag:s11], $0x8000  }
0xcd: {  	s1 =	sld [smem:$0x7F5]  }
0xce: {  	[sflag:s11] =	ssyncset.done $0x0  }
0xcf: {  	[sflag:s11] =	ssyncadd.s32 $0xFFFF8000  }
0xd0: {  	[hbm4b:s1+s2] =	stream.linear.scatter [tilespmem:s5], [sflag:$0x5], $0x8000, $0x38;
	[tilespmem:$0x18000] =	vst v63  }
0xd1: {  	_ =	swait.ge [sflag:s4], $0x8000  }
0xd2: {  	s1 =	sld [smem:$0x7F6]  }
0xd3: {  	[sflag:s4] =	ssyncset.done $0x0  }
0xd4: {  	[sflag:s4] =	ssyncadd.s32 $0xFFFF8000  }
0xd5: {  	[tilespmem:s5], [sflag:$0x2] =	stream.linear.gather [hbm4b:s1+s2], $0x8000, $0x38;
	[tilespmem:$0x18000] =	vst v63  }
0xd6: {  	_ =	swait.ge [sflag:s18], $0x8000  }
0xd7: {  	s1 =	sld [smem:$0x7F7]  }
0xd8: {  	[sflag:s18] =	ssyncset.done $0x0  }
0xd9: {  	[sflag:s18] =	ssyncadd.s32 $0xFFFF8000  }
0xda: {  	[hbm4b:s1+s2] =	stream.linear.scatter [tilespmem:s12], [sflag:$0x6], $0x8000, $0x38;
	[tilespmem:$0x18000] =	vst v63  }
0xdb: {  	_ =	swait.ge [sflag:s10], $0x8000  }
0xdc: {  	s1 =	sld [smem:$0x7F8]  }
0xdd: {  	[sflag:s10] =	ssyncset.done $0x0  }
0xde: {  	[sflag:s10] =	ssyncadd.s32 $0xFFFF8000  }
0xdf: {  	[tilespmem:s12], [sflag:$0x3] =	stream.linear.gather [hbm4b:s1+s2], $0x8000, $0x38;
	[tilespmem:$0x18000] =	vst v63  }
0xe0: {  	_ =	swait.ge [sflag:s14], $0x8000  }
0xe1: {  	s1 =	sld [smem:$0x7F9]  }
0xe2: {  	[sflag:s14] =	ssyncset.done $0x0  }
0xe3: {  	[sflag:s14] =	ssyncadd.s32 $0xFFFF8000  }
0xe4: {  	[hbm4b:s1+s2] =	stream.linear.scatter [tilespmem:s2], [sflag:$0x4], $0x8000, $0x38;
	[tilespmem:$0x18000] =	vst v63  }
0xe5: {  	_ =	swait.ge [sflag:s6], $0x8000  }
0xe6: {  	s1 =	sld [smem:$0x7FA]  }
0xe7: {  	[sflag:s6] =	ssyncset.done $0x0  }
0xe8: {  	[sflag:s6] =	ssyncadd.s32 $0xFFFF8000  }
0xe9: {  	[tilespmem:s2], [sflag:$0x1] =	stream.linear.gather [hbm4b:s1+s2], $0x8000, $0x38;
	[tilespmem:$0x18000] =	vst v63  }
0xea: {  	_ =	swait.ge [sflag:s11], $0x8000  }
0xeb: {  	s1 =	sld [smem:$0x7FB]  }
0xec: {  	[sflag:s11] =	ssyncset.done $0x0  }
0xed: {  	[sflag:s11] =	ssyncadd.s32 $0xFFFF8000  }
0xee: {  	[hbm4b:s1+s2] =	stream.linear.scatter [tilespmem:s5], [sflag:$0x5], $0x8000, $0x38;
	[tilespmem:$0x18000] =	vst v63  }
0xef: {  	_ =	swait.ge [sflag:s4], $0x8000  }
0xf0: {  	s1 =	sld [smem:$0x7FC]  }
0xf1: {  	[sflag:s4] =	ssyncset.done $0x0  }
0xf2: {  	[sflag:s4] =	ssyncadd.s32 $0xFFFF8000  }
0xf3: {  	[tilespmem:s5], [sflag:$0x2] =	stream.linear.gather [hbm4b:s1+s2], $0x8000, $0x38;
	[tilespmem:$0x18000] =	vst v63  }
0xf4: {  	_ =	swait.ge [sflag:s18], $0x8000  }
0xf5: {  	s1 =	sld [smem:$0x7FD]  }
0xf6: {  	[sflag:s18] =	ssyncset.done $0x0  }
0xf7: {  	[sflag:s18] =	ssyncadd.s32 $0xFFFF8000  }
0xf8: {  	[hbm4b:s1+s2] =	stream.linear.scatter [tilespmem:s12], [sflag:$0x6], $0x8000, $0x38;
	[tilespmem:$0x18000] =	vst v63  }
0xf9: {  	_ =	swait.ge [sflag:s10], $0x8000  }
0xfa: {  	[sflag:s10] =	ssyncset.done $0x0  }
0xfb: {  	[sflag:s10] =	ssyncadd.s32 $0xFFFF8000  }
0xfc: {  	[tilespmem:s12], [sflag:$0x3] =	stream.linear.gather [hbm4b:s31+s2], $0x8000, $0x38;
	[tilespmem:$0x18000] =	vst v63  }
0xfd: {  	_ =	swait.ge [sflag:s14], $0x8000  }
0xfe: {  	[sflag:s14] =	ssyncset.done $0x0  }
0xff: {  	[sflag:s14] =	ssyncadd.s32 $0xFFFF8000  }
0x100: {  	[hbm4b:s30+s2] =	stream.linear.scatter [tilespmem:s2], [sflag:$0x4], $0x8000, $0x38;
	[tilespmem:$0x18000] =	vst v63  }
0x101: {  	_ =	swait.ge [sflag:s6], $0x8000  }
0x102: {  	[sflag:s6] =	ssyncset.done $0x0  }
0x103: {  	[sflag:s6] =	ssyncadd.s32 $0xFFFF8000  }
0x104: {  	[tilespmem:s2], [sflag:$0x1] =	stream.linear.gather [hbm4b:s29+s2], $0x8000, $0x38;
	[tilespmem:$0x18000] =	vst v63  }
0x105: {  	_ =	swait.ge [sflag:s11], $0x8000  }
0x106: {  	[sflag:s11] =	ssyncset.done $0x0  }
0x107: {  	[sflag:s11] =	ssyncadd.s32 $0xFFFF8000  }
0x108: {  	[hbm4b:s28+s2] =	stream.linear.scatter [tilespmem:s5], [sflag:$0x5], $0x8000, $0x38;
	[tilespmem:$0x18000] =	vst v63  }
0x109: {  	_ =	swait.ge [sflag:s4], $0x8000  }
0x10a: {  	[sflag:s4] =	ssyncset.done $0x0  }
0x10b: {  	[sflag:s4] =	ssyncadd.s32 $0xFFFF8000  }
0x10c: {  	[tilespmem:s5], [sflag:$0x2] =	stream.linear.gather [hbm4b:s26+s2], $0x8000, $0x38;
	[tilespmem:$0x18000] =	vst v63  }
0x10d: {  	_ =	swait.ge [sflag:s18], $0x8000  }
0x10e: {  	[sflag:s18] =	ssyncset.done $0x0  }
0x10f: {  	[sflag:s18] =	ssyncadd.s32 $0xFFFF8000  }
0x110: {  	[hbm4b:s25+s2] =	stream.linear.scatter [tilespmem:s12], [sflag:$0x6], $0x8000, $0x38;
	[tilespmem:$0x18000] =	vst v63  }
0x111: {  	_ =	swait.ge [sflag:s10], $0x8000  }
0x112: {  	[sflag:s10] =	ssyncset.done $0x0  }
0x113: {  	[sflag:s10] =	ssyncadd.s32 $0xFFFF8000  }
0x114: {  	[tilespmem:s12], [sflag:$0x3] =	stream.linear.gather [hbm4b:s24+s2], $0x8000, $0x38;
	[tilespmem:$0x18000] =	vst v63  }
0x115: {  	_ =	swait.ge [sflag:s14], $0x8000  }
0x116: {  	[sflag:s14] =	ssyncset.done $0x0  }
0x117: {  	[sflag:s14] =	ssyncadd.s32 $0xFFFF8000  }
0x118: {  	[hbm4b:s23+s2] =	stream.linear.scatter [tilespmem:s2], [sflag:$0x4], $0x8000, $0x38;
	[tilespmem:$0x18000] =	vst v63  }
0x119: {  	_ =	swait.ge [sflag:s6], $0x8000  }
0x11a: {  	[sflag:s6] =	ssyncset.done $0x0  }
0x11b: {  	[sflag:s6] =	ssyncadd.s32 $0xFFFF8000  }
0x11c: {  	[tilespmem:s2], [sflag:$0x1] =	stream.linear.gather [hbm4b:s22+s2], $0x8000, $0x38;
	[tilespmem:$0x18000] =	vst v63  }
0x11d: {  	_ =	swait.ge [sflag:s11], $0x8000  }
0x11e: {  	[sflag:s11] =	ssyncset.done $0x0  }
0x11f: {  	[sflag:s11] =	ssyncadd.s32 $0xFFFF8000  }
0x120: {  	[hbm4b:s21+s2] =	stream.linear.scatter [tilespmem:s5], [sflag:$0x5], $0x8000, $0x38;
	[tilespmem:$0x18000] =	vst v63  }
0x121: {  	_ =	swait.ge [sflag:s4], $0x8000  }
0x122: {  	[sflag:s4] =	ssyncset.done $0x0  }
0x123: {  	[sflag:s4] =	ssyncadd.s32 $0xFFFF8000  }
0x124: {  	[tilespmem:s5], [sflag:$0x2] =	stream.linear.gather [hbm4b:s20+s2], $0x8000, $0x38;
	[tilespmem:$0x18000] =	vst v63  }
0x125: {  	_ =	swait.ge [sflag:s18], $0x8000  }
0x126: {  	[sflag:s18] =	ssyncset.done $0x0  }
0x127: {  	[sflag:s18] =	ssyncadd.s32 $0xFFFF8000  }
0x128: {  	[hbm4b:s19+s2] =	stream.linear.scatter [tilespmem:s12], [sflag:$0x6], $0x8000, $0x38;
	[tilespmem:$0x18000] =	vst v63  }
0x129: {  	_ =	swait.ge [sflag:s10], $0x8000  }
0x12a: {  	[sflag:s10] =	ssyncset.done $0x0  }
0x12b: {  	[sflag:s10] =	ssyncadd.s32 $0xFFFF8000  }
0x12c: {  	[tilespmem:s12], [sflag:$0x3] =	stream.linear.gather [hbm4b:s17+s2], $0x8000, $0x38;
	[tilespmem:$0x18000] =	vst v63  }
0x12d: {  	_ =	swait.ge [sflag:s14], $0x8000  }
0x12e: {  	[sflag:s14] =	ssyncset.done $0x0  }
0x12f: {  	[sflag:s14] =	ssyncadd.s32 $0xFFFF8000  }
0x130: {  	[hbm4b:s16+s2] =	stream.linear.scatter [tilespmem:s2], [sflag:$0x4], $0x8000, $0x38;
	[tilespmem:$0x18000] =	vst v63  }
0x131: {  	_ =	swait.ge [sflag:s6], $0x8000  }
0x132: {  	[sflag:s6] =	ssyncset.done $0x0  }
0x133: {  	[sflag:s6] =	ssyncadd.s32 $0xFFFF8000  }
0x134: {  	[tilespmem:s2], [sflag:$0x1] =	stream.linear.gather [hbm4b:s15+s2], $0x8000, $0x38;
	[tilespmem:$0x18000] =	vst v63  }
0x135: {  	_ =	swait.ge [sflag:s11], $0x8000  }
0x136: {  	[sflag:s11] =	ssyncset.done $0x0  }
0x137: {  	[sflag:s11] =	ssyncadd.s32 $0xFFFF8000  }
0x138: {  	[hbm4b:s13+s2] =	stream.linear.scatter [tilespmem:s5], [sflag:$0x5], $0x8000, $0x38;
	[tilespmem:$0x18000] =	vst v63  }
0x139: {  	_ =	swait.ge [sflag:s4], $0x8000  }
0x13a: {  	[sflag:s4] =	ssyncset.done $0x0  }
0x13b: {  	[sflag:s4] =	ssyncadd.s32 $0xFFFF8000  }
0x13c: {  	[tilespmem:s5], [sflag:$0x2] =	stream.linear.gather [hbm4b:s9+s2], $0x8000, $0x38;
	[tilespmem:$0x18000] =	vst v63  }
0x13d: {  	_ =	swait.ge [sflag:s18], $0x8000  }
0x13e: {  	[sflag:s18] =	ssyncset.done $0x0  }
0x13f: {  	[sflag:s18] =	ssyncadd.s32 $0xFFFF8000  }
0x140: {  	[hbm4b:s8+s2] =	stream.linear.scatter [tilespmem:s12], [sflag:$0x6], $0x8000, $0x38;
	[tilespmem:$0x18000] =	vst v63  }
0x141: {  	_ =	swait.ge [sflag:s14], $0x8000  }
0x142: {  	[sflag:s14] =	ssyncset.done $0x0  }
0x143: {  	[sflag:s14] =	ssyncadd.s32 $0xFFFF8000  }
0x144: {  	[hbm4b:s7+s2] =	stream.linear.scatter [tilespmem:s2], [sflag:$0x4], $0x8000, $0x38;
	[tilespmem:$0x18000] =	vst v63  }
0x145: {  	_ =	swait.ge [sflag:s11], $0x8000  }
0x146: {  	[sflag:s11] =	ssyncset.done $0x0  }
0x147: {  	[sflag:s11] =	ssyncadd.s32 $0xFFFF8000  }
0x148: {  	[hbm4b:s3+s2] =	stream.linear.scatter [tilespmem:s5], [sflag:$0x5], $0x8000, $0x38;
	[tilespmem:$0x18000] =	vst v63  }
0x149: {  	_ =	swait.ge [sflag:s10], $0x8000  }
0x14a: {  	[sflag:s10] =	ssyncset.done $0x0  }
0x14b: {  	[sflag:s10] =	ssyncadd.s32 $0xFFFF8000  }
0x14c: {  	_ =	swait.ge [sflag:s6], $0x8000  }
0x14d: {  	s1 =	sld [smem:$0x7EE];
	_ =	sdelay $0x2  }
0x14e: {  	p1 =	sne.s32 s1, $0x1  }
.Ltmp1:
0x14f: {  	_ = 	snop;
	(pc) =	sbr.rel @!p1 .LBB2_3-.Ltmp1, $4  }
0x150: {  	[sflag:s6] =	ssyncset.done $0x0  }
0x151: {  	[sflag:s6] =	ssyncadd.s32 $0xFFFF8000  }
0x152: {  	p0 =	por $0x1, $0x1;
	_ =	swait.ge [sflag:s4], $0x8000  }
0x153: {  	s1 =	sadd.s32 $0xFFFFFFFF, s1;
	s0 =	rddreg [dreg:$0x3];
	[sflag:s4] =	ssyncset.done $0x0  }
.LBB2_2:
0x154: {  	[sflag:s4] =	ssyncadd.s32 $0xFFFF8000  }
0x155: {  	s12 =	smov.u32 s31;
	s31 =	smov.u32 s30;
	s30 =	smov.u32 s29  }
0x156: {  	s29 =	smov.u32 s28;
	s28 =	smov.u32 s26;
	s26 =	smov.u32 s25  }
0x157: {  	s25 =	smov.u32 s24;
	s24 =	smov.u32 s23;
	s23 =	smov.u32 s22  }
0x158: {  	s22 =	smov.u32 s21;
	s21 =	smov.u32 s20;
	s20 =	smov.u32 s19  }
0x159: {  	s19 =	smov.u32 s17;
	s17 =	smov.u32 s16;
	s16 =	smov.u32 s15  }
0x15a: {  	s15 =	smov.u32 s13;
	s13 =	smov.u32 s9;
	s9 =	smov.u32 s8  }
0x15b: {  	s8 =	smov.u32 s7;
	s7 =	smov.u32 s3;
	s3 =	rddreg [dreg:$0x4]  }
0x15c: {  	[tilespmem:s2], [sflag:$0x1] =	stream.linear.gather [hbm4b:s0+s2], $0x8000, $0x38;
	[tilespmem:$0x18000] =	vst v63  }
0x15d: {  	s0 =	rddreg [dreg:$0x5]  }
0x15e: {  	[tilespmem:s5], [sflag:$0x2] =	stream.linear.gather [hbm4b:s3+s2], $0x8000, $0x38;
	[tilespmem:$0x18000] =	vst v63  }
0x15f: {  	s3 =	smov.u32 s7;
	s7 =	smov.u32 s8;
	s8 =	smov.u32 s9  }
0x160: {  	s9 =	smov.u32 s13;
	s13 =	smov.u32 s15;
	s15 =	smov.u32 s16  }
0x161: {  	s16 =	smov.u32 s17;
	s17 =	smov.u32 s19;
	s19 =	smov.u32 s20  }
0x162: {  	s20 =	smov.u32 s21;
	s21 =	smov.u32 s22;
	s22 =	smov.u32 s23  }
0x163: {  	s23 =	smov.u32 s24;
	s24 =	smov.u32 s25;
	s25 =	smov.u32 s26  }
0x164: {  	s26 =	smov.u32 s28;
	s28 =	smov.u32 s29;
	s29 =	smov.u32 s30  }
0x165: {  	s30 =	smov.u32 s31;
	s31 =	smov.u32 s12;
	s12 =	simm.s32 $0x10000  }
0x166: {  	[tilespmem:s12], [sflag:$0x3] =	stream.linear.gather [hbm4b:s0+s2], $0x8000, $0x38;
	[tilespmem:$0x18000] =	vst v63  }
0x167: {  	_ =	swait.ge [sflag:s14], $0x8000  }
0x168: {  	[sflag:s14] =	ssyncset.done $0x0  }
0x169: {  	s0 =	rddreg [dreg:$0x6];
	[sflag:s14] =	ssyncadd.s32 $0xFFFF8000  }
0x16a: {  	[hbm4b:s0+s2] =	stream.linear.scatter [tilespmem:s2], [sflag:$0x4], $0x8000, $0x38;
	[tilespmem:$0x18000] =	vst v63  }
0x16b: {  	_ =	swait.ge [sflag:s6], $0x8000  }
0x16c: {  	[sflag:s6] =	ssyncset.done $0x0  }
0x16d: {  	s0 =	rddreg [dreg:$0x7];
	[sflag:s6] =	ssyncadd.s32 $0xFFFF8000  }
0x16e: {  	[tilespmem:s2], [sflag:$0x1] =	stream.linear.gather [hbm4b:s0+s2], $0x8000, $0x38;
	[tilespmem:$0x18000] =	vst v63  }
0x16f: {  	_ =	swait.ge [sflag:s11], $0x8000  }
0x170: {  	[sflag:s11] =	ssyncset.done $0x0  }
0x171: {  	s0 =	rddreg [dreg:$0x8];
	[sflag:s11] =	ssyncadd.s32 $0xFFFF8000  }
0x172: {  	[hbm4b:s0+s2] =	stream.linear.scatter [tilespmem:s5], [sflag:$0x5], $0x8000, $0x38;
	[tilespmem:$0x18000] =	vst v63  }
0x173: {  	_ =	swait.ge [sflag:s4], $0x8000  }
0x174: {  	[sflag:s4] =	ssyncset.done $0x0  }
0x175: {  	s0 =	rddreg [dreg:$0x9];
	[sflag:s4] =	ssyncadd.s32 $0xFFFF8000  }
0x176: {  	[tilespmem:s5], [sflag:$0x2] =	stream.linear.gather [hbm4b:s0+s2], $0x8000, $0x38;
	[tilespmem:$0x18000] =	vst v63  }
0x177: {  	_ =	swait.ge [sflag:s18], $0x8000  }
0x178: {  	[sflag:s18] =	ssyncset.done $0x0  }
0x179: {  	s0 =	rddreg [dreg:$0xa];
	[sflag:s18] =	ssyncadd.s32 $0xFFFF8000  }
0x17a: {  	[hbm4b:s0+s2] =	stream.linear.scatter [tilespmem:s12], [sflag:$0x6], $0x8000, $0x38;
	[tilespmem:$0x18000] =	vst v63  }
0x17b: {  	_ =	swait.ge [sflag:s10], $0x8000  }
0x17c: {  	[sflag:s10] =	ssyncset.done $0x0  }
0x17d: {  	s0 =	rddreg [dreg:$0xb];
	[sflag:s10] =	ssyncadd.s32 $0xFFFF8000  }
0x17e: {  	[tilespmem:s12], [sflag:$0x3] =	stream.linear.gather [hbm4b:s0+s2], $0x8000, $0x38;
	[tilespmem:$0x18000] =	vst v63  }
0x17f: {  	_ =	swait.ge [sflag:s14], $0x8000  }
0x180: {  	[sflag:s14] =	ssyncset.done $0x0  }
0x181: {  	s0 =	rddreg [dreg:$0xc];
	[sflag:s14] =	ssyncadd.s32 $0xFFFF8000  }
0x182: {  	[hbm4b:s0+s2] =	stream.linear.scatter [tilespmem:s2], [sflag:$0x4], $0x8000, $0x38;
	[tilespmem:$0x18000] =	vst v63  }
0x183: {  	_ =	swait.ge [sflag:s6], $0x8000  }
0x184: {  	[sflag:s6] =	ssyncset.done $0x0  }
0x185: {  	s0 =	rddreg [dreg:$0xd];
	[sflag:s6] =	ssyncadd.s32 $0xFFFF8000  }
0x186: {  	[tilespmem:s2], [sflag:$0x1] =	stream.linear.gather [hbm4b:s0+s2], $0x8000, $0x38;
	[tilespmem:$0x18000] =	vst v63  }
0x187: {  	_ =	swait.ge [sflag:s11], $0x8000  }
0x188: {  	[sflag:s11] =	ssyncset.done $0x0  }
0x189: {  	s0 =	rddreg [dreg:$0xe];
	[sflag:s11] =	ssyncadd.s32 $0xFFFF8000  }
0x18a: {  	[hbm4b:s0+s2] =	stream.linear.scatter [tilespmem:s5], [sflag:$0x5], $0x8000, $0x38;
	[tilespmem:$0x18000] =	vst v63  }
0x18b: {  	_ =	swait.ge [sflag:s4], $0x8000  }
0x18c: {  	[sflag:s4] =	ssyncset.done $0x0  }
0x18d: {  	s0 =	rddreg [dreg:$0xf];
	[sflag:s4] =	ssyncadd.s32 $0xFFFF8000  }
0x18e: {  	[tilespmem:s5], [sflag:$0x2] =	stream.linear.gather [hbm4b:s0+s2], $0x8000, $0x38;
	[tilespmem:$0x18000] =	vst v63  }
0x18f: {  	_ =	swait.ge [sflag:s18], $0x8000  }
0x190: {  	[sflag:s18] =	ssyncset.done $0x0  }
0x191: {  	s0 =	rddreg [dreg:$0x10];
	[sflag:s18] =	ssyncadd.s32 $0xFFFF8000  }
0x192: {  	[hbm4b:s0+s2] =	stream.linear.scatter [tilespmem:s12], [sflag:$0x6], $0x8000, $0x38;
	[tilespmem:$0x18000] =	vst v63  }
0x193: {  	_ =	swait.ge [sflag:s10], $0x8000  }
0x194: {  	[sflag:s10] =	ssyncset.done $0x0  }
0x195: {  	s0 =	rddreg [dreg:$0x11];
	[sflag:s10] =	ssyncadd.s32 $0xFFFF8000  }
0x196: {  	[tilespmem:s12], [sflag:$0x3] =	stream.linear.gather [hbm4b:s0+s2], $0x8000, $0x38;
	[tilespmem:$0x18000] =	vst v63  }
0x197: {  	_ =	swait.ge [sflag:s14], $0x8000  }
0x198: {  	[sflag:s14] =	ssyncset.done $0x0  }
0x199: {  	s0 =	rddreg [dreg:$0x12];
	[sflag:s14] =	ssyncadd.s32 $0xFFFF8000  }
0x19a: {  	[hbm4b:s0+s2] =	stream.linear.scatter [tilespmem:s2], [sflag:$0x4], $0x8000, $0x38;
	[tilespmem:$0x18000] =	vst v63  }
0x19b: {  	_ =	swait.ge [sflag:s6], $0x8000  }
0x19c: {  	[sflag:s6] =	ssyncset.done $0x0  }
0x19d: {  	s0 =	rddreg [dreg:$0x13];
	[sflag:s6] =	ssyncadd.s32 $0xFFFF8000  }
0x19e: {  	[tilespmem:s2], [sflag:$0x1] =	stream.linear.gather [hbm4b:s0+s2], $0x8000, $0x38;
	[tilespmem:$0x18000] =	vst v63  }
0x19f: {  	_ =	swait.ge [sflag:s11], $0x8000  }
0x1a0: {  	[sflag:s11] =	ssyncset.done $0x0  }
0x1a1: {  	s0 =	rddreg [dreg:$0x14];
	[sflag:s11] =	ssyncadd.s32 $0xFFFF8000  }
0x1a2: {  	[hbm4b:s0+s2] =	stream.linear.scatter [tilespmem:s5], [sflag:$0x5], $0x8000, $0x38;
	[tilespmem:$0x18000] =	vst v63  }
0x1a3: {  	_ =	swait.ge [sflag:s4], $0x8000  }
0x1a4: {  	[sflag:s4] =	ssyncset.done $0x0  }
0x1a5: {  	s0 =	rddreg [dreg:$0x15];
	[sflag:s4] =	ssyncadd.s32 $0xFFFF8000  }
0x1a6: {  	[tilespmem:s5], [sflag:$0x2] =	stream.linear.gather [hbm4b:s0+s2], $0x8000, $0x38;
	[tilespmem:$0x18000] =	vst v63  }
0x1a7: {  	_ =	swait.ge [sflag:s18], $0x8000  }
0x1a8: {  	[sflag:s18] =	ssyncset.done $0x0  }
0x1a9: {  	s0 =	rddreg [dreg:$0x16];
	[sflag:s18] =	ssyncadd.s32 $0xFFFF8000  }
0x1aa: {  	[hbm4b:s0+s2] =	stream.linear.scatter [tilespmem:s12], [sflag:$0x6], $0x8000, $0x38;
	[tilespmem:$0x18000] =	vst v63  }
0x1ab: {  	_ =	swait.ge [sflag:s10], $0x8000  }
0x1ac: {  	[sflag:s10] =	ssyncset.done $0x0  }
0x1ad: {  	s0 =	rddreg [dreg:$0x17];
	[sflag:s10] =	ssyncadd.s32 $0xFFFF8000  }
0x1ae: {  	[tilespmem:s12], [sflag:$0x3] =	stream.linear.gather [hbm4b:s0+s2], $0x8000, $0x38;
	[tilespmem:$0x18000] =	vst v63  }
0x1af: {  	_ =	swait.ge [sflag:s14], $0x8000  }
0x1b0: {  	[sflag:s14] =	ssyncset.done $0x0  }
0x1b1: {  	s0 =	rddreg [dreg:$0x18];
	[sflag:s14] =	ssyncadd.s32 $0xFFFF8000  }
0x1b2: {  	[hbm4b:s0+s2] =	stream.linear.scatter [tilespmem:s2], [sflag:$0x4], $0x8000, $0x38;
	[tilespmem:$0x18000] =	vst v63  }
0x1b3: {  	_ =	swait.ge [sflag:s6], $0x8000  }
0x1b4: {  	[sflag:s6] =	ssyncset.done $0x0  }
0x1b5: {  	s0 =	rddreg [dreg:$0x19];
	[sflag:s6] =	ssyncadd.s32 $0xFFFF8000  }
0x1b6: {  	[tilespmem:s2], [sflag:$0x1] =	stream.linear.gather [hbm4b:s0+s2], $0x8000, $0x38;
	[tilespmem:$0x18000] =	vst v63  }
0x1b7: {  	_ =	swait.ge [sflag:s11], $0x8000  }
0x1b8: {  	[sflag:s11] =	ssyncset.done $0x0  }
0x1b9: {  	s0 =	rddreg [dreg:$0x1a];
	[sflag:s11] =	ssyncadd.s32 $0xFFFF8000  }
0x1ba: {  	[hbm4b:s0+s2] =	stream.linear.scatter [tilespmem:s5], [sflag:$0x5], $0x8000, $0x38;
	[tilespmem:$0x18000] =	vst v63  }
0x1bb: {  	_ =	swait.ge [sflag:s4], $0x8000  }
0x1bc: {  	[sflag:s4] =	ssyncset.done $0x0  }
0x1bd: {  	s0 =	rddreg [dreg:$0x1b];
	[sflag:s4] =	ssyncadd.s32 $0xFFFF8000  }
0x1be: {  	[tilespmem:s5], [sflag:$0x2] =	stream.linear.gather [hbm4b:s0+s2], $0x8000, $0x38;
	[tilespmem:$0x18000] =	vst v63  }
0x1bf: {  	_ =	swait.ge [sflag:s18], $0x8000  }
0x1c0: {  	[sflag:s18] =	ssyncset.done $0x0  }
0x1c1: {  	s0 =	rddreg [dreg:$0x1c];
	[sflag:s18] =	ssyncadd.s32 $0xFFFF8000  }
0x1c2: {  	[hbm4b:s0+s2] =	stream.linear.scatter [tilespmem:s12], [sflag:$0x6], $0x8000, $0x38;
	[tilespmem:$0x18000] =	vst v63  }
0x1c3: {  	_ =	swait.ge [sflag:s10], $0x8000  }
0x1c4: {  	[sflag:s10] =	ssyncset.done $0x0  }
0x1c5: {  	s0 =	rddreg [dreg:$0x1d];
	[sflag:s10] =	ssyncadd.s32 $0xFFFF8000  }
0x1c6: {  	[tilespmem:s12], [sflag:$0x3] =	stream.linear.gather [hbm4b:s0+s2], $0x8000, $0x38;
	[tilespmem:$0x18000] =	vst v63  }
0x1c7: {  	_ =	swait.ge [sflag:s14], $0x8000  }
0x1c8: {  	[sflag:s14] =	ssyncset.done $0x0  }
0x1c9: {  	s0 =	rddreg [dreg:$0x1e];
	[sflag:s14] =	ssyncadd.s32 $0xFFFF8000  }
0x1ca: {  	[hbm4b:s0+s2] =	stream.linear.scatter [tilespmem:s2], [sflag:$0x4], $0x8000, $0x38;
	[tilespmem:$0x18000] =	vst v63  }
0x1cb: {  	_ =	swait.ge [sflag:s6], $0x8000  }
0x1cc: {  	[sflag:s6] =	ssyncset.done $0x0  }
0x1cd: {  	s0 =	rddreg [dreg:$0x1f];
	[sflag:s6] =	ssyncadd.s32 $0xFFFF8000  }
0x1ce: {  	[tilespmem:s2], [sflag:$0x1] =	stream.linear.gather [hbm4b:s0+s2], $0x8000, $0x38;
	[tilespmem:$0x18000] =	vst v63  }
0x1cf: {  	_ =	swait.ge [sflag:s11], $0x8000  }
0x1d0: {  	s0 =	sld [smem:$0x7EF]  }
0x1d1: {  	[sflag:s11] =	ssyncset.done $0x0  }
0x1d2: {  	[sflag:s11] =	ssyncadd.s32 $0xFFFF8000  }
0x1d3: {  	[hbm4b:s0+s2] =	stream.linear.scatter [tilespmem:s5], [sflag:$0x5], $0x8000, $0x38;
	[tilespmem:$0x18000] =	vst v63  }
0x1d4: {  	_ =	swait.ge [sflag:s4], $0x8000  }
0x1d5: {  	s0 =	sld [smem:$0x7F0]  }
0x1d6: {  	[sflag:s4] =	ssyncset.done $0x0  }
0x1d7: {  	[sflag:s4] =	ssyncadd.s32 $0xFFFF8000  }
0x1d8: {  	[tilespmem:s5], [sflag:$0x2] =	stream.linear.gather [hbm4b:s0+s2], $0x8000, $0x38;
	[tilespmem:$0x18000] =	vst v63  }
0x1d9: {  	_ =	swait.ge [sflag:s18], $0x8000  }
0x1da: {  	s0 =	sld [smem:$0x7F1]  }
0x1db: {  	[sflag:s18] =	ssyncset.done $0x0  }
0x1dc: {  	[sflag:s18] =	ssyncadd.s32 $0xFFFF8000  }
0x1dd: {  	[hbm4b:s0+s2] =	stream.linear.scatter [tilespmem:s12], [sflag:$0x6], $0x8000, $0x38;
	[tilespmem:$0x18000] =	vst v63  }
0x1de: {  	_ =	swait.ge [sflag:s10], $0x8000  }
0x1df: {  	s0 =	sld [smem:$0x7F2]  }
0x1e0: {  	[sflag:s10] =	ssyncset.done $0x0  }
0x1e1: {  	[sflag:s10] =	ssyncadd.s32 $0xFFFF8000  }
0x1e2: {  	[tilespmem:s12], [sflag:$0x3] =	stream.linear.gather [hbm4b:s0+s2], $0x8000, $0x38;
	[tilespmem:$0x18000] =	vst v63  }
0x1e3: {  	_ =	swait.ge [sflag:s14], $0x8000  }
0x1e4: {  	s0 =	sld [smem:$0x7F3]  }
0x1e5: {  	[sflag:s14] =	ssyncset.done $0x0  }
0x1e6: {  	[sflag:s14] =	ssyncadd.s32 $0xFFFF8000  }
0x1e7: {  	[hbm4b:s0+s2] =	stream.linear.scatter [tilespmem:s2], [sflag:$0x4], $0x8000, $0x38;
	[tilespmem:$0x18000] =	vst v63  }
0x1e8: {  	_ =	swait.ge [sflag:s6], $0x8000  }
0x1e9: {  	s0 =	sld [smem:$0x7F4]  }
0x1ea: {  	[sflag:s6] =	ssyncset.done $0x0  }
0x1eb: {  	[sflag:s6] =	ssyncadd.s32 $0xFFFF8000  }
0x1ec: {  	[tilespmem:s2], [sflag:$0x1] =	stream.linear.gather [hbm4b:s0+s2], $0x8000, $0x38;
	[tilespmem:$0x18000] =	vst v63  }
0x1ed: {  	_ =	swait.ge [sflag:s11], $0x8000  }
0x1ee: {  	s0 =	sld [smem:$0x7F5]  }
0x1ef: {  	[sflag:s11] =	ssyncset.done $0x0  }
0x1f0: {  	[sflag:s11] =	ssyncadd.s32 $0xFFFF8000  }
0x1f1: {  	[hbm4b:s0+s2] =	stream.linear.scatter [tilespmem:s5], [sflag:$0x5], $0x8000, $0x38;
	[tilespmem:$0x18000] =	vst v63  }
0x1f2: {  	_ =	swait.ge [sflag:s4], $0x8000  }
0x1f3: {  	s0 =	sld [smem:$0x7F6]  }
0x1f4: {  	[sflag:s4] =	ssyncset.done $0x0  }
0x1f5: {  	[sflag:s4] =	ssyncadd.s32 $0xFFFF8000  }
0x1f6: {  	[tilespmem:s5], [sflag:$0x2] =	stream.linear.gather [hbm4b:s0+s2], $0x8000, $0x38;
	[tilespmem:$0x18000] =	vst v63  }
0x1f7: {  	_ =	swait.ge [sflag:s18], $0x8000  }
0x1f8: {  	s0 =	sld [smem:$0x7F7]  }
0x1f9: {  	[sflag:s18] =	ssyncset.done $0x0  }
0x1fa: {  	[sflag:s18] =	ssyncadd.s32 $0xFFFF8000  }
0x1fb: {  	[hbm4b:s0+s2] =	stream.linear.scatter [tilespmem:s12], [sflag:$0x6], $0x8000, $0x38;
	[tilespmem:$0x18000] =	vst v63  }
0x1fc: {  	_ =	swait.ge [sflag:s10], $0x8000  }
0x1fd: {  	s0 =	sld [smem:$0x7F8]  }
0x1fe: {  	[sflag:s10] =	ssyncset.done $0x0  }
0x1ff: {  	[sflag:s10] =	ssyncadd.s32 $0xFFFF8000  }
0x200: {  	[tilespmem:s12], [sflag:$0x3] =	stream.linear.gather [hbm4b:s0+s2], $0x8000, $0x38;
	[tilespmem:$0x18000] =	vst v63  }
0x201: {  	_ =	swait.ge [sflag:s14], $0x8000  }
0x202: {  	s0 =	sld [smem:$0x7F9]  }
0x203: {  	[sflag:s14] =	ssyncset.done $0x0  }
0x204: {  	[sflag:s14] =	ssyncadd.s32 $0xFFFF8000  }
0x205: {  	[hbm4b:s0+s2] =	stream.linear.scatter [tilespmem:s2], [sflag:$0x4], $0x8000, $0x38;
	[tilespmem:$0x18000] =	vst v63  }
0x206: {  	_ =	swait.ge [sflag:s6], $0x8000  }
0x207: {  	s0 =	sld [smem:$0x7FA]  }
0x208: {  	[sflag:s6] =	ssyncset.done $0x0  }
0x209: {  	[sflag:s6] =	ssyncadd.s32 $0xFFFF8000  }
0x20a: {  	[tilespmem:s2], [sflag:$0x1] =	stream.linear.gather [hbm4b:s0+s2], $0x8000, $0x38;
	[tilespmem:$0x18000] =	vst v63  }
0x20b: {  	_ =	swait.ge [sflag:s11], $0x8000  }
0x20c: {  	s0 =	sld [smem:$0x7FB]  }
0x20d: {  	[sflag:s11] =	ssyncset.done $0x0  }
0x20e: {  	[sflag:s11] =	ssyncadd.s32 $0xFFFF8000  }
0x20f: {  	[hbm4b:s0+s2] =	stream.linear.scatter [tilespmem:s5], [sflag:$0x5], $0x8000, $0x38;
	[tilespmem:$0x18000] =	vst v63  }
0x210: {  	_ =	swait.ge [sflag:s4], $0x8000  }
0x211: {  	s0 =	sld [smem:$0x7FC]  }
0x212: {  	[sflag:s4] =	ssyncset.done $0x0  }
0x213: {  	[sflag:s4] =	ssyncadd.s32 $0xFFFF8000  }
0x214: {  	[tilespmem:s5], [sflag:$0x2] =	stream.linear.gather [hbm4b:s0+s2], $0x8000, $0x38;
	[tilespmem:$0x18000] =	vst v63  }
0x215: {  	_ =	swait.ge [sflag:s18], $0x8000  }
0x216: {  	s0 =	sld [smem:$0x7FD]  }
0x217: {  	[sflag:s18] =	ssyncset.done $0x0  }
0x218: {  	[sflag:s18] =	ssyncadd.s32 $0xFFFF8000  }
0x219: {  	[hbm4b:s0+s2] =	stream.linear.scatter [tilespmem:s12], [sflag:$0x6], $0x8000, $0x38;
	[tilespmem:$0x18000] =	vst v63  }
0x21a: {  	_ =	swait.ge [sflag:s10], $0x8000  }
0x21b: {  	[sflag:s10] =	ssyncset.done $0x0  }
0x21c: {  	[sflag:s10] =	ssyncadd.s32 $0xFFFF8000  }
0x21d: {  	[tilespmem:s12], [sflag:$0x3] =	stream.linear.gather [hbm4b:s31+s2], $0x8000, $0x38;
	[tilespmem:$0x18000] =	vst v63  }
0x21e: {  	_ =	swait.ge [sflag:s14], $0x8000  }
0x21f: {  	[sflag:s14] =	ssyncset.done $0x0  }
0x220: {  	[sflag:s14] =	ssyncadd.s32 $0xFFFF8000  }
0x221: {  	[hbm4b:s30+s2] =	stream.linear.scatter [tilespmem:s2], [sflag:$0x4], $0x8000, $0x38;
	[tilespmem:$0x18000] =	vst v63  }
0x222: {  	_ =	swait.ge [sflag:s6], $0x8000  }
0x223: {  	[sflag:s6] =	ssyncset.done $0x0  }
0x224: {  	[sflag:s6] =	ssyncadd.s32 $0xFFFF8000  }
0x225: {  	[tilespmem:s2], [sflag:$0x1] =	stream.linear.gather [hbm4b:s29+s2], $0x8000, $0x38;
	[tilespmem:$0x18000] =	vst v63  }
0x226: {  	_ =	swait.ge [sflag:s11], $0x8000  }
0x227: {  	[sflag:s11] =	ssyncset.done $0x0  }
0x228: {  	[sflag:s11] =	ssyncadd.s32 $0xFFFF8000  }
0x229: {  	[hbm4b:s28+s2] =	stream.linear.scatter [tilespmem:s5], [sflag:$0x5], $0x8000, $0x38;
	[tilespmem:$0x18000] =	vst v63  }
0x22a: {  	_ =	swait.ge [sflag:s4], $0x8000  }
0x22b: {  	[sflag:s4] =	ssyncset.done $0x0  }
0x22c: {  	[sflag:s4] =	ssyncadd.s32 $0xFFFF8000  }
0x22d: {  	[tilespmem:s5], [sflag:$0x2] =	stream.linear.gather [hbm4b:s26+s2], $0x8000, $0x38;
	[tilespmem:$0x18000] =	vst v63  }
0x22e: {  	_ =	swait.ge [sflag:s18], $0x8000  }
0x22f: {  	[sflag:s18] =	ssyncset.done $0x0  }
0x230: {  	[sflag:s18] =	ssyncadd.s32 $0xFFFF8000  }
0x231: {  	[hbm4b:s25+s2] =	stream.linear.scatter [tilespmem:s12], [sflag:$0x6], $0x8000, $0x38;
	[tilespmem:$0x18000] =	vst v63  }
0x232: {  	_ =	swait.ge [sflag:s10], $0x8000  }
0x233: {  	[sflag:s10] =	ssyncset.done $0x0  }
0x234: {  	[sflag:s10] =	ssyncadd.s32 $0xFFFF8000  }
0x235: {  	[tilespmem:s12], [sflag:$0x3] =	stream.linear.gather [hbm4b:s24+s2], $0x8000, $0x38;
	[tilespmem:$0x18000] =	vst v63  }
0x236: {  	_ =	swait.ge [sflag:s14], $0x8000  }
0x237: {  	[sflag:s14] =	ssyncset.done $0x0  }
0x238: {  	[sflag:s14] =	ssyncadd.s32 $0xFFFF8000  }
0x239: {  	[hbm4b:s23+s2] =	stream.linear.scatter [tilespmem:s2], [sflag:$0x4], $0x8000, $0x38;
	[tilespmem:$0x18000] =	vst v63  }
0x23a: {  	_ =	swait.ge [sflag:s6], $0x8000  }
0x23b: {  	[sflag:s6] =	ssyncset.done $0x0  }
0x23c: {  	[sflag:s6] =	ssyncadd.s32 $0xFFFF8000  }
0x23d: {  	[tilespmem:s2], [sflag:$0x1] =	stream.linear.gather [hbm4b:s22+s2], $0x8000, $0x38;
	[tilespmem:$0x18000] =	vst v63  }
0x23e: {  	_ =	swait.ge [sflag:s11], $0x8000  }
0x23f: {  	[sflag:s11] =	ssyncset.done $0x0  }
0x240: {  	[sflag:s11] =	ssyncadd.s32 $0xFFFF8000  }
0x241: {  	[hbm4b:s21+s2] =	stream.linear.scatter [tilespmem:s5], [sflag:$0x5], $0x8000, $0x38;
	[tilespmem:$0x18000] =	vst v63  }
0x242: {  	_ =	swait.ge [sflag:s4], $0x8000  }
0x243: {  	[sflag:s4] =	ssyncset.done $0x0  }
0x244: {  	[sflag:s4] =	ssyncadd.s32 $0xFFFF8000  }
0x245: {  	[tilespmem:s5], [sflag:$0x2] =	stream.linear.gather [hbm4b:s20+s2], $0x8000, $0x38;
	[tilespmem:$0x18000] =	vst v63  }
0x246: {  	_ =	swait.ge [sflag:s18], $0x8000  }
0x247: {  	[sflag:s18] =	ssyncset.done $0x0  }
0x248: {  	[sflag:s18] =	ssyncadd.s32 $0xFFFF8000  }
0x249: {  	[hbm4b:s19+s2] =	stream.linear.scatter [tilespmem:s12], [sflag:$0x6], $0x8000, $0x38;
	[tilespmem:$0x18000] =	vst v63  }
0x24a: {  	_ =	swait.ge [sflag:s10], $0x8000  }
0x24b: {  	[sflag:s10] =	ssyncset.done $0x0  }
0x24c: {  	[sflag:s10] =	ssyncadd.s32 $0xFFFF8000  }
0x24d: {  	[tilespmem:s12], [sflag:$0x3] =	stream.linear.gather [hbm4b:s17+s2], $0x8000, $0x38;
	[tilespmem:$0x18000] =	vst v63  }
0x24e: {  	_ =	swait.ge [sflag:s14], $0x8000  }
0x24f: {  	[sflag:s14] =	ssyncset.done $0x0  }
0x250: {  	[sflag:s14] =	ssyncadd.s32 $0xFFFF8000  }
0x251: {  	[hbm4b:s16+s2] =	stream.linear.scatter [tilespmem:s2], [sflag:$0x4], $0x8000, $0x38;
	[tilespmem:$0x18000] =	vst v63  }
0x252: {  	_ =	swait.ge [sflag:s6], $0x8000  }
0x253: {  	[sflag:s6] =	ssyncset.done $0x0  }
0x254: {  	[sflag:s6] =	ssyncadd.s32 $0xFFFF8000  }
0x255: {  	[tilespmem:s2], [sflag:$0x1] =	stream.linear.gather [hbm4b:s15+s2], $0x8000, $0x38;
	[tilespmem:$0x18000] =	vst v63  }
0x256: {  	_ =	swait.ge [sflag:s11], $0x8000  }
0x257: {  	[sflag:s11] =	ssyncset.done $0x0  }
0x258: {  	[sflag:s11] =	ssyncadd.s32 $0xFFFF8000  }
0x259: {  	[hbm4b:s13+s2] =	stream.linear.scatter [tilespmem:s5], [sflag:$0x5], $0x8000, $0x38;
	[tilespmem:$0x18000] =	vst v63  }
0x25a: {  	_ =	swait.ge [sflag:s4], $0x8000  }
0x25b: {  	[sflag:s4] =	ssyncset.done $0x0  }
0x25c: {  	[sflag:s4] =	ssyncadd.s32 $0xFFFF8000  }
0x25d: {  	[tilespmem:s5], [sflag:$0x2] =	stream.linear.gather [hbm4b:s9+s2], $0x8000, $0x38;
	[tilespmem:$0x18000] =	vst v63  }
0x25e: {  	_ =	swait.ge [sflag:s18], $0x8000  }
0x25f: {  	[sflag:s18] =	ssyncset.done $0x0  }
0x260: {  	[sflag:s18] =	ssyncadd.s32 $0xFFFF8000  }
0x261: {  	[hbm4b:s8+s2] =	stream.linear.scatter [tilespmem:s12], [sflag:$0x6], $0x8000, $0x38;
	[tilespmem:$0x18000] =	vst v63  }
0x262: {  	_ =	swait.ge [sflag:s14], $0x8000  }
0x263: {  	[sflag:s14] =	ssyncset.done $0x0  }
0x264: {  	[sflag:s14] =	ssyncadd.s32 $0xFFFF8000  }
0x265: {  	[hbm4b:s7+s2] =	stream.linear.scatter [tilespmem:s2], [sflag:$0x4], $0x8000, $0x38;
	[tilespmem:$0x18000] =	vst v63  }
0x266: {  	_ =	swait.ge [sflag:s11], $0x8000  }
0x267: {  	[sflag:s11] =	ssyncset.done $0x0  }
0x268: {  	[sflag:s11] =	ssyncadd.s32 $0xFFFF8000  }
0x269: {  	[hbm4b:s3+s2] =	stream.linear.scatter [tilespmem:s5], [sflag:$0x5], $0x8000, $0x38;
	[tilespmem:$0x18000] =	vst v63  }
0x26a: {  	_ =	swait.ge [sflag:s10], $0x8000  }
0x26b: {  	[sflag:s10] =	ssyncset.done $0x0  }
0x26c: {  	p1 =	sne.s32 s1, $0x1;
	[sflag:s10] =	ssyncadd.s32 $0xFFFF8000  }
.Ltmp2:
0x26d: {  	_ =	swait.ge [sflag:s6], $0x8000;
	(pc) =	sbr.rel @p1 .LBB2_2-.Ltmp2, $4  }
0x26e: {  	[sflag:s6] =	ssyncset.done $0x0  }
0x26f: {  	[sflag:s6] =	ssyncadd.s32 $0xFFFF8000  }
0x270: {  	_ =	swait.ge [sflag:s4], $0x8000  }
0x271: {  	s1 =	sadd.s32 $0xFFFFFFFF, s1;
	s0 =	rddreg [dreg:$0x3];
	[sflag:s4] =	ssyncset.done $0x0  }
.LBB2_3:
0x272: {  	[sflag:s4] =	ssyncadd.s32 @p0 $0xFFFF8000  }
0x273: {  	[tilespmem:s2], [sflag:$0x1] =	stream.linear.gather [hbm4b:s0+s2], $0x8000, $0x38;
	[tilespmem:$0x18000] =	vst v63  }
0x274: {  	s1 =	rddreg [dreg:$0x4]  }
0x275: {  	[tilespmem:s5], [sflag:$0x2] =	stream.linear.gather [hbm4b:s1+s2], $0x8000, $0x38;
	[tilespmem:$0x18000] =	vst v63  }
0x276: {  	s0 =	rddreg [dreg:$0x5]  }
0x277: {  	[tilespmem:s12], [sflag:$0x3] =	stream.linear.gather [hbm4b:s0+s2], $0x8000, $0x38;
	[tilespmem:$0x18000] =	vst v63  }
0x278: {  	_ =	swait.ge [sflag:s14], $0x8000  }
0x279: {  	[sflag:s14] =	ssyncset.done $0x0  }
0x27a: {  	s1 =	rddreg [dreg:$0x6];
	[sflag:s14] =	ssyncadd.s32 $0xFFFF8000  }
0x27b: {  	[hbm4b:s1+s2] =	stream.linear.scatter [tilespmem:s2], [sflag:$0x4], $0x8000, $0x38;
	[tilespmem:$0x18000] =	vst v63  }
0x27c: {  	_ =	swait.ge [sflag:s6], $0x8000  }
0x27d: {  	[sflag:s6] =	ssyncset.done $0x0  }
0x27e: {  	s1 =	rddreg [dreg:$0x7];
	[sflag:s6] =	ssyncadd.s32 $0xFFFF8000  }
0x27f: {  	[tilespmem:s2], [sflag:$0x1] =	stream.linear.gather [hbm4b:s1+s2], $0x8000, $0x38;
	[tilespmem:$0x18000] =	vst v63  }
0x280: {  	_ =	swait.ge [sflag:s11], $0x8000  }
0x281: {  	[sflag:s11] =	ssyncset.done $0x0  }
0x282: {  	s1 =	rddreg [dreg:$0x8];
	[sflag:s11] =	ssyncadd.s32 $0xFFFF8000  }
0x283: {  	[hbm4b:s1+s2] =	stream.linear.scatter [tilespmem:s5], [sflag:$0x5], $0x8000, $0x38;
	[tilespmem:$0x18000] =	vst v63  }
0x284: {  	_ =	swait.ge [sflag:s4], $0x8000  }
0x285: {  	[sflag:s4] =	ssyncset.done $0x0  }
0x286: {  	s1 =	rddreg [dreg:$0x9];
	[sflag:s4] =	ssyncadd.s32 $0xFFFF8000  }
0x287: {  	[tilespmem:s5], [sflag:$0x2] =	stream.linear.gather [hbm4b:s1+s2], $0x8000, $0x38;
	[tilespmem:$0x18000] =	vst v63  }
0x288: {  	_ =	swait.ge [sflag:s18], $0x8000  }
0x289: {  	[sflag:s18] =	ssyncset.done $0x0  }
0x28a: {  	s1 =	rddreg [dreg:$0xa];
	[sflag:s18] =	ssyncadd.s32 $0xFFFF8000  }
0x28b: {  	[hbm4b:s1+s2] =	stream.linear.scatter [tilespmem:s12], [sflag:$0x6], $0x8000, $0x38;
	[tilespmem:$0x18000] =	vst v63  }
0x28c: {  	_ =	swait.ge [sflag:s10], $0x8000  }
0x28d: {  	[sflag:s10] =	ssyncset.done $0x0  }
0x28e: {  	s1 =	rddreg [dreg:$0xb];
	[sflag:s10] =	ssyncadd.s32 $0xFFFF8000  }
0x28f: {  	[tilespmem:s12], [sflag:$0x3] =	stream.linear.gather [hbm4b:s1+s2], $0x8000, $0x38;
	[tilespmem:$0x18000] =	vst v63  }
0x290: {  	_ =	swait.ge [sflag:s14], $0x8000  }
0x291: {  	[sflag:s14] =	ssyncset.done $0x0  }
0x292: {  	s1 =	rddreg [dreg:$0xc];
	[sflag:s14] =	ssyncadd.s32 $0xFFFF8000  }
0x293: {  	[hbm4b:s1+s2] =	stream.linear.scatter [tilespmem:s2], [sflag:$0x4], $0x8000, $0x38;
	[tilespmem:$0x18000] =	vst v63  }
0x294: {  	_ =	swait.ge [sflag:s6], $0x8000  }
0x295: {  	[sflag:s6] =	ssyncset.done $0x0  }
0x296: {  	s1 =	rddreg [dreg:$0xd];
	[sflag:s6] =	ssyncadd.s32 $0xFFFF8000  }
0x297: {  	[tilespmem:s2], [sflag:$0x1] =	stream.linear.gather [hbm4b:s1+s2], $0x8000, $0x38;
	[tilespmem:$0x18000] =	vst v63  }
0x298: {  	_ =	swait.ge [sflag:s11], $0x8000  }
0x299: {  	[sflag:s11] =	ssyncset.done $0x0  }
0x29a: {  	s1 =	rddreg [dreg:$0xe];
	[sflag:s11] =	ssyncadd.s32 $0xFFFF8000  }
0x29b: {  	[hbm4b:s1+s2] =	stream.linear.scatter [tilespmem:s5], [sflag:$0x5], $0x8000, $0x38;
	[tilespmem:$0x18000] =	vst v63  }
0x29c: {  	_ =	swait.ge [sflag:s4], $0x8000  }
0x29d: {  	[sflag:s4] =	ssyncset.done $0x0  }
0x29e: {  	s1 =	rddreg [dreg:$0xf];
	[sflag:s4] =	ssyncadd.s32 $0xFFFF8000  }
0x29f: {  	[tilespmem:s5], [sflag:$0x2] =	stream.linear.gather [hbm4b:s1+s2], $0x8000, $0x38;
	[tilespmem:$0x18000] =	vst v63  }
0x2a0: {  	_ =	swait.ge [sflag:s18], $0x8000  }
0x2a1: {  	[sflag:s18] =	ssyncset.done $0x0  }
0x2a2: {  	s1 =	rddreg [dreg:$0x10];
	[sflag:s18] =	ssyncadd.s32 $0xFFFF8000  }
0x2a3: {  	[hbm4b:s1+s2] =	stream.linear.scatter [tilespmem:s12], [sflag:$0x6], $0x8000, $0x38;
	[tilespmem:$0x18000] =	vst v63  }
0x2a4: {  	_ =	swait.ge [sflag:s10], $0x8000  }
0x2a5: {  	[sflag:s10] =	ssyncset.done $0x0  }
0x2a6: {  	s1 =	rddreg [dreg:$0x11];
	[sflag:s10] =	ssyncadd.s32 $0xFFFF8000  }
0x2a7: {  	[tilespmem:s12], [sflag:$0x3] =	stream.linear.gather [hbm4b:s1+s2], $0x8000, $0x38;
	[tilespmem:$0x18000] =	vst v63  }
0x2a8: {  	_ =	swait.ge [sflag:s14], $0x8000  }
0x2a9: {  	[sflag:s14] =	ssyncset.done $0x0  }
0x2aa: {  	s1 =	rddreg [dreg:$0x12];
	[sflag:s14] =	ssyncadd.s32 $0xFFFF8000  }
0x2ab: {  	[hbm4b:s1+s2] =	stream.linear.scatter [tilespmem:s2], [sflag:$0x4], $0x8000, $0x38;
	[tilespmem:$0x18000] =	vst v63  }
0x2ac: {  	_ =	swait.ge [sflag:s6], $0x8000  }
0x2ad: {  	[sflag:s6] =	ssyncset.done $0x0  }
0x2ae: {  	s1 =	rddreg [dreg:$0x13];
	[sflag:s6] =	ssyncadd.s32 $0xFFFF8000  }
0x2af: {  	[tilespmem:s2], [sflag:$0x1] =	stream.linear.gather [hbm4b:s1+s2], $0x8000, $0x38;
	[tilespmem:$0x18000] =	vst v63  }
0x2b0: {  	_ =	swait.ge [sflag:s11], $0x8000  }
0x2b1: {  	[sflag:s11] =	ssyncset.done $0x0  }
0x2b2: {  	s1 =	rddreg [dreg:$0x14];
	[sflag:s11] =	ssyncadd.s32 $0xFFFF8000  }
0x2b3: {  	[hbm4b:s1+s2] =	stream.linear.scatter [tilespmem:s5], [sflag:$0x5], $0x8000, $0x38;
	[tilespmem:$0x18000] =	vst v63  }
0x2b4: {  	_ =	swait.ge [sflag:s4], $0x8000  }
0x2b5: {  	[sflag:s4] =	ssyncset.done $0x0  }
0x2b6: {  	s1 =	rddreg [dreg:$0x15];
	[sflag:s4] =	ssyncadd.s32 $0xFFFF8000  }
0x2b7: {  	[tilespmem:s5], [sflag:$0x2] =	stream.linear.gather [hbm4b:s1+s2], $0x8000, $0x38;
	[tilespmem:$0x18000] =	vst v63  }
0x2b8: {  	_ =	swait.ge [sflag:s18], $0x8000  }
0x2b9: {  	[sflag:s18] =	ssyncset.done $0x0  }
0x2ba: {  	s1 =	rddreg [dreg:$0x16];
	[sflag:s18] =	ssyncadd.s32 $0xFFFF8000  }
0x2bb: {  	[hbm4b:s1+s2] =	stream.linear.scatter [tilespmem:s12], [sflag:$0x6], $0x8000, $0x38;
	[tilespmem:$0x18000] =	vst v63  }
0x2bc: {  	_ =	swait.ge [sflag:s10], $0x8000  }
0x2bd: {  	[sflag:s10] =	ssyncset.done $0x0  }
0x2be: {  	s1 =	rddreg [dreg:$0x17];
	[sflag:s10] =	ssyncadd.s32 $0xFFFF8000  }
0x2bf: {  	[tilespmem:s12], [sflag:$0x3] =	stream.linear.gather [hbm4b:s1+s2], $0x8000, $0x38;
	[tilespmem:$0x18000] =	vst v63  }
0x2c0: {  	_ =	swait.ge [sflag:s14], $0x8000  }
0x2c1: {  	[sflag:s14] =	ssyncset.done $0x0  }
0x2c2: {  	s1 =	rddreg [dreg:$0x18];
	[sflag:s14] =	ssyncadd.s32 $0xFFFF8000  }
0x2c3: {  	[hbm4b:s1+s2] =	stream.linear.scatter [tilespmem:s2], [sflag:$0x4], $0x8000, $0x38;
	[tilespmem:$0x18000] =	vst v63  }
0x2c4: {  	_ =	swait.ge [sflag:s6], $0x8000  }
0x2c5: {  	[sflag:s6] =	ssyncset.done $0x0  }
0x2c6: {  	s1 =	rddreg [dreg:$0x19];
	[sflag:s6] =	ssyncadd.s32 $0xFFFF8000  }
0x2c7: {  	[tilespmem:s2], [sflag:$0x1] =	stream.linear.gather [hbm4b:s1+s2], $0x8000, $0x38;
	[tilespmem:$0x18000] =	vst v63  }
0x2c8: {  	_ =	swait.ge [sflag:s11], $0x8000  }
0x2c9: {  	[sflag:s11] =	ssyncset.done $0x0  }
0x2ca: {  	s1 =	rddreg [dreg:$0x1a];
	[sflag:s11] =	ssyncadd.s32 $0xFFFF8000  }
0x2cb: {  	[hbm4b:s1+s2] =	stream.linear.scatter [tilespmem:s5], [sflag:$0x5], $0x8000, $0x38;
	[tilespmem:$0x18000] =	vst v63  }
0x2cc: {  	_ =	swait.ge [sflag:s4], $0x8000  }
0x2cd: {  	[sflag:s4] =	ssyncset.done $0x0  }
0x2ce: {  	s1 =	rddreg [dreg:$0x1b];
	[sflag:s4] =	ssyncadd.s32 $0xFFFF8000  }
0x2cf: {  	[tilespmem:s5], [sflag:$0x2] =	stream.linear.gather [hbm4b:s1+s2], $0x8000, $0x38;
	[tilespmem:$0x18000] =	vst v63  }
0x2d0: {  	_ =	swait.ge [sflag:s18], $0x8000  }
0x2d1: {  	[sflag:s18] =	ssyncset.done $0x0  }
0x2d2: {  	s1 =	rddreg [dreg:$0x1c];
	[sflag:s18] =	ssyncadd.s32 $0xFFFF8000  }
0x2d3: {  	[hbm4b:s1+s2] =	stream.linear.scatter [tilespmem:s12], [sflag:$0x6], $0x8000, $0x38;
	[tilespmem:$0x18000] =	vst v63  }
0x2d4: {  	_ =	swait.ge [sflag:s10], $0x8000  }
0x2d5: {  	[sflag:s10] =	ssyncset.done $0x0  }
0x2d6: {  	s1 =	rddreg [dreg:$0x1d];
	[sflag:s10] =	ssyncadd.s32 $0xFFFF8000  }
0x2d7: {  	[tilespmem:s12], [sflag:$0x3] =	stream.linear.gather [hbm4b:s1+s2], $0x8000, $0x38;
	[tilespmem:$0x18000] =	vst v63  }
0x2d8: {  	_ =	swait.ge [sflag:s14], $0x8000  }
0x2d9: {  	[sflag:s14] =	ssyncset.done $0x0  }
0x2da: {  	s1 =	rddreg [dreg:$0x1e];
	[sflag:s14] =	ssyncadd.s32 $0xFFFF8000  }
0x2db: {  	[hbm4b:s1+s2] =	stream.linear.scatter [tilespmem:s2], [sflag:$0x4], $0x8000, $0x38;
	[tilespmem:$0x18000] =	vst v63  }
0x2dc: {  	_ =	swait.ge [sflag:s6], $0x8000  }
0x2dd: {  	[sflag:s6] =	ssyncset.done $0x0  }
0x2de: {  	s1 =	rddreg [dreg:$0x1f];
	[sflag:s6] =	ssyncadd.s32 $0xFFFF8000  }
0x2df: {  	[tilespmem:s2], [sflag:$0x1] =	stream.linear.gather [hbm4b:s1+s2], $0x8000, $0x38;
	[tilespmem:$0x18000] =	vst v63  }
0x2e0: {  	_ =	swait.ge [sflag:s11], $0x8000  }
0x2e1: {  	s1 =	sld [smem:$0x7EF]  }
0x2e2: {  	[sflag:s11] =	ssyncset.done $0x0  }
0x2e3: {  	[sflag:s11] =	ssyncadd.s32 $0xFFFF8000  }
0x2e4: {  	[hbm4b:s1+s2] =	stream.linear.scatter [tilespmem:s5], [sflag:$0x5], $0x8000, $0x38;
	[tilespmem:$0x18000] =	vst v63  }
0x2e5: {  	_ =	swait.ge [sflag:s4], $0x8000  }
0x2e6: {  	s1 =	sld [smem:$0x7F0]  }
0x2e7: {  	[sflag:s4] =	ssyncset.done $0x0  }
0x2e8: {  	[sflag:s4] =	ssyncadd.s32 $0xFFFF8000  }
0x2e9: {  	[tilespmem:s5], [sflag:$0x2] =	stream.linear.gather [hbm4b:s1+s2], $0x8000, $0x38;
	[tilespmem:$0x18000] =	vst v63  }
0x2ea: {  	_ =	swait.ge [sflag:s18], $0x8000  }
0x2eb: {  	s1 =	sld [smem:$0x7F1]  }
0x2ec: {  	[sflag:s18] =	ssyncset.done $0x0  }
0x2ed: {  	[sflag:s18] =	ssyncadd.s32 $0xFFFF8000  }
0x2ee: {  	[hbm4b:s1+s2] =	stream.linear.scatter [tilespmem:s12], [sflag:$0x6], $0x8000, $0x38;
	[tilespmem:$0x18000] =	vst v63  }
0x2ef: {  	_ =	swait.ge [sflag:s10], $0x8000  }
0x2f0: {  	s1 =	sld [smem:$0x7F2]  }
0x2f1: {  	[sflag:s10] =	ssyncset.done $0x0  }
0x2f2: {  	[sflag:s10] =	ssyncadd.s32 $0xFFFF8000  }
0x2f3: {  	[tilespmem:s12], [sflag:$0x3] =	stream.linear.gather [hbm4b:s1+s2], $0x8000, $0x38;
	[tilespmem:$0x18000] =	vst v63  }
0x2f4: {  	_ =	swait.ge [sflag:s14], $0x8000  }
0x2f5: {  	s1 =	sld [smem:$0x7F3]  }
0x2f6: {  	[sflag:s14] =	ssyncset.done $0x0  }
0x2f7: {  	[sflag:s14] =	ssyncadd.s32 $0xFFFF8000  }
0x2f8: {  	[hbm4b:s1+s2] =	stream.linear.scatter [tilespmem:s2], [sflag:$0x4], $0x8000, $0x38;
	[tilespmem:$0x18000] =	vst v63  }
0x2f9: {  	_ =	swait.ge [sflag:s6], $0x8000  }
0x2fa: {  	s1 =	sld [smem:$0x7F4]  }
0x2fb: {  	[sflag:s6] =	ssyncset.done $0x0  }
0x2fc: {  	[sflag:s6] =	ssyncadd.s32 $0xFFFF8000  }
0x2fd: {  	[tilespmem:s2], [sflag:$0x1] =	stream.linear.gather [hbm4b:s1+s2], $0x8000, $0x38;
	[tilespmem:$0x18000] =	vst v63  }
0x2fe: {  	_ =	swait.ge [sflag:s11], $0x8000  }
0x2ff: {  	s1 =	sld [smem:$0x7F5]  }
0x300: {  	[sflag:s11] =	ssyncset.done $0x0  }
0x301: {  	[sflag:s11] =	ssyncadd.s32 $0xFFFF8000  }
0x302: {  	[hbm4b:s1+s2] =	stream.linear.scatter [tilespmem:s5], [sflag:$0x5], $0x8000, $0x38;
	[tilespmem:$0x18000] =	vst v63  }
0x303: {  	_ =	swait.ge [sflag:s4], $0x8000  }
0x304: {  	s1 =	sld [smem:$0x7F6]  }
0x305: {  	[sflag:s4] =	ssyncset.done $0x0  }
0x306: {  	[sflag:s4] =	ssyncadd.s32 $0xFFFF8000  }
0x307: {  	[tilespmem:s5], [sflag:$0x2] =	stream.linear.gather [hbm4b:s1+s2], $0x8000, $0x38;
	[tilespmem:$0x18000] =	vst v63  }
0x308: {  	_ =	swait.ge [sflag:s18], $0x8000  }
0x309: {  	s1 =	sld [smem:$0x7F7]  }
0x30a: {  	[sflag:s18] =	ssyncset.done $0x0  }
0x30b: {  	[sflag:s18] =	ssyncadd.s32 $0xFFFF8000  }
0x30c: {  	[hbm4b:s1+s2] =	stream.linear.scatter [tilespmem:s12], [sflag:$0x6], $0x8000, $0x38;
	[tilespmem:$0x18000] =	vst v63  }
0x30d: {  	_ =	swait.ge [sflag:s10], $0x8000  }
0x30e: {  	s1 =	sld [smem:$0x7F8]  }
0x30f: {  	[sflag:s10] =	ssyncset.done $0x0  }
0x310: {  	[sflag:s10] =	ssyncadd.s32 $0xFFFF8000  }
0x311: {  	[tilespmem:s12], [sflag:$0x3] =	stream.linear.gather [hbm4b:s1+s2], $0x8000, $0x38;
	[tilespmem:$0x18000] =	vst v63  }
0x312: {  	_ =	swait.ge [sflag:s14], $0x8000  }
0x313: {  	s1 =	sld [smem:$0x7F9]  }
0x314: {  	[sflag:s14] =	ssyncset.done $0x0  }
0x315: {  	[sflag:s14] =	ssyncadd.s32 $0xFFFF8000  }
0x316: {  	[hbm4b:s1+s2] =	stream.linear.scatter [tilespmem:s2], [sflag:$0x4], $0x8000, $0x38;
	[tilespmem:$0x18000] =	vst v63  }
0x317: {  	_ =	swait.ge [sflag:s6], $0x8000  }
0x318: {  	s1 =	sld [smem:$0x7FA]  }
0x319: {  	[sflag:s6] =	ssyncset.done $0x0  }
0x31a: {  	[sflag:s6] =	ssyncadd.s32 $0xFFFF8000  }
0x31b: {  	[tilespmem:s2], [sflag:$0x1] =	stream.linear.gather [hbm4b:s1+s2], $0x8000, $0x38;
	[tilespmem:$0x18000] =	vst v63  }
0x31c: {  	_ =	swait.ge [sflag:s11], $0x8000  }
0x31d: {  	s1 =	sld [smem:$0x7FB]  }
0x31e: {  	[sflag:s11] =	ssyncset.done $0x0  }
0x31f: {  	[sflag:s11] =	ssyncadd.s32 $0xFFFF8000  }
0x320: {  	[hbm4b:s1+s2] =	stream.linear.scatter [tilespmem:s5], [sflag:$0x5], $0x8000, $0x38;
	[tilespmem:$0x18000] =	vst v63  }
0x321: {  	_ =	swait.ge [sflag:s4], $0x8000  }
0x322: {  	s1 =	sld [smem:$0x7FC]  }
0x323: {  	[sflag:s4] =	ssyncset.done $0x0  }
0x324: {  	[sflag:s4] =	ssyncadd.s32 $0xFFFF8000  }
0x325: {  	[tilespmem:s5], [sflag:$0x2] =	stream.linear.gather [hbm4b:s1+s2], $0x8000, $0x38;
	[tilespmem:$0x18000] =	vst v63  }
0x326: {  	_ =	swait.ge [sflag:s18], $0x8000  }
0x327: {  	s1 =	sld [smem:$0x7FD]  }
0x328: {  	[sflag:s18] =	ssyncset.done $0x0  }
0x329: {  	[sflag:s18] =	ssyncadd.s32 $0xFFFF8000  }
0x32a: {  	[hbm4b:s1+s2] =	stream.linear.scatter [tilespmem:s12], [sflag:$0x6], $0x8000, $0x38;
	[tilespmem:$0x18000] =	vst v63  }
0x32b: {  	_ =	swait.ge [sflag:s10], $0x8000  }
0x32c: {  	[sflag:s10] =	ssyncset.done $0x0  }
0x32d: {  	[sflag:s10] =	ssyncadd.s32 $0xFFFF8000  }
0x32e: {  	[tilespmem:s12], [sflag:$0x3] =	stream.linear.gather [hbm4b:s31+s2], $0x8000, $0x38;
	[tilespmem:$0x18000] =	vst v63  }
0x32f: {  	_ =	swait.ge [sflag:s14], $0x8000  }
0x330: {  	[sflag:s14] =	ssyncset.done $0x0  }
0x331: {  	[sflag:s14] =	ssyncadd.s32 $0xFFFF8000  }
0x332: {  	[hbm4b:s30+s2] =	stream.linear.scatter [tilespmem:s2], [sflag:$0x4], $0x8000, $0x38;
	[tilespmem:$0x18000] =	vst v63  }
0x333: {  	_ =	swait.ge [sflag:s6], $0x8000  }
0x334: {  	[sflag:s6] =	ssyncset.done $0x0  }
0x335: {  	[sflag:s6] =	ssyncadd.s32 $0xFFFF8000  }
0x336: {  	[tilespmem:s2], [sflag:$0x1] =	stream.linear.gather [hbm4b:s29+s2], $0x8000, $0x38;
	[tilespmem:$0x18000] =	vst v63  }
0x337: {  	_ =	swait.ge [sflag:s11], $0x8000  }
0x338: {  	[sflag:s11] =	ssyncset.done $0x0  }
0x339: {  	[sflag:s11] =	ssyncadd.s32 $0xFFFF8000  }
0x33a: {  	[hbm4b:s28+s2] =	stream.linear.scatter [tilespmem:s5], [sflag:$0x5], $0x8000, $0x38;
	[tilespmem:$0x18000] =	vst v63  }
0x33b: {  	_ =	swait.ge [sflag:s4], $0x8000  }
0x33c: {  	[sflag:s4] =	ssyncset.done $0x0  }
0x33d: {  	[sflag:s4] =	ssyncadd.s32 $0xFFFF8000  }
0x33e: {  	[tilespmem:s5], [sflag:$0x2] =	stream.linear.gather [hbm4b:s26+s2], $0x8000, $0x38;
	[tilespmem:$0x18000] =	vst v63  }
0x33f: {  	_ =	swait.ge [sflag:s18], $0x8000  }
0x340: {  	[sflag:s18] =	ssyncset.done $0x0  }
0x341: {  	[sflag:s18] =	ssyncadd.s32 $0xFFFF8000  }
0x342: {  	[hbm4b:s25+s2] =	stream.linear.scatter [tilespmem:s12], [sflag:$0x6], $0x8000, $0x38;
	[tilespmem:$0x18000] =	vst v63  }
0x343: {  	_ =	swait.ge [sflag:s10], $0x8000  }
0x344: {  	[sflag:s10] =	ssyncset.done $0x0  }
0x345: {  	[sflag:s10] =	ssyncadd.s32 $0xFFFF8000  }
0x346: {  	[tilespmem:s12], [sflag:$0x3] =	stream.linear.gather [hbm4b:s24+s2], $0x8000, $0x38;
	[tilespmem:$0x18000] =	vst v63  }
0x347: {  	_ =	swait.ge [sflag:s14], $0x8000  }
0x348: {  	[sflag:s14] =	ssyncset.done $0x0  }
0x349: {  	[sflag:s14] =	ssyncadd.s32 $0xFFFF8000  }
0x34a: {  	[hbm4b:s23+s2] =	stream.linear.scatter [tilespmem:s2], [sflag:$0x4], $0x8000, $0x38;
	[tilespmem:$0x18000] =	vst v63  }
0x34b: {  	_ =	swait.ge [sflag:s6], $0x8000  }
0x34c: {  	[sflag:s6] =	ssyncset.done $0x0  }
0x34d: {  	[sflag:s6] =	ssyncadd.s32 $0xFFFF8000  }
0x34e: {  	[tilespmem:s2], [sflag:$0x1] =	stream.linear.gather [hbm4b:s22+s2], $0x8000, $0x38;
	[tilespmem:$0x18000] =	vst v63  }
0x34f: {  	_ =	swait.ge [sflag:s11], $0x8000  }
0x350: {  	[sflag:s11] =	ssyncset.done $0x0  }
0x351: {  	[sflag:s11] =	ssyncadd.s32 $0xFFFF8000  }
0x352: {  	[hbm4b:s21+s2] =	stream.linear.scatter [tilespmem:s5], [sflag:$0x5], $0x8000, $0x38;
	[tilespmem:$0x18000] =	vst v63  }
0x353: {  	_ =	swait.ge [sflag:s4], $0x8000  }
0x354: {  	[sflag:s4] =	ssyncset.done $0x0  }
0x355: {  	[sflag:s4] =	ssyncadd.s32 $0xFFFF8000  }
0x356: {  	[tilespmem:s5], [sflag:$0x2] =	stream.linear.gather [hbm4b:s20+s2], $0x8000, $0x38;
	[tilespmem:$0x18000] =	vst v63  }
0x357: {  	_ =	swait.ge [sflag:s18], $0x8000  }
0x358: {  	[sflag:s18] =	ssyncset.done $0x0  }
0x359: {  	[sflag:s18] =	ssyncadd.s32 $0xFFFF8000  }
0x35a: {  	[hbm4b:s19+s2] =	stream.linear.scatter [tilespmem:s12], [sflag:$0x6], $0x8000, $0x38;
	[tilespmem:$0x18000] =	vst v63  }
0x35b: {  	_ =	swait.ge [sflag:s10], $0x8000  }
0x35c: {  	[sflag:s10] =	ssyncset.done $0x0  }
0x35d: {  	[sflag:s10] =	ssyncadd.s32 $0xFFFF8000  }
0x35e: {  	[tilespmem:s12], [sflag:$0x3] =	stream.linear.gather [hbm4b:s17+s2], $0x8000, $0x38;
	[tilespmem:$0x18000] =	vst v63  }
0x35f: {  	_ =	swait.ge [sflag:s14], $0x8000  }
0x360: {  	[sflag:s14] =	ssyncset.done $0x0  }
0x361: {  	[sflag:s14] =	ssyncadd.s32 $0xFFFF8000  }
0x362: {  	[hbm4b:s16+s2] =	stream.linear.scatter [tilespmem:s2], [sflag:$0x4], $0x8000, $0x38;
	[tilespmem:$0x18000] =	vst v63  }
0x363: {  	_ =	swait.ge [sflag:s6], $0x8000  }
0x364: {  	[sflag:s6] =	ssyncset.done $0x0  }
0x365: {  	[sflag:s6] =	ssyncadd.s32 $0xFFFF8000  }
0x366: {  	[tilespmem:s2], [sflag:$0x1] =	stream.linear.gather [hbm4b:s15+s2], $0x8000, $0x38;
	[tilespmem:$0x18000] =	vst v63  }
0x367: {  	_ =	swait.ge [sflag:s11], $0x8000  }
0x368: {  	[sflag:s11] =	ssyncset.done $0x0  }
0x369: {  	[sflag:s11] =	ssyncadd.s32 $0xFFFF8000  }
0x36a: {  	[hbm4b:s13+s2] =	stream.linear.scatter [tilespmem:s5], [sflag:$0x5], $0x8000, $0x38;
	[tilespmem:$0x18000] =	vst v63  }
0x36b: {  	_ =	swait.ge [sflag:s4], $0x8000  }
0x36c: {  	[sflag:s4] =	ssyncset.done $0x0  }
0x36d: {  	[sflag:s4] =	ssyncadd.s32 $0xFFFF8000  }
0x36e: {  	[tilespmem:s5], [sflag:$0x2] =	stream.linear.gather [hbm4b:s9+s2], $0x8000, $0x38;
	[tilespmem:$0x18000] =	vst v63  }
0x36f: {  	_ =	swait.ge [sflag:s18], $0x8000  }
0x370: {  	[sflag:s18] =	ssyncset.done $0x0  }
0x371: {  	[sflag:s18] =	ssyncadd.s32 $0xFFFF8000  }
0x372: {  	[hbm4b:s8+s2] =	stream.linear.scatter [tilespmem:s12], [sflag:$0x6], $0x8000, $0x38;
	[tilespmem:$0x18000] =	vst v63  }
0x373: {  	_ =	swait.ge [sflag:s14], $0x8000  }
0x374: {  	[sflag:s14] =	ssyncset.done $0x0  }
0x375: {  	[sflag:s14] =	ssyncadd.s32 $0xFFFF8000  }
0x376: {  	[hbm4b:s7+s2] =	stream.linear.scatter [tilespmem:s2], [sflag:$0x4], $0x8000, $0x38;
	[tilespmem:$0x18000] =	vst v63  }
0x377: {  	_ =	swait.ge [sflag:s11], $0x8000  }
0x378: {  	[sflag:s11] =	ssyncset.done $0x0  }
0x379: {  	[sflag:s11] =	ssyncadd.s32 $0xFFFF8000  }
0x37a: {  	[hbm4b:s3+s2] =	stream.linear.scatter [tilespmem:s5], [sflag:$0x5], $0x8000, $0x38;
	[tilespmem:$0x18000] =	vst v63  }
0x37b: {  	_ =	swait.ge [sflag:s10], $0x8000  }
0x37c: {  	[sflag:s10] =	ssyncset.done $0x0  }
0x37d: {  	[sflag:s10] =	ssyncadd.s32 $0xFFFF8000  }
0x37e: {  	_ =	swait.ge [sflag:s6], $0x8000  }
0x37f: {  	[sflag:s6] =	ssyncset.done $0x0  }
0x380: {  	[sflag:s6] =	ssyncadd.s32 $0xFFFF8000  }
0x381: {  	_ =	swait.ge [sflag:s4], $0x8000  }
0x382: {  	[sflag:s4] =	ssyncset.done $0x0  }
0x383: {  	[sflag:s4] =	ssyncadd.s32 $0xFFFF8000  }
0x384: {  	_ =	sfence.sel $0x180000  }
0x385: {  	[bflag:$0x0] =	sbarrier.arrive $0xFFFF  }
0x386: {  	_ =	strace $0x90000047  }
0x387: {  	s31 =	stileid.u32;
	[bflag:$0x2] =	sbarrier.arrive $0xFFFF  }
0x388: {  	p0 =	sne.s32 s31, $0x0;
	s0 =	rddreg [dreg:$0x2]  }
0x389: {  	s0 =	sadd.s32 @!p0 $0x100000, s0  }
0x38a: {  	[sflag:s0] =	ssyncadd.tile.s32 @!p0 $0x1;
	_ =	shalt  }
.Lfunc_end2:
_tile_overlayer_lowered:
.L_overlay_start_2:
0x38b: {  	(tag) =	ssettag $0x2  }
0x38c: {  	s0 =	rddreg [dreg:$0x0];
	s2 =	stileid.u32  }
0x38d: {  	s1 =	rddreg [dreg:$0x1];
	p0 =	sne.s32 s2, $0x0  }
0x38e: {  	s3 =	rddreg [dreg:$0x2];
	[bflag:$0x3] =	sbarrier.arrive $0xFFFF;
	s2 =	simm.s32 @!p0 $0x1C07  }
0x38f: {  	[timem:s3], [sflag:s2] =	dma.local @!p0 [hbm:s0], s1  }
0x390: {  	s0 =	simm.s32 @!p0 $0x7  }
0x391: {  	_ =	swait.ge @!p0 [sflag:s0], s1  }
0x392: {  	s1 =	ssub.s32 @!p0 $0x0, s1;
	[sflag:s0] =	ssyncset.done @!p0 $0x0  }
0x393: {  	[sflag:s0] =	ssyncadd.s32 @!p0 s1  }
0x394: {  	[bflag:$0x3] =	sbarrier.arrive $0xFFFF  }
0x395: {  	_ =	shalt  }

</sc_bundles>
